<compile_context>
chip_gen: v7x
topology: tpu7x:2x2x1
jax: 0.10.2.dev20260603
libtpu: 0.0.44.dev20260713+nightly
codegen_flags: <defaults>
</compile_context>

<pallas_src>
import jax
import jax.numpy as jnp
from jax import lax
from jax.experimental import pallas as pl
from jax.experimental.pallas import tpu as pltpu
from jax.experimental.pallas import tpu_sc as plsc

D_MODEL = 64
SEQ = 200
BATCH = 4096
LANES = 16
NUM_CORES = 2
NUM_SUBCORES = 16
NW = NUM_CORES * NUM_SUBCORES
B_PER_W = BATCH // NW
IDXN = 208
NBUF = 2
TABLE_PAIRS = 500000
NGRP = SEQ // LANES


def _positional_encoding(length, depth):
    half = depth // 2
    positions = jnp.arange(length, dtype=jnp.float32)[:, None]
    depths = jnp.arange(half, dtype=jnp.float32)[None, :]
    angle_rates = 1.0 / (10000.0 ** depths)
    angle_rads = positions * angle_rates
    return jnp.concatenate([jnp.sin(angle_rads), jnp.cos(angle_rads)], axis=-1)


def _lane_bcast(vec, j):
    return lax.gather(
        vec, jnp.full((LANES, 1), j, jnp.int32),
        dimension_numbers=lax.GatherDimensionNumbers(
            offset_dims=(), collapsed_slice_dims=(0,), start_index_map=(0,)),
        slice_sizes=(1,),
        mode=lax.GatherScatterMode.PROMISE_IN_BOUNDS)


def _sc_body(table_hbm, x_hbm, pe_hbm, out_hbm,
             idx_v, pe_v, idx2_v, gath_v, outb_v, gsems):
    wid = lax.axis_index("s") * NUM_CORES + lax.axis_index("c")
    b0 = wid * B_PER_W
    pltpu.sync_copy(x_hbm.at[wid], idx_v.at[pl.ds(0, B_PER_W * SEQ)])
    pltpu.sync_copy(pe_hbm, pe_v)
    iota = lax.iota(jnp.int32, LANES)

    def prep_chunk(g, p):
        f0 = g * SEQ

        @plsc.parallel_loop(0, NGRP, unroll=4)
        def _grp(rg):
            r0 = rg * LANES
            idx2_v[p][pl.ds(r0, LANES)] = idx_v[pl.ds(f0 + r0, LANES)] >> 1

        piv = jnp.clip(idx_v[pl.ds(f0 + NGRP * LANES, LANES)] >> 1,
                       0, TABLE_PAIRS - 1)
        idx2_v[p][pl.ds(NGRP * LANES, LANES)] = piv

    def start_gather(p):
        pltpu.async_copy(table_hbm.at[idx2_v[p].at[pl.ds(0, 128)]],
                         gath_v[p].at[pl.ds(0, 128)], gsems[p])
        pltpu.async_copy(table_hbm.at[idx2_v[p].at[pl.ds(128, IDXN - 128)]],
                         gath_v[p].at[pl.ds(128, IDXN - 128)], gsems[p])

    def wait_gather(p):
        pltpu.make_async_copy(table_hbm.at[idx2_v[p]], gath_v[p],
                              gsems[p]).wait()

    def compute(g, p):
        gath, outb = gath_v[p], outb_v
        f0 = g * SEQ

        def do_rows(r0, nj):
            offv = (idx_v[pl.ds(f0 + r0, LANES)] & 1) << 6
            for j in range(nj):
                r = r0 + j
                offs = _lane_bcast(offv, j)
                rows = jnp.full((LANES,), r, jnp.int32)
                for c in range(0, D_MODEL, LANES):
                    val = plsc.load_gather(gath, [rows, offs + (c + iota)])
                    outb[r, pl.ds(c, LANES)] = (
                        val * 8.0 + pe_v[r, pl.ds(c, LANES)])

        @plsc.parallel_loop(0, NGRP, unroll=2)
        def _grp(rg):
            do_rows(rg * LANES, LANES)

        do_rows(NGRP * LANES, SEQ - NGRP * LANES)

    prep_chunk(0, 0)
    start_gather(0)

    @pl.loop(0, B_PER_W // NBUF)
    def _ring(h):
        for p in range(NBUF):
            g = h * NBUF + p
            wait_gather(p)
            nxt = (p + 1) % NBUF

            @pl.when(g + 1 < B_PER_W)
            def _():
                prep_chunk(g + 1, nxt)
                start_gather(nxt)

            compute(g, p)
            pltpu.sync_copy(outb_v, out_hbm.at[b0 + g])


def kernel(x, table):
    table2 = table.reshape(table.shape[0] // 2, 128)
    x2 = x.reshape(NW, B_PER_W * SEQ)
    pe = _positional_encoding(SEQ, D_MODEL)

    mesh = plsc.VectorSubcoreMesh(
        core_axis_name="c", subcore_axis_name="s",
        num_cores=NUM_CORES, num_subcores=NUM_SUBCORES,
    )
    k = pl.kernel(
        _sc_body,
        out_type=jax.ShapeDtypeStruct((BATCH, SEQ, D_MODEL), jnp.float32),
        mesh=mesh,
        scratch_types=[
            pltpu.VMEM((B_PER_W * SEQ + LANES,), jnp.int32),
            pltpu.VMEM((SEQ, D_MODEL), jnp.float32),
            [pltpu.VMEM((IDXN,), jnp.int32) for _ in range(NBUF)],
            [pltpu.VMEM((IDXN, 128), jnp.float32) for _ in range(NBUF)],
            pltpu.VMEM((SEQ, D_MODEL), jnp.float32),
            [pltpu.SemaphoreType.DMA for _ in range(NBUF)],
        ],
        compiler_params=pltpu.CompilerParams(needs_layout_passes=False),
    )
    return k(table2, x2, pe)

# --- scband reference (transcript-rebuilt; emitter-appended) ---
"""Pipeline reference for scband-positional-embedding-63230508532345 (READ-ONLY COPY).

The authoritative reference and input builder live on the scoring server;
editing this copy changes nothing except your own understanding.
"""

import jax, jax.numpy as jnp
import numpy as np

VOCAB = 1000000
D_MODEL = 64
MAX_LEN = 2048
BATCH = 4096
SEQ = 200


def positional_encoding(length, depth):
    half = depth // 2
    positions = jnp.arange(length, dtype=jnp.float32)[:, None]
    depths = jnp.arange(half, dtype=jnp.float32)[None, :]
    angle_rates = 1.0 / (10000.0 ** depths)
    angle_rads = positions * angle_rates
    pos_encoding = jnp.concatenate([jnp.sin(angle_rads), jnp.cos(angle_rads)], axis=-1)
    return pos_encoding


def setup_inputs(seed: int = 0) -> dict:
    key = jax.random.key(seed)
    k1, k2 = jax.random.split(key)
    x = jax.random.randint(k1, (BATCH, SEQ), 0, VOCAB, dtype=jnp.int32)
    table = jax.random.normal(k2, (VOCAB, D_MODEL), dtype=jnp.float32)
    return {"x": x, "table": table}


def reference(x, table):
    length = x.shape[1]
    pe = positional_encoding(MAX_LEN, D_MODEL)
    emb = jnp.take(table, x, axis=0)
    emb = emb * jnp.sqrt(jnp.float32(D_MODEL))
    emb = emb + pe[None, :length, :]
    return emb

if __name__ == "__main__":
    import jax
    _d = setup_inputs()
    print(jax.jit(kernel)(*tuple(_d.values())))

</pallas_src>

<mosaic_0001>
#map = affine_map<(d0, d1) -> (0, 0)>
#map1 = affine_map<(d0, d1) -> (0, 0, 0)>
module attributes {stable_mosaic.version = 14 : i64} {
  func.func @_sc_body(%arg0: i32, %arg1: i32, %arg2: memref<500000x128xf32, #tpu.memory_space<hbm>>, %arg3: memref<32x25600xi32, #tpu.memory_space<hbm>>, %arg4: memref<200x64xf32, #tpu.memory_space<hbm>>, %arg5: memref<4096x200x64xf32, #tpu.memory_space<hbm>>, %arg6: memref<25616xi32, #tpu.memory_space<vmem>>, %arg7: memref<200x64xf32, #tpu.memory_space<vmem>>, %arg8: memref<208xi32, #tpu.memory_space<vmem>>, %arg9: memref<208xi32, #tpu.memory_space<vmem>>, %arg10: memref<208x128xf32, #tpu.memory_space<vmem>>, %arg11: memref<208x128xf32, #tpu.memory_space<vmem>>, %arg12: memref<200x64xf32, #tpu.memory_space<vmem>>, %arg13: memref<!tpu.dma_semaphore, #tpu.memory_space<semaphore_mem>>, %arg14: memref<!tpu.dma_semaphore, #tpu.memory_space<semaphore_mem>>) attributes {dimension_semantics = [#tpu.dimension_semantics<core_parallel>, #tpu.dimension_semantics<subcore_parallel>], iteration_bounds = array<i64: 2, 16>, scalar_prefetch = 0 : i64, scratch_operands = 9 : i64, tpu.core_type = #tpu.core_type<sc_vector_subcore>, window_params = [{transform_indices = #map}, {transform_indices = #map}, {transform_indices = #map}, {transform_indices = #map1}]} {
    %mul3A = arith.constant 2 : i32
    %mul3A_0 = arith.muli %arg1, %mul3A : i32
    %add3A = arith.addi %mul3A_0, %arg0 : i32
    %mul3A_1 = arith.constant 128 : i32
    %mul3A_2 = arith.muli %add3A, %mul3A_1 : i32
    "tpu.region"() ({
      %run_scoped3A = tpu.sem_alloc : memref<!tpu.dma_semaphore, #tpu.memory_space<semaphore_mem>>
      %dma_start3A_31 = arith.constant 0 : i32
      %dma_start3A_32 = tpu.memref_slice %arg6[%dma_start3A_31] : memref<25616xi32, #tpu.memory_space<vmem>> -> memref<25600xi32, #tpu.memory_space<vmem>>
      %dma_start3A_33 = arith.constant 0 : i32
      %dma_start3A_34 = tpu.memref_slice %arg3[%add3A, %dma_start3A_33] : memref<32x25600xi32, #tpu.memory_space<hbm>> -> memref<1x25600xi32, #tpu.memory_space<hbm>>
      %dma_start3A_35 = tpu.memref_squeeze %dma_start3A_34 : memref<1x25600xi32, #tpu.memory_space<hbm>> -> memref<25600xi32, #tpu.memory_space<hbm>>
      %dma_start3A_36 = arith.constant 0 : i32
      %dma_start3A_37 = tpu.memref_slice %arg6[%dma_start3A_36] : memref<25616xi32, #tpu.memory_space<vmem>> -> memref<25600xi32, #tpu.memory_space<vmem>>
      %dma_start3A_38 = arith.constant 0 : i32
      %dma_start3A_39 = tpu.memref_slice %arg3[%add3A, %dma_start3A_38] : memref<32x25600xi32, #tpu.memory_space<hbm>> -> memref<1x25600xi32, #tpu.memory_space<hbm>>
      %dma_start3A_40 = tpu.memref_squeeze %dma_start3A_39 : memref<1x25600xi32, #tpu.memory_space<hbm>> -> memref<25600xi32, #tpu.memory_space<hbm>>
      tpu.enqueue_dma source(%dma_start3A_40 : memref<25600xi32, #tpu.memory_space<hbm>>) target(%dma_start3A_37 : memref<25600xi32, #tpu.memory_space<vmem>>) target_semaphore(%run_scoped3A : memref<!tpu.dma_semaphore, #tpu.memory_space<semaphore_mem>>)
      %dma_wait3A = arith.constant 0 : i32
      %dma_wait3A_41 = tpu.memref_slice %arg6[%dma_wait3A] : memref<25616xi32, #tpu.memory_space<vmem>> -> memref<25600xi32, #tpu.memory_space<vmem>>
      %dma_wait3A_42 = arith.constant 0 : i32
      %dma_wait3A_43 = tpu.memref_slice %arg3[%add3A, %dma_wait3A_42] : memref<32x25600xi32, #tpu.memory_space<hbm>> -> memref<1x25600xi32, #tpu.memory_space<hbm>>
      %dma_wait3A_44 = tpu.memref_squeeze %dma_wait3A_43 : memref<1x25600xi32, #tpu.memory_space<hbm>> -> memref<25600xi32, #tpu.memory_space<hbm>>
      %dma_wait3A_45 = arith.constant 0 : i32
      %dma_wait3A_46 = tpu.memref_slice %arg6[%dma_wait3A_45] : memref<25616xi32, #tpu.memory_space<vmem>> -> memref<25600xi32, #tpu.memory_space<vmem>>
      %dma_wait3A_47 = arith.constant 0 : i32
      %dma_wait3A_48 = tpu.memref_slice %arg3[%add3A, %dma_wait3A_47] : memref<32x25600xi32, #tpu.memory_space<hbm>> -> memref<1x25600xi32, #tpu.memory_space<hbm>>
      %dma_wait3A_49 = tpu.memref_squeeze %dma_wait3A_48 : memref<1x25600xi32, #tpu.memory_space<hbm>> -> memref<25600xi32, #tpu.memory_space<hbm>>
      tpu.wait_dma2 semaphore(%run_scoped3A : memref<!tpu.dma_semaphore, #tpu.memory_space<semaphore_mem>>) src(%dma_wait3A_49 : memref<25600xi32, #tpu.memory_space<hbm>>) dst(%dma_wait3A_46 : memref<25600xi32, #tpu.memory_space<vmem>>)
      tpu.yield
    }) : () -> ()
    "tpu.region"() ({
      %run_scoped3A = tpu.sem_alloc : memref<!tpu.dma_semaphore, #tpu.memory_space<semaphore_mem>>
      tpu.enqueue_dma source(%arg4 : memref<200x64xf32, #tpu.memory_space<hbm>>) target(%arg7 : memref<200x64xf32, #tpu.memory_space<vmem>>) target_semaphore(%run_scoped3A : memref<!tpu.dma_semaphore, #tpu.memory_space<semaphore_mem>>)
      tpu.wait_dma2 semaphore(%run_scoped3A : memref<!tpu.dma_semaphore, #tpu.memory_space<semaphore_mem>>) src(%arg4 : memref<200x64xf32, #tpu.memory_space<hbm>>) dst(%arg7 : memref<200x64xf32, #tpu.memory_space<vmem>>)
      tpu.yield
    }) : () -> ()
    %iota3A = tpu.iota {dimensions = array<i32: 0>} : vector<16xi32>
    %parallel_loop3A = arith.constant 0 : i32
    %parallel_loop3A_3 = arith.constant 12 : i32
    %parallel_loop3A_4 = arith.constant 1 : i32
    scf.for %parallel_loop3A_31 = %parallel_loop3A to %parallel_loop3A_3 step %parallel_loop3A_4  : i32 {
      %parallel_loop3A_32 = arith.constant 16 : i32
      %parallel_loop3A_33 = arith.muli %parallel_loop3A_31, %parallel_loop3A_32 : i32
      %parallel_loop3A_34 = arith.constant 0 : i32
      %parallel_loop3A_35 = arith.addi %parallel_loop3A_34, %parallel_loop3A_33 : i32
      %parallel_loop3A_36 = arith.index_cast %parallel_loop3A_35 : i32 to index
      %parallel_loop3A_37 = tpu.vector_load %arg6[%parallel_loop3A_36] {strides = array<i32>} : memref<25616xi32, #tpu.memory_space<vmem>>, vector<16xi32>,
      %parallel_loop3A_38 = arith.constant 1 : i32
      %parallel_loop3A_39 = vector.broadcast %parallel_loop3A_38 : i32 to vector<16xi32>
      %parallel_loop3A_40 = arith.shrsi %parallel_loop3A_37, %parallel_loop3A_39 : vector<16xi32>
      %parallel_loop3A_41 = arith.index_cast %parallel_loop3A_33 : i32 to index
      %parallel_loop3A_42 = tpu.vector_load %arg8[%parallel_loop3A_41] {strides = array<i32>} : memref<208xi32, #tpu.memory_space<vmem>>, vector<16xi32>,
      tpu.vector_store %arg8[%parallel_loop3A_41], %parallel_loop3A_40 {strides = array<i32>} : memref<208xi32, #tpu.memory_space<vmem>>, vector<16xi32>,
    } {sc.loop_unroll_factor = 4 : i64, sc.parallel_access}
    %get3A = arith.constant 192 : index
    %get3A_5 = tpu.vector_load %arg6[%get3A] {strides = array<i32>} : memref<25616xi32, #tpu.memory_space<vmem>>, vector<16xi32>,
    %shift_right_arithmetic3A = arith.constant 1 : i32
    %shift_right_arithmetic3A_6 = vector.broadcast %shift_right_arithmetic3A : i32 to vector<16xi32>
    %shift_right_arithmetic3A_7 = arith.shrsi %get3A_5, %shift_right_arithmetic3A_6 : vector<16xi32>
    %jit3A = arith.constant 0 : i32
    %jit3A_8 = arith.constant 499999 : i32
    %max3A = vector.broadcast %jit3A : i32 to vector<16xi32>
    %max3A_9 = arith.maxsi %max3A, %shift_right_arithmetic3A_7 : vector<16xi32>
    %min3A = vector.broadcast %jit3A_8 : i32 to vector<16xi32>
    %min3A_10 = arith.minsi %min3A, %max3A_9 : vector<16xi32>
    %swap3A = arith.constant 192 : index
    %swap3A_11 = tpu.vector_load %arg8[%swap3A] {strides = array<i32>} : memref<208xi32, #tpu.memory_space<vmem>>, vector<16xi32>,
    tpu.vector_store %arg8[%swap3A], %min3A_10 {strides = array<i32>} : memref<208xi32, #tpu.memory_space<vmem>>, vector<16xi32>,
    %dma_start3A = arith.constant 0 : i32
    %dma_start3A_12 = arith.constant 0 : i32
    %dma_start3A_13 = tpu.memref_slice %arg10[%dma_start3A, %dma_start3A_12] : memref<208x128xf32, #tpu.memory_space<vmem>> -> memref<128x128xf32, #tpu.memory_space<vmem>>
    %dma_start3A_14 = arith.constant 0 : i32
    %dma_start3A_15 = tpu.memref_slice %arg8[%dma_start3A_14] : memref<208xi32, #tpu.memory_space<vmem>> -> memref<128xi32, #tpu.memory_space<vmem>>
    %dma_start3A_16 = arith.constant 0 : i32
    %dma_start3A_17 = arith.constant 0 : i32
    %dma_start3A_18 = tpu.memref_slice %arg2[%dma_start3A_16, %dma_start3A_17] : memref<500000x128xf32, #tpu.memory_space<hbm>> -> memref<500000x128xf32, #tpu.memory_space<hbm>>
    tpu.enqueue_indirect_dma source(%dma_start3A_18 : memref<500000x128xf32, #tpu.memory_space<hbm>>) target(%dma_start3A_13 : memref<128x128xf32, #tpu.memory_space<vmem>>) offsets(%dma_start3A_15 : memref<128xi32, #tpu.memory_space<vmem>>) semaphore(%arg13 : memref<!tpu.dma_semaphore, #tpu.memory_space<semaphore_mem>>)
    %dma_start3A_19 = arith.constant 128 : i32
    %dma_start3A_20 = arith.constant 0 : i32
    %dma_start3A_21 = tpu.memref_slice %arg10[%dma_start3A_19, %dma_start3A_20] : memref<208x128xf32, #tpu.memory_space<vmem>> -> memref<80x128xf32, #tpu.memory_space<vmem>>
    %dma_start3A_22 = arith.constant 128 : i32
    %dma_start3A_23 = tpu.memref_slice %arg8[%dma_start3A_22] : memref<208xi32, #tpu.memory_space<vmem>> -> memref<80xi32, #tpu.memory_space<vmem>>
    %dma_start3A_24 = arith.constant 0 : i32
    %dma_start3A_25 = arith.constant 0 : i32
    %dma_start3A_26 = tpu.memref_slice %arg2[%dma_start3A_24, %dma_start3A_25] : memref<500000x128xf32, #tpu.memory_space<hbm>> -> memref<500000x128xf32, #tpu.memory_space<hbm>>
    tpu.enqueue_indirect_dma source(%dma_start3A_26 : memref<500000x128xf32, #tpu.memory_space<hbm>>) target(%dma_start3A_21 : memref<80x128xf32, #tpu.memory_space<vmem>>) offsets(%dma_start3A_23 : memref<80xi32, #tpu.memory_space<vmem>>) semaphore(%arg13 : memref<!tpu.dma_semaphore, #tpu.memory_space<semaphore_mem>>)
    %scan3A = arith.constant 0 : i32
    %scan3A_27 = arith.constant 64 : i32
    %scan3A_28 = arith.addi %scan3A, %scan3A_27 : i32
    %scan3A_29 = arith.constant 1 : i32
    scf.for %scan3A_31 = %scan3A to %scan3A_28 step %scan3A_29  : i32 {
      %mul3A_32 = arith.constant 1 : i32
      %mul3A_33 = arith.muli %scan3A_31, %mul3A_32 : i32
      %add3A_34 = arith.constant 0 : i32
      %add3A_35 = arith.addi %add3A_34, %mul3A_33 : i32
      %mul3A_36 = arith.constant 2 : i32
      %mul3A_37 = arith.muli %add3A_35, %mul3A_36 : i32
      %add3A_38 = arith.constant 0 : i32
      %add3A_39 = arith.addi %mul3A_37, %add3A_38 : i32
      %dma_wait3A = arith.constant 0 : i32
      %dma_wait3A_40 = arith.constant 0 : i32
      %dma_wait3A_41 = tpu.memref_slice %arg2[%dma_wait3A, %dma_wait3A_40] : memref<500000x128xf32, #tpu.memory_space<hbm>> -> memref<500000x128xf32, #tpu.memory_space<hbm>>
      tpu.wait_indirect_dma semaphore(%arg13 : memref<!tpu.dma_semaphore, #tpu.memory_space<semaphore_mem>>) src(%dma_wait3A_41 : memref<500000x128xf32, #tpu.memory_space<hbm>>) dst(%arg10 : memref<208x128xf32, #tpu.memory_space<vmem>>)
      %add3A_42 = arith.constant 1 : i32
      %add3A_43 = arith.addi %add3A_39, %add3A_42 : i32
      %lt3A = arith.constant 128 : i32
      %lt3A_44 = arith.cmpi slt, %add3A_43, %lt3A : i32
      %convert_element_type3A = arith.extui %lt3A_44 : i1 to i32
      %cond3A = arith.constant 0 : i32
      %cond3A_45 = arith.cmpi ne, %convert_element_type3A, %cond3A : i32
      scf.if %cond3A_45 {
        %add3A_1272 = arith.constant 1 : i32
        %add3A_1273 = arith.addi %add3A_39, %add3A_1272 : i32
        %mul3A_1274 = arith.constant 200 : i32
        %mul3A_1275 = arith.muli %add3A_1273, %mul3A_1274 : i32
        %parallel_loop3A_1276 = arith.constant 0 : i32
        %parallel_loop3A_1277 = arith.constant 12 : i32
        %parallel_loop3A_1278 = arith.constant 1 : i32
        scf.for %parallel_loop3A_1310 = %parallel_loop3A_1276 to %parallel_loop3A_1277 step %parallel_loop3A_1278  : i32 {
          %parallel_loop3A_1311 = arith.constant 16 : i32
          %parallel_loop3A_1312 = arith.muli %parallel_loop3A_1310, %parallel_loop3A_1311 : i32
          %parallel_loop3A_1313 = arith.addi %mul3A_1275, %parallel_loop3A_1312 : i32
          %parallel_loop3A_1314 = arith.index_cast %parallel_loop3A_1313 : i32 to index
          %parallel_loop3A_1315 = tpu.vector_load %arg6[%parallel_loop3A_1314] {strides = array<i32>} : memref<25616xi32, #tpu.memory_space<vmem>>, vector<16xi32>,
          %parallel_loop3A_1316 = arith.constant 1 : i32
          %parallel_loop3A_1317 = vector.broadcast %parallel_loop3A_1316 : i32 to vector<16xi32>
          %parallel_loop3A_1318 = arith.shrsi %parallel_loop3A_1315, %parallel_loop3A_1317 : vector<16xi32>
          %parallel_loop3A_1319 = arith.index_cast %parallel_loop3A_1312 : i32 to index
          %parallel_loop3A_1320 = tpu.vector_load %arg9[%parallel_loop3A_1319] {strides = array<i32>} : memref<208xi32, #tpu.memory_space<vmem>>, vector<16xi32>,
          tpu.vector_store %arg9[%parallel_loop3A_1319], %parallel_loop3A_1318 {strides = array<i32>} : memref<208xi32, #tpu.memory_space<vmem>>, vector<16xi32>,
        } {sc.loop_unroll_factor = 4 : i64, sc.parallel_access}
        %add3A_1279 = arith.constant 192 : i32
        %add3A_1280 = arith.addi %mul3A_1275, %add3A_1279 : i32
        %get3A_1281 = arith.index_cast %add3A_1280 : i32 to index
        %get3A_1282 = tpu.vector_load %arg6[%get3A_1281] {strides = array<i32>} : memref<25616xi32, #tpu.memory_space<vmem>>, vector<16xi32>,
        %shift_right_arithmetic3A_1283 = arith.constant 1 : i32
        %shift_right_arithmetic3A_1284 = vector.broadcast %shift_right_arithmetic3A_1283 : i32 to vector<16xi32>
        %shift_right_arithmetic3A_1285 = arith.shrsi %get3A_1282, %shift_right_arithmetic3A_1284 : vector<16xi32>
        %jit3A_1286 = arith.constant 0 : i32
        %jit3A_1287 = arith.constant 499999 : i32
        %max3A_1288 = vector.broadcast %jit3A_1286 : i32 to vector<16xi32>
        %max3A_1289 = arith.maxsi %max3A_1288, %shift_right_arithmetic3A_1285 : vector<16xi32>
        %min3A_1290 = vector.broadcast %jit3A_1287 : i32 to vector<16xi32>
        %min3A_1291 = arith.minsi %min3A_1290, %max3A_1289 : vector<16xi32>
        %swap3A_1292 = arith.constant 192 : index
        %swap3A_1293 = tpu.vector_load %arg9[%swap3A_1292] {strides = array<i32>} : memref<208xi32, #tpu.memory_space<vmem>>, vector<16xi32>,
        tpu.vector_store %arg9[%swap3A_1292], %min3A_1291 {strides = array<i32>} : memref<208xi32, #tpu.memory_space<vmem>>, vector<16xi32>,
        %dma_start3A_1294 = arith.constant 0 : i32
        %dma_start3A_1295 = arith.constant 0 : i32
        %dma_start3A_1296 = tpu.memref_slice %arg11[%dma_start3A_1294, %dma_start3A_1295] : memref<208x128xf32, #tpu.memory_space<vmem>> -> memref<128x128xf32, #tpu.memory_space<vmem>>
        %dma_start3A_1297 = arith.constant 0 : i32
        %dma_start3A_1298 = tpu.memref_slice %arg9[%dma_start3A_1297] : memref<208xi32, #tpu.memory_space<vmem>> -> memref<128xi32, #tpu.memory_space<vmem>>
        %dma_start3A_1299 = arith.constant 0 : i32
        %dma_start3A_1300 = arith.constant 0 : i32
        %dma_start3A_1301 = tpu.memref_slice %arg2[%dma_start3A_1299, %dma_start3A_1300] : memref<500000x128xf32, #tpu.memory_space<hbm>> -> memref<500000x128xf32, #tpu.memory_space<hbm>>
        tpu.enqueue_indirect_dma source(%dma_start3A_1301 : memref<500000x128xf32, #tpu.memory_space<hbm>>) target(%dma_start3A_1296 : memref<128x128xf32, #tpu.memory_space<vmem>>) offsets(%dma_start3A_1298 : memref<128xi32, #tpu.memory_space<vmem>>) semaphore(%arg14 : memref<!tpu.dma_semaphore, #tpu.memory_space<semaphore_mem>>)
        %dma_start3A_1302 = arith.constant 128 : i32
        %dma_start3A_1303 = arith.constant 0 : i32
        %dma_start3A_1304 = tpu.memref_slice %arg11[%dma_start3A_1302, %dma_start3A_1303] : memref<208x128xf32, #tpu.memory_space<vmem>> -> memref<80x128xf32, #tpu.memory_space<vmem>>
        %dma_start3A_1305 = arith.constant 128 : i32
        %dma_start3A_1306 = tpu.memref_slice %arg9[%dma_start3A_1305] : memref<208xi32, #tpu.memory_space<vmem>> -> memref<80xi32, #tpu.memory_space<vmem>>
        %dma_start3A_1307 = arith.constant 0 : i32
        %dma_start3A_1308 = arith.constant 0 : i32
        %dma_start3A_1309 = tpu.memref_slice %arg2[%dma_start3A_1307, %dma_start3A_1308] : memref<500000x128xf32, #tpu.memory_space<hbm>> -> memref<500000x128xf32, #tpu.memory_space<hbm>>
        tpu.enqueue_indirect_dma source(%dma_start3A_1309 : memref<500000x128xf32, #tpu.memory_space<hbm>>) target(%dma_start3A_1304 : memref<80x128xf32, #tpu.memory_space<vmem>>) offsets(%dma_start3A_1306 : memref<80xi32, #tpu.memory_space<vmem>>) semaphore(%arg14 : memref<!tpu.dma_semaphore, #tpu.memory_space<semaphore_mem>>)
      } else {
      }
      %mul3A_46 = arith.constant 200 : i32
      %mul3A_47 = arith.muli %add3A_39, %mul3A_46 : i32
      %parallel_loop3A_48 = arith.constant 0 : i32
      %parallel_loop3A_49 = arith.constant 12 : i32
      %parallel_loop3A_50 = arith.constant 1 : i32
      scf.for %parallel_loop3A_1272 = %parallel_loop3A_48 to %parallel_loop3A_49 step %parallel_loop3A_50  : i32 {
        %parallel_loop3A_1273 = arith.constant 16 : i32
        %parallel_loop3A_1274 = arith.muli %parallel_loop3A_1272, %parallel_loop3A_1273 : i32
        %parallel_loop3A_1275 = arith.addi %mul3A_47, %parallel_loop3A_1274 : i32
        %parallel_loop3A_1276 = arith.index_cast %parallel_loop3A_1275 : i32 to index
        %parallel_loop3A_1277 = tpu.vector_load %arg6[%parallel_loop3A_1276] {strides = array<i32>} : memref<25616xi32, #tpu.memory_space<vmem>>, vector<16xi32>,
        %parallel_loop3A_1278 = arith.constant 1 : i32
        %parallel_loop3A_1279 = vector.broadcast %parallel_loop3A_1278 : i32 to vector<16xi32>
        %parallel_loop3A_1280 = arith.andi %parallel_loop3A_1277, %parallel_loop3A_1279 : vector<16xi32>
        %parallel_loop3A_1281 = arith.constant 6 : i32
        %parallel_loop3A_1282 = vector.broadcast %parallel_loop3A_1281 : i32 to vector<16xi32>
        %parallel_loop3A_1283 = arith.shli %parallel_loop3A_1280, %parallel_loop3A_1282 : vector<16xi32>
        %parallel_loop3A_1284 = arith.constant 0 : i32
        %parallel_loop3A_1285 = arith.addi %parallel_loop3A_1274, %parallel_loop3A_1284 : i32
        %parallel_loop3A_1286 = arith.constant 0 : i32
        %parallel_loop3A_1287 = vector.broadcast %parallel_loop3A_1286 : i32 to vector<16x1xi32>
        %parallel_loop3A_1288 = vector.shape_cast %parallel_loop3A_1287 : vector<16x1xi32> to vector<16xi32>
        %parallel_loop3A_1289 = tpu.dynamic_gather %parallel_loop3A_1283[%parallel_loop3A_1288] in [0] : vector<16xi32>, vector<16xi32> -> vector<16xi32>
        %parallel_loop3A_1290 = vector.broadcast %parallel_loop3A_1285 : i32 to vector<16xi32>
        %parallel_loop3A_1291 = arith.constant 0 : i32
        %parallel_loop3A_1292 = vector.broadcast %parallel_loop3A_1291 : i32 to vector<16xi32>
        %parallel_loop3A_1293 = arith.addi %parallel_loop3A_1292, %iota3A : vector<16xi32>
        %parallel_loop3A_1294 = arith.addi %parallel_loop3A_1289, %parallel_loop3A_1293 : vector<16xi32>
        %parallel_loop3A_1295 = tpu.vector_load_idx %arg10[%parallel_loop3A_1290, %parallel_loop3A_1294] : memref<208x128xf32, #tpu.memory_space<vmem>>[vector<16xi32>, vector<16xi32>], vector<16xf32>,
        %parallel_loop3A_1296 = arith.constant 8.000000e+00 : f32
        %parallel_loop3A_1297 = vector.broadcast %parallel_loop3A_1296 : f32 to vector<16xf32>
        %parallel_loop3A_1298 = arith.mulf %parallel_loop3A_1295, %parallel_loop3A_1297 : vector<16xf32>
        %parallel_loop3A_1299 = arith.index_cast %parallel_loop3A_1285 : i32 to index
        %parallel_loop3A_1300 = arith.constant 0 : index
        %parallel_loop3A_1301 = tpu.vector_load %arg7[%parallel_loop3A_1299, %parallel_loop3A_1300] {strides = array<i32>} : memref<200x64xf32, #tpu.memory_space<vmem>>, vector<16xf32>,
        %parallel_loop3A_1302 = arith.addf %parallel_loop3A_1298, %parallel_loop3A_1301 : vector<16xf32>
        %parallel_loop3A_1303 = arith.index_cast %parallel_loop3A_1285 : i32 to index
        %parallel_loop3A_1304 = arith.constant 0 : index
        %parallel_loop3A_1305 = tpu.vector_load %arg12[%parallel_loop3A_1303, %parallel_loop3A_1304] {strides = array<i32>} : memref<200x64xf32, #tpu.memory_space<vmem>>, vector<16xf32>,
        tpu.vector_store %arg12[%parallel_loop3A_1303, %parallel_loop3A_1304], %parallel_loop3A_1302 {strides = array<i32>} : memref<200x64xf32, #tpu.memory_space<vmem>>, vector<16xf32>,
        %parallel_loop3A_1306 = arith.constant 16 : i32
        %parallel_loop3A_1307 = vector.broadcast %parallel_loop3A_1306 : i32 to vector<16xi32>
        %parallel_loop3A_1308 = arith.addi %parallel_loop3A_1307, %iota3A : vector<16xi32>
        %parallel_loop3A_1309 = arith.addi %parallel_loop3A_1289, %parallel_loop3A_1308 : vector<16xi32>
        %parallel_loop3A_1310 = tpu.vector_load_idx %arg10[%parallel_loop3A_1290, %parallel_loop3A_1309] : memref<208x128xf32, #tpu.memory_space<vmem>>[vector<16xi32>, vector<16xi32>], vector<16xf32>,
        %parallel_loop3A_1311 = arith.constant 8.000000e+00 : f32
        %parallel_loop3A_1312 = vector.broadcast %parallel_loop3A_1311 : f32 to vector<16xf32>
        %parallel_loop3A_1313 = arith.mulf %parallel_loop3A_1310, %parallel_loop3A_1312 : vector<16xf32>
        %parallel_loop3A_1314 = arith.index_cast %parallel_loop3A_1285 : i32 to index
        %parallel_loop3A_1315 = arith.constant 16 : index
        %parallel_loop3A_1316 = tpu.vector_load %arg7[%parallel_loop3A_1314, %parallel_loop3A_1315] {strides = array<i32>} : memref<200x64xf32, #tpu.memory_space<vmem>>, vector<16xf32>,
        %parallel_loop3A_1317 = arith.addf %parallel_loop3A_1313, %parallel_loop3A_1316 : vector<16xf32>
        %parallel_loop3A_1318 = arith.index_cast %parallel_loop3A_1285 : i32 to index
        %parallel_loop3A_1319 = arith.constant 16 : index
        %parallel_loop3A_1320 = tpu.vector_load %arg12[%parallel_loop3A_1318, %parallel_loop3A_1319] {strides = array<i32>} : memref<200x64xf32, #tpu.memory_space<vmem>>, vector<16xf32>,
        tpu.vector_store %arg12[%parallel_loop3A_1318, %parallel_loop3A_1319], %parallel_loop3A_1317 {strides = array<i32>} : memref<200x64xf32, #tpu.memory_space<vmem>>, vector<16xf32>,
        %parallel_loop3A_1321 = arith.constant 32 : i32
        %parallel_loop3A_1322 = vector.broadcast %parallel_loop3A_1321 : i32 to vector<16xi32>
        %parallel_loop3A_1323 = arith.addi %parallel_loop3A_1322, %iota3A : vector<16xi32>
        %parallel_loop3A_1324 = arith.addi %parallel_loop3A_1289, %parallel_loop3A_1323 : vector<16xi32>
        %parallel_loop3A_1325 = tpu.vector_load_idx %arg10[%parallel_loop3A_1290, %parallel_loop3A_1324] : memref<208x128xf32, #tpu.memory_space<vmem>>[vector<16xi32>, vector<16xi32>], vector<16xf32>,
        %parallel_loop3A_1326 = arith.constant 8.000000e+00 : f32
        %parallel_loop3A_1327 = vector.broadcast %parallel_loop3A_1326 : f32 to vector<16xf32>
        %parallel_loop3A_1328 = arith.mulf %parallel_loop3A_1325, %parallel_loop3A_1327 : vector<16xf32>
        %parallel_loop3A_1329 = arith.index_cast %parallel_loop3A_1285 : i32 to index
        %parallel_loop3A_1330 = arith.constant 32 : index
        %parallel_loop3A_1331 = tpu.vector_load %arg7[%parallel_loop3A_1329, %parallel_loop3A_1330] {strides = array<i32>} : memref<200x64xf32, #tpu.memory_space<vmem>>, vector<16xf32>,
        %parallel_loop3A_1332 = arith.addf %parallel_loop3A_1328, %parallel_loop3A_1331 : vector<16xf32>
        %parallel_loop3A_1333 = arith.index_cast %parallel_loop3A_1285 : i32 to index
        %parallel_loop3A_1334 = arith.constant 32 : index
        %parallel_loop3A_1335 = tpu.vector_load %arg12[%parallel_loop3A_1333, %parallel_loop3A_1334] {strides = array<i32>} : memref<200x64xf32, #tpu.memory_space<vmem>>, vector<16xf32>,
        tpu.vector_store %arg12[%parallel_loop3A_1333, %parallel_loop3A_1334], %parallel_loop3A_1332 {strides = array<i32>} : memref<200x64xf32, #tpu.memory_space<vmem>>, vector<16xf32>,
        %parallel_loop3A_1336 = arith.constant 48 : i32
        %parallel_loop3A_1337 = vector.broadcast %parallel_loop3A_1336 : i32 to vector<16xi32>
        %parallel_loop3A_1338 = arith.addi %parallel_loop3A_1337, %iota3A : vector<16xi32>
        %parallel_loop3A_1339 = arith.addi %parallel_loop3A_1289, %parallel_loop3A_1338 : vector<16xi32>
        %parallel_loop3A_1340 = tpu.vector_load_idx %arg10[%parallel_loop3A_1290, %parallel_loop3A_1339] : memref<208x128xf32, #tpu.memory_space<vmem>>[vector<16xi32>, vector<16xi32>], vector<16xf32>,
        %parallel_loop3A_1341 = arith.constant 8.000000e+00 : f32
        %parallel_loop3A_1342 = vector.broadcast %parallel_loop3A_1341 : f32 to vector<16xf32>
        %parallel_loop3A_1343 = arith.mulf %parallel_loop3A_1340, %parallel_loop3A_1342 : vector<16xf32>
        %parallel_loop3A_1344 = arith.index_cast %parallel_loop3A_1285 : i32 to index
        %parallel_loop3A_1345 = arith.constant 48 : index
        %parallel_loop3A_1346 = tpu.vector_load %arg7[%parallel_loop3A_1344, %parallel_loop3A_1345] {strides = array<i32>} : memref<200x64xf32, #tpu.memory_space<vmem>>, vector<16xf32>,
        %parallel_loop3A_1347 = arith.addf %parallel_loop3A_1343, %parallel_loop3A_1346 : vector<16xf32>
        %parallel_loop3A_1348 = arith.index_cast %parallel_loop3A_1285 : i32 to index
        %parallel_loop3A_1349 = arith.constant 48 : index
        %parallel_loop3A_1350 = tpu.vector_load %arg12[%parallel_loop3A_1348, %parallel_loop3A_1349] {strides = array<i32>} : memref<200x64xf32, #tpu.memory_space<vmem>>, vector<16xf32>,
        tpu.vector_store %arg12[%parallel_loop3A_1348, %parallel_loop3A_1349], %parallel_loop3A_1347 {strides = array<i32>} : memref<200x64xf32, #tpu.memory_space<vmem>>, vector<16xf32>,
        %parallel_loop3A_1351 = arith.constant 1 : i32
        %parallel_loop3A_1352 = arith.addi %parallel_loop3A_1274, %parallel_loop3A_1351 : i32
        %parallel_loop3A_1353 = arith.constant 1 : i32
        %parallel_loop3A_1354 = vector.broadcast %parallel_loop3A_1353 : i32 to vector<16x1xi32>
        %parallel_loop3A_1355 = vector.shape_cast %parallel_loop3A_1354 : vector<16x1xi32> to vector<16xi32>
        %parallel_loop3A_1356 = tpu.dynamic_gather %parallel_loop3A_1283[%parallel_loop3A_1355] in [0] : vector<16xi32>, vector<16xi32> -> vector<16xi32>
        %parallel_loop3A_1357 = vector.broadcast %parallel_loop3A_1352 : i32 to vector<16xi32>
        %parallel_loop3A_1358 = arith.constant 0 : i32
        %parallel_loop3A_1359 = vector.broadcast %parallel_loop3A_1358 : i32 to vector<16xi32>
        %parallel_loop3A_1360 = arith.addi %parallel_loop3A_1359, %iota3A : vector<16xi32>
        %parallel_loop3A_1361 = arith.addi %parallel_loop3A_1356, %parallel_loop3A_1360 : vector<16xi32>
        %parallel_loop3A_1362 = tpu.vector_load_idx %arg10[%parallel_loop3A_1357, %parallel_loop3A_1361] : memref<208x128xf32, #tpu.memory_space<vmem>>[vector<16xi32>, vector<16xi32>], vector<16xf32>,
        %parallel_loop3A_1363 = arith.constant 8.000000e+00 : f32
        %parallel_loop3A_1364 = vector.broadcast %parallel_loop3A_1363 : f32 to vector<16xf32>
        %parallel_loop3A_1365 = arith.mulf %parallel_loop3A_1362, %parallel_loop3A_1364 : vector<16xf32>
        %parallel_loop3A_1366 = arith.index_cast %parallel_loop3A_1352 : i32 to index
        %parallel_loop3A_1367 = arith.constant 0 : index
        %parallel_loop3A_1368 = tpu.vector_load %arg7[%parallel_loop3A_1366, %parallel_loop3A_1367] {strides = array<i32>} : memref<200x64xf32, #tpu.memory_space<vmem>>, vector<16xf32>,
        %parallel_loop3A_1369 = arith.addf %parallel_loop3A_1365, %parallel_loop3A_1368 : vector<16xf32>
        %parallel_loop3A_1370 = arith.index_cast %parallel_loop3A_1352 : i32 to index
        %parallel_loop3A_1371 = arith.constant 0 : index
        %parallel_loop3A_1372 = tpu.vector_load %arg12[%parallel_loop3A_1370, %parallel_loop3A_1371] {strides = array<i32>} : memref<200x64xf32, #tpu.memory_space<vmem>>, vector<16xf32>,
        tpu.vector_store %arg12[%parallel_loop3A_1370, %parallel_loop3A_1371], %parallel_loop3A_1369 {strides = array<i32>} : memref<200x64xf32, #tpu.memory_space<vmem>>, vector<16xf32>,
        %parallel_loop3A_1373 = arith.constant 16 : i32
        %parallel_loop3A_1374 = vector.broadcast %parallel_loop3A_1373 : i32 to vector<16xi32>
        %parallel_loop3A_1375 = arith.addi %parallel_loop3A_1374, %iota3A : vector<16xi32>
        %parallel_loop3A_1376 = arith.addi %parallel_loop3A_1356, %parallel_loop3A_1375 : vector<16xi32>
        %parallel_loop3A_1377 = tpu.vector_load_idx %arg10[%parallel_loop3A_1357, %parallel_loop3A_1376] : memref<208x128xf32, #tpu.memory_space<vmem>>[vector<16xi32>, vector<16xi32>], vector<16xf32>,
        %parallel_loop3A_1378 = arith.constant 8.000000e+00 : f32
        %parallel_loop3A_1379 = vector.broadcast %parallel_loop3A_1378 : f32 to vector<16xf32>
        %parallel_loop3A_1380 = arith.mulf %parallel_loop3A_1377, %parallel_loop3A_1379 : vector<16xf32>
        %parallel_loop3A_1381 = arith.index_cast %parallel_loop3A_1352 : i32 to index
        %parallel_loop3A_1382 = arith.constant 16 : index
        %parallel_loop3A_1383 = tpu.vector_load %arg7[%parallel_loop3A_1381, %parallel_loop3A_1382] {strides = array<i32>} : memref<200x64xf32, #tpu.memory_space<vmem>>, vector<16xf32>,
        %parallel_loop3A_1384 = arith.addf %parallel_loop3A_1380, %parallel_loop3A_1383 : vector<16xf32>
        %parallel_loop3A_1385 = arith.index_cast %parallel_loop3A_1352 : i32 to index
        %parallel_loop3A_1386 = arith.constant 16 : index
        %parallel_loop3A_1387 = tpu.vector_load %arg12[%parallel_loop3A_1385, %parallel_loop3A_1386] {strides = array<i32>} : memref<200x64xf32, #tpu.memory_space<vmem>>, vector<16xf32>,
        tpu.vector_store %arg12[%parallel_loop3A_1385, %parallel_loop3A_1386], %parallel_loop3A_1384 {strides = array<i32>} : memref<200x64xf32, #tpu.memory_space<vmem>>, vector<16xf32>,
        %parallel_loop3A_1388 = arith.constant 32 : i32
        %parallel_loop3A_1389 = vector.broadcast %parallel_loop3A_1388 : i32 to vector<16xi32>
        %parallel_loop3A_1390 = arith.addi %parallel_loop3A_1389, %iota3A : vector<16xi32>
        %parallel_loop3A_1391 = arith.addi %parallel_loop3A_1356, %parallel_loop3A_1390 : vector<16xi32>
        %parallel_loop3A_1392 = tpu.vector_load_idx %arg10[%parallel_loop3A_1357, %parallel_loop3A_1391] : memref<208x128xf32, #tpu.memory_space<vmem>>[vector<16xi32>, vector<16xi32>], vector<16xf32>,
        %parallel_loop3A_1393 = arith.constant 8.000000e+00 : f32
        %parallel_loop3A_1394 = vector.broadcast %parallel_loop3A_1393 : f32 to vector<16xf32>
        %parallel_loop3A_1395 = arith.mulf %parallel_loop3A_1392, %parallel_loop3A_1394 : vector<16xf32>
        %parallel_loop3A_1396 = arith.index_cast %parallel_loop3A_1352 : i32 to index
        %parallel_loop3A_1397 = arith.constant 32 : index
        %parallel_loop3A_1398 = tpu.vector_load %arg7[%parallel_loop3A_1396, %parallel_loop3A_1397] {strides = array<i32>} : memref<200x64xf32, #tpu.memory_space<vmem>>, vector<16xf32>,
        %parallel_loop3A_1399 = arith.addf %parallel_loop3A_1395, %parallel_loop3A_1398 : vector<16xf32>
        %parallel_loop3A_1400 = arith.index_cast %parallel_loop3A_1352 : i32 to index
        %parallel_loop3A_1401 = arith.constant 32 : index
        %parallel_loop3A_1402 = tpu.vector_load %arg12[%parallel_loop3A_1400, %parallel_loop3A_1401] {strides = array<i32>} : memref<200x64xf32, #tpu.memory_space<vmem>>, vector<16xf32>,
        tpu.vector_store %arg12[%parallel_loop3A_1400, %parallel_loop3A_1401], %parallel_loop3A_1399 {strides = array<i32>} : memref<200x64xf32, #tpu.memory_space<vmem>>, vector<16xf32>,
        %parallel_loop3A_1403 = arith.constant 48 : i32
        %parallel_loop3A_1404 = vector.broadcast %parallel_loop3A_1403 : i32 to vector<16xi32>
        %parallel_loop3A_1405 = arith.addi %parallel_loop3A_1404, %iota3A : vector<16xi32>
        %parallel_loop3A_1406 = arith.addi %parallel_loop3A_1356, %parallel_loop3A_1405 : vector<16xi32>
        %parallel_loop3A_1407 = tpu.vector_load_idx %arg10[%parallel_loop3A_1357, %parallel_loop3A_1406] : memref<208x128xf32, #tpu.memory_space<vmem>>[vector<16xi32>, vector<16xi32>], vector<16xf32>,
        %parallel_loop3A_1408 = arith.constant 8.000000e+00 : f32
        %parallel_loop3A_1409 = vector.broadcast %parallel_loop3A_1408 : f32 to vector<16xf32>
        %parallel_loop3A_1410 = arith.mulf %parallel_loop3A_1407, %parallel_loop3A_1409 : vector<16xf32>
        %parallel_loop3A_1411 = arith.index_cast %parallel_loop3A_1352 : i32 to index
        %parallel_loop3A_1412 = arith.constant 48 : index
        %parallel_loop3A_1413 = tpu.vector_load %arg7[%parallel_loop3A_1411, %parallel_loop3A_1412] {strides = array<i32>} : memref<200x64xf32, #tpu.memory_space<vmem>>, vector<16xf32>,
        %parallel_loop3A_1414 = arith.addf %parallel_loop3A_1410, %parallel_loop3A_1413 : vector<16xf32>
        %parallel_loop3A_1415 = arith.index_cast %parallel_loop3A_1352 : i32 to index
        %parallel_loop3A_1416 = arith.constant 48 : index
        %parallel_loop3A_1417 = tpu.vector_load %arg12[%parallel_loop3A_1415, %parallel_loop3A_1416] {strides = array<i32>} : memref<200x64xf32, #tpu.memory_space<vmem>>, vector<16xf32>,
        tpu.vector_store %arg12[%parallel_loop3A_1415, %parallel_loop3A_1416], %parallel_loop3A_1414 {strides = array<i32>} : memref<200x64xf32, #tpu.memory_space<vmem>>, vector<16xf32>,
        %parallel_loop3A_1418 = arith.constant 2 : i32
        %parallel_loop3A_1419 = arith.addi %parallel_loop3A_1274, %parallel_loop3A_1418 : i32
        %parallel_loop3A_1420 = arith.constant 2 : i32
        %parallel_loop3A_1421 = vector.broadcast %parallel_loop3A_1420 : i32 to vector<16x1xi32>
        %parallel_loop3A_1422 = vector.shape_cast %parallel_loop3A_1421 : vector<16x1xi32> to vector<16xi32>
        %parallel_loop3A_1423 = tpu.dynamic_gather %parallel_loop3A_1283[%parallel_loop3A_1422] in [0] : vector<16xi32>, vector<16xi32> -> vector<16xi32>
        %parallel_loop3A_1424 = vector.broadcast %parallel_loop3A_1419 : i32 to vector<16xi32>
        %parallel_loop3A_1425 = arith.constant 0 : i32
        %parallel_loop3A_1426 = vector.broadcast %parallel_loop3A_1425 : i32 to vector<16xi32>
        %parallel_loop3A_1427 = arith.addi %parallel_loop3A_1426, %iota3A : vector<16xi32>
        %parallel_loop3A_1428 = arith.addi %parallel_loop3A_1423, %parallel_loop3A_1427 : vector<16xi32>
        %parallel_loop3A_1429 = tpu.vector_load_idx %arg10[%parallel_loop3A_1424, %parallel_loop3A_1428] : memref<208x128xf32, #tpu.memory_space<vmem>>[vector<16xi32>, vector<16xi32>], vector<16xf32>,
        %parallel_loop3A_1430 = arith.constant 8.000000e+00 : f32
        %parallel_loop3A_1431 = vector.broadcast %parallel_loop3A_1430 : f32 to vector<16xf32>
        %parallel_loop3A_1432 = arith.mulf %parallel_loop3A_1429, %parallel_loop3A_1431 : vector<16xf32>
        %parallel_loop3A_1433 = arith.index_cast %parallel_loop3A_1419 : i32 to index
        %parallel_loop3A_1434 = arith.constant 0 : index
        %parallel_loop3A_1435 = tpu.vector_load %arg7[%parallel_loop3A_1433, %parallel_loop3A_1434] {strides = array<i32>} : memref<200x64xf32, #tpu.memory_space<vmem>>, vector<16xf32>,
        %parallel_loop3A_1436 = arith.addf %parallel_loop3A_1432, %parallel_loop3A_1435 : vector<16xf32>
        %parallel_loop3A_1437 = arith.index_cast %parallel_loop3A_1419 : i32 to index
        %parallel_loop3A_1438 = arith.constant 0 : index
        %parallel_loop3A_1439 = tpu.vector_load %arg12[%parallel_loop3A_1437, %parallel_loop3A_1438] {strides = array<i32>} : memref<200x64xf32, #tpu.memory_space<vmem>>, vector<16xf32>,
        tpu.vector_store %arg12[%parallel_loop3A_1437, %parallel_loop3A_1438], %parallel_loop3A_1436 {strides = array<i32>} : memref<200x64xf32, #tpu.memory_space<vmem>>, vector<16xf32>,
        %parallel_loop3A_1440 = arith.constant 16 : i32
        %parallel_loop3A_1441 = vector.broadcast %parallel_loop3A_1440 : i32 to vector<16xi32>
        %parallel_loop3A_1442 = arith.addi %parallel_loop3A_1441, %iota3A : vector<16xi32>
        %parallel_loop3A_1443 = arith.addi %parallel_loop3A_1423, %parallel_loop3A_1442 : vector<16xi32>
        %parallel_loop3A_1444 = tpu.vector_load_idx %arg10[%parallel_loop3A_1424, %parallel_loop3A_1443] : memref<208x128xf32, #tpu.memory_space<vmem>>[vector<16xi32>, vector<16xi32>], vector<16xf32>,
        %parallel_loop3A_1445 = arith.constant 8.000000e+00 : f32
        %parallel_loop3A_1446 = vector.broadcast %parallel_loop3A_1445 : f32 to vector<16xf32>
        %parallel_loop3A_1447 = arith.mulf %parallel_loop3A_1444, %parallel_loop3A_1446 : vector<16xf32>
        %parallel_loop3A_1448 = arith.index_cast %parallel_loop3A_1419 : i32 to index
        %parallel_loop3A_1449 = arith.constant 16 : index
        %parallel_loop3A_1450 = tpu.vector_load %arg7[%parallel_loop3A_1448, %parallel_loop3A_1449] {strides = array<i32>} : memref<200x64xf32, #tpu.memory_space<vmem>>, vector<16xf32>,
        %parallel_loop3A_1451 = arith.addf %parallel_loop3A_1447, %parallel_loop3A_1450 : vector<16xf32>
        %parallel_loop3A_1452 = arith.index_cast %parallel_loop3A_1419 : i32 to index
        %parallel_loop3A_1453 = arith.constant 16 : index
        %parallel_loop3A_1454 = tpu.vector_load %arg12[%parallel_loop3A_1452, %parallel_loop3A_1453] {strides = array<i32>} : memref<200x64xf32, #tpu.memory_space<vmem>>, vector<16xf32>,
        tpu.vector_store %arg12[%parallel_loop3A_1452, %parallel_loop3A_1453], %parallel_loop3A_1451 {strides = array<i32>} : memref<200x64xf32, #tpu.memory_space<vmem>>, vector<16xf32>,
        %parallel_loop3A_1455 = arith.constant 32 : i32
        %parallel_loop3A_1456 = vector.broadcast %parallel_loop3A_1455 : i32 to vector<16xi32>
        %parallel_loop3A_1457 = arith.addi %parallel_loop3A_1456, %iota3A : vector<16xi32>
        %parallel_loop3A_1458 = arith.addi %parallel_loop3A_1423, %parallel_loop3A_1457 : vector<16xi32>
        %parallel_loop3A_1459 = tpu.vector_load_idx %arg10[%parallel_loop3A_1424, %parallel_loop3A_1458] : memref<208x128xf32, #tpu.memory_space<vmem>>[vector<16xi32>, vector<16xi32>], vector<16xf32>,
        %parallel_loop3A_1460 = arith.constant 8.000000e+00 : f32
        %parallel_loop3A_1461 = vector.broadcast %parallel_loop3A_1460 : f32 to vector<16xf32>
        %parallel_loop3A_1462 = arith.mulf %parallel_loop3A_1459, %parallel_loop3A_1461 : vector<16xf32>
        %parallel_loop3A_1463 = arith.index_cast %parallel_loop3A_1419 : i32 to index
        %parallel_loop3A_1464 = arith.constant 32 : index
        %parallel_loop3A_1465 = tpu.vector_load %arg7[%parallel_loop3A_1463, %parallel_loop3A_1464] {strides = array<i32>} : memref<200x64xf32, #tpu.memory_space<vmem>>, vector<16xf32>,
        %parallel_loop3A_1466 = arith.addf %parallel_loop3A_1462, %parallel_loop3A_1465 : vector<16xf32>
        %parallel_loop3A_1467 = arith.index_cast %parallel_loop3A_1419 : i32 to index
        %parallel_loop3A_1468 = arith.constant 32 : index
        %parallel_loop3A_1469 = tpu.vector_load %arg12[%parallel_loop3A_1467, %parallel_loop3A_1468] {strides = array<i32>} : memref<200x64xf32, #tpu.memory_space<vmem>>, vector<16xf32>,
        tpu.vector_store %arg12[%parallel_loop3A_1467, %parallel_loop3A_1468], %parallel_loop3A_1466 {strides = array<i32>} : memref<200x64xf32, #tpu.memory_space<vmem>>, vector<16xf32>,
        %parallel_loop3A_1470 = arith.constant 48 : i32
        %parallel_loop3A_1471 = vector.broadcast %parallel_loop3A_1470 : i32 to vector<16xi32>
        %parallel_loop3A_1472 = arith.addi %parallel_loop3A_1471, %iota3A : vector<16xi32>
        %parallel_loop3A_1473 = arith.addi %parallel_loop3A_1423, %parallel_loop3A_1472 : vector<16xi32>
        %parallel_loop3A_1474 = tpu.vector_load_idx %arg10[%parallel_loop3A_1424, %parallel_loop3A_1473] : memref<208x128xf32, #tpu.memory_space<vmem>>[vector<16xi32>, vector<16xi32>], vector<16xf32>,
        %parallel_loop3A_1475 = arith.constant 8.000000e+00 : f32
        %parallel_loop3A_1476 = vector.broadcast %parallel_loop3A_1475 : f32 to vector<16xf32>
        %parallel_loop3A_1477 = arith.mulf %parallel_loop3A_1474, %parallel_loop3A_1476 : vector<16xf32>
        %parallel_loop3A_1478 = arith.index_cast %parallel_loop3A_1419 : i32 to index
        %parallel_loop3A_1479 = arith.constant 48 : index
        %parallel_loop3A_1480 = tpu.vector_load %arg7[%parallel_loop3A_1478, %parallel_loop3A_1479] {strides = array<i32>} : memref<200x64xf32, #tpu.memory_space<vmem>>, vector<16xf32>,
        %parallel_loop3A_1481 = arith.addf %parallel_loop3A_1477, %parallel_loop3A_1480 : vector<16xf32>
        %parallel_loop3A_1482 = arith.index_cast %parallel_loop3A_1419 : i32 to index
        %parallel_loop3A_1483 = arith.constant 48 : index
        %parallel_loop3A_1484 = tpu.vector_load %arg12[%parallel_loop3A_1482, %parallel_loop3A_1483] {strides = array<i32>} : memref<200x64xf32, #tpu.memory_space<vmem>>, vector<16xf32>,
        tpu.vector_store %arg12[%parallel_loop3A_1482, %parallel_loop3A_1483], %parallel_loop3A_1481 {strides = array<i32>} : memref<200x64xf32, #tpu.memory_space<vmem>>, vector<16xf32>,
        %parallel_loop3A_1485 = arith.constant 3 : i32
        %parallel_loop3A_1486 = arith.addi %parallel_loop3A_1274, %parallel_loop3A_1485 : i32
        %parallel_loop3A_1487 = arith.constant 3 : i32
        %parallel_loop3A_1488 = vector.broadcast %parallel_loop3A_1487 : i32 to vector<16x1xi32>
        %parallel_loop3A_1489 = vector.shape_cast %parallel_loop3A_1488 : vector<16x1xi32> to vector<16xi32>
        %parallel_loop3A_1490 = tpu.dynamic_gather %parallel_loop3A_1283[%parallel_loop3A_1489] in [0] : vector<16xi32>, vector<16xi32> -> vector<16xi32>
        %parallel_loop3A_1491 = vector.broadcast %parallel_loop3A_1486 : i32 to vector<16xi32>
        %parallel_loop3A_1492 = arith.constant 0 : i32
        %parallel_loop3A_1493 = vector.broadcast %parallel_loop3A_1492 : i32 to vector<16xi32>
        %parallel_loop3A_1494 = arith.addi %parallel_loop3A_1493, %iota3A : vector<16xi32>
        %parallel_loop3A_1495 = arith.addi %parallel_loop3A_1490, %parallel_loop3A_1494 : vector<16xi32>
        %parallel_loop3A_1496 = tpu.vector_load_idx %arg10[%parallel_loop3A_1491, %parallel_loop3A_1495] : memref<208x128xf32, #tpu.memory_space<vmem>>[vector<16xi32>, vector<16xi32>], vector<16xf32>,
        %parallel_loop3A_1497 = arith.constant 8.000000e+00 : f32
        %parallel_loop3A_1498 = vector.broadcast %parallel_loop3A_1497 : f32 to vector<16xf32>
        %parallel_loop3A_1499 = arith.mulf %parallel_loop3A_1496, %parallel_loop3A_1498 : vector<16xf32>
        %parallel_loop3A_1500 = arith.index_cast %parallel_loop3A_1486 : i32 to index
        %parallel_loop3A_1501 = arith.constant 0 : index
        %parallel_loop3A_1502 = tpu.vector_load %arg7[%parallel_loop3A_1500, %parallel_loop3A_1501] {strides = array<i32>} : memref<200x64xf32, #tpu.memory_space<vmem>>, vector<16xf32>,
        %parallel_loop3A_1503 = arith.addf %parallel_loop3A_1499, %parallel_loop3A_1502 : vector<16xf32>
        %parallel_loop3A_1504 = arith.index_cast %parallel_loop3A_1486 : i32 to index
        %parallel_loop3A_1505 = arith.constant 0 : index
        %parallel_loop3A_1506 = tpu.vector_load %arg12[%parallel_loop3A_1504, %parallel_loop3A_1505] {strides = array<i32>} : memref<200x64xf32, #tpu.memory_space<vmem>>, vector<16xf32>,
        tpu.vector_store %arg12[%parallel_loop3A_1504, %parallel_loop3A_1505], %parallel_loop3A_1503 {strides = array<i32>} : memref<200x64xf32, #tpu.memory_space<vmem>>, vector<16xf32>,
        %parallel_loop3A_1507 = arith.constant 16 : i32
        %parallel_loop3A_1508 = vector.broadcast %parallel_loop3A_1507 : i32 to vector<16xi32>
        %parallel_loop3A_1509 = arith.addi %parallel_loop3A_1508, %iota3A : vector<16xi32>
        %parallel_loop3A_1510 = arith.addi %parallel_loop3A_1490, %parallel_loop3A_1509 : vector<16xi32>
        %parallel_loop3A_1511 = tpu.vector_load_idx %arg10[%parallel_loop3A_1491, %parallel_loop3A_1510] : memref<208x128xf32, #tpu.memory_space<vmem>>[vector<16xi32>, vector<16xi32>], vector<16xf32>,
        %parallel_loop3A_1512 = arith.constant 8.000000e+00 : f32
        %parallel_loop3A_1513 = vector.broadcast %parallel_loop3A_1512 : f32 to vector<16xf32>
        %parallel_loop3A_1514 = arith.mulf %parallel_loop3A_1511, %parallel_loop3A_1513 : vector<16xf32>
        %parallel_loop3A_1515 = arith.index_cast %parallel_loop3A_1486 : i32 to index
        %parallel_loop3A_1516 = arith.constant 16 : index
        %parallel_loop3A_1517 = tpu.vector_load %arg7[%parallel_loop3A_1515, %parallel_loop3A_1516] {strides = array<i32>} : memref<200x64xf32, #tpu.memory_space<vmem>>, vector<16xf32>,
        %parallel_loop3A_1518 = arith.addf %parallel_loop3A_1514, %parallel_loop3A_1517 : vector<16xf32>
        %parallel_loop3A_1519 = arith.index_cast %parallel_loop3A_1486 : i32 to index
        %parallel_loop3A_1520 = arith.constant 16 : index
        %parallel_loop3A_1521 = tpu.vector_load %arg12[%parallel_loop3A_1519, %parallel_loop3A_1520] {strides = array<i32>} : memref<200x64xf32, #tpu.memory_space<vmem>>, vector<16xf32>,
        tpu.vector_store %arg12[%parallel_loop3A_1519, %parallel_loop3A_1520], %parallel_loop3A_1518 {strides = array<i32>} : memref<200x64xf32, #tpu.memory_space<vmem>>, vector<16xf32>,
        %parallel_loop3A_1522 = arith.constant 32 : i32
        %parallel_loop3A_1523 = vector.broadcast %parallel_loop3A_1522 : i32 to vector<16xi32>
        %parallel_loop3A_1524 = arith.addi %parallel_loop3A_1523, %iota3A : vector<16xi32>
        %parallel_loop3A_1525 = arith.addi %parallel_loop3A_1490, %parallel_loop3A_1524 : vector<16xi32>
        %parallel_loop3A_1526 = tpu.vector_load_idx %arg10[%parallel_loop3A_1491, %parallel_loop3A_1525] : memref<208x128xf32, #tpu.memory_space<vmem>>[vector<16xi32>, vector<16xi32>], vector<16xf32>,
        %parallel_loop3A_1527 = arith.constant 8.000000e+00 : f32
        %parallel_loop3A_1528 = vector.broadcast %parallel_loop3A_1527 : f32 to vector<16xf32>
        %parallel_loop3A_1529 = arith.mulf %parallel_loop3A_1526, %parallel_loop3A_1528 : vector<16xf32>
        %parallel_loop3A_1530 = arith.index_cast %parallel_loop3A_1486 : i32 to index
        %parallel_loop3A_1531 = arith.constant 32 : index
        %parallel_loop3A_1532 = tpu.vector_load %arg7[%parallel_loop3A_1530, %parallel_loop3A_1531] {strides = array<i32>} : memref<200x64xf32, #tpu.memory_space<vmem>>, vector<16xf32>,
        %parallel_loop3A_1533 = arith.addf %parallel_loop3A_1529, %parallel_loop3A_1532 : vector<16xf32>
        %parallel_loop3A_1534 = arith.index_cast %parallel_loop3A_1486 : i32 to index
        %parallel_loop3A_1535 = arith.constant 32 : index
        %parallel_loop3A_1536 = tpu.vector_load %arg12[%parallel_loop3A_1534, %parallel_loop3A_1535] {strides = array<i32>} : memref<200x64xf32, #tpu.memory_space<vmem>>, vector<16xf32>,
        tpu.vector_store %arg12[%parallel_loop3A_1534, %parallel_loop3A_1535], %parallel_loop3A_1533 {strides = array<i32>} : memref<200x64xf32, #tpu.memory_space<vmem>>, vector<16xf32>,
        %parallel_loop3A_1537 = arith.constant 48 : i32
        %parallel_loop3A_1538 = vector.broadcast %parallel_loop3A_1537 : i32 to vector<16xi32>
        %parallel_loop3A_1539 = arith.addi %parallel_loop3A_1538, %iota3A : vector<16xi32>
        %parallel_loop3A_1540 = arith.addi %parallel_loop3A_1490, %parallel_loop3A_1539 : vector<16xi32>
        %parallel_loop3A_1541 = tpu.vector_load_idx %arg10[%parallel_loop3A_1491, %parallel_loop3A_1540] : memref<208x128xf32, #tpu.memory_space<vmem>>[vector<16xi32>, vector<16xi32>], vector<16xf32>,
        %parallel_loop3A_1542 = arith.constant 8.000000e+00 : f32
        %parallel_loop3A_1543 = vector.broadcast %parallel_loop3A_1542 : f32 to vector<16xf32>
        %parallel_loop3A_1544 = arith.mulf %parallel_loop3A_1541, %parallel_loop3A_1543 : vector<16xf32>
        %parallel_loop3A_1545 = arith.index_cast %parallel_loop3A_1486 : i32 to index
        %parallel_loop3A_1546 = arith.constant 48 : index
        %parallel_loop3A_1547 = tpu.vector_load %arg7[%parallel_loop3A_1545, %parallel_loop3A_1546] {strides = array<i32>} : memref<200x64xf32, #tpu.memory_space<vmem>>, vector<16xf32>,
        %parallel_loop3A_1548 = arith.addf %parallel_loop3A_1544, %parallel_loop3A_1547 : vector<16xf32>
        %parallel_loop3A_1549 = arith.index_cast %parallel_loop3A_1486 : i32 to index
        %parallel_loop3A_1550 = arith.constant 48 : index
        %parallel_loop3A_1551 = tpu.vector_load %arg12[%parallel_loop3A_1549, %parallel_loop3A_1550] {strides = array<i32>} : memref<200x64xf32, #tpu.memory_space<vmem>>, vector<16xf32>,
        tpu.vector_store %arg12[%parallel_loop3A_1549, %parallel_loop3A_1550], %parallel_loop3A_1548 {strides = array<i32>} : memref<200x64xf32, #tpu.memory_space<vmem>>, vector<16xf32>,
        %parallel_loop3A_1552 = arith.constant 4 : i32
        %parallel_loop3A_1553 = arith.addi %parallel_loop3A_1274, %parallel_loop3A_1552 : i32
        %parallel_loop3A_1554 = arith.constant 4 : i32
        %parallel_loop3A_1555 = vector.broadcast %parallel_loop3A_1554 : i32 to vector<16x1xi32>
        %parallel_loop3A_1556 = vector.shape_cast %parallel_loop3A_1555 : vector<16x1xi32> to vector<16xi32>
        %parallel_loop3A_1557 = tpu.dynamic_gather %parallel_loop3A_1283[%parallel_loop3A_1556] in [0] : vector<16xi32>, vector<16xi32> -> vector<16xi32>
        %parallel_loop3A_1558 = vector.broadcast %parallel_loop3A_1553 : i32 to vector<16xi32>
        %parallel_loop3A_1559 = arith.constant 0 : i32
        %parallel_loop3A_1560 = vector.broadcast %parallel_loop3A_1559 : i32 to vector<16xi32>
        %parallel_loop3A_1561 = arith.addi %parallel_loop3A_1560, %iota3A : vector<16xi32>
        %parallel_loop3A_1562 = arith.addi %parallel_loop3A_1557, %parallel_loop3A_1561 : vector<16xi32>
        %parallel_loop3A_1563 = tpu.vector_load_idx %arg10[%parallel_loop3A_1558, %parallel_loop3A_1562] : memref<208x128xf32, #tpu.memory_space<vmem>>[vector<16xi32>, vector<16xi32>], vector<16xf32>,
        %parallel_loop3A_1564 = arith.constant 8.000000e+00 : f32
        %parallel_loop3A_1565 = vector.broadcast %parallel_loop3A_1564 : f32 to vector<16xf32>
        %parallel_loop3A_1566 = arith.mulf %parallel_loop3A_1563, %parallel_loop3A_1565 : vector<16xf32>
        %parallel_loop3A_1567 = arith.index_cast %parallel_loop3A_1553 : i32 to index
        %parallel_loop3A_1568 = arith.constant 0 : index
        %parallel_loop3A_1569 = tpu.vector_load %arg7[%parallel_loop3A_1567, %parallel_loop3A_1568] {strides = array<i32>} : memref<200x64xf32, #tpu.memory_space<vmem>>, vector<16xf32>,
        %parallel_loop3A_1570 = arith.addf %parallel_loop3A_1566, %parallel_loop3A_1569 : vector<16xf32>
        %parallel_loop3A_1571 = arith.index_cast %parallel_loop3A_1553 : i32 to index
        %parallel_loop3A_1572 = arith.constant 0 : index
        %parallel_loop3A_1573 = tpu.vector_load %arg12[%parallel_loop3A_1571, %parallel_loop3A_1572] {strides = array<i32>} : memref<200x64xf32, #tpu.memory_space<vmem>>, vector<16xf32>,
        tpu.vector_store %arg12[%parallel_loop3A_1571, %parallel_loop3A_1572], %parallel_loop3A_1570 {strides = array<i32>} : memref<200x64xf32, #tpu.memory_space<vmem>>, vector<16xf32>,
        %parallel_loop3A_1574 = arith.constant 16 : i32
        %parallel_loop3A_1575 = vector.broadcast %parallel_loop3A_1574 : i32 to vector<16xi32>
        %parallel_loop3A_1576 = arith.addi %parallel_loop3A_1575, %iota3A : vector<16xi32>
        %parallel_loop3A_1577 = arith.addi %parallel_loop3A_1557, %parallel_loop3A_1576 : vector<16xi32>
        %parallel_loop3A_1578 = tpu.vector_load_idx %arg10[%parallel_loop3A_1558, %parallel_loop3A_1577] : memref<208x128xf32, #tpu.memory_space<vmem>>[vector<16xi32>, vector<16xi32>], vector<16xf32>,
        %parallel_loop3A_1579 = arith.constant 8.000000e+00 : f32
        %parallel_loop3A_1580 = vector.broadcast %parallel_loop3A_1579 : f32 to vector<16xf32>
        %parallel_loop3A_1581 = arith.mulf %parallel_loop3A_1578, %parallel_loop3A_1580 : vector<16xf32>
        %parallel_loop3A_1582 = arith.index_cast %parallel_loop3A_1553 : i32 to index
        %parallel_loop3A_1583 = arith.constant 16 : index
        %parallel_loop3A_1584 = tpu.vector_load %arg7[%parallel_loop3A_1582, %parallel_loop3A_1583] {strides = array<i32>} : memref<200x64xf32, #tpu.memory_space<vmem>>, vector<16xf32>,
        %parallel_loop3A_1585 = arith.addf %parallel_loop3A_1581, %parallel_loop3A_1584 : vector<16xf32>
        %parallel_loop3A_1586 = arith.index_cast %parallel_loop3A_1553 : i32 to index
        %parallel_loop3A_1587 = arith.constant 16 : index
        %parallel_loop3A_1588 = tpu.vector_load %arg12[%parallel_loop3A_1586, %parallel_loop3A_1587] {strides = array<i32>} : memref<200x64xf32, #tpu.memory_space<vmem>>, vector<16xf32>,
        tpu.vector_store %arg12[%parallel_loop3A_1586, %parallel_loop3A_1587], %parallel_loop3A_1585 {strides = array<i32>} : memref<200x64xf32, #tpu.memory_space<vmem>>, vector<16xf32>,
        %parallel_loop3A_1589 = arith.constant 32 : i32
        %parallel_loop3A_1590 = vector.broadcast %parallel_loop3A_1589 : i32 to vector<16xi32>
        %parallel_loop3A_1591 = arith.addi %parallel_loop3A_1590, %iota3A : vector<16xi32>
        %parallel_loop3A_1592 = arith.addi %parallel_loop3A_1557, %parallel_loop3A_1591 : vector<16xi32>
        %parallel_loop3A_1593 = tpu.vector_load_idx %arg10[%parallel_loop3A_1558, %parallel_loop3A_1592] : memref<208x128xf32, #tpu.memory_space<vmem>>[vector<16xi32>, vector<16xi32>], vector<16xf32>,
        %parallel_loop3A_1594 = arith.constant 8.000000e+00 : f32
        %parallel_loop3A_1595 = vector.broadcast %parallel_loop3A_1594 : f32 to vector<16xf32>
        %parallel_loop3A_1596 = arith.mulf %parallel_loop3A_1593, %parallel_loop3A_1595 : vector<16xf32>
        %parallel_loop3A_1597 = arith.index_cast %parallel_loop3A_1553 : i32 to index
        %parallel_loop3A_1598 = arith.constant 32 : index
        %parallel_loop3A_1599 = tpu.vector_load %arg7[%parallel_loop3A_1597, %parallel_loop3A_1598] {strides = array<i32>} : memref<200x64xf32, #tpu.memory_space<vmem>>, vector<16xf32>,
        %parallel_loop3A_1600 = arith.addf %parallel_loop3A_1596, %parallel_loop3A_1599 : vector<16xf32>
        %parallel_loop3A_1601 = arith.index_cast %parallel_loop3A_1553 : i32 to index
        %parallel_loop3A_1602 = arith.constant 32 : index
        %parallel_loop3A_1603 = tpu.vector_load %arg12[%parallel_loop3A_1601, %parallel_loop3A_1602] {strides = array<i32>} : memref<200x64xf32, #tpu.memory_space<vmem>>, vector<16xf32>,
        tpu.vector_store %arg12[%parallel_loop3A_1601, %parallel_loop3A_1602], %parallel_loop3A_1600 {strides = array<i32>} : memref<200x64xf32, #tpu.memory_space<vmem>>, vector<16xf32>,
        %parallel_loop3A_1604 = arith.constant 48 : i32
        %parallel_loop3A_1605 = vector.broadcast %parallel_loop3A_1604 : i32 to vector<16xi32>
        %parallel_loop3A_1606 = arith.addi %parallel_loop3A_1605, %iota3A : vector<16xi32>
        %parallel_loop3A_1607 = arith.addi %parallel_loop3A_1557, %parallel_loop3A_1606 : vector<16xi32>
        %parallel_loop3A_1608 = tpu.vector_load_idx %arg10[%parallel_loop3A_1558, %parallel_loop3A_1607] : memref<208x128xf32, #tpu.memory_space<vmem>>[vector<16xi32>, vector<16xi32>], vector<16xf32>,
        %parallel_loop3A_1609 = arith.constant 8.000000e+00 : f32
        %parallel_loop3A_1610 = vector.broadcast %parallel_loop3A_1609 : f32 to vector<16xf32>
        %parallel_loop3A_1611 = arith.mulf %parallel_loop3A_1608, %parallel_loop3A_1610 : vector<16xf32>
        %parallel_loop3A_1612 = arith.index_cast %parallel_loop3A_1553 : i32 to index
        %parallel_loop3A_1613 = arith.constant 48 : index
        %parallel_loop3A_1614 = tpu.vector_load %arg7[%parallel_loop3A_1612, %parallel_loop3A_1613] {strides = array<i32>} : memref<200x64xf32, #tpu.memory_space<vmem>>, vector<16xf32>,
        %parallel_loop3A_1615 = arith.addf %parallel_loop3A_1611, %parallel_loop3A_1614 : vector<16xf32>
        %parallel_loop3A_1616 = arith.index_cast %parallel_loop3A_1553 : i32 to index
        %parallel_loop3A_1617 = arith.constant 48 : index
        %parallel_loop3A_1618 = tpu.vector_load %arg12[%parallel_loop3A_1616, %parallel_loop3A_1617] {strides = array<i32>} : memref<200x64xf32, #tpu.memory_space<vmem>>, vector<16xf32>,
        tpu.vector_store %arg12[%parallel_loop3A_1616, %parallel_loop3A_1617], %parallel_loop3A_1615 {strides = array<i32>} : memref<200x64xf32, #tpu.memory_space<vmem>>, vector<16xf32>,
        %parallel_loop3A_1619 = arith.constant 5 : i32
        %parallel_loop3A_1620 = arith.addi %parallel_loop3A_1274, %parallel_loop3A_1619 : i32
        %parallel_loop3A_1621 = arith.constant 5 : i32
        %parallel_loop3A_1622 = vector.broadcast %parallel_loop3A_1621 : i32 to vector<16x1xi32>
        %parallel_loop3A_1623 = vector.shape_cast %parallel_loop3A_1622 : vector<16x1xi32> to vector<16xi32>
        %parallel_loop3A_1624 = tpu.dynamic_gather %parallel_loop3A_1283[%parallel_loop3A_1623] in [0] : vector<16xi32>, vector<16xi32> -> vector<16xi32>
        %parallel_loop3A_1625 = vector.broadcast %parallel_loop3A_1620 : i32 to vector<16xi32>
        %parallel_loop3A_1626 = arith.constant 0 : i32
        %parallel_loop3A_1627 = vector.broadcast %parallel_loop3A_1626 : i32 to vector<16xi32>
        %parallel_loop3A_1628 = arith.addi %parallel_loop3A_1627, %iota3A : vector<16xi32>
        %parallel_loop3A_1629 = arith.addi %parallel_loop3A_1624, %parallel_loop3A_1628 : vector<16xi32>
        %parallel_loop3A_1630 = tpu.vector_load_idx %arg10[%parallel_loop3A_1625, %parallel_loop3A_1629] : memref<208x128xf32, #tpu.memory_space<vmem>>[vector<16xi32>, vector<16xi32>], vector<16xf32>,
        %parallel_loop3A_1631 = arith.constant 8.000000e+00 : f32
        %parallel_loop3A_1632 = vector.broadcast %parallel_loop3A_1631 : f32 to vector<16xf32>
        %parallel_loop3A_1633 = arith.mulf %parallel_loop3A_1630, %parallel_loop3A_1632 : vector<16xf32>
        %parallel_loop3A_1634 = arith.index_cast %parallel_loop3A_1620 : i32 to index
        %parallel_loop3A_1635 = arith.constant 0 : index
        %parallel_loop3A_1636 = tpu.vector_load %arg7[%parallel_loop3A_1634, %parallel_loop3A_1635] {strides = array<i32>} : memref<200x64xf32, #tpu.memory_space<vmem>>, vector<16xf32>,
        %parallel_loop3A_1637 = arith.addf %parallel_loop3A_1633, %parallel_loop3A_1636 : vector<16xf32>
        %parallel_loop3A_1638 = arith.index_cast %parallel_loop3A_1620 : i32 to index
        %parallel_loop3A_1639 = arith.constant 0 : index
        %parallel_loop3A_1640 = tpu.vector_load %arg12[%parallel_loop3A_1638, %parallel_loop3A_1639] {strides = array<i32>} : memref<200x64xf32, #tpu.memory_space<vmem>>, vector<16xf32>,
        tpu.vector_store %arg12[%parallel_loop3A_1638, %parallel_loop3A_1639], %parallel_loop3A_1637 {strides = array<i32>} : memref<200x64xf32, #tpu.memory_space<vmem>>, vector<16xf32>,
        %parallel_loop3A_1641 = arith.constant 16 : i32
        %parallel_loop3A_1642 = vector.broadcast %parallel_loop3A_1641 : i32 to vector<16xi32>
        %parallel_loop3A_1643 = arith.addi %parallel_loop3A_1642, %iota3A : vector<16xi32>
        %parallel_loop3A_1644 = arith.addi %parallel_loop3A_1624, %parallel_loop3A_1643 : vector<16xi32>
        %parallel_loop3A_1645 = tpu.vector_load_idx %arg10[%parallel_loop3A_1625, %parallel_loop3A_1644] : memref<208x128xf32, #tpu.memory_space<vmem>>[vector<16xi32>, vector<16xi32>], vector<16xf32>,
        %parallel_loop3A_1646 = arith.constant 8.000000e+00 : f32
        %parallel_loop3A_1647 = vector.broadcast %parallel_loop3A_1646 : f32 to vector<16xf32>
        %parallel_loop3A_1648 = arith.mulf %parallel_loop3A_1645, %parallel_loop3A_1647 : vector<16xf32>
        %parallel_loop3A_1649 = arith.index_cast %parallel_loop3A_1620 : i32 to index
        %parallel_loop3A_1650 = arith.constant 16 : index
        %parallel_loop3A_1651 = tpu.vector_load %arg7[%parallel_loop3A_1649, %parallel_loop3A_1650] {strides = array<i32>} : memref<200x64xf32, #tpu.memory_space<vmem>>, vector<16xf32>,
        %parallel_loop3A_1652 = arith.addf %parallel_loop3A_1648, %parallel_loop3A_1651 : vector<16xf32>
        %parallel_loop3A_1653 = arith.index_cast %parallel_loop3A_1620 : i32 to index
        %parallel_loop3A_1654 = arith.constant 16 : index
        %parallel_loop3A_1655 = tpu.vector_load %arg12[%parallel_loop3A_1653, %parallel_loop3A_1654] {strides = array<i32>} : memref<200x64xf32, #tpu.memory_space<vmem>>, vector<16xf32>,
        tpu.vector_store %arg12[%parallel_loop3A_1653, %parallel_loop3A_1654], %parallel_loop3A_1652 {strides = array<i32>} : memref<200x64xf32, #tpu.memory_space<vmem>>, vector<16xf32>,
        %parallel_loop3A_1656 = arith.constant 32 : i32
        %parallel_loop3A_1657 = vector.broadcast %parallel_loop3A_1656 : i32 to vector<16xi32>
        %parallel_loop3A_1658 = arith.addi %parallel_loop3A_1657, %iota3A : vector<16xi32>
        %parallel_loop3A_1659 = arith.addi %parallel_loop3A_1624, %parallel_loop3A_1658 : vector<16xi32>
        %parallel_loop3A_1660 = tpu.vector_load_idx %arg10[%parallel_loop3A_1625, %parallel_loop3A_1659] : memref<208x128xf32, #tpu.memory_space<vmem>>[vector<16xi32>, vector<16xi32>], vector<16xf32>,
        %parallel_loop3A_1661 = arith.constant 8.000000e+00 : f32
        %parallel_loop3A_1662 = vector.broadcast %parallel_loop3A_1661 : f32 to vector<16xf32>
        %parallel_loop3A_1663 = arith.mulf %parallel_loop3A_1660, %parallel_loop3A_1662 : vector<16xf32>
        %parallel_loop3A_1664 = arith.index_cast %parallel_loop3A_1620 : i32 to index
        %parallel_loop3A_1665 = arith.constant 32 : index
        %parallel_loop3A_1666 = tpu.vector_load %arg7[%parallel_loop3A_1664, %parallel_loop3A_1665] {strides = array<i32>} : memref<200x64xf32, #tpu.memory_space<vmem>>, vector<16xf32>,
        %parallel_loop3A_1667 = arith.addf %parallel_loop3A_1663, %parallel_loop3A_1666 : vector<16xf32>
        %parallel_loop3A_1668 = arith.index_cast %parallel_loop3A_1620 : i32 to index
        %parallel_loop3A_1669 = arith.constant 32 : index
        %parallel_loop3A_1670 = tpu.vector_load %arg12[%parallel_loop3A_1668, %parallel_loop3A_1669] {strides = array<i32>} : memref<200x64xf32, #tpu.memory_space<vmem>>, vector<16xf32>,
        tpu.vector_store %arg12[%parallel_loop3A_1668, %parallel_loop3A_1669], %parallel_loop3A_1667 {strides = array<i32>} : memref<200x64xf32, #tpu.memory_space<vmem>>, vector<16xf32>,
        %parallel_loop3A_1671 = arith.constant 48 : i32
        %parallel_loop3A_1672 = vector.broadcast %parallel_loop3A_1671 : i32 to vector<16xi32>
        %parallel_loop3A_1673 = arith.addi %parallel_loop3A_1672, %iota3A : vector<16xi32>
        %parallel_loop3A_1674 = arith.addi %parallel_loop3A_1624, %parallel_loop3A_1673 : vector<16xi32>
        %parallel_loop3A_1675 = tpu.vector_load_idx %arg10[%parallel_loop3A_1625, %parallel_loop3A_1674] : memref<208x128xf32, #tpu.memory_space<vmem>>[vector<16xi32>, vector<16xi32>], vector<16xf32>,
        %parallel_loop3A_1676 = arith.constant 8.000000e+00 : f32
        %parallel_loop3A_1677 = vector.broadcast %parallel_loop3A_1676 : f32 to vector<16xf32>
        %parallel_loop3A_1678 = arith.mulf %parallel_loop3A_1675, %parallel_loop3A_1677 : vector<16xf32>
        %parallel_loop3A_1679 = arith.index_cast %parallel_loop3A_1620 : i32 to index
        %parallel_loop3A_1680 = arith.constant 48 : index
        %parallel_loop3A_1681 = tpu.vector_load %arg7[%parallel_loop3A_1679, %parallel_loop3A_1680] {strides = array<i32>} : memref<200x64xf32, #tpu.memory_space<vmem>>, vector<16xf32>,
        %parallel_loop3A_1682 = arith.addf %parallel_loop3A_1678, %parallel_loop3A_1681 : vector<16xf32>
        %parallel_loop3A_1683 = arith.index_cast %parallel_loop3A_1620 : i32 to index
        %parallel_loop3A_1684 = arith.constant 48 : index
        %parallel_loop3A_1685 = tpu.vector_load %arg12[%parallel_loop3A_1683, %parallel_loop3A_1684] {strides = array<i32>} : memref<200x64xf32, #tpu.memory_space<vmem>>, vector<16xf32>,
        tpu.vector_store %arg12[%parallel_loop3A_1683, %parallel_loop3A_1684], %parallel_loop3A_1682 {strides = array<i32>} : memref<200x64xf32, #tpu.memory_space<vmem>>, vector<16xf32>,
        %parallel_loop3A_1686 = arith.constant 6 : i32
        %parallel_loop3A_1687 = arith.addi %parallel_loop3A_1274, %parallel_loop3A_1686 : i32
        %parallel_loop3A_1688 = arith.constant 6 : i32
        %parallel_loop3A_1689 = vector.broadcast %parallel_loop3A_1688 : i32 to vector<16x1xi32>
        %parallel_loop3A_1690 = vector.shape_cast %parallel_loop3A_1689 : vector<16x1xi32> to vector<16xi32>
        %parallel_loop3A_1691 = tpu.dynamic_gather %parallel_loop3A_1283[%parallel_loop3A_1690] in [0] : vector<16xi32>, vector<16xi32> -> vector<16xi32>
        %parallel_loop3A_1692 = vector.broadcast %parallel_loop3A_1687 : i32 to vector<16xi32>
        %parallel_loop3A_1693 = arith.constant 0 : i32
        %parallel_loop3A_1694 = vector.broadcast %parallel_loop3A_1693 : i32 to vector<16xi32>
        %parallel_loop3A_1695 = arith.addi %parallel_loop3A_1694, %iota3A : vector<16xi32>
        %parallel_loop3A_1696 = arith.addi %parallel_loop3A_1691, %parallel_loop3A_1695 : vector<16xi32>
        %parallel_loop3A_1697 = tpu.vector_load_idx %arg10[%parallel_loop3A_1692, %parallel_loop3A_1696] : memref<208x128xf32, #tpu.memory_space<vmem>>[vector<16xi32>, vector<16xi32>], vector<16xf32>,
        %parallel_loop3A_1698 = arith.constant 8.000000e+00 : f32
        %parallel_loop3A_1699 = vector.broadcast %parallel_loop3A_1698 : f32 to vector<16xf32>
        %parallel_loop3A_1700 = arith.mulf %parallel_loop3A_1697, %parallel_loop3A_1699 : vector<16xf32>
        %parallel_loop3A_1701 = arith.index_cast %parallel_loop3A_1687 : i32 to index
        %parallel_loop3A_1702 = arith.constant 0 : index
        %parallel_loop3A_1703 = tpu.vector_load %arg7[%parallel_loop3A_1701, %parallel_loop3A_1702] {strides = array<i32>} : memref<200x64xf32, #tpu.memory_space<vmem>>, vector<16xf32>,
        %parallel_loop3A_1704 = arith.addf %parallel_loop3A_1700, %parallel_loop3A_1703 : vector<16xf32>
        %parallel_loop3A_1705 = arith.index_cast %parallel_loop3A_1687 : i32 to index
        %parallel_loop3A_1706 = arith.constant 0 : index
        %parallel_loop3A_1707 = tpu.vector_load %arg12[%parallel_loop3A_1705, %parallel_loop3A_1706] {strides = array<i32>} : memref<200x64xf32, #tpu.memory_space<vmem>>, vector<16xf32>,
        tpu.vector_store %arg12[%parallel_loop3A_1705, %parallel_loop3A_1706], %parallel_loop3A_1704 {strides = array<i32>} : memref<200x64xf32, #tpu.memory_space<vmem>>, vector<16xf32>,
        %parallel_loop3A_1708 = arith.constant 16 : i32
        %parallel_loop3A_1709 = vector.broadcast %parallel_loop3A_1708 : i32 to vector<16xi32>
        %parallel_loop3A_1710 = arith.addi %parallel_loop3A_1709, %iota3A : vector<16xi32>
        %parallel_loop3A_1711 = arith.addi %parallel_loop3A_1691, %parallel_loop3A_1710 : vector<16xi32>
        %parallel_loop3A_1712 = tpu.vector_load_idx %arg10[%parallel_loop3A_1692, %parallel_loop3A_1711] : memref<208x128xf32, #tpu.memory_space<vmem>>[vector<16xi32>, vector<16xi32>], vector<16xf32>,
        %parallel_loop3A_1713 = arith.constant 8.000000e+00 : f32
        %parallel_loop3A_1714 = vector.broadcast %parallel_loop3A_1713 : f32 to vector<16xf32>
        %parallel_loop3A_1715 = arith.mulf %parallel_loop3A_1712, %parallel_loop3A_1714 : vector<16xf32>
        %parallel_loop3A_1716 = arith.index_cast %parallel_loop3A_1687 : i32 to index
        %parallel_loop3A_1717 = arith.constant 16 : index
        %parallel_loop3A_1718 = tpu.vector_load %arg7[%parallel_loop3A_1716, %parallel_loop3A_1717] {strides = array<i32>} : memref<200x64xf32, #tpu.memory_space<vmem>>, vector<16xf32>,
        %parallel_loop3A_1719 = arith.addf %parallel_loop3A_1715, %parallel_loop3A_1718 : vector<16xf32>
        %parallel_loop3A_1720 = arith.index_cast %parallel_loop3A_1687 : i32 to index
        %parallel_loop3A_1721 = arith.constant 16 : index
        %parallel_loop3A_1722 = tpu.vector_load %arg12[%parallel_loop3A_1720, %parallel_loop3A_1721] {strides = array<i32>} : memref<200x64xf32, #tpu.memory_space<vmem>>, vector<16xf32>,
        tpu.vector_store %arg12[%parallel_loop3A_1720, %parallel_loop3A_1721], %parallel_loop3A_1719 {strides = array<i32>} : memref<200x64xf32, #tpu.memory_space<vmem>>, vector<16xf32>,
        %parallel_loop3A_1723 = arith.constant 32 : i32
        %parallel_loop3A_1724 = vector.broadcast %parallel_loop3A_1723 : i32 to vector<16xi32>
        %parallel_loop3A_1725 = arith.addi %parallel_loop3A_1724, %iota3A : vector<16xi32>
        %parallel_loop3A_1726 = arith.addi %parallel_loop3A_1691, %parallel_loop3A_1725 : vector<16xi32>
        %parallel_loop3A_1727 = tpu.vector_load_idx %arg10[%parallel_loop3A_1692, %parallel_loop3A_1726] : memref<208x128xf32, #tpu.memory_space<vmem>>[vector<16xi32>, vector<16xi32>], vector<16xf32>,
        %parallel_loop3A_1728 = arith.constant 8.000000e+00 : f32
        %parallel_loop3A_1729 = vector.broadcast %parallel_loop3A_1728 : f32 to vector<16xf32>
        %parallel_loop3A_1730 = arith.mulf %parallel_loop3A_1727, %parallel_loop3A_1729 : vector<16xf32>
        %parallel_loop3A_1731 = arith.index_cast %parallel_loop3A_1687 : i32 to index
        %parallel_loop3A_1732 = arith.constant 32 : index
        %parallel_loop3A_1733 = tpu.vector_load %arg7[%parallel_loop3A_1731, %parallel_loop3A_1732] {strides = array<i32>} : memref<200x64xf32, #tpu.memory_space<vmem>>, vector<16xf32>,
        %parallel_loop3A_1734 = arith.addf %parallel_loop3A_1730, %parallel_loop3A_1733 : vector<16xf32>
        %parallel_loop3A_1735 = arith.index_cast %parallel_loop3A_1687 : i32 to index
        %parallel_loop3A_1736 = arith.constant 32 : index
        %parallel_loop3A_1737 = tpu.vector_load %arg12[%parallel_loop3A_1735, %parallel_loop3A_1736] {strides = array<i32>} : memref<200x64xf32, #tpu.memory_space<vmem>>, vector<16xf32>,
        tpu.vector_store %arg12[%parallel_loop3A_1735, %parallel_loop3A_1736], %parallel_loop3A_1734 {strides = array<i32>} : memref<200x64xf32, #tpu.memory_space<vmem>>, vector<16xf32>,
        %parallel_loop3A_1738 = arith.constant 48 : i32
        %parallel_loop3A_1739 = vector.broadcast %parallel_loop3A_1738 : i32 to vector<16xi32>
        %parallel_loop3A_1740 = arith.addi %parallel_loop3A_1739, %iota3A : vector<16xi32>
        %parallel_loop3A_1741 = arith.addi %parallel_loop3A_1691, %parallel_loop3A_1740 : vector<16xi32>
        %parallel_loop3A_1742 = tpu.vector_load_idx %arg10[%parallel_loop3A_1692, %parallel_loop3A_1741] : memref<208x128xf32, #tpu.memory_space<vmem>>[vector<16xi32>, vector<16xi32>], vector<16xf32>,
        %parallel_loop3A_1743 = arith.constant 8.000000e+00 : f32
        %parallel_loop3A_1744 = vector.broadcast %parallel_loop3A_1743 : f32 to vector<16xf32>
        %parallel_loop3A_1745 = arith.mulf %parallel_loop3A_1742, %parallel_loop3A_1744 : vector<16xf32>
        %parallel_loop3A_1746 = arith.index_cast %parallel_loop3A_1687 : i32 to index
        %parallel_loop3A_1747 = arith.constant 48 : index
        %parallel_loop3A_1748 = tpu.vector_load %arg7[%parallel_loop3A_1746, %parallel_loop3A_1747] {strides = array<i32>} : memref<200x64xf32, #tpu.memory_space<vmem>>, vector<16xf32>,
        %parallel_loop3A_1749 = arith.addf %parallel_loop3A_1745, %parallel_loop3A_1748 : vector<16xf32>
        %parallel_loop3A_1750 = arith.index_cast %parallel_loop3A_1687 : i32 to index
        %parallel_loop3A_1751 = arith.constant 48 : index
        %parallel_loop3A_1752 = tpu.vector_load %arg12[%parallel_loop3A_1750, %parallel_loop3A_1751] {strides = array<i32>} : memref<200x64xf32, #tpu.memory_space<vmem>>, vector<16xf32>,
        tpu.vector_store %arg12[%parallel_loop3A_1750, %parallel_loop3A_1751], %parallel_loop3A_1749 {strides = array<i32>} : memref<200x64xf32, #tpu.memory_space<vmem>>, vector<16xf32>,
        %parallel_loop3A_1753 = arith.constant 7 : i32
        %parallel_loop3A_1754 = arith.addi %parallel_loop3A_1274, %parallel_loop3A_1753 : i32
        %parallel_loop3A_1755 = arith.constant 7 : i32
        %parallel_loop3A_1756 = vector.broadcast %parallel_loop3A_1755 : i32 to vector<16x1xi32>
        %parallel_loop3A_1757 = vector.shape_cast %parallel_loop3A_1756 : vector<16x1xi32> to vector<16xi32>
        %parallel_loop3A_1758 = tpu.dynamic_gather %parallel_loop3A_1283[%parallel_loop3A_1757] in [0] : vector<16xi32>, vector<16xi32> -> vector<16xi32>
        %parallel_loop3A_1759 = vector.broadcast %parallel_loop3A_1754 : i32 to vector<16xi32>
        %parallel_loop3A_1760 = arith.constant 0 : i32
        %parallel_loop3A_1761 = vector.broadcast %parallel_loop3A_1760 : i32 to vector<16xi32>
        %parallel_loop3A_1762 = arith.addi %parallel_loop3A_1761, %iota3A : vector<16xi32>
        %parallel_loop3A_1763 = arith.addi %parallel_loop3A_1758, %parallel_loop3A_1762 : vector<16xi32>
        %parallel_loop3A_1764 = tpu.vector_load_idx %arg10[%parallel_loop3A_1759, %parallel_loop3A_1763] : memref<208x128xf32, #tpu.memory_space<vmem>>[vector<16xi32>, vector<16xi32>], vector<16xf32>,
        %parallel_loop3A_1765 = arith.constant 8.000000e+00 : f32
        %parallel_loop3A_1766 = vector.broadcast %parallel_loop3A_1765 : f32 to vector<16xf32>
        %parallel_loop3A_1767 = arith.mulf %parallel_loop3A_1764, %parallel_loop3A_1766 : vector<16xf32>
        %parallel_loop3A_1768 = arith.index_cast %parallel_loop3A_1754 : i32 to index
        %parallel_loop3A_1769 = arith.constant 0 : index
        %parallel_loop3A_1770 = tpu.vector_load %arg7[%parallel_loop3A_1768, %parallel_loop3A_1769] {strides = array<i32>} : memref<200x64xf32, #tpu.memory_space<vmem>>, vector<16xf32>,
        %parallel_loop3A_1771 = arith.addf %parallel_loop3A_1767, %parallel_loop3A_1770 : vector<16xf32>
        %parallel_loop3A_1772 = arith.index_cast %parallel_loop3A_1754 : i32 to index
        %parallel_loop3A_1773 = arith.constant 0 : index
        %parallel_loop3A_1774 = tpu.vector_load %arg12[%parallel_loop3A_1772, %parallel_loop3A_1773] {strides = array<i32>} : memref<200x64xf32, #tpu.memory_space<vmem>>, vector<16xf32>,
        tpu.vector_store %arg12[%parallel_loop3A_1772, %parallel_loop3A_1773], %parallel_loop3A_1771 {strides = array<i32>} : memref<200x64xf32, #tpu.memory_space<vmem>>, vector<16xf32>,
        %parallel_loop3A_1775 = arith.constant 16 : i32
        %parallel_loop3A_1776 = vector.broadcast %parallel_loop3A_1775 : i32 to vector<16xi32>
        %parallel_loop3A_1777 = arith.addi %parallel_loop3A_1776, %iota3A : vector<16xi32>
        %parallel_loop3A_1778 = arith.addi %parallel_loop3A_1758, %parallel_loop3A_1777 : vector<16xi32>
        %parallel_loop3A_1779 = tpu.vector_load_idx %arg10[%parallel_loop3A_1759, %parallel_loop3A_1778] : memref<208x128xf32, #tpu.memory_space<vmem>>[vector<16xi32>, vector<16xi32>], vector<16xf32>,
        %parallel_loop3A_1780 = arith.constant 8.000000e+00 : f32
        %parallel_loop3A_1781 = vector.broadcast %parallel_loop3A_1780 : f32 to vector<16xf32>
        %parallel_loop3A_1782 = arith.mulf %parallel_loop3A_1779, %parallel_loop3A_1781 : vector<16xf32>
        %parallel_loop3A_1783 = arith.index_cast %parallel_loop3A_1754 : i32 to index
        %parallel_loop3A_1784 = arith.constant 16 : index
        %parallel_loop3A_1785 = tpu.vector_load %arg7[%parallel_loop3A_1783, %parallel_loop3A_1784] {strides = array<i32>} : memref<200x64xf32, #tpu.memory_space<vmem>>, vector<16xf32>,
        %parallel_loop3A_1786 = arith.addf %parallel_loop3A_1782, %parallel_loop3A_1785 : vector<16xf32>
        %parallel_loop3A_1787 = arith.index_cast %parallel_loop3A_1754 : i32 to index
        %parallel_loop3A_1788 = arith.constant 16 : index
        %parallel_loop3A_1789 = tpu.vector_load %arg12[%parallel_loop3A_1787, %parallel_loop3A_1788] {strides = array<i32>} : memref<200x64xf32, #tpu.memory_space<vmem>>, vector<16xf32>,
        tpu.vector_store %arg12[%parallel_loop3A_1787, %parallel_loop3A_1788], %parallel_loop3A_1786 {strides = array<i32>} : memref<200x64xf32, #tpu.memory_space<vmem>>, vector<16xf32>,
        %parallel_loop3A_1790 = arith.constant 32 : i32
        %parallel_loop3A_1791 = vector.broadcast %parallel_loop3A_1790 : i32 to vector<16xi32>
        %parallel_loop3A_1792 = arith.addi %parallel_loop3A_1791, %iota3A : vector<16xi32>
        %parallel_loop3A_1793 = arith.addi %parallel_loop3A_1758, %parallel_loop3A_1792 : vector<16xi32>
        %parallel_loop3A_1794 = tpu.vector_load_idx %arg10[%parallel_loop3A_1759, %parallel_loop3A_1793] : memref<208x128xf32, #tpu.memory_space<vmem>>[vector<16xi32>, vector<16xi32>], vector<16xf32>,
        %parallel_loop3A_1795 = arith.constant 8.000000e+00 : f32
        %parallel_loop3A_1796 = vector.broadcast %parallel_loop3A_1795 : f32 to vector<16xf32>
        %parallel_loop3A_1797 = arith.mulf %parallel_loop3A_1794, %parallel_loop3A_1796 : vector<16xf32>
        %parallel_loop3A_1798 = arith.index_cast %parallel_loop3A_1754 : i32 to index
        %parallel_loop3A_1799 = arith.constant 32 : index
        %parallel_loop3A_1800 = tpu.vector_load %arg7[%parallel_loop3A_1798, %parallel_loop3A_1799] {strides = array<i32>} : memref<200x64xf32, #tpu.memory_space<vmem>>, vector<16xf32>,
        %parallel_loop3A_1801 = arith.addf %parallel_loop3A_1797, %parallel_loop3A_1800 : vector<16xf32>
        %parallel_loop3A_1802 = arith.index_cast %parallel_loop3A_1754 : i32 to index
        %parallel_loop3A_1803 = arith.constant 32 : index
        %parallel_loop3A_1804 = tpu.vector_load %arg12[%parallel_loop3A_1802, %parallel_loop3A_1803] {strides = array<i32>} : memref<200x64xf32, #tpu.memory_space<vmem>>, vector<16xf32>,
        tpu.vector_store %arg12[%parallel_loop3A_1802, %parallel_loop3A_1803], %parallel_loop3A_1801 {strides = array<i32>} : memref<200x64xf32, #tpu.memory_space<vmem>>, vector<16xf32>,
        %parallel_loop3A_1805 = arith.constant 48 : i32
        %parallel_loop3A_1806 = vector.broadcast %parallel_loop3A_1805 : i32 to vector<16xi32>
        %parallel_loop3A_1807 = arith.addi %parallel_loop3A_1806, %iota3A : vector<16xi32>
        %parallel_loop3A_1808 = arith.addi %parallel_loop3A_1758, %parallel_loop3A_1807 : vector<16xi32>
        %parallel_loop3A_1809 = tpu.vector_load_idx %arg10[%parallel_loop3A_1759, %parallel_loop3A_1808] : memref<208x128xf32, #tpu.memory_space<vmem>>[vector<16xi32>, vector<16xi32>], vector<16xf32>,
        %parallel_loop3A_1810 = arith.constant 8.000000e+00 : f32
        %parallel_loop3A_1811 = vector.broadcast %parallel_loop3A_1810 : f32 to vector<16xf32>
        %parallel_loop3A_1812 = arith.mulf %parallel_loop3A_1809, %parallel_loop3A_1811 : vector<16xf32>
        %parallel_loop3A_1813 = arith.index_cast %parallel_loop3A_1754 : i32 to index
        %parallel_loop3A_1814 = arith.constant 48 : index
        %parallel_loop3A_1815 = tpu.vector_load %arg7[%parallel_loop3A_1813, %parallel_loop3A_1814] {strides = array<i32>} : memref<200x64xf32, #tpu.memory_space<vmem>>, vector<16xf32>,
        %parallel_loop3A_1816 = arith.addf %parallel_loop3A_1812, %parallel_loop3A_1815 : vector<16xf32>
        %parallel_loop3A_1817 = arith.index_cast %parallel_loop3A_1754 : i32 to index
        %parallel_loop3A_1818 = arith.constant 48 : index
        %parallel_loop3A_1819 = tpu.vector_load %arg12[%parallel_loop3A_1817, %parallel_loop3A_1818] {strides = array<i32>} : memref<200x64xf32, #tpu.memory_space<vmem>>, vector<16xf32>,
        tpu.vector_store %arg12[%parallel_loop3A_1817, %parallel_loop3A_1818], %parallel_loop3A_1816 {strides = array<i32>} : memref<200x64xf32, #tpu.memory_space<vmem>>, vector<16xf32>,
        %parallel_loop3A_1820 = arith.constant 8 : i32
        %parallel_loop3A_1821 = arith.addi %parallel_loop3A_1274, %parallel_loop3A_1820 : i32
        %parallel_loop3A_1822 = arith.constant 8 : i32
        %parallel_loop3A_1823 = vector.broadcast %parallel_loop3A_1822 : i32 to vector<16x1xi32>
        %parallel_loop3A_1824 = vector.shape_cast %parallel_loop3A_1823 : vector<16x1xi32> to vector<16xi32>
        %parallel_loop3A_1825 = tpu.dynamic_gather %parallel_loop3A_1283[%parallel_loop3A_1824] in [0] : vector<16xi32>, vector<16xi32> -> vector<16xi32>
        %parallel_loop3A_1826 = vector.broadcast %parallel_loop3A_1821 : i32 to vector<16xi32>
        %parallel_loop3A_1827 = arith.constant 0 : i32
        %parallel_loop3A_1828 = vector.broadcast %parallel_loop3A_1827 : i32 to vector<16xi32>
        %parallel_loop3A_1829 = arith.addi %parallel_loop3A_1828, %iota3A : vector<16xi32>
        %parallel_loop3A_1830 = arith.addi %parallel_loop3A_1825, %parallel_loop3A_1829 : vector<16xi32>
        %parallel_loop3A_1831 = tpu.vector_load_idx %arg10[%parallel_loop3A_1826, %parallel_loop3A_1830] : memref<208x128xf32, #tpu.memory_space<vmem>>[vector<16xi32>, vector<16xi32>], vector<16xf32>,
        %parallel_loop3A_1832 = arith.constant 8.000000e+00 : f32
        %parallel_loop3A_1833 = vector.broadcast %parallel_loop3A_1832 : f32 to vector<16xf32>
        %parallel_loop3A_1834 = arith.mulf %parallel_loop3A_1831, %parallel_loop3A_1833 : vector<16xf32>
        %parallel_loop3A_1835 = arith.index_cast %parallel_loop3A_1821 : i32 to index
        %parallel_loop3A_1836 = arith.constant 0 : index
        %parallel_loop3A_1837 = tpu.vector_load %arg7[%parallel_loop3A_1835, %parallel_loop3A_1836] {strides = array<i32>} : memref<200x64xf32, #tpu.memory_space<vmem>>, vector<16xf32>,
        %parallel_loop3A_1838 = arith.addf %parallel_loop3A_1834, %parallel_loop3A_1837 : vector<16xf32>
        %parallel_loop3A_1839 = arith.index_cast %parallel_loop3A_1821 : i32 to index
        %parallel_loop3A_1840 = arith.constant 0 : index
        %parallel_loop3A_1841 = tpu.vector_load %arg12[%parallel_loop3A_1839, %parallel_loop3A_1840] {strides = array<i32>} : memref<200x64xf32, #tpu.memory_space<vmem>>, vector<16xf32>,
        tpu.vector_store %arg12[%parallel_loop3A_1839, %parallel_loop3A_1840], %parallel_loop3A_1838 {strides = array<i32>} : memref<200x64xf32, #tpu.memory_space<vmem>>, vector<16xf32>,
        %parallel_loop3A_1842 = arith.constant 16 : i32
        %parallel_loop3A_1843 = vector.broadcast %parallel_loop3A_1842 : i32 to vector<16xi32>
        %parallel_loop3A_1844 = arith.addi %parallel_loop3A_1843, %iota3A : vector<16xi32>
        %parallel_loop3A_1845 = arith.addi %parallel_loop3A_1825, %parallel_loop3A_1844 : vector<16xi32>
        %parallel_loop3A_1846 = tpu.vector_load_idx %arg10[%parallel_loop3A_1826, %parallel_loop3A_1845] : memref<208x128xf32, #tpu.memory_space<vmem>>[vector<16xi32>, vector<16xi32>], vector<16xf32>,
        %parallel_loop3A_1847 = arith.constant 8.000000e+00 : f32
        %parallel_loop3A_1848 = vector.broadcast %parallel_loop3A_1847 : f32 to vector<16xf32>
        %parallel_loop3A_1849 = arith.mulf %parallel_loop3A_1846, %parallel_loop3A_1848 : vector<16xf32>
        %parallel_loop3A_1850 = arith.index_cast %parallel_loop3A_1821 : i32 to index
        %parallel_loop3A_1851 = arith.constant 16 : index
        %parallel_loop3A_1852 = tpu.vector_load %arg7[%parallel_loop3A_1850, %parallel_loop3A_1851] {strides = array<i32>} : memref<200x64xf32, #tpu.memory_space<vmem>>, vector<16xf32>,
        %parallel_loop3A_1853 = arith.addf %parallel_loop3A_1849, %parallel_loop3A_1852 : vector<16xf32>
        %parallel_loop3A_1854 = arith.index_cast %parallel_loop3A_1821 : i32 to index
        %parallel_loop3A_1855 = arith.constant 16 : index
        %parallel_loop3A_1856 = tpu.vector_load %arg12[%parallel_loop3A_1854, %parallel_loop3A_1855] {strides = array<i32>} : memref<200x64xf32, #tpu.memory_space<vmem>>, vector<16xf32>,
        tpu.vector_store %arg12[%parallel_loop3A_1854, %parallel_loop3A_1855], %parallel_loop3A_1853 {strides = array<i32>} : memref<200x64xf32, #tpu.memory_space<vmem>>, vector<16xf32>,
        %parallel_loop3A_1857 = arith.constant 32 : i32
        %parallel_loop3A_1858 = vector.broadcast %parallel_loop3A_1857 : i32 to vector<16xi32>
        %parallel_loop3A_1859 = arith.addi %parallel_loop3A_1858, %iota3A : vector<16xi32>
        %parallel_loop3A_1860 = arith.addi %parallel_loop3A_1825, %parallel_loop3A_1859 : vector<16xi32>
        %parallel_loop3A_1861 = tpu.vector_load_idx %arg10[%parallel_loop3A_1826, %parallel_loop3A_1860] : memref<208x128xf32, #tpu.memory_space<vmem>>[vector<16xi32>, vector<16xi32>], vector<16xf32>,
        %parallel_loop3A_1862 = arith.constant 8.000000e+00 : f32
        %parallel_loop3A_1863 = vector.broadcast %parallel_loop3A_1862 : f32 to vector<16xf32>
        %parallel_loop3A_1864 = arith.mulf %parallel_loop3A_1861, %parallel_loop3A_1863 : vector<16xf32>
        %parallel_loop3A_1865 = arith.index_cast %parallel_loop3A_1821 : i32 to index
        %parallel_loop3A_1866 = arith.constant 32 : index
        %parallel_loop3A_1867 = tpu.vector_load %arg7[%parallel_loop3A_1865, %parallel_loop3A_1866] {strides = array<i32>} : memref<200x64xf32, #tpu.memory_space<vmem>>, vector<16xf32>,
        %parallel_loop3A_1868 = arith.addf %parallel_loop3A_1864, %parallel_loop3A_1867 : vector<16xf32>
        %parallel_loop3A_1869 = arith.index_cast %parallel_loop3A_1821 : i32 to index
        %parallel_loop3A_1870 = arith.constant 32 : index
        %parallel_loop3A_1871 = tpu.vector_load %arg12[%parallel_loop3A_1869, %parallel_loop3A_1870] {strides = array<i32>} : memref<200x64xf32, #tpu.memory_space<vmem>>, vector<16xf32>,
        tpu.vector_store %arg12[%parallel_loop3A_1869, %parallel_loop3A_1870], %parallel_loop3A_1868 {strides = array<i32>} : memref<200x64xf32, #tpu.memory_space<vmem>>, vector<16xf32>,
        %parallel_loop3A_1872 = arith.constant 48 : i32
        %parallel_loop3A_1873 = vector.broadcast %parallel_loop3A_1872 : i32 to vector<16xi32>
        %parallel_loop3A_1874 = arith.addi %parallel_loop3A_1873, %iota3A : vector<16xi32>
        %parallel_loop3A_1875 = arith.addi %parallel_loop3A_1825, %parallel_loop3A_1874 : vector<16xi32>
        %parallel_loop3A_1876 = tpu.vector_load_idx %arg10[%parallel_loop3A_1826, %parallel_loop3A_1875] : memref<208x128xf32, #tpu.memory_space<vmem>>[vector<16xi32>, vector<16xi32>], vector<16xf32>,
        %parallel_loop3A_1877 = arith.constant 8.000000e+00 : f32
        %parallel_loop3A_1878 = vector.broadcast %parallel_loop3A_1877 : f32 to vector<16xf32>
        %parallel_loop3A_1879 = arith.mulf %parallel_loop3A_1876, %parallel_loop3A_1878 : vector<16xf32>
        %parallel_loop3A_1880 = arith.index_cast %parallel_loop3A_1821 : i32 to index
        %parallel_loop3A_1881 = arith.constant 48 : index
        %parallel_loop3A_1882 = tpu.vector_load %arg7[%parallel_loop3A_1880, %parallel_loop3A_1881] {strides = array<i32>} : memref<200x64xf32, #tpu.memory_space<vmem>>, vector<16xf32>,
        %parallel_loop3A_1883 = arith.addf %parallel_loop3A_1879, %parallel_loop3A_1882 : vector<16xf32>
        %parallel_loop3A_1884 = arith.index_cast %parallel_loop3A_1821 : i32 to index
        %parallel_loop3A_1885 = arith.constant 48 : index
        %parallel_loop3A_1886 = tpu.vector_load %arg12[%parallel_loop3A_1884, %parallel_loop3A_1885] {strides = array<i32>} : memref<200x64xf32, #tpu.memory_space<vmem>>, vector<16xf32>,
        tpu.vector_store %arg12[%parallel_loop3A_1884, %parallel_loop3A_1885], %parallel_loop3A_1883 {strides = array<i32>} : memref<200x64xf32, #tpu.memory_space<vmem>>, vector<16xf32>,
        %parallel_loop3A_1887 = arith.constant 9 : i32
        %parallel_loop3A_1888 = arith.addi %parallel_loop3A_1274, %parallel_loop3A_1887 : i32
        %parallel_loop3A_1889 = arith.constant 9 : i32
        %parallel_loop3A_1890 = vector.broadcast %parallel_loop3A_1889 : i32 to vector<16x1xi32>
        %parallel_loop3A_1891 = vector.shape_cast %parallel_loop3A_1890 : vector<16x1xi32> to vector<16xi32>
        %parallel_loop3A_1892 = tpu.dynamic_gather %parallel_loop3A_1283[%parallel_loop3A_1891] in [0] : vector<16xi32>, vector<16xi32> -> vector<16xi32>
        %parallel_loop3A_1893 = vector.broadcast %parallel_loop3A_1888 : i32 to vector<16xi32>
        %parallel_loop3A_1894 = arith.constant 0 : i32
        %parallel_loop3A_1895 = vector.broadcast %parallel_loop3A_1894 : i32 to vector<16xi32>
        %parallel_loop3A_1896 = arith.addi %parallel_loop3A_1895, %iota3A : vector<16xi32>
        %parallel_loop3A_1897 = arith.addi %parallel_loop3A_1892, %parallel_loop3A_1896 : vector<16xi32>
        %parallel_loop3A_1898 = tpu.vector_load_idx %arg10[%parallel_loop3A_1893, %parallel_loop3A_1897] : memref<208x128xf32, #tpu.memory_space<vmem>>[vector<16xi32>, vector<16xi32>], vector<16xf32>,
        %parallel_loop3A_1899 = arith.constant 8.000000e+00 : f32
        %parallel_loop3A_1900 = vector.broadcast %parallel_loop3A_1899 : f32 to vector<16xf32>
        %parallel_loop3A_1901 = arith.mulf %parallel_loop3A_1898, %parallel_loop3A_1900 : vector<16xf32>
        %parallel_loop3A_1902 = arith.index_cast %parallel_loop3A_1888 : i32 to index
        %parallel_loop3A_1903 = arith.constant 0 : index
        %parallel_loop3A_1904 = tpu.vector_load %arg7[%parallel_loop3A_1902, %parallel_loop3A_1903] {strides = array<i32>} : memref<200x64xf32, #tpu.memory_space<vmem>>, vector<16xf32>,
        %parallel_loop3A_1905 = arith.addf %parallel_loop3A_1901, %parallel_loop3A_1904 : vector<16xf32>
        %parallel_loop3A_1906 = arith.index_cast %parallel_loop3A_1888 : i32 to index
        %parallel_loop3A_1907 = arith.constant 0 : index
        %parallel_loop3A_1908 = tpu.vector_load %arg12[%parallel_loop3A_1906, %parallel_loop3A_1907] {strides = array<i32>} : memref<200x64xf32, #tpu.memory_space<vmem>>, vector<16xf32>,
        tpu.vector_store %arg12[%parallel_loop3A_1906, %parallel_loop3A_1907], %parallel_loop3A_1905 {strides = array<i32>} : memref<200x64xf32, #tpu.memory_space<vmem>>, vector<16xf32>,
        %parallel_loop3A_1909 = arith.constant 16 : i32
        %parallel_loop3A_1910 = vector.broadcast %parallel_loop3A_1909 : i32 to vector<16xi32>
        %parallel_loop3A_1911 = arith.addi %parallel_loop3A_1910, %iota3A : vector<16xi32>
        %parallel_loop3A_1912 = arith.addi %parallel_loop3A_1892, %parallel_loop3A_1911 : vector<16xi32>
        %parallel_loop3A_1913 = tpu.vector_load_idx %arg10[%parallel_loop3A_1893, %parallel_loop3A_1912] : memref<208x128xf32, #tpu.memory_space<vmem>>[vector<16xi32>, vector<16xi32>], vector<16xf32>,
        %parallel_loop3A_1914 = arith.constant 8.000000e+00 : f32
        %parallel_loop3A_1915 = vector.broadcast %parallel_loop3A_1914 : f32 to vector<16xf32>
        %parallel_loop3A_1916 = arith.mulf %parallel_loop3A_1913, %parallel_loop3A_1915 : vector<16xf32>
        %parallel_loop3A_1917 = arith.index_cast %parallel_loop3A_1888 : i32 to index
        %parallel_loop3A_1918 = arith.constant 16 : index
        %parallel_loop3A_1919 = tpu.vector_load %arg7[%parallel_loop3A_1917, %parallel_loop3A_1918] {strides = array<i32>} : memref<200x64xf32, #tpu.memory_space<vmem>>, vector<16xf32>,
        %parallel_loop3A_1920 = arith.addf %parallel_loop3A_1916, %parallel_loop3A_1919 : vector<16xf32>
        %parallel_loop3A_1921 = arith.index_cast %parallel_loop3A_1888 : i32 to index
        %parallel_loop3A_1922 = arith.constant 16 : index
        %parallel_loop3A_1923 = tpu.vector_load %arg12[%parallel_loop3A_1921, %parallel_loop3A_1922] {strides = array<i32>} : memref<200x64xf32, #tpu.memory_space<vmem>>, vector<16xf32>,
        tpu.vector_store %arg12[%parallel_loop3A_1921, %parallel_loop3A_1922], %parallel_loop3A_1920 {strides = array<i32>} : memref<200x64xf32, #tpu.memory_space<vmem>>, vector<16xf32>,
        %parallel_loop3A_1924 = arith.constant 32 : i32
        %parallel_loop3A_1925 = vector.broadcast %parallel_loop3A_1924 : i32 to vector<16xi32>
        %parallel_loop3A_1926 = arith.addi %parallel_loop3A_1925, %iota3A : vector<16xi32>
        %parallel_loop3A_1927 = arith.addi %parallel_loop3A_1892, %parallel_loop3A_1926 : vector<16xi32>
        %parallel_loop3A_1928 = tpu.vector_load_idx %arg10[%parallel_loop3A_1893, %parallel_loop3A_1927] : memref<208x128xf32, #tpu.memory_space<vmem>>[vector<16xi32>, vector<16xi32>], vector<16xf32>,
        %parallel_loop3A_1929 = arith.constant 8.000000e+00 : f32
        %parallel_loop3A_1930 = vector.broadcast %parallel_loop3A_1929 : f32 to vector<16xf32>
        %parallel_loop3A_1931 = arith.mulf %parallel_loop3A_1928, %parallel_loop3A_1930 : vector<16xf32>
        %parallel_loop3A_1932 = arith.index_cast %parallel_loop3A_1888 : i32 to index
        %parallel_loop3A_1933 = arith.constant 32 : index
        %parallel_loop3A_1934 = tpu.vector_load %arg7[%parallel_loop3A_1932, %parallel_loop3A_1933] {strides = array<i32>} : memref<200x64xf32, #tpu.memory_space<vmem>>, vector<16xf32>,
        %parallel_loop3A_1935 = arith.addf %parallel_loop3A_1931, %parallel_loop3A_1934 : vector<16xf32>
        %parallel_loop3A_1936 = arith.index_cast %parallel_loop3A_1888 : i32 to index
        %parallel_loop3A_1937 = arith.constant 32 : index
        %parallel_loop3A_1938 = tpu.vector_load %arg12[%parallel_loop3A_1936, %parallel_loop3A_1937] {strides = array<i32>} : memref<200x64xf32, #tpu.memory_space<vmem>>, vector<16xf32>,
        tpu.vector_store %arg12[%parallel_loop3A_1936, %parallel_loop3A_1937], %parallel_loop3A_1935 {strides = array<i32>} : memref<200x64xf32, #tpu.memory_space<vmem>>, vector<16xf32>,
        %parallel_loop3A_1939 = arith.constant 48 : i32
        %parallel_loop3A_1940 = vector.broadcast %parallel_loop3A_1939 : i32 to vector<16xi32>
        %parallel_loop3A_1941 = arith.addi %parallel_loop3A_1940, %iota3A : vector<16xi32>
        %parallel_loop3A_1942 = arith.addi %parallel_loop3A_1892, %parallel_loop3A_1941 : vector<16xi32>
        %parallel_loop3A_1943 = tpu.vector_load_idx %arg10[%parallel_loop3A_1893, %parallel_loop3A_1942] : memref<208x128xf32, #tpu.memory_space<vmem>>[vector<16xi32>, vector<16xi32>], vector<16xf32>,
        %parallel_loop3A_1944 = arith.constant 8.000000e+00 : f32
        %parallel_loop3A_1945 = vector.broadcast %parallel_loop3A_1944 : f32 to vector<16xf32>
        %parallel_loop3A_1946 = arith.mulf %parallel_loop3A_1943, %parallel_loop3A_1945 : vector<16xf32>
        %parallel_loop3A_1947 = arith.index_cast %parallel_loop3A_1888 : i32 to index
        %parallel_loop3A_1948 = arith.constant 48 : index
        %parallel_loop3A_1949 = tpu.vector_load %arg7[%parallel_loop3A_1947, %parallel_loop3A_1948] {strides = array<i32>} : memref<200x64xf32, #tpu.memory_space<vmem>>, vector<16xf32>,
        %parallel_loop3A_1950 = arith.addf %parallel_loop3A_1946, %parallel_loop3A_1949 : vector<16xf32>
        %parallel_loop3A_1951 = arith.index_cast %parallel_loop3A_1888 : i32 to index
        %parallel_loop3A_1952 = arith.constant 48 : index
        %parallel_loop3A_1953 = tpu.vector_load %arg12[%parallel_loop3A_1951, %parallel_loop3A_1952] {strides = array<i32>} : memref<200x64xf32, #tpu.memory_space<vmem>>, vector<16xf32>,
        tpu.vector_store %arg12[%parallel_loop3A_1951, %parallel_loop3A_1952], %parallel_loop3A_1950 {strides = array<i32>} : memref<200x64xf32, #tpu.memory_space<vmem>>, vector<16xf32>,
        %parallel_loop3A_1954 = arith.constant 10 : i32
        %parallel_loop3A_1955 = arith.addi %parallel_loop3A_1274, %parallel_loop3A_1954 : i32
        %parallel_loop3A_1956 = arith.constant 10 : i32
        %parallel_loop3A_1957 = vector.broadcast %parallel_loop3A_1956 : i32 to vector<16x1xi32>
        %parallel_loop3A_1958 = vector.shape_cast %parallel_loop3A_1957 : vector<16x1xi32> to vector<16xi32>
        %parallel_loop3A_1959 = tpu.dynamic_gather %parallel_loop3A_1283[%parallel_loop3A_1958] in [0] : vector<16xi32>, vector<16xi32> -> vector<16xi32>
        %parallel_loop3A_1960 = vector.broadcast %parallel_loop3A_1955 : i32 to vector<16xi32>
        %parallel_loop3A_1961 = arith.constant 0 : i32
        %parallel_loop3A_1962 = vector.broadcast %parallel_loop3A_1961 : i32 to vector<16xi32>
        %parallel_loop3A_1963 = arith.addi %parallel_loop3A_1962, %iota3A : vector<16xi32>
        %parallel_loop3A_1964 = arith.addi %parallel_loop3A_1959, %parallel_loop3A_1963 : vector<16xi32>
        %parallel_loop3A_1965 = tpu.vector_load_idx %arg10[%parallel_loop3A_1960, %parallel_loop3A_1964] : memref<208x128xf32, #tpu.memory_space<vmem>>[vector<16xi32>, vector<16xi32>], vector<16xf32>,
        %parallel_loop3A_1966 = arith.constant 8.000000e+00 : f32
        %parallel_loop3A_1967 = vector.broadcast %parallel_loop3A_1966 : f32 to vector<16xf32>
        %parallel_loop3A_1968 = arith.mulf %parallel_loop3A_1965, %parallel_loop3A_1967 : vector<16xf32>
        %parallel_loop3A_1969 = arith.index_cast %parallel_loop3A_1955 : i32 to index
        %parallel_loop3A_1970 = arith.constant 0 : index
        %parallel_loop3A_1971 = tpu.vector_load %arg7[%parallel_loop3A_1969, %parallel_loop3A_1970] {strides = array<i32>} : memref<200x64xf32, #tpu.memory_space<vmem>>, vector<16xf32>,
        %parallel_loop3A_1972 = arith.addf %parallel_loop3A_1968, %parallel_loop3A_1971 : vector<16xf32>
        %parallel_loop3A_1973 = arith.index_cast %parallel_loop3A_1955 : i32 to index
        %parallel_loop3A_1974 = arith.constant 0 : index
        %parallel_loop3A_1975 = tpu.vector_load %arg12[%parallel_loop3A_1973, %parallel_loop3A_1974] {strides = array<i32>} : memref<200x64xf32, #tpu.memory_space<vmem>>, vector<16xf32>,
        tpu.vector_store %arg12[%parallel_loop3A_1973, %parallel_loop3A_1974], %parallel_loop3A_1972 {strides = array<i32>} : memref<200x64xf32, #tpu.memory_space<vmem>>, vector<16xf32>,
        %parallel_loop3A_1976 = arith.constant 16 : i32
        %parallel_loop3A_1977 = vector.broadcast %parallel_loop3A_1976 : i32 to vector<16xi32>
        %parallel_loop3A_1978 = arith.addi %parallel_loop3A_1977, %iota3A : vector<16xi32>
        %parallel_loop3A_1979 = arith.addi %parallel_loop3A_1959, %parallel_loop3A_1978 : vector<16xi32>
        %parallel_loop3A_1980 = tpu.vector_load_idx %arg10[%parallel_loop3A_1960, %parallel_loop3A_1979] : memref<208x128xf32, #tpu.memory_space<vmem>>[vector<16xi32>, vector<16xi32>], vector<16xf32>,
        %parallel_loop3A_1981 = arith.constant 8.000000e+00 : f32
        %parallel_loop3A_1982 = vector.broadcast %parallel_loop3A_1981 : f32 to vector<16xf32>
        %parallel_loop3A_1983 = arith.mulf %parallel_loop3A_1980, %parallel_loop3A_1982 : vector<16xf32>
        %parallel_loop3A_1984 = arith.index_cast %parallel_loop3A_1955 : i32 to index
        %parallel_loop3A_1985 = arith.constant 16 : index
        %parallel_loop3A_1986 = tpu.vector_load %arg7[%parallel_loop3A_1984, %parallel_loop3A_1985] {strides = array<i32>} : memref<200x64xf32, #tpu.memory_space<vmem>>, vector<16xf32>,
        %parallel_loop3A_1987 = arith.addf %parallel_loop3A_1983, %parallel_loop3A_1986 : vector<16xf32>
        %parallel_loop3A_1988 = arith.index_cast %parallel_loop3A_1955 : i32 to index
        %parallel_loop3A_1989 = arith.constant 16 : index
        %parallel_loop3A_1990 = tpu.vector_load %arg12[%parallel_loop3A_1988, %parallel_loop3A_1989] {strides = array<i32>} : memref<200x64xf32, #tpu.memory_space<vmem>>, vector<16xf32>,
        tpu.vector_store %arg12[%parallel_loop3A_1988, %parallel_loop3A_1989], %parallel_loop3A_1987 {strides = array<i32>} : memref<200x64xf32, #tpu.memory_space<vmem>>, vector<16xf32>,
        %parallel_loop3A_1991 = arith.constant 32 : i32
        %parallel_loop3A_1992 = vector.broadcast %parallel_loop3A_1991 : i32 to vector<16xi32>
        %parallel_loop3A_1993 = arith.addi %parallel_loop3A_1992, %iota3A : vector<16xi32>
        %parallel_loop3A_1994 = arith.addi %parallel_loop3A_1959, %parallel_loop3A_1993 : vector<16xi32>
        %parallel_loop3A_1995 = tpu.vector_load_idx %arg10[%parallel_loop3A_1960, %parallel_loop3A_1994] : memref<208x128xf32, #tpu.memory_space<vmem>>[vector<16xi32>, vector<16xi32>], vector<16xf32>,
        %parallel_loop3A_1996 = arith.constant 8.000000e+00 : f32
        %parallel_loop3A_1997 = vector.broadcast %parallel_loop3A_1996 : f32 to vector<16xf32>
        %parallel_loop3A_1998 = arith.mulf %parallel_loop3A_1995, %parallel_loop3A_1997 : vector<16xf32>
        %parallel_loop3A_1999 = arith.index_cast %parallel_loop3A_1955 : i32 to index
        %parallel_loop3A_2000 = arith.constant 32 : index
        %parallel_loop3A_2001 = tpu.vector_load %arg7[%parallel_loop3A_1999, %parallel_loop3A_2000] {strides = array<i32>} : memref<200x64xf32, #tpu.memory_space<vmem>>, vector<16xf32>,
        %parallel_loop3A_2002 = arith.addf %parallel_loop3A_1998, %parallel_loop3A_2001 : vector<16xf32>
        %parallel_loop3A_2003 = arith.index_cast %parallel_loop3A_1955 : i32 to index
        %parallel_loop3A_2004 = arith.constant 32 : index
        %parallel_loop3A_2005 = tpu.vector_load %arg12[%parallel_loop3A_2003, %parallel_loop3A_2004] {strides = array<i32>} : memref<200x64xf32, #tpu.memory_space<vmem>>, vector<16xf32>,
        tpu.vector_store %arg12[%parallel_loop3A_2003, %parallel_loop3A_2004], %parallel_loop3A_2002 {strides = array<i32>} : memref<200x64xf32, #tpu.memory_space<vmem>>, vector<16xf32>,
        %parallel_loop3A_2006 = arith.constant 48 : i32
        %parallel_loop3A_2007 = vector.broadcast %parallel_loop3A_2006 : i32 to vector<16xi32>
        %parallel_loop3A_2008 = arith.addi %parallel_loop3A_2007, %iota3A : vector<16xi32>
        %parallel_loop3A_2009 = arith.addi %parallel_loop3A_1959, %parallel_loop3A_2008 : vector<16xi32>
        %parallel_loop3A_2010 = tpu.vector_load_idx %arg10[%parallel_loop3A_1960, %parallel_loop3A_2009] : memref<208x128xf32, #tpu.memory_space<vmem>>[vector<16xi32>, vector<16xi32>], vector<16xf32>,
        %parallel_loop3A_2011 = arith.constant 8.000000e+00 : f32
        %parallel_loop3A_2012 = vector.broadcast %parallel_loop3A_2011 : f32 to vector<16xf32>
        %parallel_loop3A_2013 = arith.mulf %parallel_loop3A_2010, %parallel_loop3A_2012 : vector<16xf32>
        %parallel_loop3A_2014 = arith.index_cast %parallel_loop3A_1955 : i32 to index
        %parallel_loop3A_2015 = arith.constant 48 : index
        %parallel_loop3A_2016 = tpu.vector_load %arg7[%parallel_loop3A_2014, %parallel_loop3A_2015] {strides = array<i32>} : memref<200x64xf32, #tpu.memory_space<vmem>>, vector<16xf32>,
        %parallel_loop3A_2017 = arith.addf %parallel_loop3A_2013, %parallel_loop3A_2016 : vector<16xf32>
        %parallel_loop3A_2018 = arith.index_cast %parallel_loop3A_1955 : i32 to index
        %parallel_loop3A_2019 = arith.constant 48 : index
        %parallel_loop3A_2020 = tpu.vector_load %arg12[%parallel_loop3A_2018, %parallel_loop3A_2019] {strides = array<i32>} : memref<200x64xf32, #tpu.memory_space<vmem>>, vector<16xf32>,
        tpu.vector_store %arg12[%parallel_loop3A_2018, %parallel_loop3A_2019], %parallel_loop3A_2017 {strides = array<i32>} : memref<200x64xf32, #tpu.memory_space<vmem>>, vector<16xf32>,
        %parallel_loop3A_2021 = arith.constant 11 : i32
        %parallel_loop3A_2022 = arith.addi %parallel_loop3A_1274, %parallel_loop3A_2021 : i32
        %parallel_loop3A_2023 = arith.constant 11 : i32
        %parallel_loop3A_2024 = vector.broadcast %parallel_loop3A_2023 : i32 to vector<16x1xi32>
        %parallel_loop3A_2025 = vector.shape_cast %parallel_loop3A_2024 : vector<16x1xi32> to vector<16xi32>
        %parallel_loop3A_2026 = tpu.dynamic_gather %parallel_loop3A_1283[%parallel_loop3A_2025] in [0] : vector<16xi32>, vector<16xi32> -> vector<16xi32>
        %parallel_loop3A_2027 = vector.broadcast %parallel_loop3A_2022 : i32 to vector<16xi32>
        %parallel_loop3A_2028 = arith.constant 0 : i32
        %parallel_loop3A_2029 = vector.broadcast %parallel_loop3A_2028 : i32 to vector<16xi32>
        %parallel_loop3A_2030 = arith.addi %parallel_loop3A_2029, %iota3A : vector<16xi32>
        %parallel_loop3A_2031 = arith.addi %parallel_loop3A_2026, %parallel_loop3A_2030 : vector<16xi32>
        %parallel_loop3A_2032 = tpu.vector_load_idx %arg10[%parallel_loop3A_2027, %parallel_loop3A_2031] : memref<208x128xf32, #tpu.memory_space<vmem>>[vector<16xi32>, vector<16xi32>], vector<16xf32>,
        %parallel_loop3A_2033 = arith.constant 8.000000e+00 : f32
        %parallel_loop3A_2034 = vector.broadcast %parallel_loop3A_2033 : f32 to vector<16xf32>
        %parallel_loop3A_2035 = arith.mulf %parallel_loop3A_2032, %parallel_loop3A_2034 : vector<16xf32>
        %parallel_loop3A_2036 = arith.index_cast %parallel_loop3A_2022 : i32 to index
        %parallel_loop3A_2037 = arith.constant 0 : index
        %parallel_loop3A_2038 = tpu.vector_load %arg7[%parallel_loop3A_2036, %parallel_loop3A_2037] {strides = array<i32>} : memref<200x64xf32, #tpu.memory_space<vmem>>, vector<16xf32>,
        %parallel_loop3A_2039 = arith.addf %parallel_loop3A_2035, %parallel_loop3A_2038 : vector<16xf32>
        %parallel_loop3A_2040 = arith.index_cast %parallel_loop3A_2022 : i32 to index
        %parallel_loop3A_2041 = arith.constant 0 : index
        %parallel_loop3A_2042 = tpu.vector_load %arg12[%parallel_loop3A_2040, %parallel_loop3A_2041] {strides = array<i32>} : memref<200x64xf32, #tpu.memory_space<vmem>>, vector<16xf32>,
        tpu.vector_store %arg12[%parallel_loop3A_2040, %parallel_loop3A_2041], %parallel_loop3A_2039 {strides = array<i32>} : memref<200x64xf32, #tpu.memory_space<vmem>>, vector<16xf32>,
        %parallel_loop3A_2043 = arith.constant 16 : i32
        %parallel_loop3A_2044 = vector.broadcast %parallel_loop3A_2043 : i32 to vector<16xi32>
        %parallel_loop3A_2045 = arith.addi %parallel_loop3A_2044, %iota3A : vector<16xi32>
        %parallel_loop3A_2046 = arith.addi %parallel_loop3A_2026, %parallel_loop3A_2045 : vector<16xi32>
        %parallel_loop3A_2047 = tpu.vector_load_idx %arg10[%parallel_loop3A_2027, %parallel_loop3A_2046] : memref<208x128xf32, #tpu.memory_space<vmem>>[vector<16xi32>, vector<16xi32>], vector<16xf32>,
        %parallel_loop3A_2048 = arith.constant 8.000000e+00 : f32
        %parallel_loop3A_2049 = vector.broadcast %parallel_loop3A_2048 : f32 to vector<16xf32>
        %parallel_loop3A_2050 = arith.mulf %parallel_loop3A_2047, %parallel_loop3A_2049 : vector<16xf32>
        %parallel_loop3A_2051 = arith.index_cast %parallel_loop3A_2022 : i32 to index
        %parallel_loop3A_2052 = arith.constant 16 : index
        %parallel_loop3A_2053 = tpu.vector_load %arg7[%parallel_loop3A_2051, %parallel_loop3A_2052] {strides = array<i32>} : memref<200x64xf32, #tpu.memory_space<vmem>>, vector<16xf32>,
        %parallel_loop3A_2054 = arith.addf %parallel_loop3A_2050, %parallel_loop3A_2053 : vector<16xf32>
        %parallel_loop3A_2055 = arith.index_cast %parallel_loop3A_2022 : i32 to index
        %parallel_loop3A_2056 = arith.constant 16 : index
        %parallel_loop3A_2057 = tpu.vector_load %arg12[%parallel_loop3A_2055, %parallel_loop3A_2056] {strides = array<i32>} : memref<200x64xf32, #tpu.memory_space<vmem>>, vector<16xf32>,
        tpu.vector_store %arg12[%parallel_loop3A_2055, %parallel_loop3A_2056], %parallel_loop3A_2054 {strides = array<i32>} : memref<200x64xf32, #tpu.memory_space<vmem>>, vector<16xf32>,
        %parallel_loop3A_2058 = arith.constant 32 : i32
        %parallel_loop3A_2059 = vector.broadcast %parallel_loop3A_2058 : i32 to vector<16xi32>
        %parallel_loop3A_2060 = arith.addi %parallel_loop3A_2059, %iota3A : vector<16xi32>
        %parallel_loop3A_2061 = arith.addi %parallel_loop3A_2026, %parallel_loop3A_2060 : vector<16xi32>
        %parallel_loop3A_2062 = tpu.vector_load_idx %arg10[%parallel_loop3A_2027, %parallel_loop3A_2061] : memref<208x128xf32, #tpu.memory_space<vmem>>[vector<16xi32>, vector<16xi32>], vector<16xf32>,
        %parallel_loop3A_2063 = arith.constant 8.000000e+00 : f32
        %parallel_loop3A_2064 = vector.broadcast %parallel_loop3A_2063 : f32 to vector<16xf32>
        %parallel_loop3A_2065 = arith.mulf %parallel_loop3A_2062, %parallel_loop3A_2064 : vector<16xf32>
        %parallel_loop3A_2066 = arith.index_cast %parallel_loop3A_2022 : i32 to index
        %parallel_loop3A_2067 = arith.constant 32 : index
        %parallel_loop3A_2068 = tpu.vector_load %arg7[%parallel_loop3A_2066, %parallel_loop3A_2067] {strides = array<i32>} : memref<200x64xf32, #tpu.memory_space<vmem>>, vector<16xf32>,
        %parallel_loop3A_2069 = arith.addf %parallel_loop3A_2065, %parallel_loop3A_2068 : vector<16xf32>
        %parallel_loop3A_2070 = arith.index_cast %parallel_loop3A_2022 : i32 to index
        %parallel_loop3A_2071 = arith.constant 32 : index
        %parallel_loop3A_2072 = tpu.vector_load %arg12[%parallel_loop3A_2070, %parallel_loop3A_2071] {strides = array<i32>} : memref<200x64xf32, #tpu.memory_space<vmem>>, vector<16xf32>,
        tpu.vector_store %arg12[%parallel_loop3A_2070, %parallel_loop3A_2071], %parallel_loop3A_2069 {strides = array<i32>} : memref<200x64xf32, #tpu.memory_space<vmem>>, vector<16xf32>,
        %parallel_loop3A_2073 = arith.constant 48 : i32
        %parallel_loop3A_2074 = vector.broadcast %parallel_loop3A_2073 : i32 to vector<16xi32>
        %parallel_loop3A_2075 = arith.addi %parallel_loop3A_2074, %iota3A : vector<16xi32>
        %parallel_loop3A_2076 = arith.addi %parallel_loop3A_2026, %parallel_loop3A_2075 : vector<16xi32>
        %parallel_loop3A_2077 = tpu.vector_load_idx %arg10[%parallel_loop3A_2027, %parallel_loop3A_2076] : memref<208x128xf32, #tpu.memory_space<vmem>>[vector<16xi32>, vector<16xi32>], vector<16xf32>,
        %parallel_loop3A_2078 = arith.constant 8.000000e+00 : f32
        %parallel_loop3A_2079 = vector.broadcast %parallel_loop3A_2078 : f32 to vector<16xf32>
        %parallel_loop3A_2080 = arith.mulf %parallel_loop3A_2077, %parallel_loop3A_2079 : vector<16xf32>
        %parallel_loop3A_2081 = arith.index_cast %parallel_loop3A_2022 : i32 to index
        %parallel_loop3A_2082 = arith.constant 48 : index
        %parallel_loop3A_2083 = tpu.vector_load %arg7[%parallel_loop3A_2081, %parallel_loop3A_2082] {strides = array<i32>} : memref<200x64xf32, #tpu.memory_space<vmem>>, vector<16xf32>,
        %parallel_loop3A_2084 = arith.addf %parallel_loop3A_2080, %parallel_loop3A_2083 : vector<16xf32>
        %parallel_loop3A_2085 = arith.index_cast %parallel_loop3A_2022 : i32 to index
        %parallel_loop3A_2086 = arith.constant 48 : index
        %parallel_loop3A_2087 = tpu.vector_load %arg12[%parallel_loop3A_2085, %parallel_loop3A_2086] {strides = array<i32>} : memref<200x64xf32, #tpu.memory_space<vmem>>, vector<16xf32>,
        tpu.vector_store %arg12[%parallel_loop3A_2085, %parallel_loop3A_2086], %parallel_loop3A_2084 {strides = array<i32>} : memref<200x64xf32, #tpu.memory_space<vmem>>, vector<16xf32>,
        %parallel_loop3A_2088 = arith.constant 12 : i32
        %parallel_loop3A_2089 = arith.addi %parallel_loop3A_1274, %parallel_loop3A_2088 : i32
        %parallel_loop3A_2090 = arith.constant 12 : i32
        %parallel_loop3A_2091 = vector.broadcast %parallel_loop3A_2090 : i32 to vector<16x1xi32>
        %parallel_loop3A_2092 = vector.shape_cast %parallel_loop3A_2091 : vector<16x1xi32> to vector<16xi32>
        %parallel_loop3A_2093 = tpu.dynamic_gather %parallel_loop3A_1283[%parallel_loop3A_2092] in [0] : vector<16xi32>, vector<16xi32> -> vector<16xi32>
        %parallel_loop3A_2094 = vector.broadcast %parallel_loop3A_2089 : i32 to vector<16xi32>
        %parallel_loop3A_2095 = arith.constant 0 : i32
        %parallel_loop3A_2096 = vector.broadcast %parallel_loop3A_2095 : i32 to vector<16xi32>
        %parallel_loop3A_2097 = arith.addi %parallel_loop3A_2096, %iota3A : vector<16xi32>
        %parallel_loop3A_2098 = arith.addi %parallel_loop3A_2093, %parallel_loop3A_2097 : vector<16xi32>
        %parallel_loop3A_2099 = tpu.vector_load_idx %arg10[%parallel_loop3A_2094, %parallel_loop3A_2098] : memref<208x128xf32, #tpu.memory_space<vmem>>[vector<16xi32>, vector<16xi32>], vector<16xf32>,
        %parallel_loop3A_2100 = arith.constant 8.000000e+00 : f32
        %parallel_loop3A_2101 = vector.broadcast %parallel_loop3A_2100 : f32 to vector<16xf32>
        %parallel_loop3A_2102 = arith.mulf %parallel_loop3A_2099, %parallel_loop3A_2101 : vector<16xf32>
        %parallel_loop3A_2103 = arith.index_cast %parallel_loop3A_2089 : i32 to index
        %parallel_loop3A_2104 = arith.constant 0 : index
        %parallel_loop3A_2105 = tpu.vector_load %arg7[%parallel_loop3A_2103, %parallel_loop3A_2104] {strides = array<i32>} : memref<200x64xf32, #tpu.memory_space<vmem>>, vector<16xf32>,
        %parallel_loop3A_2106 = arith.addf %parallel_loop3A_2102, %parallel_loop3A_2105 : vector<16xf32>
        %parallel_loop3A_2107 = arith.index_cast %parallel_loop3A_2089 : i32 to index
        %parallel_loop3A_2108 = arith.constant 0 : index
        %parallel_loop3A_2109 = tpu.vector_load %arg12[%parallel_loop3A_2107, %parallel_loop3A_2108] {strides = array<i32>} : memref<200x64xf32, #tpu.memory_space<vmem>>, vector<16xf32>,
        tpu.vector_store %arg12[%parallel_loop3A_2107, %parallel_loop3A_2108], %parallel_loop3A_2106 {strides = array<i32>} : memref<200x64xf32, #tpu.memory_space<vmem>>, vector<16xf32>,
        %parallel_loop3A_2110 = arith.constant 16 : i32
        %parallel_loop3A_2111 = vector.broadcast %parallel_loop3A_2110 : i32 to vector<16xi32>
        %parallel_loop3A_2112 = arith.addi %parallel_loop3A_2111, %iota3A : vector<16xi32>
        %parallel_loop3A_2113 = arith.addi %parallel_loop3A_2093, %parallel_loop3A_2112 : vector<16xi32>
        %parallel_loop3A_2114 = tpu.vector_load_idx %arg10[%parallel_loop3A_2094, %parallel_loop3A_2113] : memref<208x128xf32, #tpu.memory_space<vmem>>[vector<16xi32>, vector<16xi32>], vector<16xf32>,
        %parallel_loop3A_2115 = arith.constant 8.000000e+00 : f32
        %parallel_loop3A_2116 = vector.broadcast %parallel_loop3A_2115 : f32 to vector<16xf32>
        %parallel_loop3A_2117 = arith.mulf %parallel_loop3A_2114, %parallel_loop3A_2116 : vector<16xf32>
        %parallel_loop3A_2118 = arith.index_cast %parallel_loop3A_2089 : i32 to index
        %parallel_loop3A_2119 = arith.constant 16 : index
        %parallel_loop3A_2120 = tpu.vector_load %arg7[%parallel_loop3A_2118, %parallel_loop3A_2119] {strides = array<i32>} : memref<200x64xf32, #tpu.memory_space<vmem>>, vector<16xf32>,
        %parallel_loop3A_2121 = arith.addf %parallel_loop3A_2117, %parallel_loop3A_2120 : vector<16xf32>
        %parallel_loop3A_2122 = arith.index_cast %parallel_loop3A_2089 : i32 to index
        %parallel_loop3A_2123 = arith.constant 16 : index
        %parallel_loop3A_2124 = tpu.vector_load %arg12[%parallel_loop3A_2122, %parallel_loop3A_2123] {strides = array<i32>} : memref<200x64xf32, #tpu.memory_space<vmem>>, vector<16xf32>,
        tpu.vector_store %arg12[%parallel_loop3A_2122, %parallel_loop3A_2123], %parallel_loop3A_2121 {strides = array<i32>} : memref<200x64xf32, #tpu.memory_space<vmem>>, vector<16xf32>,
        %parallel_loop3A_2125 = arith.constant 32 : i32
        %parallel_loop3A_2126 = vector.broadcast %parallel_loop3A_2125 : i32 to vector<16xi32>
        %parallel_loop3A_2127 = arith.addi %parallel_loop3A_2126, %iota3A : vector<16xi32>
        %parallel_loop3A_2128 = arith.addi %parallel_loop3A_2093, %parallel_loop3A_2127 : vector<16xi32>
        %parallel_loop3A_2129 = tpu.vector_load_idx %arg10[%parallel_loop3A_2094, %parallel_loop3A_2128] : memref<208x128xf32, #tpu.memory_space<vmem>>[vector<16xi32>, vector<16xi32>], vector<16xf32>,
        %parallel_loop3A_2130 = arith.constant 8.000000e+00 : f32
        %parallel_loop3A_2131 = vector.broadcast %parallel_loop3A_2130 : f32 to vector<16xf32>
        %parallel_loop3A_2132 = arith.mulf %parallel_loop3A_2129, %parallel_loop3A_2131 : vector<16xf32>
        %parallel_loop3A_2133 = arith.index_cast %parallel_loop3A_2089 : i32 to index
        %parallel_loop3A_2134 = arith.constant 32 : index
        %parallel_loop3A_2135 = tpu.vector_load %arg7[%parallel_loop3A_2133, %parallel_loop3A_2134] {strides = array<i32>} : memref<200x64xf32, #tpu.memory_space<vmem>>, vector<16xf32>,
        %parallel_loop3A_2136 = arith.addf %parallel_loop3A_2132, %parallel_loop3A_2135 : vector<16xf32>
        %parallel_loop3A_2137 = arith.index_cast %parallel_loop3A_2089 : i32 to index
        %parallel_loop3A_2138 = arith.constant 32 : index
        %parallel_loop3A_2139 = tpu.vector_load %arg12[%parallel_loop3A_2137, %parallel_loop3A_2138] {strides = array<i32>} : memref<200x64xf32, #tpu.memory_space<vmem>>, vector<16xf32>,
        tpu.vector_store %arg12[%parallel_loop3A_2137, %parallel_loop3A_2138], %parallel_loop3A_2136 {strides = array<i32>} : memref<200x64xf32, #tpu.memory_space<vmem>>, vector<16xf32>,
        %parallel_loop3A_2140 = arith.constant 48 : i32
        %parallel_loop3A_2141 = vector.broadcast %parallel_loop3A_2140 : i32 to vector<16xi32>
        %parallel_loop3A_2142 = arith.addi %parallel_loop3A_2141, %iota3A : vector<16xi32>
        %parallel_loop3A_2143 = arith.addi %parallel_loop3A_2093, %parallel_loop3A_2142 : vector<16xi32>
        %parallel_loop3A_2144 = tpu.vector_load_idx %arg10[%parallel_loop3A_2094, %parallel_loop3A_2143] : memref<208x128xf32, #tpu.memory_space<vmem>>[vector<16xi32>, vector<16xi32>], vector<16xf32>,
        %parallel_loop3A_2145 = arith.constant 8.000000e+00 : f32
        %parallel_loop3A_2146 = vector.broadcast %parallel_loop3A_2145 : f32 to vector<16xf32>
        %parallel_loop3A_2147 = arith.mulf %parallel_loop3A_2144, %parallel_loop3A_2146 : vector<16xf32>
        %parallel_loop3A_2148 = arith.index_cast %parallel_loop3A_2089 : i32 to index
        %parallel_loop3A_2149 = arith.constant 48 : index
        %parallel_loop3A_2150 = tpu.vector_load %arg7[%parallel_loop3A_2148, %parallel_loop3A_2149] {strides = array<i32>} : memref<200x64xf32, #tpu.memory_space<vmem>>, vector<16xf32>,
        %parallel_loop3A_2151 = arith.addf %parallel_loop3A_2147, %parallel_loop3A_2150 : vector<16xf32>
        %parallel_loop3A_2152 = arith.index_cast %parallel_loop3A_2089 : i32 to index
        %parallel_loop3A_2153 = arith.constant 48 : index
        %parallel_loop3A_2154 = tpu.vector_load %arg12[%parallel_loop3A_2152, %parallel_loop3A_2153] {strides = array<i32>} : memref<200x64xf32, #tpu.memory_space<vmem>>, vector<16xf32>,
        tpu.vector_store %arg12[%parallel_loop3A_2152, %parallel_loop3A_2153], %parallel_loop3A_2151 {strides = array<i32>} : memref<200x64xf32, #tpu.memory_space<vmem>>, vector<16xf32>,
        %parallel_loop3A_2155 = arith.constant 13 : i32
        %parallel_loop3A_2156 = arith.addi %parallel_loop3A_1274, %parallel_loop3A_2155 : i32
        %parallel_loop3A_2157 = arith.constant 13 : i32
        %parallel_loop3A_2158 = vector.broadcast %parallel_loop3A_2157 : i32 to vector<16x1xi32>
        %parallel_loop3A_2159 = vector.shape_cast %parallel_loop3A_2158 : vector<16x1xi32> to vector<16xi32>
        %parallel_loop3A_2160 = tpu.dynamic_gather %parallel_loop3A_1283[%parallel_loop3A_2159] in [0] : vector<16xi32>, vector<16xi32> -> vector<16xi32>
        %parallel_loop3A_2161 = vector.broadcast %parallel_loop3A_2156 : i32 to vector<16xi32>
        %parallel_loop3A_2162 = arith.constant 0 : i32
        %parallel_loop3A_2163 = vector.broadcast %parallel_loop3A_2162 : i32 to vector<16xi32>
        %parallel_loop3A_2164 = arith.addi %parallel_loop3A_2163, %iota3A : vector<16xi32>
        %parallel_loop3A_2165 = arith.addi %parallel_loop3A_2160, %parallel_loop3A_2164 : vector<16xi32>
        %parallel_loop3A_2166 = tpu.vector_load_idx %arg10[%parallel_loop3A_2161, %parallel_loop3A_2165] : memref<208x128xf32, #tpu.memory_space<vmem>>[vector<16xi32>, vector<16xi32>], vector<16xf32>,
        %parallel_loop3A_2167 = arith.constant 8.000000e+00 : f32
        %parallel_loop3A_2168 = vector.broadcast %parallel_loop3A_2167 : f32 to vector<16xf32>
        %parallel_loop3A_2169 = arith.mulf %parallel_loop3A_2166, %parallel_loop3A_2168 : vector<16xf32>
        %parallel_loop3A_2170 = arith.index_cast %parallel_loop3A_2156 : i32 to index
        %parallel_loop3A_2171 = arith.constant 0 : index
        %parallel_loop3A_2172 = tpu.vector_load %arg7[%parallel_loop3A_2170, %parallel_loop3A_2171] {strides = array<i32>} : memref<200x64xf32, #tpu.memory_space<vmem>>, vector<16xf32>,
        %parallel_loop3A_2173 = arith.addf %parallel_loop3A_2169, %parallel_loop3A_2172 : vector<16xf32>
        %parallel_loop3A_2174 = arith.index_cast %parallel_loop3A_2156 : i32 to index
        %parallel_loop3A_2175 = arith.constant 0 : index
        %parallel_loop3A_2176 = tpu.vector_load %arg12[%parallel_loop3A_2174, %parallel_loop3A_2175] {strides = array<i32>} : memref<200x64xf32, #tpu.memory_space<vmem>>, vector<16xf32>,
        tpu.vector_store %arg12[%parallel_loop3A_2174, %parallel_loop3A_2175], %parallel_loop3A_2173 {strides = array<i32>} : memref<200x64xf32, #tpu.memory_space<vmem>>, vector<16xf32>,
        %parallel_loop3A_2177 = arith.constant 16 : i32
        %parallel_loop3A_2178 = vector.broadcast %parallel_loop3A_2177 : i32 to vector<16xi32>
        %parallel_loop3A_2179 = arith.addi %parallel_loop3A_2178, %iota3A : vector<16xi32>
        %parallel_loop3A_2180 = arith.addi %parallel_loop3A_2160, %parallel_loop3A_2179 : vector<16xi32>
        %parallel_loop3A_2181 = tpu.vector_load_idx %arg10[%parallel_loop3A_2161, %parallel_loop3A_2180] : memref<208x128xf32, #tpu.memory_space<vmem>>[vector<16xi32>, vector<16xi32>], vector<16xf32>,
        %parallel_loop3A_2182 = arith.constant 8.000000e+00 : f32
        %parallel_loop3A_2183 = vector.broadcast %parallel_loop3A_2182 : f32 to vector<16xf32>
        %parallel_loop3A_2184 = arith.mulf %parallel_loop3A_2181, %parallel_loop3A_2183 : vector<16xf32>
        %parallel_loop3A_2185 = arith.index_cast %parallel_loop3A_2156 : i32 to index
        %parallel_loop3A_2186 = arith.constant 16 : index
        %parallel_loop3A_2187 = tpu.vector_load %arg7[%parallel_loop3A_2185, %parallel_loop3A_2186] {strides = array<i32>} : memref<200x64xf32, #tpu.memory_space<vmem>>, vector<16xf32>,
        %parallel_loop3A_2188 = arith.addf %parallel_loop3A_2184, %parallel_loop3A_2187 : vector<16xf32>
        %parallel_loop3A_2189 = arith.index_cast %parallel_loop3A_2156 : i32 to index
        %parallel_loop3A_2190 = arith.constant 16 : index
        %parallel_loop3A_2191 = tpu.vector_load %arg12[%parallel_loop3A_2189, %parallel_loop3A_2190] {strides = array<i32>} : memref<200x64xf32, #tpu.memory_space<vmem>>, vector<16xf32>,
        tpu.vector_store %arg12[%parallel_loop3A_2189, %parallel_loop3A_2190], %parallel_loop3A_2188 {strides = array<i32>} : memref<200x64xf32, #tpu.memory_space<vmem>>, vector<16xf32>,
        %parallel_loop3A_2192 = arith.constant 32 : i32
        %parallel_loop3A_2193 = vector.broadcast %parallel_loop3A_2192 : i32 to vector<16xi32>
        %parallel_loop3A_2194 = arith.addi %parallel_loop3A_2193, %iota3A : vector<16xi32>
        %parallel_loop3A_2195 = arith.addi %parallel_loop3A_2160, %parallel_loop3A_2194 : vector<16xi32>
        %parallel_loop3A_2196 = tpu.vector_load_idx %arg10[%parallel_loop3A_2161, %parallel_loop3A_2195] : memref<208x128xf32, #tpu.memory_space<vmem>>[vector<16xi32>, vector<16xi32>], vector<16xf32>,
        %parallel_loop3A_2197 = arith.constant 8.000000e+00 : f32
        %parallel_loop3A_2198 = vector.broadcast %parallel_loop3A_2197 : f32 to vector<16xf32>
        %parallel_loop3A_2199 = arith.mulf %parallel_loop3A_2196, %parallel_loop3A_2198 : vector<16xf32>
        %parallel_loop3A_2200 = arith.index_cast %parallel_loop3A_2156 : i32 to index
        %parallel_loop3A_2201 = arith.constant 32 : index
        %parallel_loop3A_2202 = tpu.vector_load %arg7[%parallel_loop3A_2200, %parallel_loop3A_2201] {strides = array<i32>} : memref<200x64xf32, #tpu.memory_space<vmem>>, vector<16xf32>,
        %parallel_loop3A_2203 = arith.addf %parallel_loop3A_2199, %parallel_loop3A_2202 : vector<16xf32>
        %parallel_loop3A_2204 = arith.index_cast %parallel_loop3A_2156 : i32 to index
        %parallel_loop3A_2205 = arith.constant 32 : index
        %parallel_loop3A_2206 = tpu.vector_load %arg12[%parallel_loop3A_2204, %parallel_loop3A_2205] {strides = array<i32>} : memref<200x64xf32, #tpu.memory_space<vmem>>, vector<16xf32>,
        tpu.vector_store %arg12[%parallel_loop3A_2204, %parallel_loop3A_2205], %parallel_loop3A_2203 {strides = array<i32>} : memref<200x64xf32, #tpu.memory_space<vmem>>, vector<16xf32>,
        %parallel_loop3A_2207 = arith.constant 48 : i32
        %parallel_loop3A_2208 = vector.broadcast %parallel_loop3A_2207 : i32 to vector<16xi32>
        %parallel_loop3A_2209 = arith.addi %parallel_loop3A_2208, %iota3A : vector<16xi32>
        %parallel_loop3A_2210 = arith.addi %parallel_loop3A_2160, %parallel_loop3A_2209 : vector<16xi32>
        %parallel_loop3A_2211 = tpu.vector_load_idx %arg10[%parallel_loop3A_2161, %parallel_loop3A_2210] : memref<208x128xf32, #tpu.memory_space<vmem>>[vector<16xi32>, vector<16xi32>], vector<16xf32>,
        %parallel_loop3A_2212 = arith.constant 8.000000e+00 : f32
        %parallel_loop3A_2213 = vector.broadcast %parallel_loop3A_2212 : f32 to vector<16xf32>
        %parallel_loop3A_2214 = arith.mulf %parallel_loop3A_2211, %parallel_loop3A_2213 : vector<16xf32>
        %parallel_loop3A_2215 = arith.index_cast %parallel_loop3A_2156 : i32 to index
        %parallel_loop3A_2216 = arith.constant 48 : index
        %parallel_loop3A_2217 = tpu.vector_load %arg7[%parallel_loop3A_2215, %parallel_loop3A_2216] {strides = array<i32>} : memref<200x64xf32, #tpu.memory_space<vmem>>, vector<16xf32>,
        %parallel_loop3A_2218 = arith.addf %parallel_loop3A_2214, %parallel_loop3A_2217 : vector<16xf32>
        %parallel_loop3A_2219 = arith.index_cast %parallel_loop3A_2156 : i32 to index
        %parallel_loop3A_2220 = arith.constant 48 : index
        %parallel_loop3A_2221 = tpu.vector_load %arg12[%parallel_loop3A_2219, %parallel_loop3A_2220] {strides = array<i32>} : memref<200x64xf32, #tpu.memory_space<vmem>>, vector<16xf32>,
        tpu.vector_store %arg12[%parallel_loop3A_2219, %parallel_loop3A_2220], %parallel_loop3A_2218 {strides = array<i32>} : memref<200x64xf32, #tpu.memory_space<vmem>>, vector<16xf32>,
        %parallel_loop3A_2222 = arith.constant 14 : i32
        %parallel_loop3A_2223 = arith.addi %parallel_loop3A_1274, %parallel_loop3A_2222 : i32
        %parallel_loop3A_2224 = arith.constant 14 : i32
        %parallel_loop3A_2225 = vector.broadcast %parallel_loop3A_2224 : i32 to vector<16x1xi32>
        %parallel_loop3A_2226 = vector.shape_cast %parallel_loop3A_2225 : vector<16x1xi32> to vector<16xi32>
        %parallel_loop3A_2227 = tpu.dynamic_gather %parallel_loop3A_1283[%parallel_loop3A_2226] in [0] : vector<16xi32>, vector<16xi32> -> vector<16xi32>
        %parallel_loop3A_2228 = vector.broadcast %parallel_loop3A_2223 : i32 to vector<16xi32>
        %parallel_loop3A_2229 = arith.constant 0 : i32
        %parallel_loop3A_2230 = vector.broadcast %parallel_loop3A_2229 : i32 to vector<16xi32>
        %parallel_loop3A_2231 = arith.addi %parallel_loop3A_2230, %iota3A : vector<16xi32>
        %parallel_loop3A_2232 = arith.addi %parallel_loop3A_2227, %parallel_loop3A_2231 : vector<16xi32>
        %parallel_loop3A_2233 = tpu.vector_load_idx %arg10[%parallel_loop3A_2228, %parallel_loop3A_2232] : memref<208x128xf32, #tpu.memory_space<vmem>>[vector<16xi32>, vector<16xi32>], vector<16xf32>,
        %parallel_loop3A_2234 = arith.constant 8.000000e+00 : f32
        %parallel_loop3A_2235 = vector.broadcast %parallel_loop3A_2234 : f32 to vector<16xf32>
        %parallel_loop3A_2236 = arith.mulf %parallel_loop3A_2233, %parallel_loop3A_2235 : vector<16xf32>
        %parallel_loop3A_2237 = arith.index_cast %parallel_loop3A_2223 : i32 to index
        %parallel_loop3A_2238 = arith.constant 0 : index
        %parallel_loop3A_2239 = tpu.vector_load %arg7[%parallel_loop3A_2237, %parallel_loop3A_2238] {strides = array<i32>} : memref<200x64xf32, #tpu.memory_space<vmem>>, vector<16xf32>,
        %parallel_loop3A_2240 = arith.addf %parallel_loop3A_2236, %parallel_loop3A_2239 : vector<16xf32>
        %parallel_loop3A_2241 = arith.index_cast %parallel_loop3A_2223 : i32 to index
        %parallel_loop3A_2242 = arith.constant 0 : index
        %parallel_loop3A_2243 = tpu.vector_load %arg12[%parallel_loop3A_2241, %parallel_loop3A_2242] {strides = array<i32>} : memref<200x64xf32, #tpu.memory_space<vmem>>, vector<16xf32>,
        tpu.vector_store %arg12[%parallel_loop3A_2241, %parallel_loop3A_2242], %parallel_loop3A_2240 {strides = array<i32>} : memref<200x64xf32, #tpu.memory_space<vmem>>, vector<16xf32>,
        %parallel_loop3A_2244 = arith.constant 16 : i32
        %parallel_loop3A_2245 = vector.broadcast %parallel_loop3A_2244 : i32 to vector<16xi32>
        %parallel_loop3A_2246 = arith.addi %parallel_loop3A_2245, %iota3A : vector<16xi32>
        %parallel_loop3A_2247 = arith.addi %parallel_loop3A_2227, %parallel_loop3A_2246 : vector<16xi32>
        %parallel_loop3A_2248 = tpu.vector_load_idx %arg10[%parallel_loop3A_2228, %parallel_loop3A_2247] : memref<208x128xf32, #tpu.memory_space<vmem>>[vector<16xi32>, vector<16xi32>], vector<16xf32>,
        %parallel_loop3A_2249 = arith.constant 8.000000e+00 : f32
        %parallel_loop3A_2250 = vector.broadcast %parallel_loop3A_2249 : f32 to vector<16xf32>
        %parallel_loop3A_2251 = arith.mulf %parallel_loop3A_2248, %parallel_loop3A_2250 : vector<16xf32>
        %parallel_loop3A_2252 = arith.index_cast %parallel_loop3A_2223 : i32 to index
        %parallel_loop3A_2253 = arith.constant 16 : index
        %parallel_loop3A_2254 = tpu.vector_load %arg7[%parallel_loop3A_2252, %parallel_loop3A_2253] {strides = array<i32>} : memref<200x64xf32, #tpu.memory_space<vmem>>, vector<16xf32>,
        %parallel_loop3A_2255 = arith.addf %parallel_loop3A_2251, %parallel_loop3A_2254 : vector<16xf32>
        %parallel_loop3A_2256 = arith.index_cast %parallel_loop3A_2223 : i32 to index
        %parallel_loop3A_2257 = arith.constant 16 : index
        %parallel_loop3A_2258 = tpu.vector_load %arg12[%parallel_loop3A_2256, %parallel_loop3A_2257] {strides = array<i32>} : memref<200x64xf32, #tpu.memory_space<vmem>>, vector<16xf32>,
        tpu.vector_store %arg12[%parallel_loop3A_2256, %parallel_loop3A_2257], %parallel_loop3A_2255 {strides = array<i32>} : memref<200x64xf32, #tpu.memory_space<vmem>>, vector<16xf32>,
        %parallel_loop3A_2259 = arith.constant 32 : i32
        %parallel_loop3A_2260 = vector.broadcast %parallel_loop3A_2259 : i32 to vector<16xi32>
        %parallel_loop3A_2261 = arith.addi %parallel_loop3A_2260, %iota3A : vector<16xi32>
        %parallel_loop3A_2262 = arith.addi %parallel_loop3A_2227, %parallel_loop3A_2261 : vector<16xi32>
        %parallel_loop3A_2263 = tpu.vector_load_idx %arg10[%parallel_loop3A_2228, %parallel_loop3A_2262] : memref<208x128xf32, #tpu.memory_space<vmem>>[vector<16xi32>, vector<16xi32>], vector<16xf32>,
        %parallel_loop3A_2264 = arith.constant 8.000000e+00 : f32
        %parallel_loop3A_2265 = vector.broadcast %parallel_loop3A_2264 : f32 to vector<16xf32>
        %parallel_loop3A_2266 = arith.mulf %parallel_loop3A_2263, %parallel_loop3A_2265 : vector<16xf32>
        %parallel_loop3A_2267 = arith.index_cast %parallel_loop3A_2223 : i32 to index
        %parallel_loop3A_2268 = arith.constant 32 : index
        %parallel_loop3A_2269 = tpu.vector_load %arg7[%parallel_loop3A_2267, %parallel_loop3A_2268] {strides = array<i32>} : memref<200x64xf32, #tpu.memory_space<vmem>>, vector<16xf32>,
        %parallel_loop3A_2270 = arith.addf %parallel_loop3A_2266, %parallel_loop3A_2269 : vector<16xf32>
        %parallel_loop3A_2271 = arith.index_cast %parallel_loop3A_2223 : i32 to index
        %parallel_loop3A_2272 = arith.constant 32 : index
        %parallel_loop3A_2273 = tpu.vector_load %arg12[%parallel_loop3A_2271, %parallel_loop3A_2272] {strides = array<i32>} : memref<200x64xf32, #tpu.memory_space<vmem>>, vector<16xf32>,
        tpu.vector_store %arg12[%parallel_loop3A_2271, %parallel_loop3A_2272], %parallel_loop3A_2270 {strides = array<i32>} : memref<200x64xf32, #tpu.memory_space<vmem>>, vector<16xf32>,
        %parallel_loop3A_2274 = arith.constant 48 : i32
        %parallel_loop3A_2275 = vector.broadcast %parallel_loop3A_2274 : i32 to vector<16xi32>
        %parallel_loop3A_2276 = arith.addi %parallel_loop3A_2275, %iota3A : vector<16xi32>
        %parallel_loop3A_2277 = arith.addi %parallel_loop3A_2227, %parallel_loop3A_2276 : vector<16xi32>
        %parallel_loop3A_2278 = tpu.vector_load_idx %arg10[%parallel_loop3A_2228, %parallel_loop3A_2277] : memref<208x128xf32, #tpu.memory_space<vmem>>[vector<16xi32>, vector<16xi32>], vector<16xf32>,
        %parallel_loop3A_2279 = arith.constant 8.000000e+00 : f32
        %parallel_loop3A_2280 = vector.broadcast %parallel_loop3A_2279 : f32 to vector<16xf32>
        %parallel_loop3A_2281 = arith.mulf %parallel_loop3A_2278, %parallel_loop3A_2280 : vector<16xf32>
        %parallel_loop3A_2282 = arith.index_cast %parallel_loop3A_2223 : i32 to index
        %parallel_loop3A_2283 = arith.constant 48 : index
        %parallel_loop3A_2284 = tpu.vector_load %arg7[%parallel_loop3A_2282, %parallel_loop3A_2283] {strides = array<i32>} : memref<200x64xf32, #tpu.memory_space<vmem>>, vector<16xf32>,
        %parallel_loop3A_2285 = arith.addf %parallel_loop3A_2281, %parallel_loop3A_2284 : vector<16xf32>
        %parallel_loop3A_2286 = arith.index_cast %parallel_loop3A_2223 : i32 to index
        %parallel_loop3A_2287 = arith.constant 48 : index
        %parallel_loop3A_2288 = tpu.vector_load %arg12[%parallel_loop3A_2286, %parallel_loop3A_2287] {strides = array<i32>} : memref<200x64xf32, #tpu.memory_space<vmem>>, vector<16xf32>,
        tpu.vector_store %arg12[%parallel_loop3A_2286, %parallel_loop3A_2287], %parallel_loop3A_2285 {strides = array<i32>} : memref<200x64xf32, #tpu.memory_space<vmem>>, vector<16xf32>,
        %parallel_loop3A_2289 = arith.constant 15 : i32
        %parallel_loop3A_2290 = arith.addi %parallel_loop3A_1274, %parallel_loop3A_2289 : i32
        %parallel_loop3A_2291 = arith.constant 15 : i32
        %parallel_loop3A_2292 = vector.broadcast %parallel_loop3A_2291 : i32 to vector<16x1xi32>
        %parallel_loop3A_2293 = vector.shape_cast %parallel_loop3A_2292 : vector<16x1xi32> to vector<16xi32>
        %parallel_loop3A_2294 = tpu.dynamic_gather %parallel_loop3A_1283[%parallel_loop3A_2293] in [0] : vector<16xi32>, vector<16xi32> -> vector<16xi32>
        %parallel_loop3A_2295 = vector.broadcast %parallel_loop3A_2290 : i32 to vector<16xi32>
        %parallel_loop3A_2296 = arith.constant 0 : i32
        %parallel_loop3A_2297 = vector.broadcast %parallel_loop3A_2296 : i32 to vector<16xi32>
        %parallel_loop3A_2298 = arith.addi %parallel_loop3A_2297, %iota3A : vector<16xi32>
        %parallel_loop3A_2299 = arith.addi %parallel_loop3A_2294, %parallel_loop3A_2298 : vector<16xi32>
        %parallel_loop3A_2300 = tpu.vector_load_idx %arg10[%parallel_loop3A_2295, %parallel_loop3A_2299] : memref<208x128xf32, #tpu.memory_space<vmem>>[vector<16xi32>, vector<16xi32>], vector<16xf32>,
        %parallel_loop3A_2301 = arith.constant 8.000000e+00 : f32
        %parallel_loop3A_2302 = vector.broadcast %parallel_loop3A_2301 : f32 to vector<16xf32>
        %parallel_loop3A_2303 = arith.mulf %parallel_loop3A_2300, %parallel_loop3A_2302 : vector<16xf32>
        %parallel_loop3A_2304 = arith.index_cast %parallel_loop3A_2290 : i32 to index
        %parallel_loop3A_2305 = arith.constant 0 : index
        %parallel_loop3A_2306 = tpu.vector_load %arg7[%parallel_loop3A_2304, %parallel_loop3A_2305] {strides = array<i32>} : memref<200x64xf32, #tpu.memory_space<vmem>>, vector<16xf32>,
        %parallel_loop3A_2307 = arith.addf %parallel_loop3A_2303, %parallel_loop3A_2306 : vector<16xf32>
        %parallel_loop3A_2308 = arith.index_cast %parallel_loop3A_2290 : i32 to index
        %parallel_loop3A_2309 = arith.constant 0 : index
        %parallel_loop3A_2310 = tpu.vector_load %arg12[%parallel_loop3A_2308, %parallel_loop3A_2309] {strides = array<i32>} : memref<200x64xf32, #tpu.memory_space<vmem>>, vector<16xf32>,
        tpu.vector_store %arg12[%parallel_loop3A_2308, %parallel_loop3A_2309], %parallel_loop3A_2307 {strides = array<i32>} : memref<200x64xf32, #tpu.memory_space<vmem>>, vector<16xf32>,
        %parallel_loop3A_2311 = arith.constant 16 : i32
        %parallel_loop3A_2312 = vector.broadcast %parallel_loop3A_2311 : i32 to vector<16xi32>
        %parallel_loop3A_2313 = arith.addi %parallel_loop3A_2312, %iota3A : vector<16xi32>
        %parallel_loop3A_2314 = arith.addi %parallel_loop3A_2294, %parallel_loop3A_2313 : vector<16xi32>
        %parallel_loop3A_2315 = tpu.vector_load_idx %arg10[%parallel_loop3A_2295, %parallel_loop3A_2314] : memref<208x128xf32, #tpu.memory_space<vmem>>[vector<16xi32>, vector<16xi32>], vector<16xf32>,
        %parallel_loop3A_2316 = arith.constant 8.000000e+00 : f32
        %parallel_loop3A_2317 = vector.broadcast %parallel_loop3A_2316 : f32 to vector<16xf32>
        %parallel_loop3A_2318 = arith.mulf %parallel_loop3A_2315, %parallel_loop3A_2317 : vector<16xf32>
        %parallel_loop3A_2319 = arith.index_cast %parallel_loop3A_2290 : i32 to index
        %parallel_loop3A_2320 = arith.constant 16 : index
        %parallel_loop3A_2321 = tpu.vector_load %arg7[%parallel_loop3A_2319, %parallel_loop3A_2320] {strides = array<i32>} : memref<200x64xf32, #tpu.memory_space<vmem>>, vector<16xf32>,
        %parallel_loop3A_2322 = arith.addf %parallel_loop3A_2318, %parallel_loop3A_2321 : vector<16xf32>
        %parallel_loop3A_2323 = arith.index_cast %parallel_loop3A_2290 : i32 to index
        %parallel_loop3A_2324 = arith.constant 16 : index
        %parallel_loop3A_2325 = tpu.vector_load %arg12[%parallel_loop3A_2323, %parallel_loop3A_2324] {strides = array<i32>} : memref<200x64xf32, #tpu.memory_space<vmem>>, vector<16xf32>,
        tpu.vector_store %arg12[%parallel_loop3A_2323, %parallel_loop3A_2324], %parallel_loop3A_2322 {strides = array<i32>} : memref<200x64xf32, #tpu.memory_space<vmem>>, vector<16xf32>,
        %parallel_loop3A_2326 = arith.constant 32 : i32
        %parallel_loop3A_2327 = vector.broadcast %parallel_loop3A_2326 : i32 to vector<16xi32>
        %parallel_loop3A_2328 = arith.addi %parallel_loop3A_2327, %iota3A : vector<16xi32>
        %parallel_loop3A_2329 = arith.addi %parallel_loop3A_2294, %parallel_loop3A_2328 : vector<16xi32>
        %parallel_loop3A_2330 = tpu.vector_load_idx %arg10[%parallel_loop3A_2295, %parallel_loop3A_2329] : memref<208x128xf32, #tpu.memory_space<vmem>>[vector<16xi32>, vector<16xi32>], vector<16xf32>,
        %parallel_loop3A_2331 = arith.constant 8.000000e+00 : f32
        %parallel_loop3A_2332 = vector.broadcast %parallel_loop3A_2331 : f32 to vector<16xf32>
        %parallel_loop3A_2333 = arith.mulf %parallel_loop3A_2330, %parallel_loop3A_2332 : vector<16xf32>
        %parallel_loop3A_2334 = arith.index_cast %parallel_loop3A_2290 : i32 to index
        %parallel_loop3A_2335 = arith.constant 32 : index
        %parallel_loop3A_2336 = tpu.vector_load %arg7[%parallel_loop3A_2334, %parallel_loop3A_2335] {strides = array<i32>} : memref<200x64xf32, #tpu.memory_space<vmem>>, vector<16xf32>,
        %parallel_loop3A_2337 = arith.addf %parallel_loop3A_2333, %parallel_loop3A_2336 : vector<16xf32>
        %parallel_loop3A_2338 = arith.index_cast %parallel_loop3A_2290 : i32 to index
        %parallel_loop3A_2339 = arith.constant 32 : index
        %parallel_loop3A_2340 = tpu.vector_load %arg12[%parallel_loop3A_2338, %parallel_loop3A_2339] {strides = array<i32>} : memref<200x64xf32, #tpu.memory_space<vmem>>, vector<16xf32>,
        tpu.vector_store %arg12[%parallel_loop3A_2338, %parallel_loop3A_2339], %parallel_loop3A_2337 {strides = array<i32>} : memref<200x64xf32, #tpu.memory_space<vmem>>, vector<16xf32>,
        %parallel_loop3A_2341 = arith.constant 48 : i32
        %parallel_loop3A_2342 = vector.broadcast %parallel_loop3A_2341 : i32 to vector<16xi32>
        %parallel_loop3A_2343 = arith.addi %parallel_loop3A_2342, %iota3A : vector<16xi32>
        %parallel_loop3A_2344 = arith.addi %parallel_loop3A_2294, %parallel_loop3A_2343 : vector<16xi32>
        %parallel_loop3A_2345 = tpu.vector_load_idx %arg10[%parallel_loop3A_2295, %parallel_loop3A_2344] : memref<208x128xf32, #tpu.memory_space<vmem>>[vector<16xi32>, vector<16xi32>], vector<16xf32>,
        %parallel_loop3A_2346 = arith.constant 8.000000e+00 : f32
        %parallel_loop3A_2347 = vector.broadcast %parallel_loop3A_2346 : f32 to vector<16xf32>
        %parallel_loop3A_2348 = arith.mulf %parallel_loop3A_2345, %parallel_loop3A_2347 : vector<16xf32>
        %parallel_loop3A_2349 = arith.index_cast %parallel_loop3A_2290 : i32 to index
        %parallel_loop3A_2350 = arith.constant 48 : index
        %parallel_loop3A_2351 = tpu.vector_load %arg7[%parallel_loop3A_2349, %parallel_loop3A_2350] {strides = array<i32>} : memref<200x64xf32, #tpu.memory_space<vmem>>, vector<16xf32>,
        %parallel_loop3A_2352 = arith.addf %parallel_loop3A_2348, %parallel_loop3A_2351 : vector<16xf32>
        %parallel_loop3A_2353 = arith.index_cast %parallel_loop3A_2290 : i32 to index
        %parallel_loop3A_2354 = arith.constant 48 : index
        %parallel_loop3A_2355 = tpu.vector_load %arg12[%parallel_loop3A_2353, %parallel_loop3A_2354] {strides = array<i32>} : memref<200x64xf32, #tpu.memory_space<vmem>>, vector<16xf32>,
        tpu.vector_store %arg12[%parallel_loop3A_2353, %parallel_loop3A_2354], %parallel_loop3A_2352 {strides = array<i32>} : memref<200x64xf32, #tpu.memory_space<vmem>>, vector<16xf32>,
      } {sc.loop_unroll_factor = 2 : i64, sc.parallel_access}
      %add3A_51 = arith.constant 192 : i32
      %add3A_52 = arith.addi %mul3A_47, %add3A_51 : i32
      %get3A_53 = arith.index_cast %add3A_52 : i32 to index
      %get3A_54 = tpu.vector_load %arg6[%get3A_53] {strides = array<i32>} : memref<25616xi32, #tpu.memory_space<vmem>>, vector<16xi32>,
      %and3A = arith.constant 1 : i32
      %and3A_55 = vector.broadcast %and3A : i32 to vector<16xi32>
      %and3A_56 = arith.andi %get3A_54, %and3A_55 : vector<16xi32>
      %shift_left3A = arith.constant 6 : i32
      %shift_left3A_57 = vector.broadcast %shift_left3A : i32 to vector<16xi32>
      %shift_left3A_58 = arith.shli %and3A_56, %shift_left3A_57 : vector<16xi32>
      %broadcast_in_dim3A = arith.constant 0 : i32
      %broadcast_in_dim3A_59 = vector.broadcast %broadcast_in_dim3A : i32 to vector<16x1xi32>
      %gather3A = vector.shape_cast %broadcast_in_dim3A_59 : vector<16x1xi32> to vector<16xi32>
      %gather3A_60 = tpu.dynamic_gather %shift_left3A_58[%gather3A] in [0] : vector<16xi32>, vector<16xi32> -> vector<16xi32>
      %broadcast_in_dim3A_61 = arith.constant 192 : i32
      %broadcast_in_dim3A_62 = vector.broadcast %broadcast_in_dim3A_61 : i32 to vector<16xi32>
      %add3A_63 = arith.constant 0 : i32
      %add3A_64 = vector.broadcast %add3A_63 : i32 to vector<16xi32>
      %add3A_65 = arith.addi %add3A_64, %iota3A : vector<16xi32>
      %add3A_66 = arith.addi %gather3A_60, %add3A_65 : vector<16xi32>
      %gather3A_67 = tpu.vector_load_idx %arg10[%broadcast_in_dim3A_62, %add3A_66] : memref<208x128xf32, #tpu.memory_space<vmem>>[vector<16xi32>, vector<16xi32>], vector<16xf32>,
      %mul3A_68 = arith.constant 8.000000e+00 : f32
      %mul3A_69 = vector.broadcast %mul3A_68 : f32 to vector<16xf32>
      %mul3A_70 = arith.mulf %gather3A_67, %mul3A_69 : vector<16xf32>
      %get3A_71 = arith.constant 192 : i32
      %get3A_72 = arith.index_cast %get3A_71 : i32 to index
      %get3A_73 = arith.constant 0 : index
      %get3A_74 = tpu.vector_load %arg7[%get3A_72, %get3A_73] {strides = array<i32>} : memref<200x64xf32, #tpu.memory_space<vmem>>, vector<16xf32>,
      %add3A_75 = arith.addf %mul3A_70, %get3A_74 : vector<16xf32>
      %swap3A_76 = arith.constant 192 : i32
      %swap3A_77 = arith.index_cast %swap3A_76 : i32 to index
      %swap3A_78 = arith.constant 0 : index
      %swap3A_79 = tpu.vector_load %arg12[%swap3A_77, %swap3A_78] {strides = array<i32>} : memref<200x64xf32, #tpu.memory_space<vmem>>, vector<16xf32>,
      tpu.vector_store %arg12[%swap3A_77, %swap3A_78], %add3A_75 {strides = array<i32>} : memref<200x64xf32, #tpu.memory_space<vmem>>, vector<16xf32>,
      %add3A_80 = arith.constant 16 : i32
      %add3A_81 = vector.broadcast %add3A_80 : i32 to vector<16xi32>
      %add3A_82 = arith.addi %add3A_81, %iota3A : vector<16xi32>
      %add3A_83 = arith.addi %gather3A_60, %add3A_82 : vector<16xi32>
      %gather3A_84 = tpu.vector_load_idx %arg10[%broadcast_in_dim3A_62, %add3A_83] : memref<208x128xf32, #tpu.memory_space<vmem>>[vector<16xi32>, vector<16xi32>], vector<16xf32>,
      %mul3A_85 = arith.constant 8.000000e+00 : f32
      %mul3A_86 = vector.broadcast %mul3A_85 : f32 to vector<16xf32>
      %mul3A_87 = arith.mulf %gather3A_84, %mul3A_86 : vector<16xf32>
      %get3A_88 = arith.constant 192 : i32
      %get3A_89 = arith.index_cast %get3A_88 : i32 to index
      %get3A_90 = arith.constant 16 : index
      %get3A_91 = tpu.vector_load %arg7[%get3A_89, %get3A_90] {strides = array<i32>} : memref<200x64xf32, #tpu.memory_space<vmem>>, vector<16xf32>,
      %add3A_92 = arith.addf %mul3A_87, %get3A_91 : vector<16xf32>
      %swap3A_93 = arith.constant 192 : i32
      %swap3A_94 = arith.index_cast %swap3A_93 : i32 to index
      %swap3A_95 = arith.constant 16 : index
      %swap3A_96 = tpu.vector_load %arg12[%swap3A_94, %swap3A_95] {strides = array<i32>} : memref<200x64xf32, #tpu.memory_space<vmem>>, vector<16xf32>,
      tpu.vector_store %arg12[%swap3A_94, %swap3A_95], %add3A_92 {strides = array<i32>} : memref<200x64xf32, #tpu.memory_space<vmem>>, vector<16xf32>,
      %add3A_97 = arith.constant 32 : i32
      %add3A_98 = vector.broadcast %add3A_97 : i32 to vector<16xi32>
      %add3A_99 = arith.addi %add3A_98, %iota3A : vector<16xi32>
      %add3A_100 = arith.addi %gather3A_60, %add3A_99 : vector<16xi32>
      %gather3A_101 = tpu.vector_load_idx %arg10[%broadcast_in_dim3A_62, %add3A_100] : memref<208x128xf32, #tpu.memory_space<vmem>>[vector<16xi32>, vector<16xi32>], vector<16xf32>,
      %mul3A_102 = arith.constant 8.000000e+00 : f32
      %mul3A_103 = vector.broadcast %mul3A_102 : f32 to vector<16xf32>
      %mul3A_104 = arith.mulf %gather3A_101, %mul3A_103 : vector<16xf32>
      %get3A_105 = arith.constant 192 : i32
      %get3A_106 = arith.index_cast %get3A_105 : i32 to index
      %get3A_107 = arith.constant 32 : index
      %get3A_108 = tpu.vector_load %arg7[%get3A_106, %get3A_107] {strides = array<i32>} : memref<200x64xf32, #tpu.memory_space<vmem>>, vector<16xf32>,
      %add3A_109 = arith.addf %mul3A_104, %get3A_108 : vector<16xf32>
      %swap3A_110 = arith.constant 192 : i32
      %swap3A_111 = arith.index_cast %swap3A_110 : i32 to index
      %swap3A_112 = arith.constant 32 : index
      %swap3A_113 = tpu.vector_load %arg12[%swap3A_111, %swap3A_112] {strides = array<i32>} : memref<200x64xf32, #tpu.memory_space<vmem>>, vector<16xf32>,
      tpu.vector_store %arg12[%swap3A_111, %swap3A_112], %add3A_109 {strides = array<i32>} : memref<200x64xf32, #tpu.memory_space<vmem>>, vector<16xf32>,
      %add3A_114 = arith.constant 48 : i32
      %add3A_115 = vector.broadcast %add3A_114 : i32 to vector<16xi32>
      %add3A_116 = arith.addi %add3A_115, %iota3A : vector<16xi32>
      %add3A_117 = arith.addi %gather3A_60, %add3A_116 : vector<16xi32>
      %gather3A_118 = tpu.vector_load_idx %arg10[%broadcast_in_dim3A_62, %add3A_117] : memref<208x128xf32, #tpu.memory_space<vmem>>[vector<16xi32>, vector<16xi32>], vector<16xf32>,
      %mul3A_119 = arith.constant 8.000000e+00 : f32
      %mul3A_120 = vector.broadcast %mul3A_119 : f32 to vector<16xf32>
      %mul3A_121 = arith.mulf %gather3A_118, %mul3A_120 : vector<16xf32>
      %get3A_122 = arith.constant 192 : i32
      %get3A_123 = arith.index_cast %get3A_122 : i32 to index
      %get3A_124 = arith.constant 48 : index
      %get3A_125 = tpu.vector_load %arg7[%get3A_123, %get3A_124] {strides = array<i32>} : memref<200x64xf32, #tpu.memory_space<vmem>>, vector<16xf32>,
      %add3A_126 = arith.addf %mul3A_121, %get3A_125 : vector<16xf32>
      %swap3A_127 = arith.constant 192 : i32
      %swap3A_128 = arith.index_cast %swap3A_127 : i32 to index
      %swap3A_129 = arith.constant 48 : index
      %swap3A_130 = tpu.vector_load %arg12[%swap3A_128, %swap3A_129] {strides = array<i32>} : memref<200x64xf32, #tpu.memory_space<vmem>>, vector<16xf32>,
      tpu.vector_store %arg12[%swap3A_128, %swap3A_129], %add3A_126 {strides = array<i32>} : memref<200x64xf32, #tpu.memory_space<vmem>>, vector<16xf32>,
      %broadcast_in_dim3A_131 = arith.constant 1 : i32
      %broadcast_in_dim3A_132 = vector.broadcast %broadcast_in_dim3A_131 : i32 to vector<16x1xi32>
      %gather3A_133 = vector.shape_cast %broadcast_in_dim3A_132 : vector<16x1xi32> to vector<16xi32>
      %gather3A_134 = tpu.dynamic_gather %shift_left3A_58[%gather3A_133] in [0] : vector<16xi32>, vector<16xi32> -> vector<16xi32>
      %broadcast_in_dim3A_135 = arith.constant 193 : i32
      %broadcast_in_dim3A_136 = vector.broadcast %broadcast_in_dim3A_135 : i32 to vector<16xi32>
      %add3A_137 = arith.constant 0 : i32
      %add3A_138 = vector.broadcast %add3A_137 : i32 to vector<16xi32>
      %add3A_139 = arith.addi %add3A_138, %iota3A : vector<16xi32>
      %add3A_140 = arith.addi %gather3A_134, %add3A_139 : vector<16xi32>
      %gather3A_141 = tpu.vector_load_idx %arg10[%broadcast_in_dim3A_136, %add3A_140] : memref<208x128xf32, #tpu.memory_space<vmem>>[vector<16xi32>, vector<16xi32>], vector<16xf32>,
      %mul3A_142 = arith.constant 8.000000e+00 : f32
      %mul3A_143 = vector.broadcast %mul3A_142 : f32 to vector<16xf32>
      %mul3A_144 = arith.mulf %gather3A_141, %mul3A_143 : vector<16xf32>
      %get3A_145 = arith.constant 193 : i32
      %get3A_146 = arith.index_cast %get3A_145 : i32 to index
      %get3A_147 = arith.constant 0 : index
      %get3A_148 = tpu.vector_load %arg7[%get3A_146, %get3A_147] {strides = array<i32>} : memref<200x64xf32, #tpu.memory_space<vmem>>, vector<16xf32>,
      %add3A_149 = arith.addf %mul3A_144, %get3A_148 : vector<16xf32>
      %swap3A_150 = arith.constant 193 : i32
      %swap3A_151 = arith.index_cast %swap3A_150 : i32 to index
      %swap3A_152 = arith.constant 0 : index
      %swap3A_153 = tpu.vector_load %arg12[%swap3A_151, %swap3A_152] {strides = array<i32>} : memref<200x64xf32, #tpu.memory_space<vmem>>, vector<16xf32>,
      tpu.vector_store %arg12[%swap3A_151, %swap3A_152], %add3A_149 {strides = array<i32>} : memref<200x64xf32, #tpu.memory_space<vmem>>, vector<16xf32>,
      %add3A_154 = arith.constant 16 : i32
      %add3A_155 = vector.broadcast %add3A_154 : i32 to vector<16xi32>
      %add3A_156 = arith.addi %add3A_155, %iota3A : vector<16xi32>
      %add3A_157 = arith.addi %gather3A_134, %add3A_156 : vector<16xi32>
      %gather3A_158 = tpu.vector_load_idx %arg10[%broadcast_in_dim3A_136, %add3A_157] : memref<208x128xf32, #tpu.memory_space<vmem>>[vector<16xi32>, vector<16xi32>], vector<16xf32>,
      %mul3A_159 = arith.constant 8.000000e+00 : f32
      %mul3A_160 = vector.broadcast %mul3A_159 : f32 to vector<16xf32>
      %mul3A_161 = arith.mulf %gather3A_158, %mul3A_160 : vector<16xf32>
      %get3A_162 = arith.constant 193 : i32
      %get3A_163 = arith.index_cast %get3A_162 : i32 to index
      %get3A_164 = arith.constant 16 : index
      %get3A_165 = tpu.vector_load %arg7[%get3A_163, %get3A_164] {strides = array<i32>} : memref<200x64xf32, #tpu.memory_space<vmem>>, vector<16xf32>,
      %add3A_166 = arith.addf %mul3A_161, %get3A_165 : vector<16xf32>
      %swap3A_167 = arith.constant 193 : i32
      %swap3A_168 = arith.index_cast %swap3A_167 : i32 to index
      %swap3A_169 = arith.constant 16 : index
      %swap3A_170 = tpu.vector_load %arg12[%swap3A_168, %swap3A_169] {strides = array<i32>} : memref<200x64xf32, #tpu.memory_space<vmem>>, vector<16xf32>,
      tpu.vector_store %arg12[%swap3A_168, %swap3A_169], %add3A_166 {strides = array<i32>} : memref<200x64xf32, #tpu.memory_space<vmem>>, vector<16xf32>,
      %add3A_171 = arith.constant 32 : i32
      %add3A_172 = vector.broadcast %add3A_171 : i32 to vector<16xi32>
      %add3A_173 = arith.addi %add3A_172, %iota3A : vector<16xi32>
      %add3A_174 = arith.addi %gather3A_134, %add3A_173 : vector<16xi32>
      %gather3A_175 = tpu.vector_load_idx %arg10[%broadcast_in_dim3A_136, %add3A_174] : memref<208x128xf32, #tpu.memory_space<vmem>>[vector<16xi32>, vector<16xi32>], vector<16xf32>,
      %mul3A_176 = arith.constant 8.000000e+00 : f32
      %mul3A_177 = vector.broadcast %mul3A_176 : f32 to vector<16xf32>
      %mul3A_178 = arith.mulf %gather3A_175, %mul3A_177 : vector<16xf32>
      %get3A_179 = arith.constant 193 : i32
      %get3A_180 = arith.index_cast %get3A_179 : i32 to index
      %get3A_181 = arith.constant 32 : index
      %get3A_182 = tpu.vector_load %arg7[%get3A_180, %get3A_181] {strides = array<i32>} : memref<200x64xf32, #tpu.memory_space<vmem>>, vector<16xf32>,
      %add3A_183 = arith.addf %mul3A_178, %get3A_182 : vector<16xf32>
      %swap3A_184 = arith.constant 193 : i32
      %swap3A_185 = arith.index_cast %swap3A_184 : i32 to index
      %swap3A_186 = arith.constant 32 : index
      %swap3A_187 = tpu.vector_load %arg12[%swap3A_185, %swap3A_186] {strides = array<i32>} : memref<200x64xf32, #tpu.memory_space<vmem>>, vector<16xf32>,
      tpu.vector_store %arg12[%swap3A_185, %swap3A_186], %add3A_183 {strides = array<i32>} : memref<200x64xf32, #tpu.memory_space<vmem>>, vector<16xf32>,
      %add3A_188 = arith.constant 48 : i32
      %add3A_189 = vector.broadcast %add3A_188 : i32 to vector<16xi32>
      %add3A_190 = arith.addi %add3A_189, %iota3A : vector<16xi32>
      %add3A_191 = arith.addi %gather3A_134, %add3A_190 : vector<16xi32>
      %gather3A_192 = tpu.vector_load_idx %arg10[%broadcast_in_dim3A_136, %add3A_191] : memref<208x128xf32, #tpu.memory_space<vmem>>[vector<16xi32>, vector<16xi32>], vector<16xf32>,
      %mul3A_193 = arith.constant 8.000000e+00 : f32
      %mul3A_194 = vector.broadcast %mul3A_193 : f32 to vector<16xf32>
      %mul3A_195 = arith.mulf %gather3A_192, %mul3A_194 : vector<16xf32>
      %get3A_196 = arith.constant 193 : i32
      %get3A_197 = arith.index_cast %get3A_196 : i32 to index
      %get3A_198 = arith.constant 48 : index
      %get3A_199 = tpu.vector_load %arg7[%get3A_197, %get3A_198] {strides = array<i32>} : memref<200x64xf32, #tpu.memory_space<vmem>>, vector<16xf32>,
      %add3A_200 = arith.addf %mul3A_195, %get3A_199 : vector<16xf32>
      %swap3A_201 = arith.constant 193 : i32
      %swap3A_202 = arith.index_cast %swap3A_201 : i32 to index
      %swap3A_203 = arith.constant 48 : index
      %swap3A_204 = tpu.vector_load %arg12[%swap3A_202, %swap3A_203] {strides = array<i32>} : memref<200x64xf32, #tpu.memory_space<vmem>>, vector<16xf32>,
      tpu.vector_store %arg12[%swap3A_202, %swap3A_203], %add3A_200 {strides = array<i32>} : memref<200x64xf32, #tpu.memory_space<vmem>>, vector<16xf32>,
      %broadcast_in_dim3A_205 = arith.constant 2 : i32
      %broadcast_in_dim3A_206 = vector.broadcast %broadcast_in_dim3A_205 : i32 to vector<16x1xi32>
      %gather3A_207 = vector.shape_cast %broadcast_in_dim3A_206 : vector<16x1xi32> to vector<16xi32>
      %gather3A_208 = tpu.dynamic_gather %shift_left3A_58[%gather3A_207] in [0] : vector<16xi32>, vector<16xi32> -> vector<16xi32>
      %broadcast_in_dim3A_209 = arith.constant 194 : i32
      %broadcast_in_dim3A_210 = vector.broadcast %broadcast_in_dim3A_209 : i32 to vector<16xi32>
      %add3A_211 = arith.constant 0 : i32
      %add3A_212 = vector.broadcast %add3A_211 : i32 to vector<16xi32>
      %add3A_213 = arith.addi %add3A_212, %iota3A : vector<16xi32>
      %add3A_214 = arith.addi %gather3A_208, %add3A_213 : vector<16xi32>
      %gather3A_215 = tpu.vector_load_idx %arg10[%broadcast_in_dim3A_210, %add3A_214] : memref<208x128xf32, #tpu.memory_space<vmem>>[vector<16xi32>, vector<16xi32>], vector<16xf32>,
      %mul3A_216 = arith.constant 8.000000e+00 : f32
      %mul3A_217 = vector.broadcast %mul3A_216 : f32 to vector<16xf32>
      %mul3A_218 = arith.mulf %gather3A_215, %mul3A_217 : vector<16xf32>
      %get3A_219 = arith.constant 194 : i32
      %get3A_220 = arith.index_cast %get3A_219 : i32 to index
      %get3A_221 = arith.constant 0 : index
      %get3A_222 = tpu.vector_load %arg7[%get3A_220, %get3A_221] {strides = array<i32>} : memref<200x64xf32, #tpu.memory_space<vmem>>, vector<16xf32>,
      %add3A_223 = arith.addf %mul3A_218, %get3A_222 : vector<16xf32>
      %swap3A_224 = arith.constant 194 : i32
      %swap3A_225 = arith.index_cast %swap3A_224 : i32 to index
      %swap3A_226 = arith.constant 0 : index
      %swap3A_227 = tpu.vector_load %arg12[%swap3A_225, %swap3A_226] {strides = array<i32>} : memref<200x64xf32, #tpu.memory_space<vmem>>, vector<16xf32>,
      tpu.vector_store %arg12[%swap3A_225, %swap3A_226], %add3A_223 {strides = array<i32>} : memref<200x64xf32, #tpu.memory_space<vmem>>, vector<16xf32>,
      %add3A_228 = arith.constant 16 : i32
      %add3A_229 = vector.broadcast %add3A_228 : i32 to vector<16xi32>
      %add3A_230 = arith.addi %add3A_229, %iota3A : vector<16xi32>
      %add3A_231 = arith.addi %gather3A_208, %add3A_230 : vector<16xi32>
      %gather3A_232 = tpu.vector_load_idx %arg10[%broadcast_in_dim3A_210, %add3A_231] : memref<208x128xf32, #tpu.memory_space<vmem>>[vector<16xi32>, vector<16xi32>], vector<16xf32>,
      %mul3A_233 = arith.constant 8.000000e+00 : f32
      %mul3A_234 = vector.broadcast %mul3A_233 : f32 to vector<16xf32>
      %mul3A_235 = arith.mulf %gather3A_232, %mul3A_234 : vector<16xf32>
      %get3A_236 = arith.constant 194 : i32
      %get3A_237 = arith.index_cast %get3A_236 : i32 to index
      %get3A_238 = arith.constant 16 : index
      %get3A_239 = tpu.vector_load %arg7[%get3A_237, %get3A_238] {strides = array<i32>} : memref<200x64xf32, #tpu.memory_space<vmem>>, vector<16xf32>,
      %add3A_240 = arith.addf %mul3A_235, %get3A_239 : vector<16xf32>
      %swap3A_241 = arith.constant 194 : i32
      %swap3A_242 = arith.index_cast %swap3A_241 : i32 to index
      %swap3A_243 = arith.constant 16 : index
      %swap3A_244 = tpu.vector_load %arg12[%swap3A_242, %swap3A_243] {strides = array<i32>} : memref<200x64xf32, #tpu.memory_space<vmem>>, vector<16xf32>,
      tpu.vector_store %arg12[%swap3A_242, %swap3A_243], %add3A_240 {strides = array<i32>} : memref<200x64xf32, #tpu.memory_space<vmem>>, vector<16xf32>,
      %add3A_245 = arith.constant 32 : i32
      %add3A_246 = vector.broadcast %add3A_245 : i32 to vector<16xi32>
      %add3A_247 = arith.addi %add3A_246, %iota3A : vector<16xi32>
      %add3A_248 = arith.addi %gather3A_208, %add3A_247 : vector<16xi32>
      %gather3A_249 = tpu.vector_load_idx %arg10[%broadcast_in_dim3A_210, %add3A_248] : memref<208x128xf32, #tpu.memory_space<vmem>>[vector<16xi32>, vector<16xi32>], vector<16xf32>,
      %mul3A_250 = arith.constant 8.000000e+00 : f32
      %mul3A_251 = vector.broadcast %mul3A_250 : f32 to vector<16xf32>
      %mul3A_252 = arith.mulf %gather3A_249, %mul3A_251 : vector<16xf32>
      %get3A_253 = arith.constant 194 : i32
      %get3A_254 = arith.index_cast %get3A_253 : i32 to index
      %get3A_255 = arith.constant 32 : index
      %get3A_256 = tpu.vector_load %arg7[%get3A_254, %get3A_255] {strides = array<i32>} : memref<200x64xf32, #tpu.memory_space<vmem>>, vector<16xf32>,
      %add3A_257 = arith.addf %mul3A_252, %get3A_256 : vector<16xf32>
      %swap3A_258 = arith.constant 194 : i32
      %swap3A_259 = arith.index_cast %swap3A_258 : i32 to index
      %swap3A_260 = arith.constant 32 : index
      %swap3A_261 = tpu.vector_load %arg12[%swap3A_259, %swap3A_260] {strides = array<i32>} : memref<200x64xf32, #tpu.memory_space<vmem>>, vector<16xf32>,
      tpu.vector_store %arg12[%swap3A_259, %swap3A_260], %add3A_257 {strides = array<i32>} : memref<200x64xf32, #tpu.memory_space<vmem>>, vector<16xf32>,
      %add3A_262 = arith.constant 48 : i32
      %add3A_263 = vector.broadcast %add3A_262 : i32 to vector<16xi32>
      %add3A_264 = arith.addi %add3A_263, %iota3A : vector<16xi32>
      %add3A_265 = arith.addi %gather3A_208, %add3A_264 : vector<16xi32>
      %gather3A_266 = tpu.vector_load_idx %arg10[%broadcast_in_dim3A_210, %add3A_265] : memref<208x128xf32, #tpu.memory_space<vmem>>[vector<16xi32>, vector<16xi32>], vector<16xf32>,
      %mul3A_267 = arith.constant 8.000000e+00 : f32
      %mul3A_268 = vector.broadcast %mul3A_267 : f32 to vector<16xf32>
      %mul3A_269 = arith.mulf %gather3A_266, %mul3A_268 : vector<16xf32>
      %get3A_270 = arith.constant 194 : i32
      %get3A_271 = arith.index_cast %get3A_270 : i32 to index
      %get3A_272 = arith.constant 48 : index
      %get3A_273 = tpu.vector_load %arg7[%get3A_271, %get3A_272] {strides = array<i32>} : memref<200x64xf32, #tpu.memory_space<vmem>>, vector<16xf32>,
      %add3A_274 = arith.addf %mul3A_269, %get3A_273 : vector<16xf32>
      %swap3A_275 = arith.constant 194 : i32
      %swap3A_276 = arith.index_cast %swap3A_275 : i32 to index
      %swap3A_277 = arith.constant 48 : index
      %swap3A_278 = tpu.vector_load %arg12[%swap3A_276, %swap3A_277] {strides = array<i32>} : memref<200x64xf32, #tpu.memory_space<vmem>>, vector<16xf32>,
      tpu.vector_store %arg12[%swap3A_276, %swap3A_277], %add3A_274 {strides = array<i32>} : memref<200x64xf32, #tpu.memory_space<vmem>>, vector<16xf32>,
      %broadcast_in_dim3A_279 = arith.constant 3 : i32
      %broadcast_in_dim3A_280 = vector.broadcast %broadcast_in_dim3A_279 : i32 to vector<16x1xi32>
      %gather3A_281 = vector.shape_cast %broadcast_in_dim3A_280 : vector<16x1xi32> to vector<16xi32>
      %gather3A_282 = tpu.dynamic_gather %shift_left3A_58[%gather3A_281] in [0] : vector<16xi32>, vector<16xi32> -> vector<16xi32>
      %broadcast_in_dim3A_283 = arith.constant 195 : i32
      %broadcast_in_dim3A_284 = vector.broadcast %broadcast_in_dim3A_283 : i32 to vector<16xi32>
      %add3A_285 = arith.constant 0 : i32
      %add3A_286 = vector.broadcast %add3A_285 : i32 to vector<16xi32>
      %add3A_287 = arith.addi %add3A_286, %iota3A : vector<16xi32>
      %add3A_288 = arith.addi %gather3A_282, %add3A_287 : vector<16xi32>
      %gather3A_289 = tpu.vector_load_idx %arg10[%broadcast_in_dim3A_284, %add3A_288] : memref<208x128xf32, #tpu.memory_space<vmem>>[vector<16xi32>, vector<16xi32>], vector<16xf32>,
      %mul3A_290 = arith.constant 8.000000e+00 : f32
      %mul3A_291 = vector.broadcast %mul3A_290 : f32 to vector<16xf32>
      %mul3A_292 = arith.mulf %gather3A_289, %mul3A_291 : vector<16xf32>
      %get3A_293 = arith.constant 195 : i32
      %get3A_294 = arith.index_cast %get3A_293 : i32 to index
      %get3A_295 = arith.constant 0 : index
      %get3A_296 = tpu.vector_load %arg7[%get3A_294, %get3A_295] {strides = array<i32>} : memref<200x64xf32, #tpu.memory_space<vmem>>, vector<16xf32>,
      %add3A_297 = arith.addf %mul3A_292, %get3A_296 : vector<16xf32>
      %swap3A_298 = arith.constant 195 : i32
      %swap3A_299 = arith.index_cast %swap3A_298 : i32 to index
      %swap3A_300 = arith.constant 0 : index
      %swap3A_301 = tpu.vector_load %arg12[%swap3A_299, %swap3A_300] {strides = array<i32>} : memref<200x64xf32, #tpu.memory_space<vmem>>, vector<16xf32>,
      tpu.vector_store %arg12[%swap3A_299, %swap3A_300], %add3A_297 {strides = array<i32>} : memref<200x64xf32, #tpu.memory_space<vmem>>, vector<16xf32>,
      %add3A_302 = arith.constant 16 : i32
      %add3A_303 = vector.broadcast %add3A_302 : i32 to vector<16xi32>
      %add3A_304 = arith.addi %add3A_303, %iota3A : vector<16xi32>
      %add3A_305 = arith.addi %gather3A_282, %add3A_304 : vector<16xi32>
      %gather3A_306 = tpu.vector_load_idx %arg10[%broadcast_in_dim3A_284, %add3A_305] : memref<208x128xf32, #tpu.memory_space<vmem>>[vector<16xi32>, vector<16xi32>], vector<16xf32>,
      %mul3A_307 = arith.constant 8.000000e+00 : f32
      %mul3A_308 = vector.broadcast %mul3A_307 : f32 to vector<16xf32>
      %mul3A_309 = arith.mulf %gather3A_306, %mul3A_308 : vector<16xf32>
      %get3A_310 = arith.constant 195 : i32
      %get3A_311 = arith.index_cast %get3A_310 : i32 to index
      %get3A_312 = arith.constant 16 : index
      %get3A_313 = tpu.vector_load %arg7[%get3A_311, %get3A_312] {strides = array<i32>} : memref<200x64xf32, #tpu.memory_space<vmem>>, vector<16xf32>,
      %add3A_314 = arith.addf %mul3A_309, %get3A_313 : vector<16xf32>
      %swap3A_315 = arith.constant 195 : i32
      %swap3A_316 = arith.index_cast %swap3A_315 : i32 to index
      %swap3A_317 = arith.constant 16 : index
      %swap3A_318 = tpu.vector_load %arg12[%swap3A_316, %swap3A_317] {strides = array<i32>} : memref<200x64xf32, #tpu.memory_space<vmem>>, vector<16xf32>,
      tpu.vector_store %arg12[%swap3A_316, %swap3A_317], %add3A_314 {strides = array<i32>} : memref<200x64xf32, #tpu.memory_space<vmem>>, vector<16xf32>,
      %add3A_319 = arith.constant 32 : i32
      %add3A_320 = vector.broadcast %add3A_319 : i32 to vector<16xi32>
      %add3A_321 = arith.addi %add3A_320, %iota3A : vector<16xi32>
      %add3A_322 = arith.addi %gather3A_282, %add3A_321 : vector<16xi32>
      %gather3A_323 = tpu.vector_load_idx %arg10[%broadcast_in_dim3A_284, %add3A_322] : memref<208x128xf32, #tpu.memory_space<vmem>>[vector<16xi32>, vector<16xi32>], vector<16xf32>,
      %mul3A_324 = arith.constant 8.000000e+00 : f32
      %mul3A_325 = vector.broadcast %mul3A_324 : f32 to vector<16xf32>
      %mul3A_326 = arith.mulf %gather3A_323, %mul3A_325 : vector<16xf32>
      %get3A_327 = arith.constant 195 : i32
      %get3A_328 = arith.index_cast %get3A_327 : i32 to index
      %get3A_329 = arith.constant 32 : index
      %get3A_330 = tpu.vector_load %arg7[%get3A_328, %get3A_329] {strides = array<i32>} : memref<200x64xf32, #tpu.memory_space<vmem>>, vector<16xf32>,
      %add3A_331 = arith.addf %mul3A_326, %get3A_330 : vector<16xf32>
      %swap3A_332 = arith.constant 195 : i32
      %swap3A_333 = arith.index_cast %swap3A_332 : i32 to index
      %swap3A_334 = arith.constant 32 : index
      %swap3A_335 = tpu.vector_load %arg12[%swap3A_333, %swap3A_334] {strides = array<i32>} : memref<200x64xf32, #tpu.memory_space<vmem>>, vector<16xf32>,
      tpu.vector_store %arg12[%swap3A_333, %swap3A_334], %add3A_331 {strides = array<i32>} : memref<200x64xf32, #tpu.memory_space<vmem>>, vector<16xf32>,
      %add3A_336 = arith.constant 48 : i32
      %add3A_337 = vector.broadcast %add3A_336 : i32 to vector<16xi32>
      %add3A_338 = arith.addi %add3A_337, %iota3A : vector<16xi32>
      %add3A_339 = arith.addi %gather3A_282, %add3A_338 : vector<16xi32>
      %gather3A_340 = tpu.vector_load_idx %arg10[%broadcast_in_dim3A_284, %add3A_339] : memref<208x128xf32, #tpu.memory_space<vmem>>[vector<16xi32>, vector<16xi32>], vector<16xf32>,
      %mul3A_341 = arith.constant 8.000000e+00 : f32
      %mul3A_342 = vector.broadcast %mul3A_341 : f32 to vector<16xf32>
      %mul3A_343 = arith.mulf %gather3A_340, %mul3A_342 : vector<16xf32>
      %get3A_344 = arith.constant 195 : i32
      %get3A_345 = arith.index_cast %get3A_344 : i32 to index
      %get3A_346 = arith.constant 48 : index
      %get3A_347 = tpu.vector_load %arg7[%get3A_345, %get3A_346] {strides = array<i32>} : memref<200x64xf32, #tpu.memory_space<vmem>>, vector<16xf32>,
      %add3A_348 = arith.addf %mul3A_343, %get3A_347 : vector<16xf32>
      %swap3A_349 = arith.constant 195 : i32
      %swap3A_350 = arith.index_cast %swap3A_349 : i32 to index
      %swap3A_351 = arith.constant 48 : index
      %swap3A_352 = tpu.vector_load %arg12[%swap3A_350, %swap3A_351] {strides = array<i32>} : memref<200x64xf32, #tpu.memory_space<vmem>>, vector<16xf32>,
      tpu.vector_store %arg12[%swap3A_350, %swap3A_351], %add3A_348 {strides = array<i32>} : memref<200x64xf32, #tpu.memory_space<vmem>>, vector<16xf32>,
      %broadcast_in_dim3A_353 = arith.constant 4 : i32
      %broadcast_in_dim3A_354 = vector.broadcast %broadcast_in_dim3A_353 : i32 to vector<16x1xi32>
      %gather3A_355 = vector.shape_cast %broadcast_in_dim3A_354 : vector<16x1xi32> to vector<16xi32>
      %gather3A_356 = tpu.dynamic_gather %shift_left3A_58[%gather3A_355] in [0] : vector<16xi32>, vector<16xi32> -> vector<16xi32>
      %broadcast_in_dim3A_357 = arith.constant 196 : i32
      %broadcast_in_dim3A_358 = vector.broadcast %broadcast_in_dim3A_357 : i32 to vector<16xi32>
      %add3A_359 = arith.constant 0 : i32
      %add3A_360 = vector.broadcast %add3A_359 : i32 to vector<16xi32>
      %add3A_361 = arith.addi %add3A_360, %iota3A : vector<16xi32>
      %add3A_362 = arith.addi %gather3A_356, %add3A_361 : vector<16xi32>
      %gather3A_363 = tpu.vector_load_idx %arg10[%broadcast_in_dim3A_358, %add3A_362] : memref<208x128xf32, #tpu.memory_space<vmem>>[vector<16xi32>, vector<16xi32>], vector<16xf32>,
      %mul3A_364 = arith.constant 8.000000e+00 : f32
      %mul3A_365 = vector.broadcast %mul3A_364 : f32 to vector<16xf32>
      %mul3A_366 = arith.mulf %gather3A_363, %mul3A_365 : vector<16xf32>
      %get3A_367 = arith.constant 196 : i32
      %get3A_368 = arith.index_cast %get3A_367 : i32 to index
      %get3A_369 = arith.constant 0 : index
      %get3A_370 = tpu.vector_load %arg7[%get3A_368, %get3A_369] {strides = array<i32>} : memref<200x64xf32, #tpu.memory_space<vmem>>, vector<16xf32>,
      %add3A_371 = arith.addf %mul3A_366, %get3A_370 : vector<16xf32>
      %swap3A_372 = arith.constant 196 : i32
      %swap3A_373 = arith.index_cast %swap3A_372 : i32 to index
      %swap3A_374 = arith.constant 0 : index
      %swap3A_375 = tpu.vector_load %arg12[%swap3A_373, %swap3A_374] {strides = array<i32>} : memref<200x64xf32, #tpu.memory_space<vmem>>, vector<16xf32>,
      tpu.vector_store %arg12[%swap3A_373, %swap3A_374], %add3A_371 {strides = array<i32>} : memref<200x64xf32, #tpu.memory_space<vmem>>, vector<16xf32>,
      %add3A_376 = arith.constant 16 : i32
      %add3A_377 = vector.broadcast %add3A_376 : i32 to vector<16xi32>
      %add3A_378 = arith.addi %add3A_377, %iota3A : vector<16xi32>
      %add3A_379 = arith.addi %gather3A_356, %add3A_378 : vector<16xi32>
      %gather3A_380 = tpu.vector_load_idx %arg10[%broadcast_in_dim3A_358, %add3A_379] : memref<208x128xf32, #tpu.memory_space<vmem>>[vector<16xi32>, vector<16xi32>], vector<16xf32>,
      %mul3A_381 = arith.constant 8.000000e+00 : f32
      %mul3A_382 = vector.broadcast %mul3A_381 : f32 to vector<16xf32>
      %mul3A_383 = arith.mulf %gather3A_380, %mul3A_382 : vector<16xf32>
      %get3A_384 = arith.constant 196 : i32
      %get3A_385 = arith.index_cast %get3A_384 : i32 to index
      %get3A_386 = arith.constant 16 : index
      %get3A_387 = tpu.vector_load %arg7[%get3A_385, %get3A_386] {strides = array<i32>} : memref<200x64xf32, #tpu.memory_space<vmem>>, vector<16xf32>,
      %add3A_388 = arith.addf %mul3A_383, %get3A_387 : vector<16xf32>
      %swap3A_389 = arith.constant 196 : i32
      %swap3A_390 = arith.index_cast %swap3A_389 : i32 to index
      %swap3A_391 = arith.constant 16 : index
      %swap3A_392 = tpu.vector_load %arg12[%swap3A_390, %swap3A_391] {strides = array<i32>} : memref<200x64xf32, #tpu.memory_space<vmem>>, vector<16xf32>,
      tpu.vector_store %arg12[%swap3A_390, %swap3A_391], %add3A_388 {strides = array<i32>} : memref<200x64xf32, #tpu.memory_space<vmem>>, vector<16xf32>,
      %add3A_393 = arith.constant 32 : i32
      %add3A_394 = vector.broadcast %add3A_393 : i32 to vector<16xi32>
      %add3A_395 = arith.addi %add3A_394, %iota3A : vector<16xi32>
      %add3A_396 = arith.addi %gather3A_356, %add3A_395 : vector<16xi32>
      %gather3A_397 = tpu.vector_load_idx %arg10[%broadcast_in_dim3A_358, %add3A_396] : memref<208x128xf32, #tpu.memory_space<vmem>>[vector<16xi32>, vector<16xi32>], vector<16xf32>,
      %mul3A_398 = arith.constant 8.000000e+00 : f32
      %mul3A_399 = vector.broadcast %mul3A_398 : f32 to vector<16xf32>
      %mul3A_400 = arith.mulf %gather3A_397, %mul3A_399 : vector<16xf32>
      %get3A_401 = arith.constant 196 : i32
      %get3A_402 = arith.index_cast %get3A_401 : i32 to index
      %get3A_403 = arith.constant 32 : index
      %get3A_404 = tpu.vector_load %arg7[%get3A_402, %get3A_403] {strides = array<i32>} : memref<200x64xf32, #tpu.memory_space<vmem>>, vector<16xf32>,
      %add3A_405 = arith.addf %mul3A_400, %get3A_404 : vector<16xf32>
      %swap3A_406 = arith.constant 196 : i32
      %swap3A_407 = arith.index_cast %swap3A_406 : i32 to index
      %swap3A_408 = arith.constant 32 : index
      %swap3A_409 = tpu.vector_load %arg12[%swap3A_407, %swap3A_408] {strides = array<i32>} : memref<200x64xf32, #tpu.memory_space<vmem>>, vector<16xf32>,
      tpu.vector_store %arg12[%swap3A_407, %swap3A_408], %add3A_405 {strides = array<i32>} : memref<200x64xf32, #tpu.memory_space<vmem>>, vector<16xf32>,
      %add3A_410 = arith.constant 48 : i32
      %add3A_411 = vector.broadcast %add3A_410 : i32 to vector<16xi32>
      %add3A_412 = arith.addi %add3A_411, %iota3A : vector<16xi32>
      %add3A_413 = arith.addi %gather3A_356, %add3A_412 : vector<16xi32>
      %gather3A_414 = tpu.vector_load_idx %arg10[%broadcast_in_dim3A_358, %add3A_413] : memref<208x128xf32, #tpu.memory_space<vmem>>[vector<16xi32>, vector<16xi32>], vector<16xf32>,
      %mul3A_415 = arith.constant 8.000000e+00 : f32
      %mul3A_416 = vector.broadcast %mul3A_415 : f32 to vector<16xf32>
      %mul3A_417 = arith.mulf %gather3A_414, %mul3A_416 : vector<16xf32>
      %get3A_418 = arith.constant 196 : i32
      %get3A_419 = arith.index_cast %get3A_418 : i32 to index
      %get3A_420 = arith.constant 48 : index
      %get3A_421 = tpu.vector_load %arg7[%get3A_419, %get3A_420] {strides = array<i32>} : memref<200x64xf32, #tpu.memory_space<vmem>>, vector<16xf32>,
      %add3A_422 = arith.addf %mul3A_417, %get3A_421 : vector<16xf32>
      %swap3A_423 = arith.constant 196 : i32
      %swap3A_424 = arith.index_cast %swap3A_423 : i32 to index
      %swap3A_425 = arith.constant 48 : index
      %swap3A_426 = tpu.vector_load %arg12[%swap3A_424, %swap3A_425] {strides = array<i32>} : memref<200x64xf32, #tpu.memory_space<vmem>>, vector<16xf32>,
      tpu.vector_store %arg12[%swap3A_424, %swap3A_425], %add3A_422 {strides = array<i32>} : memref<200x64xf32, #tpu.memory_space<vmem>>, vector<16xf32>,
      %broadcast_in_dim3A_427 = arith.constant 5 : i32
      %broadcast_in_dim3A_428 = vector.broadcast %broadcast_in_dim3A_427 : i32 to vector<16x1xi32>
      %gather3A_429 = vector.shape_cast %broadcast_in_dim3A_428 : vector<16x1xi32> to vector<16xi32>
      %gather3A_430 = tpu.dynamic_gather %shift_left3A_58[%gather3A_429] in [0] : vector<16xi32>, vector<16xi32> -> vector<16xi32>
      %broadcast_in_dim3A_431 = arith.constant 197 : i32
      %broadcast_in_dim3A_432 = vector.broadcast %broadcast_in_dim3A_431 : i32 to vector<16xi32>
      %add3A_433 = arith.constant 0 : i32
      %add3A_434 = vector.broadcast %add3A_433 : i32 to vector<16xi32>
      %add3A_435 = arith.addi %add3A_434, %iota3A : vector<16xi32>
      %add3A_436 = arith.addi %gather3A_430, %add3A_435 : vector<16xi32>
      %gather3A_437 = tpu.vector_load_idx %arg10[%broadcast_in_dim3A_432, %add3A_436] : memref<208x128xf32, #tpu.memory_space<vmem>>[vector<16xi32>, vector<16xi32>], vector<16xf32>,
      %mul3A_438 = arith.constant 8.000000e+00 : f32
      %mul3A_439 = vector.broadcast %mul3A_438 : f32 to vector<16xf32>
      %mul3A_440 = arith.mulf %gather3A_437, %mul3A_439 : vector<16xf32>
      %get3A_441 = arith.constant 197 : i32
      %get3A_442 = arith.index_cast %get3A_441 : i32 to index
      %get3A_443 = arith.constant 0 : index
      %get3A_444 = tpu.vector_load %arg7[%get3A_442, %get3A_443] {strides = array<i32>} : memref<200x64xf32, #tpu.memory_space<vmem>>, vector<16xf32>,
      %add3A_445 = arith.addf %mul3A_440, %get3A_444 : vector<16xf32>
      %swap3A_446 = arith.constant 197 : i32
      %swap3A_447 = arith.index_cast %swap3A_446 : i32 to index
      %swap3A_448 = arith.constant 0 : index
      %swap3A_449 = tpu.vector_load %arg12[%swap3A_447, %swap3A_448] {strides = array<i32>} : memref<200x64xf32, #tpu.memory_space<vmem>>, vector<16xf32>,
      tpu.vector_store %arg12[%swap3A_447, %swap3A_448], %add3A_445 {strides = array<i32>} : memref<200x64xf32, #tpu.memory_space<vmem>>, vector<16xf32>,
      %add3A_450 = arith.constant 16 : i32
      %add3A_451 = vector.broadcast %add3A_450 : i32 to vector<16xi32>
      %add3A_452 = arith.addi %add3A_451, %iota3A : vector<16xi32>
      %add3A_453 = arith.addi %gather3A_430, %add3A_452 : vector<16xi32>
      %gather3A_454 = tpu.vector_load_idx %arg10[%broadcast_in_dim3A_432, %add3A_453] : memref<208x128xf32, #tpu.memory_space<vmem>>[vector<16xi32>, vector<16xi32>], vector<16xf32>,
      %mul3A_455 = arith.constant 8.000000e+00 : f32
      %mul3A_456 = vector.broadcast %mul3A_455 : f32 to vector<16xf32>
      %mul3A_457 = arith.mulf %gather3A_454, %mul3A_456 : vector<16xf32>
      %get3A_458 = arith.constant 197 : i32
      %get3A_459 = arith.index_cast %get3A_458 : i32 to index
      %get3A_460 = arith.constant 16 : index
      %get3A_461 = tpu.vector_load %arg7[%get3A_459, %get3A_460] {strides = array<i32>} : memref<200x64xf32, #tpu.memory_space<vmem>>, vector<16xf32>,
      %add3A_462 = arith.addf %mul3A_457, %get3A_461 : vector<16xf32>
      %swap3A_463 = arith.constant 197 : i32
      %swap3A_464 = arith.index_cast %swap3A_463 : i32 to index
      %swap3A_465 = arith.constant 16 : index
      %swap3A_466 = tpu.vector_load %arg12[%swap3A_464, %swap3A_465] {strides = array<i32>} : memref<200x64xf32, #tpu.memory_space<vmem>>, vector<16xf32>,
      tpu.vector_store %arg12[%swap3A_464, %swap3A_465], %add3A_462 {strides = array<i32>} : memref<200x64xf32, #tpu.memory_space<vmem>>, vector<16xf32>,
      %add3A_467 = arith.constant 32 : i32
      %add3A_468 = vector.broadcast %add3A_467 : i32 to vector<16xi32>
      %add3A_469 = arith.addi %add3A_468, %iota3A : vector<16xi32>
      %add3A_470 = arith.addi %gather3A_430, %add3A_469 : vector<16xi32>
      %gather3A_471 = tpu.vector_load_idx %arg10[%broadcast_in_dim3A_432, %add3A_470] : memref<208x128xf32, #tpu.memory_space<vmem>>[vector<16xi32>, vector<16xi32>], vector<16xf32>,
      %mul3A_472 = arith.constant 8.000000e+00 : f32
      %mul3A_473 = vector.broadcast %mul3A_472 : f32 to vector<16xf32>
      %mul3A_474 = arith.mulf %gather3A_471, %mul3A_473 : vector<16xf32>
      %get3A_475 = arith.constant 197 : i32
      %get3A_476 = arith.index_cast %get3A_475 : i32 to index
      %get3A_477 = arith.constant 32 : index
      %get3A_478 = tpu.vector_load %arg7[%get3A_476, %get3A_477] {strides = array<i32>} : memref<200x64xf32, #tpu.memory_space<vmem>>, vector<16xf32>,
      %add3A_479 = arith.addf %mul3A_474, %get3A_478 : vector<16xf32>
      %swap3A_480 = arith.constant 197 : i32
      %swap3A_481 = arith.index_cast %swap3A_480 : i32 to index
      %swap3A_482 = arith.constant 32 : index
      %swap3A_483 = tpu.vector_load %arg12[%swap3A_481, %swap3A_482] {strides = array<i32>} : memref<200x64xf32, #tpu.memory_space<vmem>>, vector<16xf32>,
      tpu.vector_store %arg12[%swap3A_481, %swap3A_482], %add3A_479 {strides = array<i32>} : memref<200x64xf32, #tpu.memory_space<vmem>>, vector<16xf32>,
      %add3A_484 = arith.constant 48 : i32
      %add3A_485 = vector.broadcast %add3A_484 : i32 to vector<16xi32>
      %add3A_486 = arith.addi %add3A_485, %iota3A : vector<16xi32>
      %add3A_487 = arith.addi %gather3A_430, %add3A_486 : vector<16xi32>
      %gather3A_488 = tpu.vector_load_idx %arg10[%broadcast_in_dim3A_432, %add3A_487] : memref<208x128xf32, #tpu.memory_space<vmem>>[vector<16xi32>, vector<16xi32>], vector<16xf32>,
      %mul3A_489 = arith.constant 8.000000e+00 : f32
      %mul3A_490 = vector.broadcast %mul3A_489 : f32 to vector<16xf32>
      %mul3A_491 = arith.mulf %gather3A_488, %mul3A_490 : vector<16xf32>
      %get3A_492 = arith.constant 197 : i32
      %get3A_493 = arith.index_cast %get3A_492 : i32 to index
      %get3A_494 = arith.constant 48 : index
      %get3A_495 = tpu.vector_load %arg7[%get3A_493, %get3A_494] {strides = array<i32>} : memref<200x64xf32, #tpu.memory_space<vmem>>, vector<16xf32>,
      %add3A_496 = arith.addf %mul3A_491, %get3A_495 : vector<16xf32>
      %swap3A_497 = arith.constant 197 : i32
      %swap3A_498 = arith.index_cast %swap3A_497 : i32 to index
      %swap3A_499 = arith.constant 48 : index
      %swap3A_500 = tpu.vector_load %arg12[%swap3A_498, %swap3A_499] {strides = array<i32>} : memref<200x64xf32, #tpu.memory_space<vmem>>, vector<16xf32>,
      tpu.vector_store %arg12[%swap3A_498, %swap3A_499], %add3A_496 {strides = array<i32>} : memref<200x64xf32, #tpu.memory_space<vmem>>, vector<16xf32>,
      %broadcast_in_dim3A_501 = arith.constant 6 : i32
      %broadcast_in_dim3A_502 = vector.broadcast %broadcast_in_dim3A_501 : i32 to vector<16x1xi32>
      %gather3A_503 = vector.shape_cast %broadcast_in_dim3A_502 : vector<16x1xi32> to vector<16xi32>
      %gather3A_504 = tpu.dynamic_gather %shift_left3A_58[%gather3A_503] in [0] : vector<16xi32>, vector<16xi32> -> vector<16xi32>
      %broadcast_in_dim3A_505 = arith.constant 198 : i32
      %broadcast_in_dim3A_506 = vector.broadcast %broadcast_in_dim3A_505 : i32 to vector<16xi32>
      %add3A_507 = arith.constant 0 : i32
      %add3A_508 = vector.broadcast %add3A_507 : i32 to vector<16xi32>
      %add3A_509 = arith.addi %add3A_508, %iota3A : vector<16xi32>
      %add3A_510 = arith.addi %gather3A_504, %add3A_509 : vector<16xi32>
      %gather3A_511 = tpu.vector_load_idx %arg10[%broadcast_in_dim3A_506, %add3A_510] : memref<208x128xf32, #tpu.memory_space<vmem>>[vector<16xi32>, vector<16xi32>], vector<16xf32>,
      %mul3A_512 = arith.constant 8.000000e+00 : f32
      %mul3A_513 = vector.broadcast %mul3A_512 : f32 to vector<16xf32>
      %mul3A_514 = arith.mulf %gather3A_511, %mul3A_513 : vector<16xf32>
      %get3A_515 = arith.constant 198 : i32
      %get3A_516 = arith.index_cast %get3A_515 : i32 to index
      %get3A_517 = arith.constant 0 : index
      %get3A_518 = tpu.vector_load %arg7[%get3A_516, %get3A_517] {strides = array<i32>} : memref<200x64xf32, #tpu.memory_space<vmem>>, vector<16xf32>,
      %add3A_519 = arith.addf %mul3A_514, %get3A_518 : vector<16xf32>
      %swap3A_520 = arith.constant 198 : i32
      %swap3A_521 = arith.index_cast %swap3A_520 : i32 to index
      %swap3A_522 = arith.constant 0 : index
      %swap3A_523 = tpu.vector_load %arg12[%swap3A_521, %swap3A_522] {strides = array<i32>} : memref<200x64xf32, #tpu.memory_space<vmem>>, vector<16xf32>,
      tpu.vector_store %arg12[%swap3A_521, %swap3A_522], %add3A_519 {strides = array<i32>} : memref<200x64xf32, #tpu.memory_space<vmem>>, vector<16xf32>,
      %add3A_524 = arith.constant 16 : i32
      %add3A_525 = vector.broadcast %add3A_524 : i32 to vector<16xi32>
      %add3A_526 = arith.addi %add3A_525, %iota3A : vector<16xi32>
      %add3A_527 = arith.addi %gather3A_504, %add3A_526 : vector<16xi32>
      %gather3A_528 = tpu.vector_load_idx %arg10[%broadcast_in_dim3A_506, %add3A_527] : memref<208x128xf32, #tpu.memory_space<vmem>>[vector<16xi32>, vector<16xi32>], vector<16xf32>,
      %mul3A_529 = arith.constant 8.000000e+00 : f32
      %mul3A_530 = vector.broadcast %mul3A_529 : f32 to vector<16xf32>
      %mul3A_531 = arith.mulf %gather3A_528, %mul3A_530 : vector<16xf32>
      %get3A_532 = arith.constant 198 : i32
      %get3A_533 = arith.index_cast %get3A_532 : i32 to index
      %get3A_534 = arith.constant 16 : index
      %get3A_535 = tpu.vector_load %arg7[%get3A_533, %get3A_534] {strides = array<i32>} : memref<200x64xf32, #tpu.memory_space<vmem>>, vector<16xf32>,
      %add3A_536 = arith.addf %mul3A_531, %get3A_535 : vector<16xf32>
      %swap3A_537 = arith.constant 198 : i32
      %swap3A_538 = arith.index_cast %swap3A_537 : i32 to index
      %swap3A_539 = arith.constant 16 : index
      %swap3A_540 = tpu.vector_load %arg12[%swap3A_538, %swap3A_539] {strides = array<i32>} : memref<200x64xf32, #tpu.memory_space<vmem>>, vector<16xf32>,
      tpu.vector_store %arg12[%swap3A_538, %swap3A_539], %add3A_536 {strides = array<i32>} : memref<200x64xf32, #tpu.memory_space<vmem>>, vector<16xf32>,
      %add3A_541 = arith.constant 32 : i32
      %add3A_542 = vector.broadcast %add3A_541 : i32 to vector<16xi32>
      %add3A_543 = arith.addi %add3A_542, %iota3A : vector<16xi32>
      %add3A_544 = arith.addi %gather3A_504, %add3A_543 : vector<16xi32>
      %gather3A_545 = tpu.vector_load_idx %arg10[%broadcast_in_dim3A_506, %add3A_544] : memref<208x128xf32, #tpu.memory_space<vmem>>[vector<16xi32>, vector<16xi32>], vector<16xf32>,
      %mul3A_546 = arith.constant 8.000000e+00 : f32
      %mul3A_547 = vector.broadcast %mul3A_546 : f32 to vector<16xf32>
      %mul3A_548 = arith.mulf %gather3A_545, %mul3A_547 : vector<16xf32>
      %get3A_549 = arith.constant 198 : i32
      %get3A_550 = arith.index_cast %get3A_549 : i32 to index
      %get3A_551 = arith.constant 32 : index
      %get3A_552 = tpu.vector_load %arg7[%get3A_550, %get3A_551] {strides = array<i32>} : memref<200x64xf32, #tpu.memory_space<vmem>>, vector<16xf32>,
      %add3A_553 = arith.addf %mul3A_548, %get3A_552 : vector<16xf32>
      %swap3A_554 = arith.constant 198 : i32
      %swap3A_555 = arith.index_cast %swap3A_554 : i32 to index
      %swap3A_556 = arith.constant 32 : index
      %swap3A_557 = tpu.vector_load %arg12[%swap3A_555, %swap3A_556] {strides = array<i32>} : memref<200x64xf32, #tpu.memory_space<vmem>>, vector<16xf32>,
      tpu.vector_store %arg12[%swap3A_555, %swap3A_556], %add3A_553 {strides = array<i32>} : memref<200x64xf32, #tpu.memory_space<vmem>>, vector<16xf32>,
      %add3A_558 = arith.constant 48 : i32
      %add3A_559 = vector.broadcast %add3A_558 : i32 to vector<16xi32>
      %add3A_560 = arith.addi %add3A_559, %iota3A : vector<16xi32>
      %add3A_561 = arith.addi %gather3A_504, %add3A_560 : vector<16xi32>
      %gather3A_562 = tpu.vector_load_idx %arg10[%broadcast_in_dim3A_506, %add3A_561] : memref<208x128xf32, #tpu.memory_space<vmem>>[vector<16xi32>, vector<16xi32>], vector<16xf32>,
      %mul3A_563 = arith.constant 8.000000e+00 : f32
      %mul3A_564 = vector.broadcast %mul3A_563 : f32 to vector<16xf32>
      %mul3A_565 = arith.mulf %gather3A_562, %mul3A_564 : vector<16xf32>
      %get3A_566 = arith.constant 198 : i32
      %get3A_567 = arith.index_cast %get3A_566 : i32 to index
      %get3A_568 = arith.constant 48 : index
      %get3A_569 = tpu.vector_load %arg7[%get3A_567, %get3A_568] {strides = array<i32>} : memref<200x64xf32, #tpu.memory_space<vmem>>, vector<16xf32>,
      %add3A_570 = arith.addf %mul3A_565, %get3A_569 : vector<16xf32>
      %swap3A_571 = arith.constant 198 : i32
      %swap3A_572 = arith.index_cast %swap3A_571 : i32 to index
      %swap3A_573 = arith.constant 48 : index
      %swap3A_574 = tpu.vector_load %arg12[%swap3A_572, %swap3A_573] {strides = array<i32>} : memref<200x64xf32, #tpu.memory_space<vmem>>, vector<16xf32>,
      tpu.vector_store %arg12[%swap3A_572, %swap3A_573], %add3A_570 {strides = array<i32>} : memref<200x64xf32, #tpu.memory_space<vmem>>, vector<16xf32>,
      %broadcast_in_dim3A_575 = arith.constant 7 : i32
      %broadcast_in_dim3A_576 = vector.broadcast %broadcast_in_dim3A_575 : i32 to vector<16x1xi32>
      %gather3A_577 = vector.shape_cast %broadcast_in_dim3A_576 : vector<16x1xi32> to vector<16xi32>
      %gather3A_578 = tpu.dynamic_gather %shift_left3A_58[%gather3A_577] in [0] : vector<16xi32>, vector<16xi32> -> vector<16xi32>
      %broadcast_in_dim3A_579 = arith.constant 199 : i32
      %broadcast_in_dim3A_580 = vector.broadcast %broadcast_in_dim3A_579 : i32 to vector<16xi32>
      %add3A_581 = arith.constant 0 : i32
      %add3A_582 = vector.broadcast %add3A_581 : i32 to vector<16xi32>
      %add3A_583 = arith.addi %add3A_582, %iota3A : vector<16xi32>
      %add3A_584 = arith.addi %gather3A_578, %add3A_583 : vector<16xi32>
      %gather3A_585 = tpu.vector_load_idx %arg10[%broadcast_in_dim3A_580, %add3A_584] : memref<208x128xf32, #tpu.memory_space<vmem>>[vector<16xi32>, vector<16xi32>], vector<16xf32>,
      %mul3A_586 = arith.constant 8.000000e+00 : f32
      %mul3A_587 = vector.broadcast %mul3A_586 : f32 to vector<16xf32>
      %mul3A_588 = arith.mulf %gather3A_585, %mul3A_587 : vector<16xf32>
      %get3A_589 = arith.constant 199 : i32
      %get3A_590 = arith.index_cast %get3A_589 : i32 to index
      %get3A_591 = arith.constant 0 : index
      %get3A_592 = tpu.vector_load %arg7[%get3A_590, %get3A_591] {strides = array<i32>} : memref<200x64xf32, #tpu.memory_space<vmem>>, vector<16xf32>,
      %add3A_593 = arith.addf %mul3A_588, %get3A_592 : vector<16xf32>
      %swap3A_594 = arith.constant 199 : i32
      %swap3A_595 = arith.index_cast %swap3A_594 : i32 to index
      %swap3A_596 = arith.constant 0 : index
      %swap3A_597 = tpu.vector_load %arg12[%swap3A_595, %swap3A_596] {strides = array<i32>} : memref<200x64xf32, #tpu.memory_space<vmem>>, vector<16xf32>,
      tpu.vector_store %arg12[%swap3A_595, %swap3A_596], %add3A_593 {strides = array<i32>} : memref<200x64xf32, #tpu.memory_space<vmem>>, vector<16xf32>,
      %add3A_598 = arith.constant 16 : i32
      %add3A_599 = vector.broadcast %add3A_598 : i32 to vector<16xi32>
      %add3A_600 = arith.addi %add3A_599, %iota3A : vector<16xi32>
      %add3A_601 = arith.addi %gather3A_578, %add3A_600 : vector<16xi32>
      %gather3A_602 = tpu.vector_load_idx %arg10[%broadcast_in_dim3A_580, %add3A_601] : memref<208x128xf32, #tpu.memory_space<vmem>>[vector<16xi32>, vector<16xi32>], vector<16xf32>,
      %mul3A_603 = arith.constant 8.000000e+00 : f32
      %mul3A_604 = vector.broadcast %mul3A_603 : f32 to vector<16xf32>
      %mul3A_605 = arith.mulf %gather3A_602, %mul3A_604 : vector<16xf32>
      %get3A_606 = arith.constant 199 : i32
      %get3A_607 = arith.index_cast %get3A_606 : i32 to index
      %get3A_608 = arith.constant 16 : index
      %get3A_609 = tpu.vector_load %arg7[%get3A_607, %get3A_608] {strides = array<i32>} : memref<200x64xf32, #tpu.memory_space<vmem>>, vector<16xf32>,
      %add3A_610 = arith.addf %mul3A_605, %get3A_609 : vector<16xf32>
      %swap3A_611 = arith.constant 199 : i32
      %swap3A_612 = arith.index_cast %swap3A_611 : i32 to index
      %swap3A_613 = arith.constant 16 : index
      %swap3A_614 = tpu.vector_load %arg12[%swap3A_612, %swap3A_613] {strides = array<i32>} : memref<200x64xf32, #tpu.memory_space<vmem>>, vector<16xf32>,
      tpu.vector_store %arg12[%swap3A_612, %swap3A_613], %add3A_610 {strides = array<i32>} : memref<200x64xf32, #tpu.memory_space<vmem>>, vector<16xf32>,
      %add3A_615 = arith.constant 32 : i32
      %add3A_616 = vector.broadcast %add3A_615 : i32 to vector<16xi32>
      %add3A_617 = arith.addi %add3A_616, %iota3A : vector<16xi32>
      %add3A_618 = arith.addi %gather3A_578, %add3A_617 : vector<16xi32>
      %gather3A_619 = tpu.vector_load_idx %arg10[%broadcast_in_dim3A_580, %add3A_618] : memref<208x128xf32, #tpu.memory_space<vmem>>[vector<16xi32>, vector<16xi32>], vector<16xf32>,
      %mul3A_620 = arith.constant 8.000000e+00 : f32
      %mul3A_621 = vector.broadcast %mul3A_620 : f32 to vector<16xf32>
      %mul3A_622 = arith.mulf %gather3A_619, %mul3A_621 : vector<16xf32>
      %get3A_623 = arith.constant 199 : i32
      %get3A_624 = arith.index_cast %get3A_623 : i32 to index
      %get3A_625 = arith.constant 32 : index
      %get3A_626 = tpu.vector_load %arg7[%get3A_624, %get3A_625] {strides = array<i32>} : memref<200x64xf32, #tpu.memory_space<vmem>>, vector<16xf32>,
      %add3A_627 = arith.addf %mul3A_622, %get3A_626 : vector<16xf32>
      %swap3A_628 = arith.constant 199 : i32
      %swap3A_629 = arith.index_cast %swap3A_628 : i32 to index
      %swap3A_630 = arith.constant 32 : index
      %swap3A_631 = tpu.vector_load %arg12[%swap3A_629, %swap3A_630] {strides = array<i32>} : memref<200x64xf32, #tpu.memory_space<vmem>>, vector<16xf32>,
      tpu.vector_store %arg12[%swap3A_629, %swap3A_630], %add3A_627 {strides = array<i32>} : memref<200x64xf32, #tpu.memory_space<vmem>>, vector<16xf32>,
      %add3A_632 = arith.constant 48 : i32
      %add3A_633 = vector.broadcast %add3A_632 : i32 to vector<16xi32>
      %add3A_634 = arith.addi %add3A_633, %iota3A : vector<16xi32>
      %add3A_635 = arith.addi %gather3A_578, %add3A_634 : vector<16xi32>
      %gather3A_636 = tpu.vector_load_idx %arg10[%broadcast_in_dim3A_580, %add3A_635] : memref<208x128xf32, #tpu.memory_space<vmem>>[vector<16xi32>, vector<16xi32>], vector<16xf32>,
      %mul3A_637 = arith.constant 8.000000e+00 : f32
      %mul3A_638 = vector.broadcast %mul3A_637 : f32 to vector<16xf32>
      %mul3A_639 = arith.mulf %gather3A_636, %mul3A_638 : vector<16xf32>
      %get3A_640 = arith.constant 199 : i32
      %get3A_641 = arith.index_cast %get3A_640 : i32 to index
      %get3A_642 = arith.constant 48 : index
      %get3A_643 = tpu.vector_load %arg7[%get3A_641, %get3A_642] {strides = array<i32>} : memref<200x64xf32, #tpu.memory_space<vmem>>, vector<16xf32>,
      %add3A_644 = arith.addf %mul3A_639, %get3A_643 : vector<16xf32>
      %swap3A_645 = arith.constant 199 : i32
      %swap3A_646 = arith.index_cast %swap3A_645 : i32 to index
      %swap3A_647 = arith.constant 48 : index
      %swap3A_648 = tpu.vector_load %arg12[%swap3A_646, %swap3A_647] {strides = array<i32>} : memref<200x64xf32, #tpu.memory_space<vmem>>, vector<16xf32>,
      tpu.vector_store %arg12[%swap3A_646, %swap3A_647], %add3A_644 {strides = array<i32>} : memref<200x64xf32, #tpu.memory_space<vmem>>, vector<16xf32>,
      %add3A_649 = arith.addi %mul3A_2, %add3A_39 : i32
      "tpu.region"() ({
        %run_scoped3A = tpu.sem_alloc : memref<!tpu.dma_semaphore, #tpu.memory_space<semaphore_mem>>
        %dma_start3A_1272 = arith.constant 0 : i32
        %dma_start3A_1273 = arith.constant 0 : i32
        %dma_start3A_1274 = tpu.memref_slice %arg5[%add3A_649, %dma_start3A_1272, %dma_start3A_1273] : memref<4096x200x64xf32, #tpu.memory_space<hbm>> -> memref<1x200x64xf32, #tpu.memory_space<hbm>>
        %dma_start3A_1275 = tpu.memref_squeeze %dma_start3A_1274 : memref<1x200x64xf32, #tpu.memory_space<hbm>> -> memref<200x64xf32, #tpu.memory_space<hbm>>
        %dma_start3A_1276 = arith.constant 0 : i32
        %dma_start3A_1277 = arith.constant 0 : i32
        %dma_start3A_1278 = tpu.memref_slice %arg5[%add3A_649, %dma_start3A_1276, %dma_start3A_1277] : memref<4096x200x64xf32, #tpu.memory_space<hbm>> -> memref<1x200x64xf32, #tpu.memory_space<hbm>>
        %dma_start3A_1279 = tpu.memref_squeeze %dma_start3A_1278 : memref<1x200x64xf32, #tpu.memory_space<hbm>> -> memref<200x64xf32, #tpu.memory_space<hbm>>
        tpu.enqueue_dma source(%arg12 : memref<200x64xf32, #tpu.memory_space<vmem>>) target(%dma_start3A_1279 : memref<200x64xf32, #tpu.memory_space<hbm>>) target_semaphore(%run_scoped3A : memref<!tpu.dma_semaphore, #tpu.memory_space<semaphore_mem>>)
        %dma_wait3A_1280 = arith.constant 0 : i32
        %dma_wait3A_1281 = arith.constant 0 : i32
        %dma_wait3A_1282 = tpu.memref_slice %arg5[%add3A_649, %dma_wait3A_1280, %dma_wait3A_1281] : memref<4096x200x64xf32, #tpu.memory_space<hbm>> -> memref<1x200x64xf32, #tpu.memory_space<hbm>>
        %dma_wait3A_1283 = tpu.memref_squeeze %dma_wait3A_1282 : memref<1x200x64xf32, #tpu.memory_space<hbm>> -> memref<200x64xf32, #tpu.memory_space<hbm>>
        %dma_wait3A_1284 = arith.constant 0 : i32
        %dma_wait3A_1285 = arith.constant 0 : i32
        %dma_wait3A_1286 = tpu.memref_slice %arg5[%add3A_649, %dma_wait3A_1284, %dma_wait3A_1285] : memref<4096x200x64xf32, #tpu.memory_space<hbm>> -> memref<1x200x64xf32, #tpu.memory_space<hbm>>
        %dma_wait3A_1287 = tpu.memref_squeeze %dma_wait3A_1286 : memref<1x200x64xf32, #tpu.memory_space<hbm>> -> memref<200x64xf32, #tpu.memory_space<hbm>>
        tpu.wait_dma2 semaphore(%run_scoped3A : memref<!tpu.dma_semaphore, #tpu.memory_space<semaphore_mem>>) src(%arg12 : memref<200x64xf32, #tpu.memory_space<vmem>>) dst(%dma_wait3A_1287 : memref<200x64xf32, #tpu.memory_space<hbm>>)
        tpu.yield
      }) : () -> ()
      %mul3A_650 = arith.constant 2 : i32
      %mul3A_651 = arith.muli %add3A_35, %mul3A_650 : i32
      %add3A_652 = arith.constant 1 : i32
      %add3A_653 = arith.addi %mul3A_651, %add3A_652 : i32
      %dma_wait3A_654 = arith.constant 0 : i32
      %dma_wait3A_655 = arith.constant 0 : i32
      %dma_wait3A_656 = tpu.memref_slice %arg2[%dma_wait3A_654, %dma_wait3A_655] : memref<500000x128xf32, #tpu.memory_space<hbm>> -> memref<500000x128xf32, #tpu.memory_space<hbm>>
      tpu.wait_indirect_dma semaphore(%arg14 : memref<!tpu.dma_semaphore, #tpu.memory_space<semaphore_mem>>) src(%dma_wait3A_656 : memref<500000x128xf32, #tpu.memory_space<hbm>>) dst(%arg11 : memref<208x128xf32, #tpu.memory_space<vmem>>)
      %add3A_657 = arith.constant 1 : i32
      %add3A_658 = arith.addi %add3A_653, %add3A_657 : i32
      %lt3A_659 = arith.constant 128 : i32
      %lt3A_660 = arith.cmpi slt, %add3A_658, %lt3A_659 : i32
      %convert_element_type3A_661 = arith.extui %lt3A_660 : i1 to i32
      %cond3A_662 = arith.constant 0 : i32
      %cond3A_663 = arith.cmpi ne, %convert_element_type3A_661, %cond3A_662 : i32
      scf.if %cond3A_663 {
        %add3A_1272 = arith.constant 1 : i32
        %add3A_1273 = arith.addi %add3A_653, %add3A_1272 : i32
        %mul3A_1274 = arith.constant 200 : i32
        %mul3A_1275 = arith.muli %add3A_1273, %mul3A_1274 : i32
        %parallel_loop3A_1276 = arith.constant 0 : i32
        %parallel_loop3A_1277 = arith.constant 12 : i32
        %parallel_loop3A_1278 = arith.constant 1 : i32
        scf.for %parallel_loop3A_1310 = %parallel_loop3A_1276 to %parallel_loop3A_1277 step %parallel_loop3A_1278  : i32 {
          %parallel_loop3A_1311 = arith.constant 16 : i32
          %parallel_loop3A_1312 = arith.muli %parallel_loop3A_1310, %parallel_loop3A_1311 : i32
          %parallel_loop3A_1313 = arith.addi %mul3A_1275, %parallel_loop3A_1312 : i32
          %parallel_loop3A_1314 = arith.index_cast %parallel_loop3A_1313 : i32 to index
          %parallel_loop3A_1315 = tpu.vector_load %arg6[%parallel_loop3A_1314] {strides = array<i32>} : memref<25616xi32, #tpu.memory_space<vmem>>, vector<16xi32>,
          %parallel_loop3A_1316 = arith.constant 1 : i32
          %parallel_loop3A_1317 = vector.broadcast %parallel_loop3A_1316 : i32 to vector<16xi32>
          %parallel_loop3A_1318 = arith.shrsi %parallel_loop3A_1315, %parallel_loop3A_1317 : vector<16xi32>
          %parallel_loop3A_1319 = arith.index_cast %parallel_loop3A_1312 : i32 to index
          %parallel_loop3A_1320 = tpu.vector_load %arg8[%parallel_loop3A_1319] {strides = array<i32>} : memref<208xi32, #tpu.memory_space<vmem>>, vector<16xi32>,
          tpu.vector_store %arg8[%parallel_loop3A_1319], %parallel_loop3A_1318 {strides = array<i32>} : memref<208xi32, #tpu.memory_space<vmem>>, vector<16xi32>,
        } {sc.loop_unroll_factor = 4 : i64, sc.parallel_access}
        %add3A_1279 = arith.constant 192 : i32
        %add3A_1280 = arith.addi %mul3A_1275, %add3A_1279 : i32
        %get3A_1281 = arith.index_cast %add3A_1280 : i32 to index
        %get3A_1282 = tpu.vector_load %arg6[%get3A_1281] {strides = array<i32>} : memref<25616xi32, #tpu.memory_space<vmem>>, vector<16xi32>,
        %shift_right_arithmetic3A_1283 = arith.constant 1 : i32
        %shift_right_arithmetic3A_1284 = vector.broadcast %shift_right_arithmetic3A_1283 : i32 to vector<16xi32>
        %shift_right_arithmetic3A_1285 = arith.shrsi %get3A_1282, %shift_right_arithmetic3A_1284 : vector<16xi32>
        %jit3A_1286 = arith.constant 0 : i32
        %jit3A_1287 = arith.constant 499999 : i32
        %max3A_1288 = vector.broadcast %jit3A_1286 : i32 to vector<16xi32>
        %max3A_1289 = arith.maxsi %max3A_1288, %shift_right_arithmetic3A_1285 : vector<16xi32>
        %min3A_1290 = vector.broadcast %jit3A_1287 : i32 to vector<16xi32>
        %min3A_1291 = arith.minsi %min3A_1290, %max3A_1289 : vector<16xi32>
        %swap3A_1292 = arith.constant 192 : index
        %swap3A_1293 = tpu.vector_load %arg8[%swap3A_1292] {strides = array<i32>} : memref<208xi32, #tpu.memory_space<vmem>>, vector<16xi32>,
        tpu.vector_store %arg8[%swap3A_1292], %min3A_1291 {strides = array<i32>} : memref<208xi32, #tpu.memory_space<vmem>>, vector<16xi32>,
        %dma_start3A_1294 = arith.constant 0 : i32
        %dma_start3A_1295 = arith.constant 0 : i32
        %dma_start3A_1296 = tpu.memref_slice %arg10[%dma_start3A_1294, %dma_start3A_1295] : memref<208x128xf32, #tpu.memory_space<vmem>> -> memref<128x128xf32, #tpu.memory_space<vmem>>
        %dma_start3A_1297 = arith.constant 0 : i32
        %dma_start3A_1298 = tpu.memref_slice %arg8[%dma_start3A_1297] : memref<208xi32, #tpu.memory_space<vmem>> -> memref<128xi32, #tpu.memory_space<vmem>>
        %dma_start3A_1299 = arith.constant 0 : i32
        %dma_start3A_1300 = arith.constant 0 : i32
        %dma_start3A_1301 = tpu.memref_slice %arg2[%dma_start3A_1299, %dma_start3A_1300] : memref<500000x128xf32, #tpu.memory_space<hbm>> -> memref<500000x128xf32, #tpu.memory_space<hbm>>
        tpu.enqueue_indirect_dma source(%dma_start3A_1301 : memref<500000x128xf32, #tpu.memory_space<hbm>>) target(%dma_start3A_1296 : memref<128x128xf32, #tpu.memory_space<vmem>>) offsets(%dma_start3A_1298 : memref<128xi32, #tpu.memory_space<vmem>>) semaphore(%arg13 : memref<!tpu.dma_semaphore, #tpu.memory_space<semaphore_mem>>)
        %dma_start3A_1302 = arith.constant 128 : i32
        %dma_start3A_1303 = arith.constant 0 : i32
        %dma_start3A_1304 = tpu.memref_slice %arg10[%dma_start3A_1302, %dma_start3A_1303] : memref<208x128xf32, #tpu.memory_space<vmem>> -> memref<80x128xf32, #tpu.memory_space<vmem>>
        %dma_start3A_1305 = arith.constant 128 : i32
        %dma_start3A_1306 = tpu.memref_slice %arg8[%dma_start3A_1305] : memref<208xi32, #tpu.memory_space<vmem>> -> memref<80xi32, #tpu.memory_space<vmem>>
        %dma_start3A_1307 = arith.constant 0 : i32
        %dma_start3A_1308 = arith.constant 0 : i32
        %dma_start3A_1309 = tpu.memref_slice %arg2[%dma_start3A_1307, %dma_start3A_1308] : memref<500000x128xf32, #tpu.memory_space<hbm>> -> memref<500000x128xf32, #tpu.memory_space<hbm>>
        tpu.enqueue_indirect_dma source(%dma_start3A_1309 : memref<500000x128xf32, #tpu.memory_space<hbm>>) target(%dma_start3A_1304 : memref<80x128xf32, #tpu.memory_space<vmem>>) offsets(%dma_start3A_1306 : memref<80xi32, #tpu.memory_space<vmem>>) semaphore(%arg13 : memref<!tpu.dma_semaphore, #tpu.memory_space<semaphore_mem>>)
      } else {
      }
      %mul3A_664 = arith.constant 200 : i32
      %mul3A_665 = arith.muli %add3A_653, %mul3A_664 : i32
      %parallel_loop3A_666 = arith.constant 0 : i32
      %parallel_loop3A_667 = arith.constant 12 : i32
      %parallel_loop3A_668 = arith.constant 1 : i32
      scf.for %parallel_loop3A_1272 = %parallel_loop3A_666 to %parallel_loop3A_667 step %parallel_loop3A_668  : i32 {
        %parallel_loop3A_1273 = arith.constant 16 : i32
        %parallel_loop3A_1274 = arith.muli %parallel_loop3A_1272, %parallel_loop3A_1273 : i32
        %parallel_loop3A_1275 = arith.addi %mul3A_665, %parallel_loop3A_1274 : i32
        %parallel_loop3A_1276 = arith.index_cast %parallel_loop3A_1275 : i32 to index
        %parallel_loop3A_1277 = tpu.vector_load %arg6[%parallel_loop3A_1276] {strides = array<i32>} : memref<25616xi32, #tpu.memory_space<vmem>>, vector<16xi32>,
        %parallel_loop3A_1278 = arith.constant 1 : i32
        %parallel_loop3A_1279 = vector.broadcast %parallel_loop3A_1278 : i32 to vector<16xi32>
        %parallel_loop3A_1280 = arith.andi %parallel_loop3A_1277, %parallel_loop3A_1279 : vector<16xi32>
        %parallel_loop3A_1281 = arith.constant 6 : i32
        %parallel_loop3A_1282 = vector.broadcast %parallel_loop3A_1281 : i32 to vector<16xi32>
        %parallel_loop3A_1283 = arith.shli %parallel_loop3A_1280, %parallel_loop3A_1282 : vector<16xi32>
        %parallel_loop3A_1284 = arith.constant 0 : i32
        %parallel_loop3A_1285 = arith.addi %parallel_loop3A_1274, %parallel_loop3A_1284 : i32
        %parallel_loop3A_1286 = arith.constant 0 : i32
        %parallel_loop3A_1287 = vector.broadcast %parallel_loop3A_1286 : i32 to vector<16x1xi32>
        %parallel_loop3A_1288 = vector.shape_cast %parallel_loop3A_1287 : vector<16x1xi32> to vector<16xi32>
        %parallel_loop3A_1289 = tpu.dynamic_gather %parallel_loop3A_1283[%parallel_loop3A_1288] in [0] : vector<16xi32>, vector<16xi32> -> vector<16xi32>
        %parallel_loop3A_1290 = vector.broadcast %parallel_loop3A_1285 : i32 to vector<16xi32>
        %parallel_loop3A_1291 = arith.constant 0 : i32
        %parallel_loop3A_1292 = vector.broadcast %parallel_loop3A_1291 : i32 to vector<16xi32>
        %parallel_loop3A_1293 = arith.addi %parallel_loop3A_1292, %iota3A : vector<16xi32>
        %parallel_loop3A_1294 = arith.addi %parallel_loop3A_1289, %parallel_loop3A_1293 : vector<16xi32>
        %parallel_loop3A_1295 = tpu.vector_load_idx %arg11[%parallel_loop3A_1290, %parallel_loop3A_1294] : memref<208x128xf32, #tpu.memory_space<vmem>>[vector<16xi32>, vector<16xi32>], vector<16xf32>,
        %parallel_loop3A_1296 = arith.constant 8.000000e+00 : f32
        %parallel_loop3A_1297 = vector.broadcast %parallel_loop3A_1296 : f32 to vector<16xf32>
        %parallel_loop3A_1298 = arith.mulf %parallel_loop3A_1295, %parallel_loop3A_1297 : vector<16xf32>
        %parallel_loop3A_1299 = arith.index_cast %parallel_loop3A_1285 : i32 to index
        %parallel_loop3A_1300 = arith.constant 0 : index
        %parallel_loop3A_1301 = tpu.vector_load %arg7[%parallel_loop3A_1299, %parallel_loop3A_1300] {strides = array<i32>} : memref<200x64xf32, #tpu.memory_space<vmem>>, vector<16xf32>,
        %parallel_loop3A_1302 = arith.addf %parallel_loop3A_1298, %parallel_loop3A_1301 : vector<16xf32>
        %parallel_loop3A_1303 = arith.index_cast %parallel_loop3A_1285 : i32 to index
        %parallel_loop3A_1304 = arith.constant 0 : index
        %parallel_loop3A_1305 = tpu.vector_load %arg12[%parallel_loop3A_1303, %parallel_loop3A_1304] {strides = array<i32>} : memref<200x64xf32, #tpu.memory_space<vmem>>, vector<16xf32>,
        tpu.vector_store %arg12[%parallel_loop3A_1303, %parallel_loop3A_1304], %parallel_loop3A_1302 {strides = array<i32>} : memref<200x64xf32, #tpu.memory_space<vmem>>, vector<16xf32>,
        %parallel_loop3A_1306 = arith.constant 16 : i32
        %parallel_loop3A_1307 = vector.broadcast %parallel_loop3A_1306 : i32 to vector<16xi32>
        %parallel_loop3A_1308 = arith.addi %parallel_loop3A_1307, %iota3A : vector<16xi32>
        %parallel_loop3A_1309 = arith.addi %parallel_loop3A_1289, %parallel_loop3A_1308 : vector<16xi32>
        %parallel_loop3A_1310 = tpu.vector_load_idx %arg11[%parallel_loop3A_1290, %parallel_loop3A_1309] : memref<208x128xf32, #tpu.memory_space<vmem>>[vector<16xi32>, vector<16xi32>], vector<16xf32>,
        %parallel_loop3A_1311 = arith.constant 8.000000e+00 : f32
        %parallel_loop3A_1312 = vector.broadcast %parallel_loop3A_1311 : f32 to vector<16xf32>
        %parallel_loop3A_1313 = arith.mulf %parallel_loop3A_1310, %parallel_loop3A_1312 : vector<16xf32>
        %parallel_loop3A_1314 = arith.index_cast %parallel_loop3A_1285 : i32 to index
        %parallel_loop3A_1315 = arith.constant 16 : index
        %parallel_loop3A_1316 = tpu.vector_load %arg7[%parallel_loop3A_1314, %parallel_loop3A_1315] {strides = array<i32>} : memref<200x64xf32, #tpu.memory_space<vmem>>, vector<16xf32>,
        %parallel_loop3A_1317 = arith.addf %parallel_loop3A_1313, %parallel_loop3A_1316 : vector<16xf32>
        %parallel_loop3A_1318 = arith.index_cast %parallel_loop3A_1285 : i32 to index
        %parallel_loop3A_1319 = arith.constant 16 : index
        %parallel_loop3A_1320 = tpu.vector_load %arg12[%parallel_loop3A_1318, %parallel_loop3A_1319] {strides = array<i32>} : memref<200x64xf32, #tpu.memory_space<vmem>>, vector<16xf32>,
        tpu.vector_store %arg12[%parallel_loop3A_1318, %parallel_loop3A_1319], %parallel_loop3A_1317 {strides = array<i32>} : memref<200x64xf32, #tpu.memory_space<vmem>>, vector<16xf32>,
        %parallel_loop3A_1321 = arith.constant 32 : i32
        %parallel_loop3A_1322 = vector.broadcast %parallel_loop3A_1321 : i32 to vector<16xi32>
        %parallel_loop3A_1323 = arith.addi %parallel_loop3A_1322, %iota3A : vector<16xi32>
        %parallel_loop3A_1324 = arith.addi %parallel_loop3A_1289, %parallel_loop3A_1323 : vector<16xi32>
        %parallel_loop3A_1325 = tpu.vector_load_idx %arg11[%parallel_loop3A_1290, %parallel_loop3A_1324] : memref<208x128xf32, #tpu.memory_space<vmem>>[vector<16xi32>, vector<16xi32>], vector<16xf32>,
        %parallel_loop3A_1326 = arith.constant 8.000000e+00 : f32
        %parallel_loop3A_1327 = vector.broadcast %parallel_loop3A_1326 : f32 to vector<16xf32>
        %parallel_loop3A_1328 = arith.mulf %parallel_loop3A_1325, %parallel_loop3A_1327 : vector<16xf32>
        %parallel_loop3A_1329 = arith.index_cast %parallel_loop3A_1285 : i32 to index
        %parallel_loop3A_1330 = arith.constant 32 : index
        %parallel_loop3A_1331 = tpu.vector_load %arg7[%parallel_loop3A_1329, %parallel_loop3A_1330] {strides = array<i32>} : memref<200x64xf32, #tpu.memory_space<vmem>>, vector<16xf32>,
        %parallel_loop3A_1332 = arith.addf %parallel_loop3A_1328, %parallel_loop3A_1331 : vector<16xf32>
        %parallel_loop3A_1333 = arith.index_cast %parallel_loop3A_1285 : i32 to index
        %parallel_loop3A_1334 = arith.constant 32 : index
        %parallel_loop3A_1335 = tpu.vector_load %arg12[%parallel_loop3A_1333, %parallel_loop3A_1334] {strides = array<i32>} : memref<200x64xf32, #tpu.memory_space<vmem>>, vector<16xf32>,
        tpu.vector_store %arg12[%parallel_loop3A_1333, %parallel_loop3A_1334], %parallel_loop3A_1332 {strides = array<i32>} : memref<200x64xf32, #tpu.memory_space<vmem>>, vector<16xf32>,
        %parallel_loop3A_1336 = arith.constant 48 : i32
        %parallel_loop3A_1337 = vector.broadcast %parallel_loop3A_1336 : i32 to vector<16xi32>
        %parallel_loop3A_1338 = arith.addi %parallel_loop3A_1337, %iota3A : vector<16xi32>
        %parallel_loop3A_1339 = arith.addi %parallel_loop3A_1289, %parallel_loop3A_1338 : vector<16xi32>
        %parallel_loop3A_1340 = tpu.vector_load_idx %arg11[%parallel_loop3A_1290, %parallel_loop3A_1339] : memref<208x128xf32, #tpu.memory_space<vmem>>[vector<16xi32>, vector<16xi32>], vector<16xf32>,
        %parallel_loop3A_1341 = arith.constant 8.000000e+00 : f32
        %parallel_loop3A_1342 = vector.broadcast %parallel_loop3A_1341 : f32 to vector<16xf32>
        %parallel_loop3A_1343 = arith.mulf %parallel_loop3A_1340, %parallel_loop3A_1342 : vector<16xf32>
        %parallel_loop3A_1344 = arith.index_cast %parallel_loop3A_1285 : i32 to index
        %parallel_loop3A_1345 = arith.constant 48 : index
        %parallel_loop3A_1346 = tpu.vector_load %arg7[%parallel_loop3A_1344, %parallel_loop3A_1345] {strides = array<i32>} : memref<200x64xf32, #tpu.memory_space<vmem>>, vector<16xf32>,
        %parallel_loop3A_1347 = arith.addf %parallel_loop3A_1343, %parallel_loop3A_1346 : vector<16xf32>
        %parallel_loop3A_1348 = arith.index_cast %parallel_loop3A_1285 : i32 to index
        %parallel_loop3A_1349 = arith.constant 48 : index
        %parallel_loop3A_1350 = tpu.vector_load %arg12[%parallel_loop3A_1348, %parallel_loop3A_1349] {strides = array<i32>} : memref<200x64xf32, #tpu.memory_space<vmem>>, vector<16xf32>,
        tpu.vector_store %arg12[%parallel_loop3A_1348, %parallel_loop3A_1349], %parallel_loop3A_1347 {strides = array<i32>} : memref<200x64xf32, #tpu.memory_space<vmem>>, vector<16xf32>,
        %parallel_loop3A_1351 = arith.constant 1 : i32
        %parallel_loop3A_1352 = arith.addi %parallel_loop3A_1274, %parallel_loop3A_1351 : i32
        %parallel_loop3A_1353 = arith.constant 1 : i32
        %parallel_loop3A_1354 = vector.broadcast %parallel_loop3A_1353 : i32 to vector<16x1xi32>
        %parallel_loop3A_1355 = vector.shape_cast %parallel_loop3A_1354 : vector<16x1xi32> to vector<16xi32>
        %parallel_loop3A_1356 = tpu.dynamic_gather %parallel_loop3A_1283[%parallel_loop3A_1355] in [0] : vector<16xi32>, vector<16xi32> -> vector<16xi32>
        %parallel_loop3A_1357 = vector.broadcast %parallel_loop3A_1352 : i32 to vector<16xi32>
        %parallel_loop3A_1358 = arith.constant 0 : i32
        %parallel_loop3A_1359 = vector.broadcast %parallel_loop3A_1358 : i32 to vector<16xi32>
        %parallel_loop3A_1360 = arith.addi %parallel_loop3A_1359, %iota3A : vector<16xi32>
        %parallel_loop3A_1361 = arith.addi %parallel_loop3A_1356, %parallel_loop3A_1360 : vector<16xi32>
        %parallel_loop3A_1362 = tpu.vector_load_idx %arg11[%parallel_loop3A_1357, %parallel_loop3A_1361] : memref<208x128xf32, #tpu.memory_space<vmem>>[vector<16xi32>, vector<16xi32>], vector<16xf32>,
        %parallel_loop3A_1363 = arith.constant 8.000000e+00 : f32
        %parallel_loop3A_1364 = vector.broadcast %parallel_loop3A_1363 : f32 to vector<16xf32>
        %parallel_loop3A_1365 = arith.mulf %parallel_loop3A_1362, %parallel_loop3A_1364 : vector<16xf32>
        %parallel_loop3A_1366 = arith.index_cast %parallel_loop3A_1352 : i32 to index
        %parallel_loop3A_1367 = arith.constant 0 : index
        %parallel_loop3A_1368 = tpu.vector_load %arg7[%parallel_loop3A_1366, %parallel_loop3A_1367] {strides = array<i32>} : memref<200x64xf32, #tpu.memory_space<vmem>>, vector<16xf32>,
        %parallel_loop3A_1369 = arith.addf %parallel_loop3A_1365, %parallel_loop3A_1368 : vector<16xf32>
        %parallel_loop3A_1370 = arith.index_cast %parallel_loop3A_1352 : i32 to index
        %parallel_loop3A_1371 = arith.constant 0 : index
        %parallel_loop3A_1372 = tpu.vector_load %arg12[%parallel_loop3A_1370, %parallel_loop3A_1371] {strides = array<i32>} : memref<200x64xf32, #tpu.memory_space<vmem>>, vector<16xf32>,
        tpu.vector_store %arg12[%parallel_loop3A_1370, %parallel_loop3A_1371], %parallel_loop3A_1369 {strides = array<i32>} : memref<200x64xf32, #tpu.memory_space<vmem>>, vector<16xf32>,
        %parallel_loop3A_1373 = arith.constant 16 : i32
        %parallel_loop3A_1374 = vector.broadcast %parallel_loop3A_1373 : i32 to vector<16xi32>
        %parallel_loop3A_1375 = arith.addi %parallel_loop3A_1374, %iota3A : vector<16xi32>
        %parallel_loop3A_1376 = arith.addi %parallel_loop3A_1356, %parallel_loop3A_1375 : vector<16xi32>
        %parallel_loop3A_1377 = tpu.vector_load_idx %arg11[%parallel_loop3A_1357, %parallel_loop3A_1376] : memref<208x128xf32, #tpu.memory_space<vmem>>[vector<16xi32>, vector<16xi32>], vector<16xf32>,
        %parallel_loop3A_1378 = arith.constant 8.000000e+00 : f32
        %parallel_loop3A_1379 = vector.broadcast %parallel_loop3A_1378 : f32 to vector<16xf32>
        %parallel_loop3A_1380 = arith.mulf %parallel_loop3A_1377, %parallel_loop3A_1379 : vector<16xf32>
        %parallel_loop3A_1381 = arith.index_cast %parallel_loop3A_1352 : i32 to index
        %parallel_loop3A_1382 = arith.constant 16 : index
        %parallel_loop3A_1383 = tpu.vector_load %arg7[%parallel_loop3A_1381, %parallel_loop3A_1382] {strides = array<i32>} : memref<200x64xf32, #tpu.memory_space<vmem>>, vector<16xf32>,
        %parallel_loop3A_1384 = arith.addf %parallel_loop3A_1380, %parallel_loop3A_1383 : vector<16xf32>
        %parallel_loop3A_1385 = arith.index_cast %parallel_loop3A_1352 : i32 to index
        %parallel_loop3A_1386 = arith.constant 16 : index
        %parallel_loop3A_1387 = tpu.vector_load %arg12[%parallel_loop3A_1385, %parallel_loop3A_1386] {strides = array<i32>} : memref<200x64xf32, #tpu.memory_space<vmem>>, vector<16xf32>,
        tpu.vector_store %arg12[%parallel_loop3A_1385, %parallel_loop3A_1386], %parallel_loop3A_1384 {strides = array<i32>} : memref<200x64xf32, #tpu.memory_space<vmem>>, vector<16xf32>,
        %parallel_loop3A_1388 = arith.constant 32 : i32
        %parallel_loop3A_1389 = vector.broadcast %parallel_loop3A_1388 : i32 to vector<16xi32>
        %parallel_loop3A_1390 = arith.addi %parallel_loop3A_1389, %iota3A : vector<16xi32>
        %parallel_loop3A_1391 = arith.addi %parallel_loop3A_1356, %parallel_loop3A_1390 : vector<16xi32>
        %parallel_loop3A_1392 = tpu.vector_load_idx %arg11[%parallel_loop3A_1357, %parallel_loop3A_1391] : memref<208x128xf32, #tpu.memory_space<vmem>>[vector<16xi32>, vector<16xi32>], vector<16xf32>,
        %parallel_loop3A_1393 = arith.constant 8.000000e+00 : f32
        %parallel_loop3A_1394 = vector.broadcast %parallel_loop3A_1393 : f32 to vector<16xf32>
        %parallel_loop3A_1395 = arith.mulf %parallel_loop3A_1392, %parallel_loop3A_1394 : vector<16xf32>
        %parallel_loop3A_1396 = arith.index_cast %parallel_loop3A_1352 : i32 to index
        %parallel_loop3A_1397 = arith.constant 32 : index
        %parallel_loop3A_1398 = tpu.vector_load %arg7[%parallel_loop3A_1396, %parallel_loop3A_1397] {strides = array<i32>} : memref<200x64xf32, #tpu.memory_space<vmem>>, vector<16xf32>,
        %parallel_loop3A_1399 = arith.addf %parallel_loop3A_1395, %parallel_loop3A_1398 : vector<16xf32>
        %parallel_loop3A_1400 = arith.index_cast %parallel_loop3A_1352 : i32 to index
        %parallel_loop3A_1401 = arith.constant 32 : index
        %parallel_loop3A_1402 = tpu.vector_load %arg12[%parallel_loop3A_1400, %parallel_loop3A_1401] {strides = array<i32>} : memref<200x64xf32, #tpu.memory_space<vmem>>, vector<16xf32>,
        tpu.vector_store %arg12[%parallel_loop3A_1400, %parallel_loop3A_1401], %parallel_loop3A_1399 {strides = array<i32>} : memref<200x64xf32, #tpu.memory_space<vmem>>, vector<16xf32>,
        %parallel_loop3A_1403 = arith.constant 48 : i32
        %parallel_loop3A_1404 = vector.broadcast %parallel_loop3A_1403 : i32 to vector<16xi32>
        %parallel_loop3A_1405 = arith.addi %parallel_loop3A_1404, %iota3A : vector<16xi32>
        %parallel_loop3A_1406 = arith.addi %parallel_loop3A_1356, %parallel_loop3A_1405 : vector<16xi32>
        %parallel_loop3A_1407 = tpu.vector_load_idx %arg11[%parallel_loop3A_1357, %parallel_loop3A_1406] : memref<208x128xf32, #tpu.memory_space<vmem>>[vector<16xi32>, vector<16xi32>], vector<16xf32>,
        %parallel_loop3A_1408 = arith.constant 8.000000e+00 : f32
        %parallel_loop3A_1409 = vector.broadcast %parallel_loop3A_1408 : f32 to vector<16xf32>
        %parallel_loop3A_1410 = arith.mulf %parallel_loop3A_1407, %parallel_loop3A_1409 : vector<16xf32>
        %parallel_loop3A_1411 = arith.index_cast %parallel_loop3A_1352 : i32 to index
        %parallel_loop3A_1412 = arith.constant 48 : index
        %parallel_loop3A_1413 = tpu.vector_load %arg7[%parallel_loop3A_1411, %parallel_loop3A_1412] {strides = array<i32>} : memref<200x64xf32, #tpu.memory_space<vmem>>, vector<16xf32>,
        %parallel_loop3A_1414 = arith.addf %parallel_loop3A_1410, %parallel_loop3A_1413 : vector<16xf32>
        %parallel_loop3A_1415 = arith.index_cast %parallel_loop3A_1352 : i32 to index
        %parallel_loop3A_1416 = arith.constant 48 : index
        %parallel_loop3A_1417 = tpu.vector_load %arg12[%parallel_loop3A_1415, %parallel_loop3A_1416] {strides = array<i32>} : memref<200x64xf32, #tpu.memory_space<vmem>>, vector<16xf32>,
        tpu.vector_store %arg12[%parallel_loop3A_1415, %parallel_loop3A_1416], %parallel_loop3A_1414 {strides = array<i32>} : memref<200x64xf32, #tpu.memory_space<vmem>>, vector<16xf32>,
        %parallel_loop3A_1418 = arith.constant 2 : i32
        %parallel_loop3A_1419 = arith.addi %parallel_loop3A_1274, %parallel_loop3A_1418 : i32
        %parallel_loop3A_1420 = arith.constant 2 : i32
        %parallel_loop3A_1421 = vector.broadcast %parallel_loop3A_1420 : i32 to vector<16x1xi32>
        %parallel_loop3A_1422 = vector.shape_cast %parallel_loop3A_1421 : vector<16x1xi32> to vector<16xi32>
        %parallel_loop3A_1423 = tpu.dynamic_gather %parallel_loop3A_1283[%parallel_loop3A_1422] in [0] : vector<16xi32>, vector<16xi32> -> vector<16xi32>
        %parallel_loop3A_1424 = vector.broadcast %parallel_loop3A_1419 : i32 to vector<16xi32>
        %parallel_loop3A_1425 = arith.constant 0 : i32
        %parallel_loop3A_1426 = vector.broadcast %parallel_loop3A_1425 : i32 to vector<16xi32>
        %parallel_loop3A_1427 = arith.addi %parallel_loop3A_1426, %iota3A : vector<16xi32>
        %parallel_loop3A_1428 = arith.addi %parallel_loop3A_1423, %parallel_loop3A_1427 : vector<16xi32>
        %parallel_loop3A_1429 = tpu.vector_load_idx %arg11[%parallel_loop3A_1424, %parallel_loop3A_1428] : memref<208x128xf32, #tpu.memory_space<vmem>>[vector<16xi32>, vector<16xi32>], vector<16xf32>,
        %parallel_loop3A_1430 = arith.constant 8.000000e+00 : f32
        %parallel_loop3A_1431 = vector.broadcast %parallel_loop3A_1430 : f32 to vector<16xf32>
        %parallel_loop3A_1432 = arith.mulf %parallel_loop3A_1429, %parallel_loop3A_1431 : vector<16xf32>
        %parallel_loop3A_1433 = arith.index_cast %parallel_loop3A_1419 : i32 to index
        %parallel_loop3A_1434 = arith.constant 0 : index
        %parallel_loop3A_1435 = tpu.vector_load %arg7[%parallel_loop3A_1433, %parallel_loop3A_1434] {strides = array<i32>} : memref<200x64xf32, #tpu.memory_space<vmem>>, vector<16xf32>,
        %parallel_loop3A_1436 = arith.addf %parallel_loop3A_1432, %parallel_loop3A_1435 : vector<16xf32>
        %parallel_loop3A_1437 = arith.index_cast %parallel_loop3A_1419 : i32 to index
        %parallel_loop3A_1438 = arith.constant 0 : index
        %parallel_loop3A_1439 = tpu.vector_load %arg12[%parallel_loop3A_1437, %parallel_loop3A_1438] {strides = array<i32>} : memref<200x64xf32, #tpu.memory_space<vmem>>, vector<16xf32>,
        tpu.vector_store %arg12[%parallel_loop3A_1437, %parallel_loop3A_1438], %parallel_loop3A_1436 {strides = array<i32>} : memref<200x64xf32, #tpu.memory_space<vmem>>, vector<16xf32>,
        %parallel_loop3A_1440 = arith.constant 16 : i32
        %parallel_loop3A_1441 = vector.broadcast %parallel_loop3A_1440 : i32 to vector<16xi32>
        %parallel_loop3A_1442 = arith.addi %parallel_loop3A_1441, %iota3A : vector<16xi32>
        %parallel_loop3A_1443 = arith.addi %parallel_loop3A_1423, %parallel_loop3A_1442 : vector<16xi32>
        %parallel_loop3A_1444 = tpu.vector_load_idx %arg11[%parallel_loop3A_1424, %parallel_loop3A_1443] : memref<208x128xf32, #tpu.memory_space<vmem>>[vector<16xi32>, vector<16xi32>], vector<16xf32>,
        %parallel_loop3A_1445 = arith.constant 8.000000e+00 : f32
        %parallel_loop3A_1446 = vector.broadcast %parallel_loop3A_1445 : f32 to vector<16xf32>
        %parallel_loop3A_1447 = arith.mulf %parallel_loop3A_1444, %parallel_loop3A_1446 : vector<16xf32>
        %parallel_loop3A_1448 = arith.index_cast %parallel_loop3A_1419 : i32 to index
        %parallel_loop3A_1449 = arith.constant 16 : index
        %parallel_loop3A_1450 = tpu.vector_load %arg7[%parallel_loop3A_1448, %parallel_loop3A_1449] {strides = array<i32>} : memref<200x64xf32, #tpu.memory_space<vmem>>, vector<16xf32>,
        %parallel_loop3A_1451 = arith.addf %parallel_loop3A_1447, %parallel_loop3A_1450 : vector<16xf32>
        %parallel_loop3A_1452 = arith.index_cast %parallel_loop3A_1419 : i32 to index
        %parallel_loop3A_1453 = arith.constant 16 : index
        %parallel_loop3A_1454 = tpu.vector_load %arg12[%parallel_loop3A_1452, %parallel_loop3A_1453] {strides = array<i32>} : memref<200x64xf32, #tpu.memory_space<vmem>>, vector<16xf32>,
        tpu.vector_store %arg12[%parallel_loop3A_1452, %parallel_loop3A_1453], %parallel_loop3A_1451 {strides = array<i32>} : memref<200x64xf32, #tpu.memory_space<vmem>>, vector<16xf32>,
        %parallel_loop3A_1455 = arith.constant 32 : i32
        %parallel_loop3A_1456 = vector.broadcast %parallel_loop3A_1455 : i32 to vector<16xi32>
        %parallel_loop3A_1457 = arith.addi %parallel_loop3A_1456, %iota3A : vector<16xi32>
        %parallel_loop3A_1458 = arith.addi %parallel_loop3A_1423, %parallel_loop3A_1457 : vector<16xi32>
        %parallel_loop3A_1459 = tpu.vector_load_idx %arg11[%parallel_loop3A_1424, %parallel_loop3A_1458] : memref<208x128xf32, #tpu.memory_space<vmem>>[vector<16xi32>, vector<16xi32>], vector<16xf32>,
        %parallel_loop3A_1460 = arith.constant 8.000000e+00 : f32
        %parallel_loop3A_1461 = vector.broadcast %parallel_loop3A_1460 : f32 to vector<16xf32>
        %parallel_loop3A_1462 = arith.mulf %parallel_loop3A_1459, %parallel_loop3A_1461 : vector<16xf32>
        %parallel_loop3A_1463 = arith.index_cast %parallel_loop3A_1419 : i32 to index
        %parallel_loop3A_1464 = arith.constant 32 : index
        %parallel_loop3A_1465 = tpu.vector_load %arg7[%parallel_loop3A_1463, %parallel_loop3A_1464] {strides = array<i32>} : memref<200x64xf32, #tpu.memory_space<vmem>>, vector<16xf32>,
        %parallel_loop3A_1466 = arith.addf %parallel_loop3A_1462, %parallel_loop3A_1465 : vector<16xf32>
        %parallel_loop3A_1467 = arith.index_cast %parallel_loop3A_1419 : i32 to index
        %parallel_loop3A_1468 = arith.constant 32 : index
        %parallel_loop3A_1469 = tpu.vector_load %arg12[%parallel_loop3A_1467, %parallel_loop3A_1468] {strides = array<i32>} : memref<200x64xf32, #tpu.memory_space<vmem>>, vector<16xf32>,
        tpu.vector_store %arg12[%parallel_loop3A_1467, %parallel_loop3A_1468], %parallel_loop3A_1466 {strides = array<i32>} : memref<200x64xf32, #tpu.memory_space<vmem>>, vector<16xf32>,
        %parallel_loop3A_1470 = arith.constant 48 : i32
        %parallel_loop3A_1471 = vector.broadcast %parallel_loop3A_1470 : i32 to vector<16xi32>
        %parallel_loop3A_1472 = arith.addi %parallel_loop3A_1471, %iota3A : vector<16xi32>
        %parallel_loop3A_1473 = arith.addi %parallel_loop3A_1423, %parallel_loop3A_1472 : vector<16xi32>
        %parallel_loop3A_1474 = tpu.vector_load_idx %arg11[%parallel_loop3A_1424, %parallel_loop3A_1473] : memref<208x128xf32, #tpu.memory_space<vmem>>[vector<16xi32>, vector<16xi32>], vector<16xf32>,
        %parallel_loop3A_1475 = arith.constant 8.000000e+00 : f32
        %parallel_loop3A_1476 = vector.broadcast %parallel_loop3A_1475 : f32 to vector<16xf32>
        %parallel_loop3A_1477 = arith.mulf %parallel_loop3A_1474, %parallel_loop3A_1476 : vector<16xf32>
        %parallel_loop3A_1478 = arith.index_cast %parallel_loop3A_1419 : i32 to index
        %parallel_loop3A_1479 = arith.constant 48 : index
        %parallel_loop3A_1480 = tpu.vector_load %arg7[%parallel_loop3A_1478, %parallel_loop3A_1479] {strides = array<i32>} : memref<200x64xf32, #tpu.memory_space<vmem>>, vector<16xf32>,
        %parallel_loop3A_1481 = arith.addf %parallel_loop3A_1477, %parallel_loop3A_1480 : vector<16xf32>
        %parallel_loop3A_1482 = arith.index_cast %parallel_loop3A_1419 : i32 to index
        %parallel_loop3A_1483 = arith.constant 48 : index
        %parallel_loop3A_1484 = tpu.vector_load %arg12[%parallel_loop3A_1482, %parallel_loop3A_1483] {strides = array<i32>} : memref<200x64xf32, #tpu.memory_space<vmem>>, vector<16xf32>,
        tpu.vector_store %arg12[%parallel_loop3A_1482, %parallel_loop3A_1483], %parallel_loop3A_1481 {strides = array<i32>} : memref<200x64xf32, #tpu.memory_space<vmem>>, vector<16xf32>,
        %parallel_loop3A_1485 = arith.constant 3 : i32
        %parallel_loop3A_1486 = arith.addi %parallel_loop3A_1274, %parallel_loop3A_1485 : i32
        %parallel_loop3A_1487 = arith.constant 3 : i32
        %parallel_loop3A_1488 = vector.broadcast %parallel_loop3A_1487 : i32 to vector<16x1xi32>
        %parallel_loop3A_1489 = vector.shape_cast %parallel_loop3A_1488 : vector<16x1xi32> to vector<16xi32>
        %parallel_loop3A_1490 = tpu.dynamic_gather %parallel_loop3A_1283[%parallel_loop3A_1489] in [0] : vector<16xi32>, vector<16xi32> -> vector<16xi32>
        %parallel_loop3A_1491 = vector.broadcast %parallel_loop3A_1486 : i32 to vector<16xi32>
        %parallel_loop3A_1492 = arith.constant 0 : i32
        %parallel_loop3A_1493 = vector.broadcast %parallel_loop3A_1492 : i32 to vector<16xi32>
        %parallel_loop3A_1494 = arith.addi %parallel_loop3A_1493, %iota3A : vector<16xi32>
        %parallel_loop3A_1495 = arith.addi %parallel_loop3A_1490, %parallel_loop3A_1494 : vector<16xi32>
        %parallel_loop3A_1496 = tpu.vector_load_idx %arg11[%parallel_loop3A_1491, %parallel_loop3A_1495] : memref<208x128xf32, #tpu.memory_space<vmem>>[vector<16xi32>, vector<16xi32>], vector<16xf32>,
        %parallel_loop3A_1497 = arith.constant 8.000000e+00 : f32
        %parallel_loop3A_1498 = vector.broadcast %parallel_loop3A_1497 : f32 to vector<16xf32>
        %parallel_loop3A_1499 = arith.mulf %parallel_loop3A_1496, %parallel_loop3A_1498 : vector<16xf32>
        %parallel_loop3A_1500 = arith.index_cast %parallel_loop3A_1486 : i32 to index
        %parallel_loop3A_1501 = arith.constant 0 : index
        %parallel_loop3A_1502 = tpu.vector_load %arg7[%parallel_loop3A_1500, %parallel_loop3A_1501] {strides = array<i32>} : memref<200x64xf32, #tpu.memory_space<vmem>>, vector<16xf32>,
        %parallel_loop3A_1503 = arith.addf %parallel_loop3A_1499, %parallel_loop3A_1502 : vector<16xf32>
        %parallel_loop3A_1504 = arith.index_cast %parallel_loop3A_1486 : i32 to index
        %parallel_loop3A_1505 = arith.constant 0 : index
        %parallel_loop3A_1506 = tpu.vector_load %arg12[%parallel_loop3A_1504, %parallel_loop3A_1505] {strides = array<i32>} : memref<200x64xf32, #tpu.memory_space<vmem>>, vector<16xf32>,
        tpu.vector_store %arg12[%parallel_loop3A_1504, %parallel_loop3A_1505], %parallel_loop3A_1503 {strides = array<i32>} : memref<200x64xf32, #tpu.memory_space<vmem>>, vector<16xf32>,
        %parallel_loop3A_1507 = arith.constant 16 : i32
        %parallel_loop3A_1508 = vector.broadcast %parallel_loop3A_1507 : i32 to vector<16xi32>
        %parallel_loop3A_1509 = arith.addi %parallel_loop3A_1508, %iota3A : vector<16xi32>
        %parallel_loop3A_1510 = arith.addi %parallel_loop3A_1490, %parallel_loop3A_1509 : vector<16xi32>
        %parallel_loop3A_1511 = tpu.vector_load_idx %arg11[%parallel_loop3A_1491, %parallel_loop3A_1510] : memref<208x128xf32, #tpu.memory_space<vmem>>[vector<16xi32>, vector<16xi32>], vector<16xf32>,
        %parallel_loop3A_1512 = arith.constant 8.000000e+00 : f32
        %parallel_loop3A_1513 = vector.broadcast %parallel_loop3A_1512 : f32 to vector<16xf32>
        %parallel_loop3A_1514 = arith.mulf %parallel_loop3A_1511, %parallel_loop3A_1513 : vector<16xf32>
        %parallel_loop3A_1515 = arith.index_cast %parallel_loop3A_1486 : i32 to index
        %parallel_loop3A_1516 = arith.constant 16 : index
        %parallel_loop3A_1517 = tpu.vector_load %arg7[%parallel_loop3A_1515, %parallel_loop3A_1516] {strides = array<i32>} : memref<200x64xf32, #tpu.memory_space<vmem>>, vector<16xf32>,
        %parallel_loop3A_1518 = arith.addf %parallel_loop3A_1514, %parallel_loop3A_1517 : vector<16xf32>
        %parallel_loop3A_1519 = arith.index_cast %parallel_loop3A_1486 : i32 to index
        %parallel_loop3A_1520 = arith.constant 16 : index
        %parallel_loop3A_1521 = tpu.vector_load %arg12[%parallel_loop3A_1519, %parallel_loop3A_1520] {strides = array<i32>} : memref<200x64xf32, #tpu.memory_space<vmem>>, vector<16xf32>,
        tpu.vector_store %arg12[%parallel_loop3A_1519, %parallel_loop3A_1520], %parallel_loop3A_1518 {strides = array<i32>} : memref<200x64xf32, #tpu.memory_space<vmem>>, vector<16xf32>,
        %parallel_loop3A_1522 = arith.constant 32 : i32
        %parallel_loop3A_1523 = vector.broadcast %parallel_loop3A_1522 : i32 to vector<16xi32>
        %parallel_loop3A_1524 = arith.addi %parallel_loop3A_1523, %iota3A : vector<16xi32>
        %parallel_loop3A_1525 = arith.addi %parallel_loop3A_1490, %parallel_loop3A_1524 : vector<16xi32>
        %parallel_loop3A_1526 = tpu.vector_load_idx %arg11[%parallel_loop3A_1491, %parallel_loop3A_1525] : memref<208x128xf32, #tpu.memory_space<vmem>>[vector<16xi32>, vector<16xi32>], vector<16xf32>,
        %parallel_loop3A_1527 = arith.constant 8.000000e+00 : f32
        %parallel_loop3A_1528 = vector.broadcast %parallel_loop3A_1527 : f32 to vector<16xf32>
        %parallel_loop3A_1529 = arith.mulf %parallel_loop3A_1526, %parallel_loop3A_1528 : vector<16xf32>
        %parallel_loop3A_1530 = arith.index_cast %parallel_loop3A_1486 : i32 to index
        %parallel_loop3A_1531 = arith.constant 32 : index
        %parallel_loop3A_1532 = tpu.vector_load %arg7[%parallel_loop3A_1530, %parallel_loop3A_1531] {strides = array<i32>} : memref<200x64xf32, #tpu.memory_space<vmem>>, vector<16xf32>,
        %parallel_loop3A_1533 = arith.addf %parallel_loop3A_1529, %parallel_loop3A_1532 : vector<16xf32>
        %parallel_loop3A_1534 = arith.index_cast %parallel_loop3A_1486 : i32 to index
        %parallel_loop3A_1535 = arith.constant 32 : index
        %parallel_loop3A_1536 = tpu.vector_load %arg12[%parallel_loop3A_1534, %parallel_loop3A_1535] {strides = array<i32>} : memref<200x64xf32, #tpu.memory_space<vmem>>, vector<16xf32>,
        tpu.vector_store %arg12[%parallel_loop3A_1534, %parallel_loop3A_1535], %parallel_loop3A_1533 {strides = array<i32>} : memref<200x64xf32, #tpu.memory_space<vmem>>, vector<16xf32>,
        %parallel_loop3A_1537 = arith.constant 48 : i32
        %parallel_loop3A_1538 = vector.broadcast %parallel_loop3A_1537 : i32 to vector<16xi32>
        %parallel_loop3A_1539 = arith.addi %parallel_loop3A_1538, %iota3A : vector<16xi32>
        %parallel_loop3A_1540 = arith.addi %parallel_loop3A_1490, %parallel_loop3A_1539 : vector<16xi32>
        %parallel_loop3A_1541 = tpu.vector_load_idx %arg11[%parallel_loop3A_1491, %parallel_loop3A_1540] : memref<208x128xf32, #tpu.memory_space<vmem>>[vector<16xi32>, vector<16xi32>], vector<16xf32>,
        %parallel_loop3A_1542 = arith.constant 8.000000e+00 : f32
        %parallel_loop3A_1543 = vector.broadcast %parallel_loop3A_1542 : f32 to vector<16xf32>
        %parallel_loop3A_1544 = arith.mulf %parallel_loop3A_1541, %parallel_loop3A_1543 : vector<16xf32>
        %parallel_loop3A_1545 = arith.index_cast %parallel_loop3A_1486 : i32 to index
        %parallel_loop3A_1546 = arith.constant 48 : index
        %parallel_loop3A_1547 = tpu.vector_load %arg7[%parallel_loop3A_1545, %parallel_loop3A_1546] {strides = array<i32>} : memref<200x64xf32, #tpu.memory_space<vmem>>, vector<16xf32>,
        %parallel_loop3A_1548 = arith.addf %parallel_loop3A_1544, %parallel_loop3A_1547 : vector<16xf32>
        %parallel_loop3A_1549 = arith.index_cast %parallel_loop3A_1486 : i32 to index
        %parallel_loop3A_1550 = arith.constant 48 : index
        %parallel_loop3A_1551 = tpu.vector_load %arg12[%parallel_loop3A_1549, %parallel_loop3A_1550] {strides = array<i32>} : memref<200x64xf32, #tpu.memory_space<vmem>>, vector<16xf32>,
        tpu.vector_store %arg12[%parallel_loop3A_1549, %parallel_loop3A_1550], %parallel_loop3A_1548 {strides = array<i32>} : memref<200x64xf32, #tpu.memory_space<vmem>>, vector<16xf32>,
        %parallel_loop3A_1552 = arith.constant 4 : i32
        %parallel_loop3A_1553 = arith.addi %parallel_loop3A_1274, %parallel_loop3A_1552 : i32
        %parallel_loop3A_1554 = arith.constant 4 : i32
        %parallel_loop3A_1555 = vector.broadcast %parallel_loop3A_1554 : i32 to vector<16x1xi32>
        %parallel_loop3A_1556 = vector.shape_cast %parallel_loop3A_1555 : vector<16x1xi32> to vector<16xi32>
        %parallel_loop3A_1557 = tpu.dynamic_gather %parallel_loop3A_1283[%parallel_loop3A_1556] in [0] : vector<16xi32>, vector<16xi32> -> vector<16xi32>
        %parallel_loop3A_1558 = vector.broadcast %parallel_loop3A_1553 : i32 to vector<16xi32>
        %parallel_loop3A_1559 = arith.constant 0 : i32
        %parallel_loop3A_1560 = vector.broadcast %parallel_loop3A_1559 : i32 to vector<16xi32>
        %parallel_loop3A_1561 = arith.addi %parallel_loop3A_1560, %iota3A : vector<16xi32>
        %parallel_loop3A_1562 = arith.addi %parallel_loop3A_1557, %parallel_loop3A_1561 : vector<16xi32>
        %parallel_loop3A_1563 = tpu.vector_load_idx %arg11[%parallel_loop3A_1558, %parallel_loop3A_1562] : memref<208x128xf32, #tpu.memory_space<vmem>>[vector<16xi32>, vector<16xi32>], vector<16xf32>,
        %parallel_loop3A_1564 = arith.constant 8.000000e+00 : f32
        %parallel_loop3A_1565 = vector.broadcast %parallel_loop3A_1564 : f32 to vector<16xf32>
        %parallel_loop3A_1566 = arith.mulf %parallel_loop3A_1563, %parallel_loop3A_1565 : vector<16xf32>
        %parallel_loop3A_1567 = arith.index_cast %parallel_loop3A_1553 : i32 to index
        %parallel_loop3A_1568 = arith.constant 0 : index
        %parallel_loop3A_1569 = tpu.vector_load %arg7[%parallel_loop3A_1567, %parallel_loop3A_1568] {strides = array<i32>} : memref<200x64xf32, #tpu.memory_space<vmem>>, vector<16xf32>,
        %parallel_loop3A_1570 = arith.addf %parallel_loop3A_1566, %parallel_loop3A_1569 : vector<16xf32>
        %parallel_loop3A_1571 = arith.index_cast %parallel_loop3A_1553 : i32 to index
        %parallel_loop3A_1572 = arith.constant 0 : index
        %parallel_loop3A_1573 = tpu.vector_load %arg12[%parallel_loop3A_1571, %parallel_loop3A_1572] {strides = array<i32>} : memref<200x64xf32, #tpu.memory_space<vmem>>, vector<16xf32>,
        tpu.vector_store %arg12[%parallel_loop3A_1571, %parallel_loop3A_1572], %parallel_loop3A_1570 {strides = array<i32>} : memref<200x64xf32, #tpu.memory_space<vmem>>, vector<16xf32>,
        %parallel_loop3A_1574 = arith.constant 16 : i32
        %parallel_loop3A_1575 = vector.broadcast %parallel_loop3A_1574 : i32 to vector<16xi32>
        %parallel_loop3A_1576 = arith.addi %parallel_loop3A_1575, %iota3A : vector<16xi32>
        %parallel_loop3A_1577 = arith.addi %parallel_loop3A_1557, %parallel_loop3A_1576 : vector<16xi32>
        %parallel_loop3A_1578 = tpu.vector_load_idx %arg11[%parallel_loop3A_1558, %parallel_loop3A_1577] : memref<208x128xf32, #tpu.memory_space<vmem>>[vector<16xi32>, vector<16xi32>], vector<16xf32>,
        %parallel_loop3A_1579 = arith.constant 8.000000e+00 : f32
        %parallel_loop3A_1580 = vector.broadcast %parallel_loop3A_1579 : f32 to vector<16xf32>
        %parallel_loop3A_1581 = arith.mulf %parallel_loop3A_1578, %parallel_loop3A_1580 : vector<16xf32>
        %parallel_loop3A_1582 = arith.index_cast %parallel_loop3A_1553 : i32 to index
        %parallel_loop3A_1583 = arith.constant 16 : index
        %parallel_loop3A_1584 = tpu.vector_load %arg7[%parallel_loop3A_1582, %parallel_loop3A_1583] {strides = array<i32>} : memref<200x64xf32, #tpu.memory_space<vmem>>, vector<16xf32>,
        %parallel_loop3A_1585 = arith.addf %parallel_loop3A_1581, %parallel_loop3A_1584 : vector<16xf32>
        %parallel_loop3A_1586 = arith.index_cast %parallel_loop3A_1553 : i32 to index
        %parallel_loop3A_1587 = arith.constant 16 : index
        %parallel_loop3A_1588 = tpu.vector_load %arg12[%parallel_loop3A_1586, %parallel_loop3A_1587] {strides = array<i32>} : memref<200x64xf32, #tpu.memory_space<vmem>>, vector<16xf32>,
        tpu.vector_store %arg12[%parallel_loop3A_1586, %parallel_loop3A_1587], %parallel_loop3A_1585 {strides = array<i32>} : memref<200x64xf32, #tpu.memory_space<vmem>>, vector<16xf32>,
        %parallel_loop3A_1589 = arith.constant 32 : i32
        %parallel_loop3A_1590 = vector.broadcast %parallel_loop3A_1589 : i32 to vector<16xi32>
        %parallel_loop3A_1591 = arith.addi %parallel_loop3A_1590, %iota3A : vector<16xi32>
        %parallel_loop3A_1592 = arith.addi %parallel_loop3A_1557, %parallel_loop3A_1591 : vector<16xi32>
        %parallel_loop3A_1593 = tpu.vector_load_idx %arg11[%parallel_loop3A_1558, %parallel_loop3A_1592] : memref<208x128xf32, #tpu.memory_space<vmem>>[vector<16xi32>, vector<16xi32>], vector<16xf32>,
        %parallel_loop3A_1594 = arith.constant 8.000000e+00 : f32
        %parallel_loop3A_1595 = vector.broadcast %parallel_loop3A_1594 : f32 to vector<16xf32>
        %parallel_loop3A_1596 = arith.mulf %parallel_loop3A_1593, %parallel_loop3A_1595 : vector<16xf32>
        %parallel_loop3A_1597 = arith.index_cast %parallel_loop3A_1553 : i32 to index
        %parallel_loop3A_1598 = arith.constant 32 : index
        %parallel_loop3A_1599 = tpu.vector_load %arg7[%parallel_loop3A_1597, %parallel_loop3A_1598] {strides = array<i32>} : memref<200x64xf32, #tpu.memory_space<vmem>>, vector<16xf32>,
        %parallel_loop3A_1600 = arith.addf %parallel_loop3A_1596, %parallel_loop3A_1599 : vector<16xf32>
        %parallel_loop3A_1601 = arith.index_cast %parallel_loop3A_1553 : i32 to index
        %parallel_loop3A_1602 = arith.constant 32 : index
        %parallel_loop3A_1603 = tpu.vector_load %arg12[%parallel_loop3A_1601, %parallel_loop3A_1602] {strides = array<i32>} : memref<200x64xf32, #tpu.memory_space<vmem>>, vector<16xf32>,
        tpu.vector_store %arg12[%parallel_loop3A_1601, %parallel_loop3A_1602], %parallel_loop3A_1600 {strides = array<i32>} : memref<200x64xf32, #tpu.memory_space<vmem>>, vector<16xf32>,
        %parallel_loop3A_1604 = arith.constant 48 : i32
        %parallel_loop3A_1605 = vector.broadcast %parallel_loop3A_1604 : i32 to vector<16xi32>
        %parallel_loop3A_1606 = arith.addi %parallel_loop3A_1605, %iota3A : vector<16xi32>
        %parallel_loop3A_1607 = arith.addi %parallel_loop3A_1557, %parallel_loop3A_1606 : vector<16xi32>
        %parallel_loop3A_1608 = tpu.vector_load_idx %arg11[%parallel_loop3A_1558, %parallel_loop3A_1607] : memref<208x128xf32, #tpu.memory_space<vmem>>[vector<16xi32>, vector<16xi32>], vector<16xf32>,
        %parallel_loop3A_1609 = arith.constant 8.000000e+00 : f32
        %parallel_loop3A_1610 = vector.broadcast %parallel_loop3A_1609 : f32 to vector<16xf32>
        %parallel_loop3A_1611 = arith.mulf %parallel_loop3A_1608, %parallel_loop3A_1610 : vector<16xf32>
        %parallel_loop3A_1612 = arith.index_cast %parallel_loop3A_1553 : i32 to index
        %parallel_loop3A_1613 = arith.constant 48 : index
        %parallel_loop3A_1614 = tpu.vector_load %arg7[%parallel_loop3A_1612, %parallel_loop3A_1613] {strides = array<i32>} : memref<200x64xf32, #tpu.memory_space<vmem>>, vector<16xf32>,
        %parallel_loop3A_1615 = arith.addf %parallel_loop3A_1611, %parallel_loop3A_1614 : vector<16xf32>
        %parallel_loop3A_1616 = arith.index_cast %parallel_loop3A_1553 : i32 to index
        %parallel_loop3A_1617 = arith.constant 48 : index
        %parallel_loop3A_1618 = tpu.vector_load %arg12[%parallel_loop3A_1616, %parallel_loop3A_1617] {strides = array<i32>} : memref<200x64xf32, #tpu.memory_space<vmem>>, vector<16xf32>,
        tpu.vector_store %arg12[%parallel_loop3A_1616, %parallel_loop3A_1617], %parallel_loop3A_1615 {strides = array<i32>} : memref<200x64xf32, #tpu.memory_space<vmem>>, vector<16xf32>,
        %parallel_loop3A_1619 = arith.constant 5 : i32
        %parallel_loop3A_1620 = arith.addi %parallel_loop3A_1274, %parallel_loop3A_1619 : i32
        %parallel_loop3A_1621 = arith.constant 5 : i32
        %parallel_loop3A_1622 = vector.broadcast %parallel_loop3A_1621 : i32 to vector<16x1xi32>
        %parallel_loop3A_1623 = vector.shape_cast %parallel_loop3A_1622 : vector<16x1xi32> to vector<16xi32>
        %parallel_loop3A_1624 = tpu.dynamic_gather %parallel_loop3A_1283[%parallel_loop3A_1623] in [0] : vector<16xi32>, vector<16xi32> -> vector<16xi32>
        %parallel_loop3A_1625 = vector.broadcast %parallel_loop3A_1620 : i32 to vector<16xi32>
        %parallel_loop3A_1626 = arith.constant 0 : i32
        %parallel_loop3A_1627 = vector.broadcast %parallel_loop3A_1626 : i32 to vector<16xi32>
        %parallel_loop3A_1628 = arith.addi %parallel_loop3A_1627, %iota3A : vector<16xi32>
        %parallel_loop3A_1629 = arith.addi %parallel_loop3A_1624, %parallel_loop3A_1628 : vector<16xi32>
        %parallel_loop3A_1630 = tpu.vector_load_idx %arg11[%parallel_loop3A_1625, %parallel_loop3A_1629] : memref<208x128xf32, #tpu.memory_space<vmem>>[vector<16xi32>, vector<16xi32>], vector<16xf32>,
        %parallel_loop3A_1631 = arith.constant 8.000000e+00 : f32
        %parallel_loop3A_1632 = vector.broadcast %parallel_loop3A_1631 : f32 to vector<16xf32>
        %parallel_loop3A_1633 = arith.mulf %parallel_loop3A_1630, %parallel_loop3A_1632 : vector<16xf32>
        %parallel_loop3A_1634 = arith.index_cast %parallel_loop3A_1620 : i32 to index
        %parallel_loop3A_1635 = arith.constant 0 : index
        %parallel_loop3A_1636 = tpu.vector_load %arg7[%parallel_loop3A_1634, %parallel_loop3A_1635] {strides = array<i32>} : memref<200x64xf32, #tpu.memory_space<vmem>>, vector<16xf32>,
        %parallel_loop3A_1637 = arith.addf %parallel_loop3A_1633, %parallel_loop3A_1636 : vector<16xf32>
        %parallel_loop3A_1638 = arith.index_cast %parallel_loop3A_1620 : i32 to index
        %parallel_loop3A_1639 = arith.constant 0 : index
        %parallel_loop3A_1640 = tpu.vector_load %arg12[%parallel_loop3A_1638, %parallel_loop3A_1639] {strides = array<i32>} : memref<200x64xf32, #tpu.memory_space<vmem>>, vector<16xf32>,
        tpu.vector_store %arg12[%parallel_loop3A_1638, %parallel_loop3A_1639], %parallel_loop3A_1637 {strides = array<i32>} : memref<200x64xf32, #tpu.memory_space<vmem>>, vector<16xf32>,
        %parallel_loop3A_1641 = arith.constant 16 : i32
        %parallel_loop3A_1642 = vector.broadcast %parallel_loop3A_1641 : i32 to vector<16xi32>
        %parallel_loop3A_1643 = arith.addi %parallel_loop3A_1642, %iota3A : vector<16xi32>
        %parallel_loop3A_1644 = arith.addi %parallel_loop3A_1624, %parallel_loop3A_1643 : vector<16xi32>
        %parallel_loop3A_1645 = tpu.vector_load_idx %arg11[%parallel_loop3A_1625, %parallel_loop3A_1644] : memref<208x128xf32, #tpu.memory_space<vmem>>[vector<16xi32>, vector<16xi32>], vector<16xf32>,
        %parallel_loop3A_1646 = arith.constant 8.000000e+00 : f32
        %parallel_loop3A_1647 = vector.broadcast %parallel_loop3A_1646 : f32 to vector<16xf32>
        %parallel_loop3A_1648 = arith.mulf %parallel_loop3A_1645, %parallel_loop3A_1647 : vector<16xf32>
        %parallel_loop3A_1649 = arith.index_cast %parallel_loop3A_1620 : i32 to index
        %parallel_loop3A_1650 = arith.constant 16 : index
        %parallel_loop3A_1651 = tpu.vector_load %arg7[%parallel_loop3A_1649, %parallel_loop3A_1650] {strides = array<i32>} : memref<200x64xf32, #tpu.memory_space<vmem>>, vector<16xf32>,
        %parallel_loop3A_1652 = arith.addf %parallel_loop3A_1648, %parallel_loop3A_1651 : vector<16xf32>
        %parallel_loop3A_1653 = arith.index_cast %parallel_loop3A_1620 : i32 to index
        %parallel_loop3A_1654 = arith.constant 16 : index
        %parallel_loop3A_1655 = tpu.vector_load %arg12[%parallel_loop3A_1653, %parallel_loop3A_1654] {strides = array<i32>} : memref<200x64xf32, #tpu.memory_space<vmem>>, vector<16xf32>,
        tpu.vector_store %arg12[%parallel_loop3A_1653, %parallel_loop3A_1654], %parallel_loop3A_1652 {strides = array<i32>} : memref<200x64xf32, #tpu.memory_space<vmem>>, vector<16xf32>,
        %parallel_loop3A_1656 = arith.constant 32 : i32
        %parallel_loop3A_1657 = vector.broadcast %parallel_loop3A_1656 : i32 to vector<16xi32>
        %parallel_loop3A_1658 = arith.addi %parallel_loop3A_1657, %iota3A : vector<16xi32>
        %parallel_loop3A_1659 = arith.addi %parallel_loop3A_1624, %parallel_loop3A_1658 : vector<16xi32>
        %parallel_loop3A_1660 = tpu.vector_load_idx %arg11[%parallel_loop3A_1625, %parallel_loop3A_1659] : memref<208x128xf32, #tpu.memory_space<vmem>>[vector<16xi32>, vector<16xi32>], vector<16xf32>,
        %parallel_loop3A_1661 = arith.constant 8.000000e+00 : f32
        %parallel_loop3A_1662 = vector.broadcast %parallel_loop3A_1661 : f32 to vector<16xf32>
        %parallel_loop3A_1663 = arith.mulf %parallel_loop3A_1660, %parallel_loop3A_1662 : vector<16xf32>
        %parallel_loop3A_1664 = arith.index_cast %parallel_loop3A_1620 : i32 to index
        %parallel_loop3A_1665 = arith.constant 32 : index
        %parallel_loop3A_1666 = tpu.vector_load %arg7[%parallel_loop3A_1664, %parallel_loop3A_1665] {strides = array<i32>} : memref<200x64xf32, #tpu.memory_space<vmem>>, vector<16xf32>,
        %parallel_loop3A_1667 = arith.addf %parallel_loop3A_1663, %parallel_loop3A_1666 : vector<16xf32>
        %parallel_loop3A_1668 = arith.index_cast %parallel_loop3A_1620 : i32 to index
        %parallel_loop3A_1669 = arith.constant 32 : index
        %parallel_loop3A_1670 = tpu.vector_load %arg12[%parallel_loop3A_1668, %parallel_loop3A_1669] {strides = array<i32>} : memref<200x64xf32, #tpu.memory_space<vmem>>, vector<16xf32>,
        tpu.vector_store %arg12[%parallel_loop3A_1668, %parallel_loop3A_1669], %parallel_loop3A_1667 {strides = array<i32>} : memref<200x64xf32, #tpu.memory_space<vmem>>, vector<16xf32>,
        %parallel_loop3A_1671 = arith.constant 48 : i32
        %parallel_loop3A_1672 = vector.broadcast %parallel_loop3A_1671 : i32 to vector<16xi32>
        %parallel_loop3A_1673 = arith.addi %parallel_loop3A_1672, %iota3A : vector<16xi32>
        %parallel_loop3A_1674 = arith.addi %parallel_loop3A_1624, %parallel_loop3A_1673 : vector<16xi32>
        %parallel_loop3A_1675 = tpu.vector_load_idx %arg11[%parallel_loop3A_1625, %parallel_loop3A_1674] : memref<208x128xf32, #tpu.memory_space<vmem>>[vector<16xi32>, vector<16xi32>], vector<16xf32>,
        %parallel_loop3A_1676 = arith.constant 8.000000e+00 : f32
        %parallel_loop3A_1677 = vector.broadcast %parallel_loop3A_1676 : f32 to vector<16xf32>
        %parallel_loop3A_1678 = arith.mulf %parallel_loop3A_1675, %parallel_loop3A_1677 : vector<16xf32>
        %parallel_loop3A_1679 = arith.index_cast %parallel_loop3A_1620 : i32 to index
        %parallel_loop3A_1680 = arith.constant 48 : index
        %parallel_loop3A_1681 = tpu.vector_load %arg7[%parallel_loop3A_1679, %parallel_loop3A_1680] {strides = array<i32>} : memref<200x64xf32, #tpu.memory_space<vmem>>, vector<16xf32>,
        %parallel_loop3A_1682 = arith.addf %parallel_loop3A_1678, %parallel_loop3A_1681 : vector<16xf32>
        %parallel_loop3A_1683 = arith.index_cast %parallel_loop3A_1620 : i32 to index
        %parallel_loop3A_1684 = arith.constant 48 : index
        %parallel_loop3A_1685 = tpu.vector_load %arg12[%parallel_loop3A_1683, %parallel_loop3A_1684] {strides = array<i32>} : memref<200x64xf32, #tpu.memory_space<vmem>>, vector<16xf32>,
        tpu.vector_store %arg12[%parallel_loop3A_1683, %parallel_loop3A_1684], %parallel_loop3A_1682 {strides = array<i32>} : memref<200x64xf32, #tpu.memory_space<vmem>>, vector<16xf32>,
        %parallel_loop3A_1686 = arith.constant 6 : i32
        %parallel_loop3A_1687 = arith.addi %parallel_loop3A_1274, %parallel_loop3A_1686 : i32
        %parallel_loop3A_1688 = arith.constant 6 : i32
        %parallel_loop3A_1689 = vector.broadcast %parallel_loop3A_1688 : i32 to vector<16x1xi32>
        %parallel_loop3A_1690 = vector.shape_cast %parallel_loop3A_1689 : vector<16x1xi32> to vector<16xi32>
        %parallel_loop3A_1691 = tpu.dynamic_gather %parallel_loop3A_1283[%parallel_loop3A_1690] in [0] : vector<16xi32>, vector<16xi32> -> vector<16xi32>
        %parallel_loop3A_1692 = vector.broadcast %parallel_loop3A_1687 : i32 to vector<16xi32>
        %parallel_loop3A_1693 = arith.constant 0 : i32
        %parallel_loop3A_1694 = vector.broadcast %parallel_loop3A_1693 : i32 to vector<16xi32>
        %parallel_loop3A_1695 = arith.addi %parallel_loop3A_1694, %iota3A : vector<16xi32>
        %parallel_loop3A_1696 = arith.addi %parallel_loop3A_1691, %parallel_loop3A_1695 : vector<16xi32>
        %parallel_loop3A_1697 = tpu.vector_load_idx %arg11[%parallel_loop3A_1692, %parallel_loop3A_1696] : memref<208x128xf32, #tpu.memory_space<vmem>>[vector<16xi32>, vector<16xi32>], vector<16xf32>,
        %parallel_loop3A_1698 = arith.constant 8.000000e+00 : f32
        %parallel_loop3A_1699 = vector.broadcast %parallel_loop3A_1698 : f32 to vector<16xf32>
        %parallel_loop3A_1700 = arith.mulf %parallel_loop3A_1697, %parallel_loop3A_1699 : vector<16xf32>
        %parallel_loop3A_1701 = arith.index_cast %parallel_loop3A_1687 : i32 to index
        %parallel_loop3A_1702 = arith.constant 0 : index
        %parallel_loop3A_1703 = tpu.vector_load %arg7[%parallel_loop3A_1701, %parallel_loop3A_1702] {strides = array<i32>} : memref<200x64xf32, #tpu.memory_space<vmem>>, vector<16xf32>,
        %parallel_loop3A_1704 = arith.addf %parallel_loop3A_1700, %parallel_loop3A_1703 : vector<16xf32>
        %parallel_loop3A_1705 = arith.index_cast %parallel_loop3A_1687 : i32 to index
        %parallel_loop3A_1706 = arith.constant 0 : index
        %parallel_loop3A_1707 = tpu.vector_load %arg12[%parallel_loop3A_1705, %parallel_loop3A_1706] {strides = array<i32>} : memref<200x64xf32, #tpu.memory_space<vmem>>, vector<16xf32>,
        tpu.vector_store %arg12[%parallel_loop3A_1705, %parallel_loop3A_1706], %parallel_loop3A_1704 {strides = array<i32>} : memref<200x64xf32, #tpu.memory_space<vmem>>, vector<16xf32>,
        %parallel_loop3A_1708 = arith.constant 16 : i32
        %parallel_loop3A_1709 = vector.broadcast %parallel_loop3A_1708 : i32 to vector<16xi32>
        %parallel_loop3A_1710 = arith.addi %parallel_loop3A_1709, %iota3A : vector<16xi32>
        %parallel_loop3A_1711 = arith.addi %parallel_loop3A_1691, %parallel_loop3A_1710 : vector<16xi32>
        %parallel_loop3A_1712 = tpu.vector_load_idx %arg11[%parallel_loop3A_1692, %parallel_loop3A_1711] : memref<208x128xf32, #tpu.memory_space<vmem>>[vector<16xi32>, vector<16xi32>], vector<16xf32>,
        %parallel_loop3A_1713 = arith.constant 8.000000e+00 : f32
        %parallel_loop3A_1714 = vector.broadcast %parallel_loop3A_1713 : f32 to vector<16xf32>
        %parallel_loop3A_1715 = arith.mulf %parallel_loop3A_1712, %parallel_loop3A_1714 : vector<16xf32>
        %parallel_loop3A_1716 = arith.index_cast %parallel_loop3A_1687 : i32 to index
        %parallel_loop3A_1717 = arith.constant 16 : index
        %parallel_loop3A_1718 = tpu.vector_load %arg7[%parallel_loop3A_1716, %parallel_loop3A_1717] {strides = array<i32>} : memref<200x64xf32, #tpu.memory_space<vmem>>, vector<16xf32>,
        %parallel_loop3A_1719 = arith.addf %parallel_loop3A_1715, %parallel_loop3A_1718 : vector<16xf32>
        %parallel_loop3A_1720 = arith.index_cast %parallel_loop3A_1687 : i32 to index
        %parallel_loop3A_1721 = arith.constant 16 : index
        %parallel_loop3A_1722 = tpu.vector_load %arg12[%parallel_loop3A_1720, %parallel_loop3A_1721] {strides = array<i32>} : memref<200x64xf32, #tpu.memory_space<vmem>>, vector<16xf32>,
        tpu.vector_store %arg12[%parallel_loop3A_1720, %parallel_loop3A_1721], %parallel_loop3A_1719 {strides = array<i32>} : memref<200x64xf32, #tpu.memory_space<vmem>>, vector<16xf32>,
        %parallel_loop3A_1723 = arith.constant 32 : i32
        %parallel_loop3A_1724 = vector.broadcast %parallel_loop3A_1723 : i32 to vector<16xi32>
        %parallel_loop3A_1725 = arith.addi %parallel_loop3A_1724, %iota3A : vector<16xi32>
        %parallel_loop3A_1726 = arith.addi %parallel_loop3A_1691, %parallel_loop3A_1725 : vector<16xi32>
        %parallel_loop3A_1727 = tpu.vector_load_idx %arg11[%parallel_loop3A_1692, %parallel_loop3A_1726] : memref<208x128xf32, #tpu.memory_space<vmem>>[vector<16xi32>, vector<16xi32>], vector<16xf32>,
        %parallel_loop3A_1728 = arith.constant 8.000000e+00 : f32
        %parallel_loop3A_1729 = vector.broadcast %parallel_loop3A_1728 : f32 to vector<16xf32>
        %parallel_loop3A_1730 = arith.mulf %parallel_loop3A_1727, %parallel_loop3A_1729 : vector<16xf32>
        %parallel_loop3A_1731 = arith.index_cast %parallel_loop3A_1687 : i32 to index
        %parallel_loop3A_1732 = arith.constant 32 : index
        %parallel_loop3A_1733 = tpu.vector_load %arg7[%parallel_loop3A_1731, %parallel_loop3A_1732] {strides = array<i32>} : memref<200x64xf32, #tpu.memory_space<vmem>>, vector<16xf32>,
        %parallel_loop3A_1734 = arith.addf %parallel_loop3A_1730, %parallel_loop3A_1733 : vector<16xf32>
        %parallel_loop3A_1735 = arith.index_cast %parallel_loop3A_1687 : i32 to index
        %parallel_loop3A_1736 = arith.constant 32 : index
        %parallel_loop3A_1737 = tpu.vector_load %arg12[%parallel_loop3A_1735, %parallel_loop3A_1736] {strides = array<i32>} : memref<200x64xf32, #tpu.memory_space<vmem>>, vector<16xf32>,
        tpu.vector_store %arg12[%parallel_loop3A_1735, %parallel_loop3A_1736], %parallel_loop3A_1734 {strides = array<i32>} : memref<200x64xf32, #tpu.memory_space<vmem>>, vector<16xf32>,
        %parallel_loop3A_1738 = arith.constant 48 : i32
        %parallel_loop3A_1739 = vector.broadcast %parallel_loop3A_1738 : i32 to vector<16xi32>
        %parallel_loop3A_1740 = arith.addi %parallel_loop3A_1739, %iota3A : vector<16xi32>
        %parallel_loop3A_1741 = arith.addi %parallel_loop3A_1691, %parallel_loop3A_1740 : vector<16xi32>
        %parallel_loop3A_1742 = tpu.vector_load_idx %arg11[%parallel_loop3A_1692, %parallel_loop3A_1741] : memref<208x128xf32, #tpu.memory_space<vmem>>[vector<16xi32>, vector<16xi32>], vector<16xf32>,
        %parallel_loop3A_1743 = arith.constant 8.000000e+00 : f32
        %parallel_loop3A_1744 = vector.broadcast %parallel_loop3A_1743 : f32 to vector<16xf32>
        %parallel_loop3A_1745 = arith.mulf %parallel_loop3A_1742, %parallel_loop3A_1744 : vector<16xf32>
        %parallel_loop3A_1746 = arith.index_cast %parallel_loop3A_1687 : i32 to index
        %parallel_loop3A_1747 = arith.constant 48 : index
        %parallel_loop3A_1748 = tpu.vector_load %arg7[%parallel_loop3A_1746, %parallel_loop3A_1747] {strides = array<i32>} : memref<200x64xf32, #tpu.memory_space<vmem>>, vector<16xf32>,
        %parallel_loop3A_1749 = arith.addf %parallel_loop3A_1745, %parallel_loop3A_1748 : vector<16xf32>
        %parallel_loop3A_1750 = arith.index_cast %parallel_loop3A_1687 : i32 to index
        %parallel_loop3A_1751 = arith.constant 48 : index
        %parallel_loop3A_1752 = tpu.vector_load %arg12[%parallel_loop3A_1750, %parallel_loop3A_1751] {strides = array<i32>} : memref<200x64xf32, #tpu.memory_space<vmem>>, vector<16xf32>,
        tpu.vector_store %arg12[%parallel_loop3A_1750, %parallel_loop3A_1751], %parallel_loop3A_1749 {strides = array<i32>} : memref<200x64xf32, #tpu.memory_space<vmem>>, vector<16xf32>,
        %parallel_loop3A_1753 = arith.constant 7 : i32
        %parallel_loop3A_1754 = arith.addi %parallel_loop3A_1274, %parallel_loop3A_1753 : i32
        %parallel_loop3A_1755 = arith.constant 7 : i32
        %parallel_loop3A_1756 = vector.broadcast %parallel_loop3A_1755 : i32 to vector<16x1xi32>
        %parallel_loop3A_1757 = vector.shape_cast %parallel_loop3A_1756 : vector<16x1xi32> to vector<16xi32>
        %parallel_loop3A_1758 = tpu.dynamic_gather %parallel_loop3A_1283[%parallel_loop3A_1757] in [0] : vector<16xi32>, vector<16xi32> -> vector<16xi32>
        %parallel_loop3A_1759 = vector.broadcast %parallel_loop3A_1754 : i32 to vector<16xi32>
        %parallel_loop3A_1760 = arith.constant 0 : i32
        %parallel_loop3A_1761 = vector.broadcast %parallel_loop3A_1760 : i32 to vector<16xi32>
        %parallel_loop3A_1762 = arith.addi %parallel_loop3A_1761, %iota3A : vector<16xi32>
        %parallel_loop3A_1763 = arith.addi %parallel_loop3A_1758, %parallel_loop3A_1762 : vector<16xi32>
        %parallel_loop3A_1764 = tpu.vector_load_idx %arg11[%parallel_loop3A_1759, %parallel_loop3A_1763] : memref<208x128xf32, #tpu.memory_space<vmem>>[vector<16xi32>, vector<16xi32>], vector<16xf32>,
        %parallel_loop3A_1765 = arith.constant 8.000000e+00 : f32
        %parallel_loop3A_1766 = vector.broadcast %parallel_loop3A_1765 : f32 to vector<16xf32>
        %parallel_loop3A_1767 = arith.mulf %parallel_loop3A_1764, %parallel_loop3A_1766 : vector<16xf32>
        %parallel_loop3A_1768 = arith.index_cast %parallel_loop3A_1754 : i32 to index
        %parallel_loop3A_1769 = arith.constant 0 : index
        %parallel_loop3A_1770 = tpu.vector_load %arg7[%parallel_loop3A_1768, %parallel_loop3A_1769] {strides = array<i32>} : memref<200x64xf32, #tpu.memory_space<vmem>>, vector<16xf32>,
        %parallel_loop3A_1771 = arith.addf %parallel_loop3A_1767, %parallel_loop3A_1770 : vector<16xf32>
        %parallel_loop3A_1772 = arith.index_cast %parallel_loop3A_1754 : i32 to index
        %parallel_loop3A_1773 = arith.constant 0 : index
        %parallel_loop3A_1774 = tpu.vector_load %arg12[%parallel_loop3A_1772, %parallel_loop3A_1773] {strides = array<i32>} : memref<200x64xf32, #tpu.memory_space<vmem>>, vector<16xf32>,
        tpu.vector_store %arg12[%parallel_loop3A_1772, %parallel_loop3A_1773], %parallel_loop3A_1771 {strides = array<i32>} : memref<200x64xf32, #tpu.memory_space<vmem>>, vector<16xf32>,
        %parallel_loop3A_1775 = arith.constant 16 : i32
        %parallel_loop3A_1776 = vector.broadcast %parallel_loop3A_1775 : i32 to vector<16xi32>
        %parallel_loop3A_1777 = arith.addi %parallel_loop3A_1776, %iota3A : vector<16xi32>
        %parallel_loop3A_1778 = arith.addi %parallel_loop3A_1758, %parallel_loop3A_1777 : vector<16xi32>
        %parallel_loop3A_1779 = tpu.vector_load_idx %arg11[%parallel_loop3A_1759, %parallel_loop3A_1778] : memref<208x128xf32, #tpu.memory_space<vmem>>[vector<16xi32>, vector<16xi32>], vector<16xf32>,
        %parallel_loop3A_1780 = arith.constant 8.000000e+00 : f32
        %parallel_loop3A_1781 = vector.broadcast %parallel_loop3A_1780 : f32 to vector<16xf32>
        %parallel_loop3A_1782 = arith.mulf %parallel_loop3A_1779, %parallel_loop3A_1781 : vector<16xf32>
        %parallel_loop3A_1783 = arith.index_cast %parallel_loop3A_1754 : i32 to index
        %parallel_loop3A_1784 = arith.constant 16 : index
        %parallel_loop3A_1785 = tpu.vector_load %arg7[%parallel_loop3A_1783, %parallel_loop3A_1784] {strides = array<i32>} : memref<200x64xf32, #tpu.memory_space<vmem>>, vector<16xf32>,
        %parallel_loop3A_1786 = arith.addf %parallel_loop3A_1782, %parallel_loop3A_1785 : vector<16xf32>
        %parallel_loop3A_1787 = arith.index_cast %parallel_loop3A_1754 : i32 to index
        %parallel_loop3A_1788 = arith.constant 16 : index
        %parallel_loop3A_1789 = tpu.vector_load %arg12[%parallel_loop3A_1787, %parallel_loop3A_1788] {strides = array<i32>} : memref<200x64xf32, #tpu.memory_space<vmem>>, vector<16xf32>,
        tpu.vector_store %arg12[%parallel_loop3A_1787, %parallel_loop3A_1788], %parallel_loop3A_1786 {strides = array<i32>} : memref<200x64xf32, #tpu.memory_space<vmem>>, vector<16xf32>,
        %parallel_loop3A_1790 = arith.constant 32 : i32
        %parallel_loop3A_1791 = vector.broadcast %parallel_loop3A_1790 : i32 to vector<16xi32>
        %parallel_loop3A_1792 = arith.addi %parallel_loop3A_1791, %iota3A : vector<16xi32>
        %parallel_loop3A_1793 = arith.addi %parallel_loop3A_1758, %parallel_loop3A_1792 : vector<16xi32>
        %parallel_loop3A_1794 = tpu.vector_load_idx %arg11[%parallel_loop3A_1759, %parallel_loop3A_1793] : memref<208x128xf32, #tpu.memory_space<vmem>>[vector<16xi32>, vector<16xi32>], vector<16xf32>,
        %parallel_loop3A_1795 = arith.constant 8.000000e+00 : f32
        %parallel_loop3A_1796 = vector.broadcast %parallel_loop3A_1795 : f32 to vector<16xf32>
        %parallel_loop3A_1797 = arith.mulf %parallel_loop3A_1794, %parallel_loop3A_1796 : vector<16xf32>
        %parallel_loop3A_1798 = arith.index_cast %parallel_loop3A_1754 : i32 to index
        %parallel_loop3A_1799 = arith.constant 32 : index
        %parallel_loop3A_1800 = tpu.vector_load %arg7[%parallel_loop3A_1798, %parallel_loop3A_1799] {strides = array<i32>} : memref<200x64xf32, #tpu.memory_space<vmem>>, vector<16xf32>,
        %parallel_loop3A_1801 = arith.addf %parallel_loop3A_1797, %parallel_loop3A_1800 : vector<16xf32>
        %parallel_loop3A_1802 = arith.index_cast %parallel_loop3A_1754 : i32 to index
        %parallel_loop3A_1803 = arith.constant 32 : index
        %parallel_loop3A_1804 = tpu.vector_load %arg12[%parallel_loop3A_1802, %parallel_loop3A_1803] {strides = array<i32>} : memref<200x64xf32, #tpu.memory_space<vmem>>, vector<16xf32>,
        tpu.vector_store %arg12[%parallel_loop3A_1802, %parallel_loop3A_1803], %parallel_loop3A_1801 {strides = array<i32>} : memref<200x64xf32, #tpu.memory_space<vmem>>, vector<16xf32>,
        %parallel_loop3A_1805 = arith.constant 48 : i32
        %parallel_loop3A_1806 = vector.broadcast %parallel_loop3A_1805 : i32 to vector<16xi32>
        %parallel_loop3A_1807 = arith.addi %parallel_loop3A_1806, %iota3A : vector<16xi32>
        %parallel_loop3A_1808 = arith.addi %parallel_loop3A_1758, %parallel_loop3A_1807 : vector<16xi32>
        %parallel_loop3A_1809 = tpu.vector_load_idx %arg11[%parallel_loop3A_1759, %parallel_loop3A_1808] : memref<208x128xf32, #tpu.memory_space<vmem>>[vector<16xi32>, vector<16xi32>], vector<16xf32>,
        %parallel_loop3A_1810 = arith.constant 8.000000e+00 : f32
        %parallel_loop3A_1811 = vector.broadcast %parallel_loop3A_1810 : f32 to vector<16xf32>
        %parallel_loop3A_1812 = arith.mulf %parallel_loop3A_1809, %parallel_loop3A_1811 : vector<16xf32>
        %parallel_loop3A_1813 = arith.index_cast %parallel_loop3A_1754 : i32 to index
        %parallel_loop3A_1814 = arith.constant 48 : index
        %parallel_loop3A_1815 = tpu.vector_load %arg7[%parallel_loop3A_1813, %parallel_loop3A_1814] {strides = array<i32>} : memref<200x64xf32, #tpu.memory_space<vmem>>, vector<16xf32>,
        %parallel_loop3A_1816 = arith.addf %parallel_loop3A_1812, %parallel_loop3A_1815 : vector<16xf32>
        %parallel_loop3A_1817 = arith.index_cast %parallel_loop3A_1754 : i32 to index
        %parallel_loop3A_1818 = arith.constant 48 : index
        %parallel_loop3A_1819 = tpu.vector_load %arg12[%parallel_loop3A_1817, %parallel_loop3A_1818] {strides = array<i32>} : memref<200x64xf32, #tpu.memory_space<vmem>>, vector<16xf32>,
        tpu.vector_store %arg12[%parallel_loop3A_1817, %parallel_loop3A_1818], %parallel_loop3A_1816 {strides = array<i32>} : memref<200x64xf32, #tpu.memory_space<vmem>>, vector<16xf32>,
        %parallel_loop3A_1820 = arith.constant 8 : i32
        %parallel_loop3A_1821 = arith.addi %parallel_loop3A_1274, %parallel_loop3A_1820 : i32
        %parallel_loop3A_1822 = arith.constant 8 : i32
        %parallel_loop3A_1823 = vector.broadcast %parallel_loop3A_1822 : i32 to vector<16x1xi32>
        %parallel_loop3A_1824 = vector.shape_cast %parallel_loop3A_1823 : vector<16x1xi32> to vector<16xi32>
        %parallel_loop3A_1825 = tpu.dynamic_gather %parallel_loop3A_1283[%parallel_loop3A_1824] in [0] : vector<16xi32>, vector<16xi32> -> vector<16xi32>
        %parallel_loop3A_1826 = vector.broadcast %parallel_loop3A_1821 : i32 to vector<16xi32>
        %parallel_loop3A_1827 = arith.constant 0 : i32
        %parallel_loop3A_1828 = vector.broadcast %parallel_loop3A_1827 : i32 to vector<16xi32>
        %parallel_loop3A_1829 = arith.addi %parallel_loop3A_1828, %iota3A : vector<16xi32>
        %parallel_loop3A_1830 = arith.addi %parallel_loop3A_1825, %parallel_loop3A_1829 : vector<16xi32>
        %parallel_loop3A_1831 = tpu.vector_load_idx %arg11[%parallel_loop3A_1826, %parallel_loop3A_1830] : memref<208x128xf32, #tpu.memory_space<vmem>>[vector<16xi32>, vector<16xi32>], vector<16xf32>,
        %parallel_loop3A_1832 = arith.constant 8.000000e+00 : f32
        %parallel_loop3A_1833 = vector.broadcast %parallel_loop3A_1832 : f32 to vector<16xf32>
        %parallel_loop3A_1834 = arith.mulf %parallel_loop3A_1831, %parallel_loop3A_1833 : vector<16xf32>
        %parallel_loop3A_1835 = arith.index_cast %parallel_loop3A_1821 : i32 to index
        %parallel_loop3A_1836 = arith.constant 0 : index
        %parallel_loop3A_1837 = tpu.vector_load %arg7[%parallel_loop3A_1835, %parallel_loop3A_1836] {strides = array<i32>} : memref<200x64xf32, #tpu.memory_space<vmem>>, vector<16xf32>,
        %parallel_loop3A_1838 = arith.addf %parallel_loop3A_1834, %parallel_loop3A_1837 : vector<16xf32>
        %parallel_loop3A_1839 = arith.index_cast %parallel_loop3A_1821 : i32 to index
        %parallel_loop3A_1840 = arith.constant 0 : index
        %parallel_loop3A_1841 = tpu.vector_load %arg12[%parallel_loop3A_1839, %parallel_loop3A_1840] {strides = array<i32>} : memref<200x64xf32, #tpu.memory_space<vmem>>, vector<16xf32>,
        tpu.vector_store %arg12[%parallel_loop3A_1839, %parallel_loop3A_1840], %parallel_loop3A_1838 {strides = array<i32>} : memref<200x64xf32, #tpu.memory_space<vmem>>, vector<16xf32>,
        %parallel_loop3A_1842 = arith.constant 16 : i32
        %parallel_loop3A_1843 = vector.broadcast %parallel_loop3A_1842 : i32 to vector<16xi32>
        %parallel_loop3A_1844 = arith.addi %parallel_loop3A_1843, %iota3A : vector<16xi32>
        %parallel_loop3A_1845 = arith.addi %parallel_loop3A_1825, %parallel_loop3A_1844 : vector<16xi32>
        %parallel_loop3A_1846 = tpu.vector_load_idx %arg11[%parallel_loop3A_1826, %parallel_loop3A_1845] : memref<208x128xf32, #tpu.memory_space<vmem>>[vector<16xi32>, vector<16xi32>], vector<16xf32>,
        %parallel_loop3A_1847 = arith.constant 8.000000e+00 : f32
        %parallel_loop3A_1848 = vector.broadcast %parallel_loop3A_1847 : f32 to vector<16xf32>
        %parallel_loop3A_1849 = arith.mulf %parallel_loop3A_1846, %parallel_loop3A_1848 : vector<16xf32>
        %parallel_loop3A_1850 = arith.index_cast %parallel_loop3A_1821 : i32 to index
        %parallel_loop3A_1851 = arith.constant 16 : index
        %parallel_loop3A_1852 = tpu.vector_load %arg7[%parallel_loop3A_1850, %parallel_loop3A_1851] {strides = array<i32>} : memref<200x64xf32, #tpu.memory_space<vmem>>, vector<16xf32>,
        %parallel_loop3A_1853 = arith.addf %parallel_loop3A_1849, %parallel_loop3A_1852 : vector<16xf32>
        %parallel_loop3A_1854 = arith.index_cast %parallel_loop3A_1821 : i32 to index
        %parallel_loop3A_1855 = arith.constant 16 : index
        %parallel_loop3A_1856 = tpu.vector_load %arg12[%parallel_loop3A_1854, %parallel_loop3A_1855] {strides = array<i32>} : memref<200x64xf32, #tpu.memory_space<vmem>>, vector<16xf32>,
        tpu.vector_store %arg12[%parallel_loop3A_1854, %parallel_loop3A_1855], %parallel_loop3A_1853 {strides = array<i32>} : memref<200x64xf32, #tpu.memory_space<vmem>>, vector<16xf32>,
        %parallel_loop3A_1857 = arith.constant 32 : i32
        %parallel_loop3A_1858 = vector.broadcast %parallel_loop3A_1857 : i32 to vector<16xi32>
        %parallel_loop3A_1859 = arith.addi %parallel_loop3A_1858, %iota3A : vector<16xi32>
        %parallel_loop3A_1860 = arith.addi %parallel_loop3A_1825, %parallel_loop3A_1859 : vector<16xi32>
        %parallel_loop3A_1861 = tpu.vector_load_idx %arg11[%parallel_loop3A_1826, %parallel_loop3A_1860] : memref<208x128xf32, #tpu.memory_space<vmem>>[vector<16xi32>, vector<16xi32>], vector<16xf32>,
        %parallel_loop3A_1862 = arith.constant 8.000000e+00 : f32
        %parallel_loop3A_1863 = vector.broadcast %parallel_loop3A_1862 : f32 to vector<16xf32>
        %parallel_loop3A_1864 = arith.mulf %parallel_loop3A_1861, %parallel_loop3A_1863 : vector<16xf32>
        %parallel_loop3A_1865 = arith.index_cast %parallel_loop3A_1821 : i32 to index
        %parallel_loop3A_1866 = arith.constant 32 : index
        %parallel_loop3A_1867 = tpu.vector_load %arg7[%parallel_loop3A_1865, %parallel_loop3A_1866] {strides = array<i32>} : memref<200x64xf32, #tpu.memory_space<vmem>>, vector<16xf32>,
        %parallel_loop3A_1868 = arith.addf %parallel_loop3A_1864, %parallel_loop3A_1867 : vector<16xf32>
        %parallel_loop3A_1869 = arith.index_cast %parallel_loop3A_1821 : i32 to index
        %parallel_loop3A_1870 = arith.constant 32 : index
        %parallel_loop3A_1871 = tpu.vector_load %arg12[%parallel_loop3A_1869, %parallel_loop3A_1870] {strides = array<i32>} : memref<200x64xf32, #tpu.memory_space<vmem>>, vector<16xf32>,
        tpu.vector_store %arg12[%parallel_loop3A_1869, %parallel_loop3A_1870], %parallel_loop3A_1868 {strides = array<i32>} : memref<200x64xf32, #tpu.memory_space<vmem>>, vector<16xf32>,
        %parallel_loop3A_1872 = arith.constant 48 : i32
        %parallel_loop3A_1873 = vector.broadcast %parallel_loop3A_1872 : i32 to vector<16xi32>
        %parallel_loop3A_1874 = arith.addi %parallel_loop3A_1873, %iota3A : vector<16xi32>
        %parallel_loop3A_1875 = arith.addi %parallel_loop3A_1825, %parallel_loop3A_1874 : vector<16xi32>
        %parallel_loop3A_1876 = tpu.vector_load_idx %arg11[%parallel_loop3A_1826, %parallel_loop3A_1875] : memref<208x128xf32, #tpu.memory_space<vmem>>[vector<16xi32>, vector<16xi32>], vector<16xf32>,
        %parallel_loop3A_1877 = arith.constant 8.000000e+00 : f32
        %parallel_loop3A_1878 = vector.broadcast %parallel_loop3A_1877 : f32 to vector<16xf32>
        %parallel_loop3A_1879 = arith.mulf %parallel_loop3A_1876, %parallel_loop3A_1878 : vector<16xf32>
        %parallel_loop3A_1880 = arith.index_cast %parallel_loop3A_1821 : i32 to index
        %parallel_loop3A_1881 = arith.constant 48 : index
        %parallel_loop3A_1882 = tpu.vector_load %arg7[%parallel_loop3A_1880, %parallel_loop3A_1881] {strides = array<i32>} : memref<200x64xf32, #tpu.memory_space<vmem>>, vector<16xf32>,
        %parallel_loop3A_1883 = arith.addf %parallel_loop3A_1879, %parallel_loop3A_1882 : vector<16xf32>
        %parallel_loop3A_1884 = arith.index_cast %parallel_loop3A_1821 : i32 to index
        %parallel_loop3A_1885 = arith.constant 48 : index
        %parallel_loop3A_1886 = tpu.vector_load %arg12[%parallel_loop3A_1884, %parallel_loop3A_1885] {strides = array<i32>} : memref<200x64xf32, #tpu.memory_space<vmem>>, vector<16xf32>,
        tpu.vector_store %arg12[%parallel_loop3A_1884, %parallel_loop3A_1885], %parallel_loop3A_1883 {strides = array<i32>} : memref<200x64xf32, #tpu.memory_space<vmem>>, vector<16xf32>,
        %parallel_loop3A_1887 = arith.constant 9 : i32
        %parallel_loop3A_1888 = arith.addi %parallel_loop3A_1274, %parallel_loop3A_1887 : i32
        %parallel_loop3A_1889 = arith.constant 9 : i32
        %parallel_loop3A_1890 = vector.broadcast %parallel_loop3A_1889 : i32 to vector<16x1xi32>
        %parallel_loop3A_1891 = vector.shape_cast %parallel_loop3A_1890 : vector<16x1xi32> to vector<16xi32>
        %parallel_loop3A_1892 = tpu.dynamic_gather %parallel_loop3A_1283[%parallel_loop3A_1891] in [0] : vector<16xi32>, vector<16xi32> -> vector<16xi32>
        %parallel_loop3A_1893 = vector.broadcast %parallel_loop3A_1888 : i32 to vector<16xi32>
        %parallel_loop3A_1894 = arith.constant 0 : i32
        %parallel_loop3A_1895 = vector.broadcast %parallel_loop3A_1894 : i32 to vector<16xi32>
        %parallel_loop3A_1896 = arith.addi %parallel_loop3A_1895, %iota3A : vector<16xi32>
        %parallel_loop3A_1897 = arith.addi %parallel_loop3A_1892, %parallel_loop3A_1896 : vector<16xi32>
        %parallel_loop3A_1898 = tpu.vector_load_idx %arg11[%parallel_loop3A_1893, %parallel_loop3A_1897] : memref<208x128xf32, #tpu.memory_space<vmem>>[vector<16xi32>, vector<16xi32>], vector<16xf32>,
        %parallel_loop3A_1899 = arith.constant 8.000000e+00 : f32
        %parallel_loop3A_1900 = vector.broadcast %parallel_loop3A_1899 : f32 to vector<16xf32>
        %parallel_loop3A_1901 = arith.mulf %parallel_loop3A_1898, %parallel_loop3A_1900 : vector<16xf32>
        %parallel_loop3A_1902 = arith.index_cast %parallel_loop3A_1888 : i32 to index
        %parallel_loop3A_1903 = arith.constant 0 : index
        %parallel_loop3A_1904 = tpu.vector_load %arg7[%parallel_loop3A_1902, %parallel_loop3A_1903] {strides = array<i32>} : memref<200x64xf32, #tpu.memory_space<vmem>>, vector<16xf32>,
        %parallel_loop3A_1905 = arith.addf %parallel_loop3A_1901, %parallel_loop3A_1904 : vector<16xf32>
        %parallel_loop3A_1906 = arith.index_cast %parallel_loop3A_1888 : i32 to index
        %parallel_loop3A_1907 = arith.constant 0 : index
        %parallel_loop3A_1908 = tpu.vector_load %arg12[%parallel_loop3A_1906, %parallel_loop3A_1907] {strides = array<i32>} : memref<200x64xf32, #tpu.memory_space<vmem>>, vector<16xf32>,
        tpu.vector_store %arg12[%parallel_loop3A_1906, %parallel_loop3A_1907], %parallel_loop3A_1905 {strides = array<i32>} : memref<200x64xf32, #tpu.memory_space<vmem>>, vector<16xf32>,
        %parallel_loop3A_1909 = arith.constant 16 : i32
        %parallel_loop3A_1910 = vector.broadcast %parallel_loop3A_1909 : i32 to vector<16xi32>
        %parallel_loop3A_1911 = arith.addi %parallel_loop3A_1910, %iota3A : vector<16xi32>
        %parallel_loop3A_1912 = arith.addi %parallel_loop3A_1892, %parallel_loop3A_1911 : vector<16xi32>
        %parallel_loop3A_1913 = tpu.vector_load_idx %arg11[%parallel_loop3A_1893, %parallel_loop3A_1912] : memref<208x128xf32, #tpu.memory_space<vmem>>[vector<16xi32>, vector<16xi32>], vector<16xf32>,
        %parallel_loop3A_1914 = arith.constant 8.000000e+00 : f32
        %parallel_loop3A_1915 = vector.broadcast %parallel_loop3A_1914 : f32 to vector<16xf32>
        %parallel_loop3A_1916 = arith.mulf %parallel_loop3A_1913, %parallel_loop3A_1915 : vector<16xf32>
        %parallel_loop3A_1917 = arith.index_cast %parallel_loop3A_1888 : i32 to index
        %parallel_loop3A_1918 = arith.constant 16 : index
        %parallel_loop3A_1919 = tpu.vector_load %arg7[%parallel_loop3A_1917, %parallel_loop3A_1918] {strides = array<i32>} : memref<200x64xf32, #tpu.memory_space<vmem>>, vector<16xf32>,
        %parallel_loop3A_1920 = arith.addf %parallel_loop3A_1916, %parallel_loop3A_1919 : vector<16xf32>
        %parallel_loop3A_1921 = arith.index_cast %parallel_loop3A_1888 : i32 to index
        %parallel_loop3A_1922 = arith.constant 16 : index
        %parallel_loop3A_1923 = tpu.vector_load %arg12[%parallel_loop3A_1921, %parallel_loop3A_1922] {strides = array<i32>} : memref<200x64xf32, #tpu.memory_space<vmem>>, vector<16xf32>,
        tpu.vector_store %arg12[%parallel_loop3A_1921, %parallel_loop3A_1922], %parallel_loop3A_1920 {strides = array<i32>} : memref<200x64xf32, #tpu.memory_space<vmem>>, vector<16xf32>,
        %parallel_loop3A_1924 = arith.constant 32 : i32
        %parallel_loop3A_1925 = vector.broadcast %parallel_loop3A_1924 : i32 to vector<16xi32>
        %parallel_loop3A_1926 = arith.addi %parallel_loop3A_1925, %iota3A : vector<16xi32>
        %parallel_loop3A_1927 = arith.addi %parallel_loop3A_1892, %parallel_loop3A_1926 : vector<16xi32>
        %parallel_loop3A_1928 = tpu.vector_load_idx %arg11[%parallel_loop3A_1893, %parallel_loop3A_1927] : memref<208x128xf32, #tpu.memory_space<vmem>>[vector<16xi32>, vector<16xi32>], vector<16xf32>,
        %parallel_loop3A_1929 = arith.constant 8.000000e+00 : f32
        %parallel_loop3A_1930 = vector.broadcast %parallel_loop3A_1929 : f32 to vector<16xf32>
        %parallel_loop3A_1931 = arith.mulf %parallel_loop3A_1928, %parallel_loop3A_1930 : vector<16xf32>
        %parallel_loop3A_1932 = arith.index_cast %parallel_loop3A_1888 : i32 to index
        %parallel_loop3A_1933 = arith.constant 32 : index
        %parallel_loop3A_1934 = tpu.vector_load %arg7[%parallel_loop3A_1932, %parallel_loop3A_1933] {strides = array<i32>} : memref<200x64xf32, #tpu.memory_space<vmem>>, vector<16xf32>,
        %parallel_loop3A_1935 = arith.addf %parallel_loop3A_1931, %parallel_loop3A_1934 : vector<16xf32>
        %parallel_loop3A_1936 = arith.index_cast %parallel_loop3A_1888 : i32 to index
        %parallel_loop3A_1937 = arith.constant 32 : index
        %parallel_loop3A_1938 = tpu.vector_load %arg12[%parallel_loop3A_1936, %parallel_loop3A_1937] {strides = array<i32>} : memref<200x64xf32, #tpu.memory_space<vmem>>, vector<16xf32>,
        tpu.vector_store %arg12[%parallel_loop3A_1936, %parallel_loop3A_1937], %parallel_loop3A_1935 {strides = array<i32>} : memref<200x64xf32, #tpu.memory_space<vmem>>, vector<16xf32>,
        %parallel_loop3A_1939 = arith.constant 48 : i32
        %parallel_loop3A_1940 = vector.broadcast %parallel_loop3A_1939 : i32 to vector<16xi32>
        %parallel_loop3A_1941 = arith.addi %parallel_loop3A_1940, %iota3A : vector<16xi32>
        %parallel_loop3A_1942 = arith.addi %parallel_loop3A_1892, %parallel_loop3A_1941 : vector<16xi32>
        %parallel_loop3A_1943 = tpu.vector_load_idx %arg11[%parallel_loop3A_1893, %parallel_loop3A_1942] : memref<208x128xf32, #tpu.memory_space<vmem>>[vector<16xi32>, vector<16xi32>], vector<16xf32>,
        %parallel_loop3A_1944 = arith.constant 8.000000e+00 : f32
        %parallel_loop3A_1945 = vector.broadcast %parallel_loop3A_1944 : f32 to vector<16xf32>
        %parallel_loop3A_1946 = arith.mulf %parallel_loop3A_1943, %parallel_loop3A_1945 : vector<16xf32>
        %parallel_loop3A_1947 = arith.index_cast %parallel_loop3A_1888 : i32 to index
        %parallel_loop3A_1948 = arith.constant 48 : index
        %parallel_loop3A_1949 = tpu.vector_load %arg7[%parallel_loop3A_1947, %parallel_loop3A_1948] {strides = array<i32>} : memref<200x64xf32, #tpu.memory_space<vmem>>, vector<16xf32>,
        %parallel_loop3A_1950 = arith.addf %parallel_loop3A_1946, %parallel_loop3A_1949 : vector<16xf32>
        %parallel_loop3A_1951 = arith.index_cast %parallel_loop3A_1888 : i32 to index
        %parallel_loop3A_1952 = arith.constant 48 : index
        %parallel_loop3A_1953 = tpu.vector_load %arg12[%parallel_loop3A_1951, %parallel_loop3A_1952] {strides = array<i32>} : memref<200x64xf32, #tpu.memory_space<vmem>>, vector<16xf32>,
        tpu.vector_store %arg12[%parallel_loop3A_1951, %parallel_loop3A_1952], %parallel_loop3A_1950 {strides = array<i32>} : memref<200x64xf32, #tpu.memory_space<vmem>>, vector<16xf32>,
        %parallel_loop3A_1954 = arith.constant 10 : i32
        %parallel_loop3A_1955 = arith.addi %parallel_loop3A_1274, %parallel_loop3A_1954 : i32
        %parallel_loop3A_1956 = arith.constant 10 : i32
        %parallel_loop3A_1957 = vector.broadcast %parallel_loop3A_1956 : i32 to vector<16x1xi32>
        %parallel_loop3A_1958 = vector.shape_cast %parallel_loop3A_1957 : vector<16x1xi32> to vector<16xi32>
        %parallel_loop3A_1959 = tpu.dynamic_gather %parallel_loop3A_1283[%parallel_loop3A_1958] in [0] : vector<16xi32>, vector<16xi32> -> vector<16xi32>
        %parallel_loop3A_1960 = vector.broadcast %parallel_loop3A_1955 : i32 to vector<16xi32>
        %parallel_loop3A_1961 = arith.constant 0 : i32
        %parallel_loop3A_1962 = vector.broadcast %parallel_loop3A_1961 : i32 to vector<16xi32>
        %parallel_loop3A_1963 = arith.addi %parallel_loop3A_1962, %iota3A : vector<16xi32>
        %parallel_loop3A_1964 = arith.addi %parallel_loop3A_1959, %parallel_loop3A_1963 : vector<16xi32>
        %parallel_loop3A_1965 = tpu.vector_load_idx %arg11[%parallel_loop3A_1960, %parallel_loop3A_1964] : memref<208x128xf32, #tpu.memory_space<vmem>>[vector<16xi32>, vector<16xi32>], vector<16xf32>,
        %parallel_loop3A_1966 = arith.constant 8.000000e+00 : f32
        %parallel_loop3A_1967 = vector.broadcast %parallel_loop3A_1966 : f32 to vector<16xf32>
        %parallel_loop3A_1968 = arith.mulf %parallel_loop3A_1965, %parallel_loop3A_1967 : vector<16xf32>
        %parallel_loop3A_1969 = arith.index_cast %parallel_loop3A_1955 : i32 to index
        %parallel_loop3A_1970 = arith.constant 0 : index
        %parallel_loop3A_1971 = tpu.vector_load %arg7[%parallel_loop3A_1969, %parallel_loop3A_1970] {strides = array<i32>} : memref<200x64xf32, #tpu.memory_space<vmem>>, vector<16xf32>,
        %parallel_loop3A_1972 = arith.addf %parallel_loop3A_1968, %parallel_loop3A_1971 : vector<16xf32>
        %parallel_loop3A_1973 = arith.index_cast %parallel_loop3A_1955 : i32 to index
        %parallel_loop3A_1974 = arith.constant 0 : index
        %parallel_loop3A_1975 = tpu.vector_load %arg12[%parallel_loop3A_1973, %parallel_loop3A_1974] {strides = array<i32>} : memref<200x64xf32, #tpu.memory_space<vmem>>, vector<16xf32>,
        tpu.vector_store %arg12[%parallel_loop3A_1973, %parallel_loop3A_1974], %parallel_loop3A_1972 {strides = array<i32>} : memref<200x64xf32, #tpu.memory_space<vmem>>, vector<16xf32>,
        %parallel_loop3A_1976 = arith.constant 16 : i32
        %parallel_loop3A_1977 = vector.broadcast %parallel_loop3A_1976 : i32 to vector<16xi32>
        %parallel_loop3A_1978 = arith.addi %parallel_loop3A_1977, %iota3A : vector<16xi32>
        %parallel_loop3A_1979 = arith.addi %parallel_loop3A_1959, %parallel_loop3A_1978 : vector<16xi32>
        %parallel_loop3A_1980 = tpu.vector_load_idx %arg11[%parallel_loop3A_1960, %parallel_loop3A_1979] : memref<208x128xf32, #tpu.memory_space<vmem>>[vector<16xi32>, vector<16xi32>], vector<16xf32>,
        %parallel_loop3A_1981 = arith.constant 8.000000e+00 : f32
        %parallel_loop3A_1982 = vector.broadcast %parallel_loop3A_1981 : f32 to vector<16xf32>
        %parallel_loop3A_1983 = arith.mulf %parallel_loop3A_1980, %parallel_loop3A_1982 : vector<16xf32>
        %parallel_loop3A_1984 = arith.index_cast %parallel_loop3A_1955 : i32 to index
        %parallel_loop3A_1985 = arith.constant 16 : index
        %parallel_loop3A_1986 = tpu.vector_load %arg7[%parallel_loop3A_1984, %parallel_loop3A_1985] {strides = array<i32>} : memref<200x64xf32, #tpu.memory_space<vmem>>, vector<16xf32>,
        %parallel_loop3A_1987 = arith.addf %parallel_loop3A_1983, %parallel_loop3A_1986 : vector<16xf32>
        %parallel_loop3A_1988 = arith.index_cast %parallel_loop3A_1955 : i32 to index
        %parallel_loop3A_1989 = arith.constant 16 : index
        %parallel_loop3A_1990 = tpu.vector_load %arg12[%parallel_loop3A_1988, %parallel_loop3A_1989] {strides = array<i32>} : memref<200x64xf32, #tpu.memory_space<vmem>>, vector<16xf32>,
        tpu.vector_store %arg12[%parallel_loop3A_1988, %parallel_loop3A_1989], %parallel_loop3A_1987 {strides = array<i32>} : memref<200x64xf32, #tpu.memory_space<vmem>>, vector<16xf32>,
        %parallel_loop3A_1991 = arith.constant 32 : i32
        %parallel_loop3A_1992 = vector.broadcast %parallel_loop3A_1991 : i32 to vector<16xi32>
        %parallel_loop3A_1993 = arith.addi %parallel_loop3A_1992, %iota3A : vector<16xi32>
        %parallel_loop3A_1994 = arith.addi %parallel_loop3A_1959, %parallel_loop3A_1993 : vector<16xi32>
        %parallel_loop3A_1995 = tpu.vector_load_idx %arg11[%parallel_loop3A_1960, %parallel_loop3A_1994] : memref<208x128xf32, #tpu.memory_space<vmem>>[vector<16xi32>, vector<16xi32>], vector<16xf32>,
        %parallel_loop3A_1996 = arith.constant 8.000000e+00 : f32
        %parallel_loop3A_1997 = vector.broadcast %parallel_loop3A_1996 : f32 to vector<16xf32>
        %parallel_loop3A_1998 = arith.mulf %parallel_loop3A_1995, %parallel_loop3A_1997 : vector<16xf32>
        %parallel_loop3A_1999 = arith.index_cast %parallel_loop3A_1955 : i32 to index
        %parallel_loop3A_2000 = arith.constant 32 : index
        %parallel_loop3A_2001 = tpu.vector_load %arg7[%parallel_loop3A_1999, %parallel_loop3A_2000] {strides = array<i32>} : memref<200x64xf32, #tpu.memory_space<vmem>>, vector<16xf32>,
        %parallel_loop3A_2002 = arith.addf %parallel_loop3A_1998, %parallel_loop3A_2001 : vector<16xf32>
        %parallel_loop3A_2003 = arith.index_cast %parallel_loop3A_1955 : i32 to index
        %parallel_loop3A_2004 = arith.constant 32 : index
        %parallel_loop3A_2005 = tpu.vector_load %arg12[%parallel_loop3A_2003, %parallel_loop3A_2004] {strides = array<i32>} : memref<200x64xf32, #tpu.memory_space<vmem>>, vector<16xf32>,
        tpu.vector_store %arg12[%parallel_loop3A_2003, %parallel_loop3A_2004], %parallel_loop3A_2002 {strides = array<i32>} : memref<200x64xf32, #tpu.memory_space<vmem>>, vector<16xf32>,
        %parallel_loop3A_2006 = arith.constant 48 : i32
        %parallel_loop3A_2007 = vector.broadcast %parallel_loop3A_2006 : i32 to vector<16xi32>
        %parallel_loop3A_2008 = arith.addi %parallel_loop3A_2007, %iota3A : vector<16xi32>
        %parallel_loop3A_2009 = arith.addi %parallel_loop3A_1959, %parallel_loop3A_2008 : vector<16xi32>
        %parallel_loop3A_2010 = tpu.vector_load_idx %arg11[%parallel_loop3A_1960, %parallel_loop3A_2009] : memref<208x128xf32, #tpu.memory_space<vmem>>[vector<16xi32>, vector<16xi32>], vector<16xf32>,
        %parallel_loop3A_2011 = arith.constant 8.000000e+00 : f32
        %parallel_loop3A_2012 = vector.broadcast %parallel_loop3A_2011 : f32 to vector<16xf32>
        %parallel_loop3A_2013 = arith.mulf %parallel_loop3A_2010, %parallel_loop3A_2012 : vector<16xf32>
        %parallel_loop3A_2014 = arith.index_cast %parallel_loop3A_1955 : i32 to index
        %parallel_loop3A_2015 = arith.constant 48 : index
        %parallel_loop3A_2016 = tpu.vector_load %arg7[%parallel_loop3A_2014, %parallel_loop3A_2015] {strides = array<i32>} : memref<200x64xf32, #tpu.memory_space<vmem>>, vector<16xf32>,
        %parallel_loop3A_2017 = arith.addf %parallel_loop3A_2013, %parallel_loop3A_2016 : vector<16xf32>
        %parallel_loop3A_2018 = arith.index_cast %parallel_loop3A_1955 : i32 to index
        %parallel_loop3A_2019 = arith.constant 48 : index
        %parallel_loop3A_2020 = tpu.vector_load %arg12[%parallel_loop3A_2018, %parallel_loop3A_2019] {strides = array<i32>} : memref<200x64xf32, #tpu.memory_space<vmem>>, vector<16xf32>,
        tpu.vector_store %arg12[%parallel_loop3A_2018, %parallel_loop3A_2019], %parallel_loop3A_2017 {strides = array<i32>} : memref<200x64xf32, #tpu.memory_space<vmem>>, vector<16xf32>,
        %parallel_loop3A_2021 = arith.constant 11 : i32
        %parallel_loop3A_2022 = arith.addi %parallel_loop3A_1274, %parallel_loop3A_2021 : i32
        %parallel_loop3A_2023 = arith.constant 11 : i32
        %parallel_loop3A_2024 = vector.broadcast %parallel_loop3A_2023 : i32 to vector<16x1xi32>
        %parallel_loop3A_2025 = vector.shape_cast %parallel_loop3A_2024 : vector<16x1xi32> to vector<16xi32>
        %parallel_loop3A_2026 = tpu.dynamic_gather %parallel_loop3A_1283[%parallel_loop3A_2025] in [0] : vector<16xi32>, vector<16xi32> -> vector<16xi32>
        %parallel_loop3A_2027 = vector.broadcast %parallel_loop3A_2022 : i32 to vector<16xi32>
        %parallel_loop3A_2028 = arith.constant 0 : i32
        %parallel_loop3A_2029 = vector.broadcast %parallel_loop3A_2028 : i32 to vector<16xi32>
        %parallel_loop3A_2030 = arith.addi %parallel_loop3A_2029, %iota3A : vector<16xi32>
        %parallel_loop3A_2031 = arith.addi %parallel_loop3A_2026, %parallel_loop3A_2030 : vector<16xi32>
        %parallel_loop3A_2032 = tpu.vector_load_idx %arg11[%parallel_loop3A_2027, %parallel_loop3A_2031] : memref<208x128xf32, #tpu.memory_space<vmem>>[vector<16xi32>, vector<16xi32>], vector<16xf32>,
        %parallel_loop3A_2033 = arith.constant 8.000000e+00 : f32
        %parallel_loop3A_2034 = vector.broadcast %parallel_loop3A_2033 : f32 to vector<16xf32>
        %parallel_loop3A_2035 = arith.mulf %parallel_loop3A_2032, %parallel_loop3A_2034 : vector<16xf32>
        %parallel_loop3A_2036 = arith.index_cast %parallel_loop3A_2022 : i32 to index
        %parallel_loop3A_2037 = arith.constant 0 : index
        %parallel_loop3A_2038 = tpu.vector_load %arg7[%parallel_loop3A_2036, %parallel_loop3A_2037] {strides = array<i32>} : memref<200x64xf32, #tpu.memory_space<vmem>>, vector<16xf32>,
        %parallel_loop3A_2039 = arith.addf %parallel_loop3A_2035, %parallel_loop3A_2038 : vector<16xf32>
        %parallel_loop3A_2040 = arith.index_cast %parallel_loop3A_2022 : i32 to index
        %parallel_loop3A_2041 = arith.constant 0 : index
        %parallel_loop3A_2042 = tpu.vector_load %arg12[%parallel_loop3A_2040, %parallel_loop3A_2041] {strides = array<i32>} : memref<200x64xf32, #tpu.memory_space<vmem>>, vector<16xf32>,
        tpu.vector_store %arg12[%parallel_loop3A_2040, %parallel_loop3A_2041], %parallel_loop3A_2039 {strides = array<i32>} : memref<200x64xf32, #tpu.memory_space<vmem>>, vector<16xf32>,
        %parallel_loop3A_2043 = arith.constant 16 : i32
        %parallel_loop3A_2044 = vector.broadcast %parallel_loop3A_2043 : i32 to vector<16xi32>
        %parallel_loop3A_2045 = arith.addi %parallel_loop3A_2044, %iota3A : vector<16xi32>
        %parallel_loop3A_2046 = arith.addi %parallel_loop3A_2026, %parallel_loop3A_2045 : vector<16xi32>
        %parallel_loop3A_2047 = tpu.vector_load_idx %arg11[%parallel_loop3A_2027, %parallel_loop3A_2046] : memref<208x128xf32, #tpu.memory_space<vmem>>[vector<16xi32>, vector<16xi32>], vector<16xf32>,
        %parallel_loop3A_2048 = arith.constant 8.000000e+00 : f32
        %parallel_loop3A_2049 = vector.broadcast %parallel_loop3A_2048 : f32 to vector<16xf32>
        %parallel_loop3A_2050 = arith.mulf %parallel_loop3A_2047, %parallel_loop3A_2049 : vector<16xf32>
        %parallel_loop3A_2051 = arith.index_cast %parallel_loop3A_2022 : i32 to index
        %parallel_loop3A_2052 = arith.constant 16 : index
        %parallel_loop3A_2053 = tpu.vector_load %arg7[%parallel_loop3A_2051, %parallel_loop3A_2052] {strides = array<i32>} : memref<200x64xf32, #tpu.memory_space<vmem>>, vector<16xf32>,
        %parallel_loop3A_2054 = arith.addf %parallel_loop3A_2050, %parallel_loop3A_2053 : vector<16xf32>
        %parallel_loop3A_2055 = arith.index_cast %parallel_loop3A_2022 : i32 to index
        %parallel_loop3A_2056 = arith.constant 16 : index
        %parallel_loop3A_2057 = tpu.vector_load %arg12[%parallel_loop3A_2055, %parallel_loop3A_2056] {strides = array<i32>} : memref<200x64xf32, #tpu.memory_space<vmem>>, vector<16xf32>,
        tpu.vector_store %arg12[%parallel_loop3A_2055, %parallel_loop3A_2056], %parallel_loop3A_2054 {strides = array<i32>} : memref<200x64xf32, #tpu.memory_space<vmem>>, vector<16xf32>,
        %parallel_loop3A_2058 = arith.constant 32 : i32
        %parallel_loop3A_2059 = vector.broadcast %parallel_loop3A_2058 : i32 to vector<16xi32>
        %parallel_loop3A_2060 = arith.addi %parallel_loop3A_2059, %iota3A : vector<16xi32>
        %parallel_loop3A_2061 = arith.addi %parallel_loop3A_2026, %parallel_loop3A_2060 : vector<16xi32>
        %parallel_loop3A_2062 = tpu.vector_load_idx %arg11[%parallel_loop3A_2027, %parallel_loop3A_2061] : memref<208x128xf32, #tpu.memory_space<vmem>>[vector<16xi32>, vector<16xi32>], vector<16xf32>,
        %parallel_loop3A_2063 = arith.constant 8.000000e+00 : f32
        %parallel_loop3A_2064 = vector.broadcast %parallel_loop3A_2063 : f32 to vector<16xf32>
        %parallel_loop3A_2065 = arith.mulf %parallel_loop3A_2062, %parallel_loop3A_2064 : vector<16xf32>
        %parallel_loop3A_2066 = arith.index_cast %parallel_loop3A_2022 : i32 to index
        %parallel_loop3A_2067 = arith.constant 32 : index
        %parallel_loop3A_2068 = tpu.vector_load %arg7[%parallel_loop3A_2066, %parallel_loop3A_2067] {strides = array<i32>} : memref<200x64xf32, #tpu.memory_space<vmem>>, vector<16xf32>,
        %parallel_loop3A_2069 = arith.addf %parallel_loop3A_2065, %parallel_loop3A_2068 : vector<16xf32>
        %parallel_loop3A_2070 = arith.index_cast %parallel_loop3A_2022 : i32 to index
        %parallel_loop3A_2071 = arith.constant 32 : index
        %parallel_loop3A_2072 = tpu.vector_load %arg12[%parallel_loop3A_2070, %parallel_loop3A_2071] {strides = array<i32>} : memref<200x64xf32, #tpu.memory_space<vmem>>, vector<16xf32>,
        tpu.vector_store %arg12[%parallel_loop3A_2070, %parallel_loop3A_2071], %parallel_loop3A_2069 {strides = array<i32>} : memref<200x64xf32, #tpu.memory_space<vmem>>, vector<16xf32>,
        %parallel_loop3A_2073 = arith.constant 48 : i32
        %parallel_loop3A_2074 = vector.broadcast %parallel_loop3A_2073 : i32 to vector<16xi32>
        %parallel_loop3A_2075 = arith.addi %parallel_loop3A_2074, %iota3A : vector<16xi32>
        %parallel_loop3A_2076 = arith.addi %parallel_loop3A_2026, %parallel_loop3A_2075 : vector<16xi32>
        %parallel_loop3A_2077 = tpu.vector_load_idx %arg11[%parallel_loop3A_2027, %parallel_loop3A_2076] : memref<208x128xf32, #tpu.memory_space<vmem>>[vector<16xi32>, vector<16xi32>], vector<16xf32>,
        %parallel_loop3A_2078 = arith.constant 8.000000e+00 : f32
        %parallel_loop3A_2079 = vector.broadcast %parallel_loop3A_2078 : f32 to vector<16xf32>
        %parallel_loop3A_2080 = arith.mulf %parallel_loop3A_2077, %parallel_loop3A_2079 : vector<16xf32>
        %parallel_loop3A_2081 = arith.index_cast %parallel_loop3A_2022 : i32 to index
        %parallel_loop3A_2082 = arith.constant 48 : index
        %parallel_loop3A_2083 = tpu.vector_load %arg7[%parallel_loop3A_2081, %parallel_loop3A_2082] {strides = array<i32>} : memref<200x64xf32, #tpu.memory_space<vmem>>, vector<16xf32>,
        %parallel_loop3A_2084 = arith.addf %parallel_loop3A_2080, %parallel_loop3A_2083 : vector<16xf32>
        %parallel_loop3A_2085 = arith.index_cast %parallel_loop3A_2022 : i32 to index
        %parallel_loop3A_2086 = arith.constant 48 : index
        %parallel_loop3A_2087 = tpu.vector_load %arg12[%parallel_loop3A_2085, %parallel_loop3A_2086] {strides = array<i32>} : memref<200x64xf32, #tpu.memory_space<vmem>>, vector<16xf32>,
        tpu.vector_store %arg12[%parallel_loop3A_2085, %parallel_loop3A_2086], %parallel_loop3A_2084 {strides = array<i32>} : memref<200x64xf32, #tpu.memory_space<vmem>>, vector<16xf32>,
        %parallel_loop3A_2088 = arith.constant 12 : i32
        %parallel_loop3A_2089 = arith.addi %parallel_loop3A_1274, %parallel_loop3A_2088 : i32
        %parallel_loop3A_2090 = arith.constant 12 : i32
        %parallel_loop3A_2091 = vector.broadcast %parallel_loop3A_2090 : i32 to vector<16x1xi32>
        %parallel_loop3A_2092 = vector.shape_cast %parallel_loop3A_2091 : vector<16x1xi32> to vector<16xi32>
        %parallel_loop3A_2093 = tpu.dynamic_gather %parallel_loop3A_1283[%parallel_loop3A_2092] in [0] : vector<16xi32>, vector<16xi32> -> vector<16xi32>
        %parallel_loop3A_2094 = vector.broadcast %parallel_loop3A_2089 : i32 to vector<16xi32>
        %parallel_loop3A_2095 = arith.constant 0 : i32
        %parallel_loop3A_2096 = vector.broadcast %parallel_loop3A_2095 : i32 to vector<16xi32>
        %parallel_loop3A_2097 = arith.addi %parallel_loop3A_2096, %iota3A : vector<16xi32>
        %parallel_loop3A_2098 = arith.addi %parallel_loop3A_2093, %parallel_loop3A_2097 : vector<16xi32>
        %parallel_loop3A_2099 = tpu.vector_load_idx %arg11[%parallel_loop3A_2094, %parallel_loop3A_2098] : memref<208x128xf32, #tpu.memory_space<vmem>>[vector<16xi32>, vector<16xi32>], vector<16xf32>,
        %parallel_loop3A_2100 = arith.constant 8.000000e+00 : f32
        %parallel_loop3A_2101 = vector.broadcast %parallel_loop3A_2100 : f32 to vector<16xf32>
        %parallel_loop3A_2102 = arith.mulf %parallel_loop3A_2099, %parallel_loop3A_2101 : vector<16xf32>
        %parallel_loop3A_2103 = arith.index_cast %parallel_loop3A_2089 : i32 to index
        %parallel_loop3A_2104 = arith.constant 0 : index
        %parallel_loop3A_2105 = tpu.vector_load %arg7[%parallel_loop3A_2103, %parallel_loop3A_2104] {strides = array<i32>} : memref<200x64xf32, #tpu.memory_space<vmem>>, vector<16xf32>,
        %parallel_loop3A_2106 = arith.addf %parallel_loop3A_2102, %parallel_loop3A_2105 : vector<16xf32>
        %parallel_loop3A_2107 = arith.index_cast %parallel_loop3A_2089 : i32 to index
        %parallel_loop3A_2108 = arith.constant 0 : index
        %parallel_loop3A_2109 = tpu.vector_load %arg12[%parallel_loop3A_2107, %parallel_loop3A_2108] {strides = array<i32>} : memref<200x64xf32, #tpu.memory_space<vmem>>, vector<16xf32>,
        tpu.vector_store %arg12[%parallel_loop3A_2107, %parallel_loop3A_2108], %parallel_loop3A_2106 {strides = array<i32>} : memref<200x64xf32, #tpu.memory_space<vmem>>, vector<16xf32>,
        %parallel_loop3A_2110 = arith.constant 16 : i32
        %parallel_loop3A_2111 = vector.broadcast %parallel_loop3A_2110 : i32 to vector<16xi32>
        %parallel_loop3A_2112 = arith.addi %parallel_loop3A_2111, %iota3A : vector<16xi32>
        %parallel_loop3A_2113 = arith.addi %parallel_loop3A_2093, %parallel_loop3A_2112 : vector<16xi32>
        %parallel_loop3A_2114 = tpu.vector_load_idx %arg11[%parallel_loop3A_2094, %parallel_loop3A_2113] : memref<208x128xf32, #tpu.memory_space<vmem>>[vector<16xi32>, vector<16xi32>], vector<16xf32>,
        %parallel_loop3A_2115 = arith.constant 8.000000e+00 : f32
        %parallel_loop3A_2116 = vector.broadcast %parallel_loop3A_2115 : f32 to vector<16xf32>
        %parallel_loop3A_2117 = arith.mulf %parallel_loop3A_2114, %parallel_loop3A_2116 : vector<16xf32>
        %parallel_loop3A_2118 = arith.index_cast %parallel_loop3A_2089 : i32 to index
        %parallel_loop3A_2119 = arith.constant 16 : index
        %parallel_loop3A_2120 = tpu.vector_load %arg7[%parallel_loop3A_2118, %parallel_loop3A_2119] {strides = array<i32>} : memref<200x64xf32, #tpu.memory_space<vmem>>, vector<16xf32>,
        %parallel_loop3A_2121 = arith.addf %parallel_loop3A_2117, %parallel_loop3A_2120 : vector<16xf32>
        %parallel_loop3A_2122 = arith.index_cast %parallel_loop3A_2089 : i32 to index
        %parallel_loop3A_2123 = arith.constant 16 : index
        %parallel_loop3A_2124 = tpu.vector_load %arg12[%parallel_loop3A_2122, %parallel_loop3A_2123] {strides = array<i32>} : memref<200x64xf32, #tpu.memory_space<vmem>>, vector<16xf32>,
        tpu.vector_store %arg12[%parallel_loop3A_2122, %parallel_loop3A_2123], %parallel_loop3A_2121 {strides = array<i32>} : memref<200x64xf32, #tpu.memory_space<vmem>>, vector<16xf32>,
        %parallel_loop3A_2125 = arith.constant 32 : i32
        %parallel_loop3A_2126 = vector.broadcast %parallel_loop3A_2125 : i32 to vector<16xi32>
        %parallel_loop3A_2127 = arith.addi %parallel_loop3A_2126, %iota3A : vector<16xi32>
        %parallel_loop3A_2128 = arith.addi %parallel_loop3A_2093, %parallel_loop3A_2127 : vector<16xi32>
        %parallel_loop3A_2129 = tpu.vector_load_idx %arg11[%parallel_loop3A_2094, %parallel_loop3A_2128] : memref<208x128xf32, #tpu.memory_space<vmem>>[vector<16xi32>, vector<16xi32>], vector<16xf32>,
        %parallel_loop3A_2130 = arith.constant 8.000000e+00 : f32
        %parallel_loop3A_2131 = vector.broadcast %parallel_loop3A_2130 : f32 to vector<16xf32>
        %parallel_loop3A_2132 = arith.mulf %parallel_loop3A_2129, %parallel_loop3A_2131 : vector<16xf32>
        %parallel_loop3A_2133 = arith.index_cast %parallel_loop3A_2089 : i32 to index
        %parallel_loop3A_2134 = arith.constant 32 : index
        %parallel_loop3A_2135 = tpu.vector_load %arg7[%parallel_loop3A_2133, %parallel_loop3A_2134] {strides = array<i32>} : memref<200x64xf32, #tpu.memory_space<vmem>>, vector<16xf32>,
        %parallel_loop3A_2136 = arith.addf %parallel_loop3A_2132, %parallel_loop3A_2135 : vector<16xf32>
        %parallel_loop3A_2137 = arith.index_cast %parallel_loop3A_2089 : i32 to index
        %parallel_loop3A_2138 = arith.constant 32 : index
        %parallel_loop3A_2139 = tpu.vector_load %arg12[%parallel_loop3A_2137, %parallel_loop3A_2138] {strides = array<i32>} : memref<200x64xf32, #tpu.memory_space<vmem>>, vector<16xf32>,
        tpu.vector_store %arg12[%parallel_loop3A_2137, %parallel_loop3A_2138], %parallel_loop3A_2136 {strides = array<i32>} : memref<200x64xf32, #tpu.memory_space<vmem>>, vector<16xf32>,
        %parallel_loop3A_2140 = arith.constant 48 : i32
        %parallel_loop3A_2141 = vector.broadcast %parallel_loop3A_2140 : i32 to vector<16xi32>
        %parallel_loop3A_2142 = arith.addi %parallel_loop3A_2141, %iota3A : vector<16xi32>
        %parallel_loop3A_2143 = arith.addi %parallel_loop3A_2093, %parallel_loop3A_2142 : vector<16xi32>
        %parallel_loop3A_2144 = tpu.vector_load_idx %arg11[%parallel_loop3A_2094, %parallel_loop3A_2143] : memref<208x128xf32, #tpu.memory_space<vmem>>[vector<16xi32>, vector<16xi32>], vector<16xf32>,
        %parallel_loop3A_2145 = arith.constant 8.000000e+00 : f32
        %parallel_loop3A_2146 = vector.broadcast %parallel_loop3A_2145 : f32 to vector<16xf32>
        %parallel_loop3A_2147 = arith.mulf %parallel_loop3A_2144, %parallel_loop3A_2146 : vector<16xf32>
        %parallel_loop3A_2148 = arith.index_cast %parallel_loop3A_2089 : i32 to index
        %parallel_loop3A_2149 = arith.constant 48 : index
        %parallel_loop3A_2150 = tpu.vector_load %arg7[%parallel_loop3A_2148, %parallel_loop3A_2149] {strides = array<i32>} : memref<200x64xf32, #tpu.memory_space<vmem>>, vector<16xf32>,
        %parallel_loop3A_2151 = arith.addf %parallel_loop3A_2147, %parallel_loop3A_2150 : vector<16xf32>
        %parallel_loop3A_2152 = arith.index_cast %parallel_loop3A_2089 : i32 to index
        %parallel_loop3A_2153 = arith.constant 48 : index
        %parallel_loop3A_2154 = tpu.vector_load %arg12[%parallel_loop3A_2152, %parallel_loop3A_2153] {strides = array<i32>} : memref<200x64xf32, #tpu.memory_space<vmem>>, vector<16xf32>,
        tpu.vector_store %arg12[%parallel_loop3A_2152, %parallel_loop3A_2153], %parallel_loop3A_2151 {strides = array<i32>} : memref<200x64xf32, #tpu.memory_space<vmem>>, vector<16xf32>,
        %parallel_loop3A_2155 = arith.constant 13 : i32
        %parallel_loop3A_2156 = arith.addi %parallel_loop3A_1274, %parallel_loop3A_2155 : i32
        %parallel_loop3A_2157 = arith.constant 13 : i32
        %parallel_loop3A_2158 = vector.broadcast %parallel_loop3A_2157 : i32 to vector<16x1xi32>
        %parallel_loop3A_2159 = vector.shape_cast %parallel_loop3A_2158 : vector<16x1xi32> to vector<16xi32>
        %parallel_loop3A_2160 = tpu.dynamic_gather %parallel_loop3A_1283[%parallel_loop3A_2159] in [0] : vector<16xi32>, vector<16xi32> -> vector<16xi32>
        %parallel_loop3A_2161 = vector.broadcast %parallel_loop3A_2156 : i32 to vector<16xi32>
        %parallel_loop3A_2162 = arith.constant 0 : i32
        %parallel_loop3A_2163 = vector.broadcast %parallel_loop3A_2162 : i32 to vector<16xi32>
        %parallel_loop3A_2164 = arith.addi %parallel_loop3A_2163, %iota3A : vector<16xi32>
        %parallel_loop3A_2165 = arith.addi %parallel_loop3A_2160, %parallel_loop3A_2164 : vector<16xi32>
        %parallel_loop3A_2166 = tpu.vector_load_idx %arg11[%parallel_loop3A_2161, %parallel_loop3A_2165] : memref<208x128xf32, #tpu.memory_space<vmem>>[vector<16xi32>, vector<16xi32>], vector<16xf32>,
        %parallel_loop3A_2167 = arith.constant 8.000000e+00 : f32
        %parallel_loop3A_2168 = vector.broadcast %parallel_loop3A_2167 : f32 to vector<16xf32>
        %parallel_loop3A_2169 = arith.mulf %parallel_loop3A_2166, %parallel_loop3A_2168 : vector<16xf32>
        %parallel_loop3A_2170 = arith.index_cast %parallel_loop3A_2156 : i32 to index
        %parallel_loop3A_2171 = arith.constant 0 : index
        %parallel_loop3A_2172 = tpu.vector_load %arg7[%parallel_loop3A_2170, %parallel_loop3A_2171] {strides = array<i32>} : memref<200x64xf32, #tpu.memory_space<vmem>>, vector<16xf32>,
        %parallel_loop3A_2173 = arith.addf %parallel_loop3A_2169, %parallel_loop3A_2172 : vector<16xf32>
        %parallel_loop3A_2174 = arith.index_cast %parallel_loop3A_2156 : i32 to index
        %parallel_loop3A_2175 = arith.constant 0 : index
        %parallel_loop3A_2176 = tpu.vector_load %arg12[%parallel_loop3A_2174, %parallel_loop3A_2175] {strides = array<i32>} : memref<200x64xf32, #tpu.memory_space<vmem>>, vector<16xf32>,
        tpu.vector_store %arg12[%parallel_loop3A_2174, %parallel_loop3A_2175], %parallel_loop3A_2173 {strides = array<i32>} : memref<200x64xf32, #tpu.memory_space<vmem>>, vector<16xf32>,
        %parallel_loop3A_2177 = arith.constant 16 : i32
        %parallel_loop3A_2178 = vector.broadcast %parallel_loop3A_2177 : i32 to vector<16xi32>
        %parallel_loop3A_2179 = arith.addi %parallel_loop3A_2178, %iota3A : vector<16xi32>
        %parallel_loop3A_2180 = arith.addi %parallel_loop3A_2160, %parallel_loop3A_2179 : vector<16xi32>
        %parallel_loop3A_2181 = tpu.vector_load_idx %arg11[%parallel_loop3A_2161, %parallel_loop3A_2180] : memref<208x128xf32, #tpu.memory_space<vmem>>[vector<16xi32>, vector<16xi32>], vector<16xf32>,
        %parallel_loop3A_2182 = arith.constant 8.000000e+00 : f32
        %parallel_loop3A_2183 = vector.broadcast %parallel_loop3A_2182 : f32 to vector<16xf32>
        %parallel_loop3A_2184 = arith.mulf %parallel_loop3A_2181, %parallel_loop3A_2183 : vector<16xf32>
        %parallel_loop3A_2185 = arith.index_cast %parallel_loop3A_2156 : i32 to index
        %parallel_loop3A_2186 = arith.constant 16 : index
        %parallel_loop3A_2187 = tpu.vector_load %arg7[%parallel_loop3A_2185, %parallel_loop3A_2186] {strides = array<i32>} : memref<200x64xf32, #tpu.memory_space<vmem>>, vector<16xf32>,
        %parallel_loop3A_2188 = arith.addf %parallel_loop3A_2184, %parallel_loop3A_2187 : vector<16xf32>
        %parallel_loop3A_2189 = arith.index_cast %parallel_loop3A_2156 : i32 to index
        %parallel_loop3A_2190 = arith.constant 16 : index
        %parallel_loop3A_2191 = tpu.vector_load %arg12[%parallel_loop3A_2189, %parallel_loop3A_2190] {strides = array<i32>} : memref<200x64xf32, #tpu.memory_space<vmem>>, vector<16xf32>,
        tpu.vector_store %arg12[%parallel_loop3A_2189, %parallel_loop3A_2190], %parallel_loop3A_2188 {strides = array<i32>} : memref<200x64xf32, #tpu.memory_space<vmem>>, vector<16xf32>,
        %parallel_loop3A_2192 = arith.constant 32 : i32
        %parallel_loop3A_2193 = vector.broadcast %parallel_loop3A_2192 : i32 to vector<16xi32>
        %parallel_loop3A_2194 = arith.addi %parallel_loop3A_2193, %iota3A : vector<16xi32>
        %parallel_loop3A_2195 = arith.addi %parallel_loop3A_2160, %parallel_loop3A_2194 : vector<16xi32>
        %parallel_loop3A_2196 = tpu.vector_load_idx %arg11[%parallel_loop3A_2161, %parallel_loop3A_2195] : memref<208x128xf32, #tpu.memory_space<vmem>>[vector<16xi32>, vector<16xi32>], vector<16xf32>,
        %parallel_loop3A_2197 = arith.constant 8.000000e+00 : f32
        %parallel_loop3A_2198 = vector.broadcast %parallel_loop3A_2197 : f32 to vector<16xf32>
        %parallel_loop3A_2199 = arith.mulf %parallel_loop3A_2196, %parallel_loop3A_2198 : vector<16xf32>
        %parallel_loop3A_2200 = arith.index_cast %parallel_loop3A_2156 : i32 to index
        %parallel_loop3A_2201 = arith.constant 32 : index
        %parallel_loop3A_2202 = tpu.vector_load %arg7[%parallel_loop3A_2200, %parallel_loop3A_2201] {strides = array<i32>} : memref<200x64xf32, #tpu.memory_space<vmem>>, vector<16xf32>,
        %parallel_loop3A_2203 = arith.addf %parallel_loop3A_2199, %parallel_loop3A_2202 : vector<16xf32>
        %parallel_loop3A_2204 = arith.index_cast %parallel_loop3A_2156 : i32 to index
        %parallel_loop3A_2205 = arith.constant 32 : index
        %parallel_loop3A_2206 = tpu.vector_load %arg12[%parallel_loop3A_2204, %parallel_loop3A_2205] {strides = array<i32>} : memref<200x64xf32, #tpu.memory_space<vmem>>, vector<16xf32>,
        tpu.vector_store %arg12[%parallel_loop3A_2204, %parallel_loop3A_2205], %parallel_loop3A_2203 {strides = array<i32>} : memref<200x64xf32, #tpu.memory_space<vmem>>, vector<16xf32>,
        %parallel_loop3A_2207 = arith.constant 48 : i32
        %parallel_loop3A_2208 = vector.broadcast %parallel_loop3A_2207 : i32 to vector<16xi32>
        %parallel_loop3A_2209 = arith.addi %parallel_loop3A_2208, %iota3A : vector<16xi32>
        %parallel_loop3A_2210 = arith.addi %parallel_loop3A_2160, %parallel_loop3A_2209 : vector<16xi32>
        %parallel_loop3A_2211 = tpu.vector_load_idx %arg11[%parallel_loop3A_2161, %parallel_loop3A_2210] : memref<208x128xf32, #tpu.memory_space<vmem>>[vector<16xi32>, vector<16xi32>], vector<16xf32>,
        %parallel_loop3A_2212 = arith.constant 8.000000e+00 : f32
        %parallel_loop3A_2213 = vector.broadcast %parallel_loop3A_2212 : f32 to vector<16xf32>
        %parallel_loop3A_2214 = arith.mulf %parallel_loop3A_2211, %parallel_loop3A_2213 : vector<16xf32>
        %parallel_loop3A_2215 = arith.index_cast %parallel_loop3A_2156 : i32 to index
        %parallel_loop3A_2216 = arith.constant 48 : index
        %parallel_loop3A_2217 = tpu.vector_load %arg7[%parallel_loop3A_2215, %parallel_loop3A_2216] {strides = array<i32>} : memref<200x64xf32, #tpu.memory_space<vmem>>, vector<16xf32>,
        %parallel_loop3A_2218 = arith.addf %parallel_loop3A_2214, %parallel_loop3A_2217 : vector<16xf32>
        %parallel_loop3A_2219 = arith.index_cast %parallel_loop3A_2156 : i32 to index
        %parallel_loop3A_2220 = arith.constant 48 : index
        %parallel_loop3A_2221 = tpu.vector_load %arg12[%parallel_loop3A_2219, %parallel_loop3A_2220] {strides = array<i32>} : memref<200x64xf32, #tpu.memory_space<vmem>>, vector<16xf32>,
        tpu.vector_store %arg12[%parallel_loop3A_2219, %parallel_loop3A_2220], %parallel_loop3A_2218 {strides = array<i32>} : memref<200x64xf32, #tpu.memory_space<vmem>>, vector<16xf32>,
        %parallel_loop3A_2222 = arith.constant 14 : i32
        %parallel_loop3A_2223 = arith.addi %parallel_loop3A_1274, %parallel_loop3A_2222 : i32
        %parallel_loop3A_2224 = arith.constant 14 : i32
        %parallel_loop3A_2225 = vector.broadcast %parallel_loop3A_2224 : i32 to vector<16x1xi32>
        %parallel_loop3A_2226 = vector.shape_cast %parallel_loop3A_2225 : vector<16x1xi32> to vector<16xi32>
        %parallel_loop3A_2227 = tpu.dynamic_gather %parallel_loop3A_1283[%parallel_loop3A_2226] in [0] : vector<16xi32>, vector<16xi32> -> vector<16xi32>
        %parallel_loop3A_2228 = vector.broadcast %parallel_loop3A_2223 : i32 to vector<16xi32>
        %parallel_loop3A_2229 = arith.constant 0 : i32
        %parallel_loop3A_2230 = vector.broadcast %parallel_loop3A_2229 : i32 to vector<16xi32>
        %parallel_loop3A_2231 = arith.addi %parallel_loop3A_2230, %iota3A : vector<16xi32>
        %parallel_loop3A_2232 = arith.addi %parallel_loop3A_2227, %parallel_loop3A_2231 : vector<16xi32>
        %parallel_loop3A_2233 = tpu.vector_load_idx %arg11[%parallel_loop3A_2228, %parallel_loop3A_2232] : memref<208x128xf32, #tpu.memory_space<vmem>>[vector<16xi32>, vector<16xi32>], vector<16xf32>,
        %parallel_loop3A_2234 = arith.constant 8.000000e+00 : f32
        %parallel_loop3A_2235 = vector.broadcast %parallel_loop3A_2234 : f32 to vector<16xf32>
        %parallel_loop3A_2236 = arith.mulf %parallel_loop3A_2233, %parallel_loop3A_2235 : vector<16xf32>
        %parallel_loop3A_2237 = arith.index_cast %parallel_loop3A_2223 : i32 to index
        %parallel_loop3A_2238 = arith.constant 0 : index
        %parallel_loop3A_2239 = tpu.vector_load %arg7[%parallel_loop3A_2237, %parallel_loop3A_2238] {strides = array<i32>} : memref<200x64xf32, #tpu.memory_space<vmem>>, vector<16xf32>,
        %parallel_loop3A_2240 = arith.addf %parallel_loop3A_2236, %parallel_loop3A_2239 : vector<16xf32>
        %parallel_loop3A_2241 = arith.index_cast %parallel_loop3A_2223 : i32 to index
        %parallel_loop3A_2242 = arith.constant 0 : index
        %parallel_loop3A_2243 = tpu.vector_load %arg12[%parallel_loop3A_2241, %parallel_loop3A_2242] {strides = array<i32>} : memref<200x64xf32, #tpu.memory_space<vmem>>, vector<16xf32>,
        tpu.vector_store %arg12[%parallel_loop3A_2241, %parallel_loop3A_2242], %parallel_loop3A_2240 {strides = array<i32>} : memref<200x64xf32, #tpu.memory_space<vmem>>, vector<16xf32>,
        %parallel_loop3A_2244 = arith.constant 16 : i32
        %parallel_loop3A_2245 = vector.broadcast %parallel_loop3A_2244 : i32 to vector<16xi32>
        %parallel_loop3A_2246 = arith.addi %parallel_loop3A_2245, %iota3A : vector<16xi32>
        %parallel_loop3A_2247 = arith.addi %parallel_loop3A_2227, %parallel_loop3A_2246 : vector<16xi32>
        %parallel_loop3A_2248 = tpu.vector_load_idx %arg11[%parallel_loop3A_2228, %parallel_loop3A_2247] : memref<208x128xf32, #tpu.memory_space<vmem>>[vector<16xi32>, vector<16xi32>], vector<16xf32>,
        %parallel_loop3A_2249 = arith.constant 8.000000e+00 : f32
        %parallel_loop3A_2250 = vector.broadcast %parallel_loop3A_2249 : f32 to vector<16xf32>
        %parallel_loop3A_2251 = arith.mulf %parallel_loop3A_2248, %parallel_loop3A_2250 : vector<16xf32>
        %parallel_loop3A_2252 = arith.index_cast %parallel_loop3A_2223 : i32 to index
        %parallel_loop3A_2253 = arith.constant 16 : index
        %parallel_loop3A_2254 = tpu.vector_load %arg7[%parallel_loop3A_2252, %parallel_loop3A_2253] {strides = array<i32>} : memref<200x64xf32, #tpu.memory_space<vmem>>, vector<16xf32>,
        %parallel_loop3A_2255 = arith.addf %parallel_loop3A_2251, %parallel_loop3A_2254 : vector<16xf32>
        %parallel_loop3A_2256 = arith.index_cast %parallel_loop3A_2223 : i32 to index
        %parallel_loop3A_2257 = arith.constant 16 : index
        %parallel_loop3A_2258 = tpu.vector_load %arg12[%parallel_loop3A_2256, %parallel_loop3A_2257] {strides = array<i32>} : memref<200x64xf32, #tpu.memory_space<vmem>>, vector<16xf32>,
        tpu.vector_store %arg12[%parallel_loop3A_2256, %parallel_loop3A_2257], %parallel_loop3A_2255 {strides = array<i32>} : memref<200x64xf32, #tpu.memory_space<vmem>>, vector<16xf32>,
        %parallel_loop3A_2259 = arith.constant 32 : i32
        %parallel_loop3A_2260 = vector.broadcast %parallel_loop3A_2259 : i32 to vector<16xi32>
        %parallel_loop3A_2261 = arith.addi %parallel_loop3A_2260, %iota3A : vector<16xi32>
        %parallel_loop3A_2262 = arith.addi %parallel_loop3A_2227, %parallel_loop3A_2261 : vector<16xi32>
        %parallel_loop3A_2263 = tpu.vector_load_idx %arg11[%parallel_loop3A_2228, %parallel_loop3A_2262] : memref<208x128xf32, #tpu.memory_space<vmem>>[vector<16xi32>, vector<16xi32>], vector<16xf32>,
        %parallel_loop3A_2264 = arith.constant 8.000000e+00 : f32
        %parallel_loop3A_2265 = vector.broadcast %parallel_loop3A_2264 : f32 to vector<16xf32>
        %parallel_loop3A_2266 = arith.mulf %parallel_loop3A_2263, %parallel_loop3A_2265 : vector<16xf32>
        %parallel_loop3A_2267 = arith.index_cast %parallel_loop3A_2223 : i32 to index
        %parallel_loop3A_2268 = arith.constant 32 : index
        %parallel_loop3A_2269 = tpu.vector_load %arg7[%parallel_loop3A_2267, %parallel_loop3A_2268] {strides = array<i32>} : memref<200x64xf32, #tpu.memory_space<vmem>>, vector<16xf32>,
        %parallel_loop3A_2270 = arith.addf %parallel_loop3A_2266, %parallel_loop3A_2269 : vector<16xf32>
        %parallel_loop3A_2271 = arith.index_cast %parallel_loop3A_2223 : i32 to index
        %parallel_loop3A_2272 = arith.constant 32 : index
        %parallel_loop3A_2273 = tpu.vector_load %arg12[%parallel_loop3A_2271, %parallel_loop3A_2272] {strides = array<i32>} : memref<200x64xf32, #tpu.memory_space<vmem>>, vector<16xf32>,
        tpu.vector_store %arg12[%parallel_loop3A_2271, %parallel_loop3A_2272], %parallel_loop3A_2270 {strides = array<i32>} : memref<200x64xf32, #tpu.memory_space<vmem>>, vector<16xf32>,
        %parallel_loop3A_2274 = arith.constant 48 : i32
        %parallel_loop3A_2275 = vector.broadcast %parallel_loop3A_2274 : i32 to vector<16xi32>
        %parallel_loop3A_2276 = arith.addi %parallel_loop3A_2275, %iota3A : vector<16xi32>
        %parallel_loop3A_2277 = arith.addi %parallel_loop3A_2227, %parallel_loop3A_2276 : vector<16xi32>
        %parallel_loop3A_2278 = tpu.vector_load_idx %arg11[%parallel_loop3A_2228, %parallel_loop3A_2277] : memref<208x128xf32, #tpu.memory_space<vmem>>[vector<16xi32>, vector<16xi32>], vector<16xf32>,
        %parallel_loop3A_2279 = arith.constant 8.000000e+00 : f32
        %parallel_loop3A_2280 = vector.broadcast %parallel_loop3A_2279 : f32 to vector<16xf32>
        %parallel_loop3A_2281 = arith.mulf %parallel_loop3A_2278, %parallel_loop3A_2280 : vector<16xf32>
        %parallel_loop3A_2282 = arith.index_cast %parallel_loop3A_2223 : i32 to index
        %parallel_loop3A_2283 = arith.constant 48 : index
        %parallel_loop3A_2284 = tpu.vector_load %arg7[%parallel_loop3A_2282, %parallel_loop3A_2283] {strides = array<i32>} : memref<200x64xf32, #tpu.memory_space<vmem>>, vector<16xf32>,
        %parallel_loop3A_2285 = arith.addf %parallel_loop3A_2281, %parallel_loop3A_2284 : vector<16xf32>
        %parallel_loop3A_2286 = arith.index_cast %parallel_loop3A_2223 : i32 to index
        %parallel_loop3A_2287 = arith.constant 48 : index
        %parallel_loop3A_2288 = tpu.vector_load %arg12[%parallel_loop3A_2286, %parallel_loop3A_2287] {strides = array<i32>} : memref<200x64xf32, #tpu.memory_space<vmem>>, vector<16xf32>,
        tpu.vector_store %arg12[%parallel_loop3A_2286, %parallel_loop3A_2287], %parallel_loop3A_2285 {strides = array<i32>} : memref<200x64xf32, #tpu.memory_space<vmem>>, vector<16xf32>,
        %parallel_loop3A_2289 = arith.constant 15 : i32
        %parallel_loop3A_2290 = arith.addi %parallel_loop3A_1274, %parallel_loop3A_2289 : i32
        %parallel_loop3A_2291 = arith.constant 15 : i32
        %parallel_loop3A_2292 = vector.broadcast %parallel_loop3A_2291 : i32 to vector<16x1xi32>
        %parallel_loop3A_2293 = vector.shape_cast %parallel_loop3A_2292 : vector<16x1xi32> to vector<16xi32>
        %parallel_loop3A_2294 = tpu.dynamic_gather %parallel_loop3A_1283[%parallel_loop3A_2293] in [0] : vector<16xi32>, vector<16xi32> -> vector<16xi32>
        %parallel_loop3A_2295 = vector.broadcast %parallel_loop3A_2290 : i32 to vector<16xi32>
        %parallel_loop3A_2296 = arith.constant 0 : i32
        %parallel_loop3A_2297 = vector.broadcast %parallel_loop3A_2296 : i32 to vector<16xi32>
        %parallel_loop3A_2298 = arith.addi %parallel_loop3A_2297, %iota3A : vector<16xi32>
        %parallel_loop3A_2299 = arith.addi %parallel_loop3A_2294, %parallel_loop3A_2298 : vector<16xi32>
        %parallel_loop3A_2300 = tpu.vector_load_idx %arg11[%parallel_loop3A_2295, %parallel_loop3A_2299] : memref<208x128xf32, #tpu.memory_space<vmem>>[vector<16xi32>, vector<16xi32>], vector<16xf32>,
        %parallel_loop3A_2301 = arith.constant 8.000000e+00 : f32
        %parallel_loop3A_2302 = vector.broadcast %parallel_loop3A_2301 : f32 to vector<16xf32>
        %parallel_loop3A_2303 = arith.mulf %parallel_loop3A_2300, %parallel_loop3A_2302 : vector<16xf32>
        %parallel_loop3A_2304 = arith.index_cast %parallel_loop3A_2290 : i32 to index
        %parallel_loop3A_2305 = arith.constant 0 : index
        %parallel_loop3A_2306 = tpu.vector_load %arg7[%parallel_loop3A_2304, %parallel_loop3A_2305] {strides = array<i32>} : memref<200x64xf32, #tpu.memory_space<vmem>>, vector<16xf32>,
        %parallel_loop3A_2307 = arith.addf %parallel_loop3A_2303, %parallel_loop3A_2306 : vector<16xf32>
        %parallel_loop3A_2308 = arith.index_cast %parallel_loop3A_2290 : i32 to index
        %parallel_loop3A_2309 = arith.constant 0 : index
        %parallel_loop3A_2310 = tpu.vector_load %arg12[%parallel_loop3A_2308, %parallel_loop3A_2309] {strides = array<i32>} : memref<200x64xf32, #tpu.memory_space<vmem>>, vector<16xf32>,
        tpu.vector_store %arg12[%parallel_loop3A_2308, %parallel_loop3A_2309], %parallel_loop3A_2307 {strides = array<i32>} : memref<200x64xf32, #tpu.memory_space<vmem>>, vector<16xf32>,
        %parallel_loop3A_2311 = arith.constant 16 : i32
        %parallel_loop3A_2312 = vector.broadcast %parallel_loop3A_2311 : i32 to vector<16xi32>
        %parallel_loop3A_2313 = arith.addi %parallel_loop3A_2312, %iota3A : vector<16xi32>
        %parallel_loop3A_2314 = arith.addi %parallel_loop3A_2294, %parallel_loop3A_2313 : vector<16xi32>
        %parallel_loop3A_2315 = tpu.vector_load_idx %arg11[%parallel_loop3A_2295, %parallel_loop3A_2314] : memref<208x128xf32, #tpu.memory_space<vmem>>[vector<16xi32>, vector<16xi32>], vector<16xf32>,
        %parallel_loop3A_2316 = arith.constant 8.000000e+00 : f32
        %parallel_loop3A_2317 = vector.broadcast %parallel_loop3A_2316 : f32 to vector<16xf32>
        %parallel_loop3A_2318 = arith.mulf %parallel_loop3A_2315, %parallel_loop3A_2317 : vector<16xf32>
        %parallel_loop3A_2319 = arith.index_cast %parallel_loop3A_2290 : i32 to index
        %parallel_loop3A_2320 = arith.constant 16 : index
        %parallel_loop3A_2321 = tpu.vector_load %arg7[%parallel_loop3A_2319, %parallel_loop3A_2320] {strides = array<i32>} : memref<200x64xf32, #tpu.memory_space<vmem>>, vector<16xf32>,
        %parallel_loop3A_2322 = arith.addf %parallel_loop3A_2318, %parallel_loop3A_2321 : vector<16xf32>
        %parallel_loop3A_2323 = arith.index_cast %parallel_loop3A_2290 : i32 to index
        %parallel_loop3A_2324 = arith.constant 16 : index
        %parallel_loop3A_2325 = tpu.vector_load %arg12[%parallel_loop3A_2323, %parallel_loop3A_2324] {strides = array<i32>} : memref<200x64xf32, #tpu.memory_space<vmem>>, vector<16xf32>,
        tpu.vector_store %arg12[%parallel_loop3A_2323, %parallel_loop3A_2324], %parallel_loop3A_2322 {strides = array<i32>} : memref<200x64xf32, #tpu.memory_space<vmem>>, vector<16xf32>,
        %parallel_loop3A_2326 = arith.constant 32 : i32
        %parallel_loop3A_2327 = vector.broadcast %parallel_loop3A_2326 : i32 to vector<16xi32>
        %parallel_loop3A_2328 = arith.addi %parallel_loop3A_2327, %iota3A : vector<16xi32>
        %parallel_loop3A_2329 = arith.addi %parallel_loop3A_2294, %parallel_loop3A_2328 : vector<16xi32>
        %parallel_loop3A_2330 = tpu.vector_load_idx %arg11[%parallel_loop3A_2295, %parallel_loop3A_2329] : memref<208x128xf32, #tpu.memory_space<vmem>>[vector<16xi32>, vector<16xi32>], vector<16xf32>,
        %parallel_loop3A_2331 = arith.constant 8.000000e+00 : f32
        %parallel_loop3A_2332 = vector.broadcast %parallel_loop3A_2331 : f32 to vector<16xf32>
        %parallel_loop3A_2333 = arith.mulf %parallel_loop3A_2330, %parallel_loop3A_2332 : vector<16xf32>
        %parallel_loop3A_2334 = arith.index_cast %parallel_loop3A_2290 : i32 to index
        %parallel_loop3A_2335 = arith.constant 32 : index
        %parallel_loop3A_2336 = tpu.vector_load %arg7[%parallel_loop3A_2334, %parallel_loop3A_2335] {strides = array<i32>} : memref<200x64xf32, #tpu.memory_space<vmem>>, vector<16xf32>,
        %parallel_loop3A_2337 = arith.addf %parallel_loop3A_2333, %parallel_loop3A_2336 : vector<16xf32>
        %parallel_loop3A_2338 = arith.index_cast %parallel_loop3A_2290 : i32 to index
        %parallel_loop3A_2339 = arith.constant 32 : index
        %parallel_loop3A_2340 = tpu.vector_load %arg12[%parallel_loop3A_2338, %parallel_loop3A_2339] {strides = array<i32>} : memref<200x64xf32, #tpu.memory_space<vmem>>, vector<16xf32>,
        tpu.vector_store %arg12[%parallel_loop3A_2338, %parallel_loop3A_2339], %parallel_loop3A_2337 {strides = array<i32>} : memref<200x64xf32, #tpu.memory_space<vmem>>, vector<16xf32>,
        %parallel_loop3A_2341 = arith.constant 48 : i32
        %parallel_loop3A_2342 = vector.broadcast %parallel_loop3A_2341 : i32 to vector<16xi32>
        %parallel_loop3A_2343 = arith.addi %parallel_loop3A_2342, %iota3A : vector<16xi32>
        %parallel_loop3A_2344 = arith.addi %parallel_loop3A_2294, %parallel_loop3A_2343 : vector<16xi32>
        %parallel_loop3A_2345 = tpu.vector_load_idx %arg11[%parallel_loop3A_2295, %parallel_loop3A_2344] : memref<208x128xf32, #tpu.memory_space<vmem>>[vector<16xi32>, vector<16xi32>], vector<16xf32>,
        %parallel_loop3A_2346 = arith.constant 8.000000e+00 : f32
        %parallel_loop3A_2347 = vector.broadcast %parallel_loop3A_2346 : f32 to vector<16xf32>
        %parallel_loop3A_2348 = arith.mulf %parallel_loop3A_2345, %parallel_loop3A_2347 : vector<16xf32>
        %parallel_loop3A_2349 = arith.index_cast %parallel_loop3A_2290 : i32 to index
        %parallel_loop3A_2350 = arith.constant 48 : index
        %parallel_loop3A_2351 = tpu.vector_load %arg7[%parallel_loop3A_2349, %parallel_loop3A_2350] {strides = array<i32>} : memref<200x64xf32, #tpu.memory_space<vmem>>, vector<16xf32>,
        %parallel_loop3A_2352 = arith.addf %parallel_loop3A_2348, %parallel_loop3A_2351 : vector<16xf32>
        %parallel_loop3A_2353 = arith.index_cast %parallel_loop3A_2290 : i32 to index
        %parallel_loop3A_2354 = arith.constant 48 : index
        %parallel_loop3A_2355 = tpu.vector_load %arg12[%parallel_loop3A_2353, %parallel_loop3A_2354] {strides = array<i32>} : memref<200x64xf32, #tpu.memory_space<vmem>>, vector<16xf32>,
        tpu.vector_store %arg12[%parallel_loop3A_2353, %parallel_loop3A_2354], %parallel_loop3A_2352 {strides = array<i32>} : memref<200x64xf32, #tpu.memory_space<vmem>>, vector<16xf32>,
      } {sc.loop_unroll_factor = 2 : i64, sc.parallel_access}
      %add3A_669 = arith.constant 192 : i32
      %add3A_670 = arith.addi %mul3A_665, %add3A_669 : i32
      %get3A_671 = arith.index_cast %add3A_670 : i32 to index
      %get3A_672 = tpu.vector_load %arg6[%get3A_671] {strides = array<i32>} : memref<25616xi32, #tpu.memory_space<vmem>>, vector<16xi32>,
      %and3A_673 = arith.constant 1 : i32
      %and3A_674 = vector.broadcast %and3A_673 : i32 to vector<16xi32>
      %and3A_675 = arith.andi %get3A_672, %and3A_674 : vector<16xi32>
      %shift_left3A_676 = arith.constant 6 : i32
      %shift_left3A_677 = vector.broadcast %shift_left3A_676 : i32 to vector<16xi32>
      %shift_left3A_678 = arith.shli %and3A_675, %shift_left3A_677 : vector<16xi32>
      %broadcast_in_dim3A_679 = arith.constant 0 : i32
      %broadcast_in_dim3A_680 = vector.broadcast %broadcast_in_dim3A_679 : i32 to vector<16x1xi32>
      %gather3A_681 = vector.shape_cast %broadcast_in_dim3A_680 : vector<16x1xi32> to vector<16xi32>
      %gather3A_682 = tpu.dynamic_gather %shift_left3A_678[%gather3A_681] in [0] : vector<16xi32>, vector<16xi32> -> vector<16xi32>
      %broadcast_in_dim3A_683 = arith.constant 192 : i32
      %broadcast_in_dim3A_684 = vector.broadcast %broadcast_in_dim3A_683 : i32 to vector<16xi32>
      %add3A_685 = arith.constant 0 : i32
      %add3A_686 = vector.broadcast %add3A_685 : i32 to vector<16xi32>
      %add3A_687 = arith.addi %add3A_686, %iota3A : vector<16xi32>
      %add3A_688 = arith.addi %gather3A_682, %add3A_687 : vector<16xi32>
      %gather3A_689 = tpu.vector_load_idx %arg11[%broadcast_in_dim3A_684, %add3A_688] : memref<208x128xf32, #tpu.memory_space<vmem>>[vector<16xi32>, vector<16xi32>], vector<16xf32>,
      %mul3A_690 = arith.constant 8.000000e+00 : f32
      %mul3A_691 = vector.broadcast %mul3A_690 : f32 to vector<16xf32>
      %mul3A_692 = arith.mulf %gather3A_689, %mul3A_691 : vector<16xf32>
      %get3A_693 = arith.constant 192 : i32
      %get3A_694 = arith.index_cast %get3A_693 : i32 to index
      %get3A_695 = arith.constant 0 : index
      %get3A_696 = tpu.vector_load %arg7[%get3A_694, %get3A_695] {strides = array<i32>} : memref<200x64xf32, #tpu.memory_space<vmem>>, vector<16xf32>,
      %add3A_697 = arith.addf %mul3A_692, %get3A_696 : vector<16xf32>
      %swap3A_698 = arith.constant 192 : i32
      %swap3A_699 = arith.index_cast %swap3A_698 : i32 to index
      %swap3A_700 = arith.constant 0 : index
      %swap3A_701 = tpu.vector_load %arg12[%swap3A_699, %swap3A_700] {strides = array<i32>} : memref<200x64xf32, #tpu.memory_space<vmem>>, vector<16xf32>,
      tpu.vector_store %arg12[%swap3A_699, %swap3A_700], %add3A_697 {strides = array<i32>} : memref<200x64xf32, #tpu.memory_space<vmem>>, vector<16xf32>,
      %add3A_702 = arith.constant 16 : i32
      %add3A_703 = vector.broadcast %add3A_702 : i32 to vector<16xi32>
      %add3A_704 = arith.addi %add3A_703, %iota3A : vector<16xi32>
      %add3A_705 = arith.addi %gather3A_682, %add3A_704 : vector<16xi32>
      %gather3A_706 = tpu.vector_load_idx %arg11[%broadcast_in_dim3A_684, %add3A_705] : memref<208x128xf32, #tpu.memory_space<vmem>>[vector<16xi32>, vector<16xi32>], vector<16xf32>,
      %mul3A_707 = arith.constant 8.000000e+00 : f32
      %mul3A_708 = vector.broadcast %mul3A_707 : f32 to vector<16xf32>
      %mul3A_709 = arith.mulf %gather3A_706, %mul3A_708 : vector<16xf32>
      %get3A_710 = arith.constant 192 : i32
      %get3A_711 = arith.index_cast %get3A_710 : i32 to index
      %get3A_712 = arith.constant 16 : index
      %get3A_713 = tpu.vector_load %arg7[%get3A_711, %get3A_712] {strides = array<i32>} : memref<200x64xf32, #tpu.memory_space<vmem>>, vector<16xf32>,
      %add3A_714 = arith.addf %mul3A_709, %get3A_713 : vector<16xf32>
      %swap3A_715 = arith.constant 192 : i32
      %swap3A_716 = arith.index_cast %swap3A_715 : i32 to index
      %swap3A_717 = arith.constant 16 : index
      %swap3A_718 = tpu.vector_load %arg12[%swap3A_716, %swap3A_717] {strides = array<i32>} : memref<200x64xf32, #tpu.memory_space<vmem>>, vector<16xf32>,
      tpu.vector_store %arg12[%swap3A_716, %swap3A_717], %add3A_714 {strides = array<i32>} : memref<200x64xf32, #tpu.memory_space<vmem>>, vector<16xf32>,
      %add3A_719 = arith.constant 32 : i32
      %add3A_720 = vector.broadcast %add3A_719 : i32 to vector<16xi32>
      %add3A_721 = arith.addi %add3A_720, %iota3A : vector<16xi32>
      %add3A_722 = arith.addi %gather3A_682, %add3A_721 : vector<16xi32>
      %gather3A_723 = tpu.vector_load_idx %arg11[%broadcast_in_dim3A_684, %add3A_722] : memref<208x128xf32, #tpu.memory_space<vmem>>[vector<16xi32>, vector<16xi32>], vector<16xf32>,
      %mul3A_724 = arith.constant 8.000000e+00 : f32
      %mul3A_725 = vector.broadcast %mul3A_724 : f32 to vector<16xf32>
      %mul3A_726 = arith.mulf %gather3A_723, %mul3A_725 : vector<16xf32>
      %get3A_727 = arith.constant 192 : i32
      %get3A_728 = arith.index_cast %get3A_727 : i32 to index
      %get3A_729 = arith.constant 32 : index
      %get3A_730 = tpu.vector_load %arg7[%get3A_728, %get3A_729] {strides = array<i32>} : memref<200x64xf32, #tpu.memory_space<vmem>>, vector<16xf32>,
      %add3A_731 = arith.addf %mul3A_726, %get3A_730 : vector<16xf32>
      %swap3A_732 = arith.constant 192 : i32
      %swap3A_733 = arith.index_cast %swap3A_732 : i32 to index
      %swap3A_734 = arith.constant 32 : index
      %swap3A_735 = tpu.vector_load %arg12[%swap3A_733, %swap3A_734] {strides = array<i32>} : memref<200x64xf32, #tpu.memory_space<vmem>>, vector<16xf32>,
      tpu.vector_store %arg12[%swap3A_733, %swap3A_734], %add3A_731 {strides = array<i32>} : memref<200x64xf32, #tpu.memory_space<vmem>>, vector<16xf32>,
      %add3A_736 = arith.constant 48 : i32
      %add3A_737 = vector.broadcast %add3A_736 : i32 to vector<16xi32>
      %add3A_738 = arith.addi %add3A_737, %iota3A : vector<16xi32>
      %add3A_739 = arith.addi %gather3A_682, %add3A_738 : vector<16xi32>
      %gather3A_740 = tpu.vector_load_idx %arg11[%broadcast_in_dim3A_684, %add3A_739] : memref<208x128xf32, #tpu.memory_space<vmem>>[vector<16xi32>, vector<16xi32>], vector<16xf32>,
      %mul3A_741 = arith.constant 8.000000e+00 : f32
      %mul3A_742 = vector.broadcast %mul3A_741 : f32 to vector<16xf32>
      %mul3A_743 = arith.mulf %gather3A_740, %mul3A_742 : vector<16xf32>
      %get3A_744 = arith.constant 192 : i32
      %get3A_745 = arith.index_cast %get3A_744 : i32 to index
      %get3A_746 = arith.constant 48 : index
      %get3A_747 = tpu.vector_load %arg7[%get3A_745, %get3A_746] {strides = array<i32>} : memref<200x64xf32, #tpu.memory_space<vmem>>, vector<16xf32>,
      %add3A_748 = arith.addf %mul3A_743, %get3A_747 : vector<16xf32>
      %swap3A_749 = arith.constant 192 : i32
      %swap3A_750 = arith.index_cast %swap3A_749 : i32 to index
      %swap3A_751 = arith.constant 48 : index
      %swap3A_752 = tpu.vector_load %arg12[%swap3A_750, %swap3A_751] {strides = array<i32>} : memref<200x64xf32, #tpu.memory_space<vmem>>, vector<16xf32>,
      tpu.vector_store %arg12[%swap3A_750, %swap3A_751], %add3A_748 {strides = array<i32>} : memref<200x64xf32, #tpu.memory_space<vmem>>, vector<16xf32>,
      %broadcast_in_dim3A_753 = arith.constant 1 : i32
      %broadcast_in_dim3A_754 = vector.broadcast %broadcast_in_dim3A_753 : i32 to vector<16x1xi32>
      %gather3A_755 = vector.shape_cast %broadcast_in_dim3A_754 : vector<16x1xi32> to vector<16xi32>
      %gather3A_756 = tpu.dynamic_gather %shift_left3A_678[%gather3A_755] in [0] : vector<16xi32>, vector<16xi32> -> vector<16xi32>
      %broadcast_in_dim3A_757 = arith.constant 193 : i32
      %broadcast_in_dim3A_758 = vector.broadcast %broadcast_in_dim3A_757 : i32 to vector<16xi32>
      %add3A_759 = arith.constant 0 : i32
      %add3A_760 = vector.broadcast %add3A_759 : i32 to vector<16xi32>
      %add3A_761 = arith.addi %add3A_760, %iota3A : vector<16xi32>
      %add3A_762 = arith.addi %gather3A_756, %add3A_761 : vector<16xi32>
      %gather3A_763 = tpu.vector_load_idx %arg11[%broadcast_in_dim3A_758, %add3A_762] : memref<208x128xf32, #tpu.memory_space<vmem>>[vector<16xi32>, vector<16xi32>], vector<16xf32>,
      %mul3A_764 = arith.constant 8.000000e+00 : f32
      %mul3A_765 = vector.broadcast %mul3A_764 : f32 to vector<16xf32>
      %mul3A_766 = arith.mulf %gather3A_763, %mul3A_765 : vector<16xf32>
      %get3A_767 = arith.constant 193 : i32
      %get3A_768 = arith.index_cast %get3A_767 : i32 to index
      %get3A_769 = arith.constant 0 : index
      %get3A_770 = tpu.vector_load %arg7[%get3A_768, %get3A_769] {strides = array<i32>} : memref<200x64xf32, #tpu.memory_space<vmem>>, vector<16xf32>,
      %add3A_771 = arith.addf %mul3A_766, %get3A_770 : vector<16xf32>
      %swap3A_772 = arith.constant 193 : i32
      %swap3A_773 = arith.index_cast %swap3A_772 : i32 to index
      %swap3A_774 = arith.constant 0 : index
      %swap3A_775 = tpu.vector_load %arg12[%swap3A_773, %swap3A_774] {strides = array<i32>} : memref<200x64xf32, #tpu.memory_space<vmem>>, vector<16xf32>,
      tpu.vector_store %arg12[%swap3A_773, %swap3A_774], %add3A_771 {strides = array<i32>} : memref<200x64xf32, #tpu.memory_space<vmem>>, vector<16xf32>,
      %add3A_776 = arith.constant 16 : i32
      %add3A_777 = vector.broadcast %add3A_776 : i32 to vector<16xi32>
      %add3A_778 = arith.addi %add3A_777, %iota3A : vector<16xi32>
      %add3A_779 = arith.addi %gather3A_756, %add3A_778 : vector<16xi32>
      %gather3A_780 = tpu.vector_load_idx %arg11[%broadcast_in_dim3A_758, %add3A_779] : memref<208x128xf32, #tpu.memory_space<vmem>>[vector<16xi32>, vector<16xi32>], vector<16xf32>,
      %mul3A_781 = arith.constant 8.000000e+00 : f32
      %mul3A_782 = vector.broadcast %mul3A_781 : f32 to vector<16xf32>
      %mul3A_783 = arith.mulf %gather3A_780, %mul3A_782 : vector<16xf32>
      %get3A_784 = arith.constant 193 : i32
      %get3A_785 = arith.index_cast %get3A_784 : i32 to index
      %get3A_786 = arith.constant 16 : index
      %get3A_787 = tpu.vector_load %arg7[%get3A_785, %get3A_786] {strides = array<i32>} : memref<200x64xf32, #tpu.memory_space<vmem>>, vector<16xf32>,
      %add3A_788 = arith.addf %mul3A_783, %get3A_787 : vector<16xf32>
      %swap3A_789 = arith.constant 193 : i32
      %swap3A_790 = arith.index_cast %swap3A_789 : i32 to index
      %swap3A_791 = arith.constant 16 : index
      %swap3A_792 = tpu.vector_load %arg12[%swap3A_790, %swap3A_791] {strides = array<i32>} : memref<200x64xf32, #tpu.memory_space<vmem>>, vector<16xf32>,
      tpu.vector_store %arg12[%swap3A_790, %swap3A_791], %add3A_788 {strides = array<i32>} : memref<200x64xf32, #tpu.memory_space<vmem>>, vector<16xf32>,
      %add3A_793 = arith.constant 32 : i32
      %add3A_794 = vector.broadcast %add3A_793 : i32 to vector<16xi32>
      %add3A_795 = arith.addi %add3A_794, %iota3A : vector<16xi32>
      %add3A_796 = arith.addi %gather3A_756, %add3A_795 : vector<16xi32>
      %gather3A_797 = tpu.vector_load_idx %arg11[%broadcast_in_dim3A_758, %add3A_796] : memref<208x128xf32, #tpu.memory_space<vmem>>[vector<16xi32>, vector<16xi32>], vector<16xf32>,
      %mul3A_798 = arith.constant 8.000000e+00 : f32
      %mul3A_799 = vector.broadcast %mul3A_798 : f32 to vector<16xf32>
      %mul3A_800 = arith.mulf %gather3A_797, %mul3A_799 : vector<16xf32>
      %get3A_801 = arith.constant 193 : i32
      %get3A_802 = arith.index_cast %get3A_801 : i32 to index
      %get3A_803 = arith.constant 32 : index
      %get3A_804 = tpu.vector_load %arg7[%get3A_802, %get3A_803] {strides = array<i32>} : memref<200x64xf32, #tpu.memory_space<vmem>>, vector<16xf32>,
      %add3A_805 = arith.addf %mul3A_800, %get3A_804 : vector<16xf32>
      %swap3A_806 = arith.constant 193 : i32
      %swap3A_807 = arith.index_cast %swap3A_806 : i32 to index
      %swap3A_808 = arith.constant 32 : index
      %swap3A_809 = tpu.vector_load %arg12[%swap3A_807, %swap3A_808] {strides = array<i32>} : memref<200x64xf32, #tpu.memory_space<vmem>>, vector<16xf32>,
      tpu.vector_store %arg12[%swap3A_807, %swap3A_808], %add3A_805 {strides = array<i32>} : memref<200x64xf32, #tpu.memory_space<vmem>>, vector<16xf32>,
      %add3A_810 = arith.constant 48 : i32
      %add3A_811 = vector.broadcast %add3A_810 : i32 to vector<16xi32>
      %add3A_812 = arith.addi %add3A_811, %iota3A : vector<16xi32>
      %add3A_813 = arith.addi %gather3A_756, %add3A_812 : vector<16xi32>
      %gather3A_814 = tpu.vector_load_idx %arg11[%broadcast_in_dim3A_758, %add3A_813] : memref<208x128xf32, #tpu.memory_space<vmem>>[vector<16xi32>, vector<16xi32>], vector<16xf32>,
      %mul3A_815 = arith.constant 8.000000e+00 : f32
      %mul3A_816 = vector.broadcast %mul3A_815 : f32 to vector<16xf32>
      %mul3A_817 = arith.mulf %gather3A_814, %mul3A_816 : vector<16xf32>
      %get3A_818 = arith.constant 193 : i32
      %get3A_819 = arith.index_cast %get3A_818 : i32 to index
      %get3A_820 = arith.constant 48 : index
      %get3A_821 = tpu.vector_load %arg7[%get3A_819, %get3A_820] {strides = array<i32>} : memref<200x64xf32, #tpu.memory_space<vmem>>, vector<16xf32>,
      %add3A_822 = arith.addf %mul3A_817, %get3A_821 : vector<16xf32>
      %swap3A_823 = arith.constant 193 : i32
      %swap3A_824 = arith.index_cast %swap3A_823 : i32 to index
      %swap3A_825 = arith.constant 48 : index
      %swap3A_826 = tpu.vector_load %arg12[%swap3A_824, %swap3A_825] {strides = array<i32>} : memref<200x64xf32, #tpu.memory_space<vmem>>, vector<16xf32>,
      tpu.vector_store %arg12[%swap3A_824, %swap3A_825], %add3A_822 {strides = array<i32>} : memref<200x64xf32, #tpu.memory_space<vmem>>, vector<16xf32>,
      %broadcast_in_dim3A_827 = arith.constant 2 : i32
      %broadcast_in_dim3A_828 = vector.broadcast %broadcast_in_dim3A_827 : i32 to vector<16x1xi32>
      %gather3A_829 = vector.shape_cast %broadcast_in_dim3A_828 : vector<16x1xi32> to vector<16xi32>
      %gather3A_830 = tpu.dynamic_gather %shift_left3A_678[%gather3A_829] in [0] : vector<16xi32>, vector<16xi32> -> vector<16xi32>
      %broadcast_in_dim3A_831 = arith.constant 194 : i32
      %broadcast_in_dim3A_832 = vector.broadcast %broadcast_in_dim3A_831 : i32 to vector<16xi32>
      %add3A_833 = arith.constant 0 : i32
      %add3A_834 = vector.broadcast %add3A_833 : i32 to vector<16xi32>
      %add3A_835 = arith.addi %add3A_834, %iota3A : vector<16xi32>
      %add3A_836 = arith.addi %gather3A_830, %add3A_835 : vector<16xi32>
      %gather3A_837 = tpu.vector_load_idx %arg11[%broadcast_in_dim3A_832, %add3A_836] : memref<208x128xf32, #tpu.memory_space<vmem>>[vector<16xi32>, vector<16xi32>], vector<16xf32>,
      %mul3A_838 = arith.constant 8.000000e+00 : f32
      %mul3A_839 = vector.broadcast %mul3A_838 : f32 to vector<16xf32>
      %mul3A_840 = arith.mulf %gather3A_837, %mul3A_839 : vector<16xf32>
      %get3A_841 = arith.constant 194 : i32
      %get3A_842 = arith.index_cast %get3A_841 : i32 to index
      %get3A_843 = arith.constant 0 : index
      %get3A_844 = tpu.vector_load %arg7[%get3A_842, %get3A_843] {strides = array<i32>} : memref<200x64xf32, #tpu.memory_space<vmem>>, vector<16xf32>,
      %add3A_845 = arith.addf %mul3A_840, %get3A_844 : vector<16xf32>
      %swap3A_846 = arith.constant 194 : i32
      %swap3A_847 = arith.index_cast %swap3A_846 : i32 to index
      %swap3A_848 = arith.constant 0 : index
      %swap3A_849 = tpu.vector_load %arg12[%swap3A_847, %swap3A_848] {strides = array<i32>} : memref<200x64xf32, #tpu.memory_space<vmem>>, vector<16xf32>,
      tpu.vector_store %arg12[%swap3A_847, %swap3A_848], %add3A_845 {strides = array<i32>} : memref<200x64xf32, #tpu.memory_space<vmem>>, vector<16xf32>,
      %add3A_850 = arith.constant 16 : i32
      %add3A_851 = vector.broadcast %add3A_850 : i32 to vector<16xi32>
      %add3A_852 = arith.addi %add3A_851, %iota3A : vector<16xi32>
      %add3A_853 = arith.addi %gather3A_830, %add3A_852 : vector<16xi32>
      %gather3A_854 = tpu.vector_load_idx %arg11[%broadcast_in_dim3A_832, %add3A_853] : memref<208x128xf32, #tpu.memory_space<vmem>>[vector<16xi32>, vector<16xi32>], vector<16xf32>,
      %mul3A_855 = arith.constant 8.000000e+00 : f32
      %mul3A_856 = vector.broadcast %mul3A_855 : f32 to vector<16xf32>
      %mul3A_857 = arith.mulf %gather3A_854, %mul3A_856 : vector<16xf32>
      %get3A_858 = arith.constant 194 : i32
      %get3A_859 = arith.index_cast %get3A_858 : i32 to index
      %get3A_860 = arith.constant 16 : index
      %get3A_861 = tpu.vector_load %arg7[%get3A_859, %get3A_860] {strides = array<i32>} : memref<200x64xf32, #tpu.memory_space<vmem>>, vector<16xf32>,
      %add3A_862 = arith.addf %mul3A_857, %get3A_861 : vector<16xf32>
      %swap3A_863 = arith.constant 194 : i32
      %swap3A_864 = arith.index_cast %swap3A_863 : i32 to index
      %swap3A_865 = arith.constant 16 : index
      %swap3A_866 = tpu.vector_load %arg12[%swap3A_864, %swap3A_865] {strides = array<i32>} : memref<200x64xf32, #tpu.memory_space<vmem>>, vector<16xf32>,
      tpu.vector_store %arg12[%swap3A_864, %swap3A_865], %add3A_862 {strides = array<i32>} : memref<200x64xf32, #tpu.memory_space<vmem>>, vector<16xf32>,
      %add3A_867 = arith.constant 32 : i32
      %add3A_868 = vector.broadcast %add3A_867 : i32 to vector<16xi32>
      %add3A_869 = arith.addi %add3A_868, %iota3A : vector<16xi32>
      %add3A_870 = arith.addi %gather3A_830, %add3A_869 : vector<16xi32>
      %gather3A_871 = tpu.vector_load_idx %arg11[%broadcast_in_dim3A_832, %add3A_870] : memref<208x128xf32, #tpu.memory_space<vmem>>[vector<16xi32>, vector<16xi32>], vector<16xf32>,
      %mul3A_872 = arith.constant 8.000000e+00 : f32
      %mul3A_873 = vector.broadcast %mul3A_872 : f32 to vector<16xf32>
      %mul3A_874 = arith.mulf %gather3A_871, %mul3A_873 : vector<16xf32>
      %get3A_875 = arith.constant 194 : i32
      %get3A_876 = arith.index_cast %get3A_875 : i32 to index
      %get3A_877 = arith.constant 32 : index
      %get3A_878 = tpu.vector_load %arg7[%get3A_876, %get3A_877] {strides = array<i32>} : memref<200x64xf32, #tpu.memory_space<vmem>>, vector<16xf32>,
      %add3A_879 = arith.addf %mul3A_874, %get3A_878 : vector<16xf32>
      %swap3A_880 = arith.constant 194 : i32
      %swap3A_881 = arith.index_cast %swap3A_880 : i32 to index
      %swap3A_882 = arith.constant 32 : index
      %swap3A_883 = tpu.vector_load %arg12[%swap3A_881, %swap3A_882] {strides = array<i32>} : memref<200x64xf32, #tpu.memory_space<vmem>>, vector<16xf32>,
      tpu.vector_store %arg12[%swap3A_881, %swap3A_882], %add3A_879 {strides = array<i32>} : memref<200x64xf32, #tpu.memory_space<vmem>>, vector<16xf32>,
      %add3A_884 = arith.constant 48 : i32
      %add3A_885 = vector.broadcast %add3A_884 : i32 to vector<16xi32>
      %add3A_886 = arith.addi %add3A_885, %iota3A : vector<16xi32>
      %add3A_887 = arith.addi %gather3A_830, %add3A_886 : vector<16xi32>
      %gather3A_888 = tpu.vector_load_idx %arg11[%broadcast_in_dim3A_832, %add3A_887] : memref<208x128xf32, #tpu.memory_space<vmem>>[vector<16xi32>, vector<16xi32>], vector<16xf32>,
      %mul3A_889 = arith.constant 8.000000e+00 : f32
      %mul3A_890 = vector.broadcast %mul3A_889 : f32 to vector<16xf32>
      %mul3A_891 = arith.mulf %gather3A_888, %mul3A_890 : vector<16xf32>
      %get3A_892 = arith.constant 194 : i32
      %get3A_893 = arith.index_cast %get3A_892 : i32 to index
      %get3A_894 = arith.constant 48 : index
      %get3A_895 = tpu.vector_load %arg7[%get3A_893, %get3A_894] {strides = array<i32>} : memref<200x64xf32, #tpu.memory_space<vmem>>, vector<16xf32>,
      %add3A_896 = arith.addf %mul3A_891, %get3A_895 : vector<16xf32>
      %swap3A_897 = arith.constant 194 : i32
      %swap3A_898 = arith.index_cast %swap3A_897 : i32 to index
      %swap3A_899 = arith.constant 48 : index
      %swap3A_900 = tpu.vector_load %arg12[%swap3A_898, %swap3A_899] {strides = array<i32>} : memref<200x64xf32, #tpu.memory_space<vmem>>, vector<16xf32>,
      tpu.vector_store %arg12[%swap3A_898, %swap3A_899], %add3A_896 {strides = array<i32>} : memref<200x64xf32, #tpu.memory_space<vmem>>, vector<16xf32>,
      %broadcast_in_dim3A_901 = arith.constant 3 : i32
      %broadcast_in_dim3A_902 = vector.broadcast %broadcast_in_dim3A_901 : i32 to vector<16x1xi32>
      %gather3A_903 = vector.shape_cast %broadcast_in_dim3A_902 : vector<16x1xi32> to vector<16xi32>
      %gather3A_904 = tpu.dynamic_gather %shift_left3A_678[%gather3A_903] in [0] : vector<16xi32>, vector<16xi32> -> vector<16xi32>
      %broadcast_in_dim3A_905 = arith.constant 195 : i32
      %broadcast_in_dim3A_906 = vector.broadcast %broadcast_in_dim3A_905 : i32 to vector<16xi32>
      %add3A_907 = arith.constant 0 : i32
      %add3A_908 = vector.broadcast %add3A_907 : i32 to vector<16xi32>
      %add3A_909 = arith.addi %add3A_908, %iota3A : vector<16xi32>
      %add3A_910 = arith.addi %gather3A_904, %add3A_909 : vector<16xi32>
      %gather3A_911 = tpu.vector_load_idx %arg11[%broadcast_in_dim3A_906, %add3A_910] : memref<208x128xf32, #tpu.memory_space<vmem>>[vector<16xi32>, vector<16xi32>], vector<16xf32>,
      %mul3A_912 = arith.constant 8.000000e+00 : f32
      %mul3A_913 = vector.broadcast %mul3A_912 : f32 to vector<16xf32>
      %mul3A_914 = arith.mulf %gather3A_911, %mul3A_913 : vector<16xf32>
      %get3A_915 = arith.constant 195 : i32
      %get3A_916 = arith.index_cast %get3A_915 : i32 to index
      %get3A_917 = arith.constant 0 : index
      %get3A_918 = tpu.vector_load %arg7[%get3A_916, %get3A_917] {strides = array<i32>} : memref<200x64xf32, #tpu.memory_space<vmem>>, vector<16xf32>,
      %add3A_919 = arith.addf %mul3A_914, %get3A_918 : vector<16xf32>
      %swap3A_920 = arith.constant 195 : i32
      %swap3A_921 = arith.index_cast %swap3A_920 : i32 to index
      %swap3A_922 = arith.constant 0 : index
      %swap3A_923 = tpu.vector_load %arg12[%swap3A_921, %swap3A_922] {strides = array<i32>} : memref<200x64xf32, #tpu.memory_space<vmem>>, vector<16xf32>,
      tpu.vector_store %arg12[%swap3A_921, %swap3A_922], %add3A_919 {strides = array<i32>} : memref<200x64xf32, #tpu.memory_space<vmem>>, vector<16xf32>,
      %add3A_924 = arith.constant 16 : i32
      %add3A_925 = vector.broadcast %add3A_924 : i32 to vector<16xi32>
      %add3A_926 = arith.addi %add3A_925, %iota3A : vector<16xi32>
      %add3A_927 = arith.addi %gather3A_904, %add3A_926 : vector<16xi32>
      %gather3A_928 = tpu.vector_load_idx %arg11[%broadcast_in_dim3A_906, %add3A_927] : memref<208x128xf32, #tpu.memory_space<vmem>>[vector<16xi32>, vector<16xi32>], vector<16xf32>,
      %mul3A_929 = arith.constant 8.000000e+00 : f32
      %mul3A_930 = vector.broadcast %mul3A_929 : f32 to vector<16xf32>
      %mul3A_931 = arith.mulf %gather3A_928, %mul3A_930 : vector<16xf32>
      %get3A_932 = arith.constant 195 : i32
      %get3A_933 = arith.index_cast %get3A_932 : i32 to index
      %get3A_934 = arith.constant 16 : index
      %get3A_935 = tpu.vector_load %arg7[%get3A_933, %get3A_934] {strides = array<i32>} : memref<200x64xf32, #tpu.memory_space<vmem>>, vector<16xf32>,
      %add3A_936 = arith.addf %mul3A_931, %get3A_935 : vector<16xf32>
      %swap3A_937 = arith.constant 195 : i32
      %swap3A_938 = arith.index_cast %swap3A_937 : i32 to index
      %swap3A_939 = arith.constant 16 : index
      %swap3A_940 = tpu.vector_load %arg12[%swap3A_938, %swap3A_939] {strides = array<i32>} : memref<200x64xf32, #tpu.memory_space<vmem>>, vector<16xf32>,
      tpu.vector_store %arg12[%swap3A_938, %swap3A_939], %add3A_936 {strides = array<i32>} : memref<200x64xf32, #tpu.memory_space<vmem>>, vector<16xf32>,
      %add3A_941 = arith.constant 32 : i32
      %add3A_942 = vector.broadcast %add3A_941 : i32 to vector<16xi32>
      %add3A_943 = arith.addi %add3A_942, %iota3A : vector<16xi32>
      %add3A_944 = arith.addi %gather3A_904, %add3A_943 : vector<16xi32>
      %gather3A_945 = tpu.vector_load_idx %arg11[%broadcast_in_dim3A_906, %add3A_944] : memref<208x128xf32, #tpu.memory_space<vmem>>[vector<16xi32>, vector<16xi32>], vector<16xf32>,
      %mul3A_946 = arith.constant 8.000000e+00 : f32
      %mul3A_947 = vector.broadcast %mul3A_946 : f32 to vector<16xf32>
      %mul3A_948 = arith.mulf %gather3A_945, %mul3A_947 : vector<16xf32>
      %get3A_949 = arith.constant 195 : i32
      %get3A_950 = arith.index_cast %get3A_949 : i32 to index
      %get3A_951 = arith.constant 32 : index
      %get3A_952 = tpu.vector_load %arg7[%get3A_950, %get3A_951] {strides = array<i32>} : memref<200x64xf32, #tpu.memory_space<vmem>>, vector<16xf32>,
      %add3A_953 = arith.addf %mul3A_948, %get3A_952 : vector<16xf32>
      %swap3A_954 = arith.constant 195 : i32
      %swap3A_955 = arith.index_cast %swap3A_954 : i32 to index
      %swap3A_956 = arith.constant 32 : index
      %swap3A_957 = tpu.vector_load %arg12[%swap3A_955, %swap3A_956] {strides = array<i32>} : memref<200x64xf32, #tpu.memory_space<vmem>>, vector<16xf32>,
      tpu.vector_store %arg12[%swap3A_955, %swap3A_956], %add3A_953 {strides = array<i32>} : memref<200x64xf32, #tpu.memory_space<vmem>>, vector<16xf32>,
      %add3A_958 = arith.constant 48 : i32
      %add3A_959 = vector.broadcast %add3A_958 : i32 to vector<16xi32>
      %add3A_960 = arith.addi %add3A_959, %iota3A : vector<16xi32>
      %add3A_961 = arith.addi %gather3A_904, %add3A_960 : vector<16xi32>
      %gather3A_962 = tpu.vector_load_idx %arg11[%broadcast_in_dim3A_906, %add3A_961] : memref<208x128xf32, #tpu.memory_space<vmem>>[vector<16xi32>, vector<16xi32>], vector<16xf32>,
      %mul3A_963 = arith.constant 8.000000e+00 : f32
      %mul3A_964 = vector.broadcast %mul3A_963 : f32 to vector<16xf32>
      %mul3A_965 = arith.mulf %gather3A_962, %mul3A_964 : vector<16xf32>
      %get3A_966 = arith.constant 195 : i32
      %get3A_967 = arith.index_cast %get3A_966 : i32 to index
      %get3A_968 = arith.constant 48 : index
      %get3A_969 = tpu.vector_load %arg7[%get3A_967, %get3A_968] {strides = array<i32>} : memref<200x64xf32, #tpu.memory_space<vmem>>, vector<16xf32>,
      %add3A_970 = arith.addf %mul3A_965, %get3A_969 : vector<16xf32>
      %swap3A_971 = arith.constant 195 : i32
      %swap3A_972 = arith.index_cast %swap3A_971 : i32 to index
      %swap3A_973 = arith.constant 48 : index
      %swap3A_974 = tpu.vector_load %arg12[%swap3A_972, %swap3A_973] {strides = array<i32>} : memref<200x64xf32, #tpu.memory_space<vmem>>, vector<16xf32>,
      tpu.vector_store %arg12[%swap3A_972, %swap3A_973], %add3A_970 {strides = array<i32>} : memref<200x64xf32, #tpu.memory_space<vmem>>, vector<16xf32>,
      %broadcast_in_dim3A_975 = arith.constant 4 : i32
      %broadcast_in_dim3A_976 = vector.broadcast %broadcast_in_dim3A_975 : i32 to vector<16x1xi32>
      %gather3A_977 = vector.shape_cast %broadcast_in_dim3A_976 : vector<16x1xi32> to vector<16xi32>
      %gather3A_978 = tpu.dynamic_gather %shift_left3A_678[%gather3A_977] in [0] : vector<16xi32>, vector<16xi32> -> vector<16xi32>
      %broadcast_in_dim3A_979 = arith.constant 196 : i32
      %broadcast_in_dim3A_980 = vector.broadcast %broadcast_in_dim3A_979 : i32 to vector<16xi32>
      %add3A_981 = arith.constant 0 : i32
      %add3A_982 = vector.broadcast %add3A_981 : i32 to vector<16xi32>
      %add3A_983 = arith.addi %add3A_982, %iota3A : vector<16xi32>
      %add3A_984 = arith.addi %gather3A_978, %add3A_983 : vector<16xi32>
      %gather3A_985 = tpu.vector_load_idx %arg11[%broadcast_in_dim3A_980, %add3A_984] : memref<208x128xf32, #tpu.memory_space<vmem>>[vector<16xi32>, vector<16xi32>], vector<16xf32>,
      %mul3A_986 = arith.constant 8.000000e+00 : f32
      %mul3A_987 = vector.broadcast %mul3A_986 : f32 to vector<16xf32>
      %mul3A_988 = arith.mulf %gather3A_985, %mul3A_987 : vector<16xf32>
      %get3A_989 = arith.constant 196 : i32
      %get3A_990 = arith.index_cast %get3A_989 : i32 to index
      %get3A_991 = arith.constant 0 : index
      %get3A_992 = tpu.vector_load %arg7[%get3A_990, %get3A_991] {strides = array<i32>} : memref<200x64xf32, #tpu.memory_space<vmem>>, vector<16xf32>,
      %add3A_993 = arith.addf %mul3A_988, %get3A_992 : vector<16xf32>
      %swap3A_994 = arith.constant 196 : i32
      %swap3A_995 = arith.index_cast %swap3A_994 : i32 to index
      %swap3A_996 = arith.constant 0 : index
      %swap3A_997 = tpu.vector_load %arg12[%swap3A_995, %swap3A_996] {strides = array<i32>} : memref<200x64xf32, #tpu.memory_space<vmem>>, vector<16xf32>,
      tpu.vector_store %arg12[%swap3A_995, %swap3A_996], %add3A_993 {strides = array<i32>} : memref<200x64xf32, #tpu.memory_space<vmem>>, vector<16xf32>,
      %add3A_998 = arith.constant 16 : i32
      %add3A_999 = vector.broadcast %add3A_998 : i32 to vector<16xi32>
      %add3A_1000 = arith.addi %add3A_999, %iota3A : vector<16xi32>
      %add3A_1001 = arith.addi %gather3A_978, %add3A_1000 : vector<16xi32>
      %gather3A_1002 = tpu.vector_load_idx %arg11[%broadcast_in_dim3A_980, %add3A_1001] : memref<208x128xf32, #tpu.memory_space<vmem>>[vector<16xi32>, vector<16xi32>], vector<16xf32>,
      %mul3A_1003 = arith.constant 8.000000e+00 : f32
      %mul3A_1004 = vector.broadcast %mul3A_1003 : f32 to vector<16xf32>
      %mul3A_1005 = arith.mulf %gather3A_1002, %mul3A_1004 : vector<16xf32>
      %get3A_1006 = arith.constant 196 : i32
      %get3A_1007 = arith.index_cast %get3A_1006 : i32 to index
      %get3A_1008 = arith.constant 16 : index
      %get3A_1009 = tpu.vector_load %arg7[%get3A_1007, %get3A_1008] {strides = array<i32>} : memref<200x64xf32, #tpu.memory_space<vmem>>, vector<16xf32>,
      %add3A_1010 = arith.addf %mul3A_1005, %get3A_1009 : vector<16xf32>
      %swap3A_1011 = arith.constant 196 : i32
      %swap3A_1012 = arith.index_cast %swap3A_1011 : i32 to index
      %swap3A_1013 = arith.constant 16 : index
      %swap3A_1014 = tpu.vector_load %arg12[%swap3A_1012, %swap3A_1013] {strides = array<i32>} : memref<200x64xf32, #tpu.memory_space<vmem>>, vector<16xf32>,
      tpu.vector_store %arg12[%swap3A_1012, %swap3A_1013], %add3A_1010 {strides = array<i32>} : memref<200x64xf32, #tpu.memory_space<vmem>>, vector<16xf32>,
      %add3A_1015 = arith.constant 32 : i32
      %add3A_1016 = vector.broadcast %add3A_1015 : i32 to vector<16xi32>
      %add3A_1017 = arith.addi %add3A_1016, %iota3A : vector<16xi32>
      %add3A_1018 = arith.addi %gather3A_978, %add3A_1017 : vector<16xi32>
      %gather3A_1019 = tpu.vector_load_idx %arg11[%broadcast_in_dim3A_980, %add3A_1018] : memref<208x128xf32, #tpu.memory_space<vmem>>[vector<16xi32>, vector<16xi32>], vector<16xf32>,
      %mul3A_1020 = arith.constant 8.000000e+00 : f32
      %mul3A_1021 = vector.broadcast %mul3A_1020 : f32 to vector<16xf32>
      %mul3A_1022 = arith.mulf %gather3A_1019, %mul3A_1021 : vector<16xf32>
      %get3A_1023 = arith.constant 196 : i32
      %get3A_1024 = arith.index_cast %get3A_1023 : i32 to index
      %get3A_1025 = arith.constant 32 : index
      %get3A_1026 = tpu.vector_load %arg7[%get3A_1024, %get3A_1025] {strides = array<i32>} : memref<200x64xf32, #tpu.memory_space<vmem>>, vector<16xf32>,
      %add3A_1027 = arith.addf %mul3A_1022, %get3A_1026 : vector<16xf32>
      %swap3A_1028 = arith.constant 196 : i32
      %swap3A_1029 = arith.index_cast %swap3A_1028 : i32 to index
      %swap3A_1030 = arith.constant 32 : index
      %swap3A_1031 = tpu.vector_load %arg12[%swap3A_1029, %swap3A_1030] {strides = array<i32>} : memref<200x64xf32, #tpu.memory_space<vmem>>, vector<16xf32>,
      tpu.vector_store %arg12[%swap3A_1029, %swap3A_1030], %add3A_1027 {strides = array<i32>} : memref<200x64xf32, #tpu.memory_space<vmem>>, vector<16xf32>,
      %add3A_1032 = arith.constant 48 : i32
      %add3A_1033 = vector.broadcast %add3A_1032 : i32 to vector<16xi32>
      %add3A_1034 = arith.addi %add3A_1033, %iota3A : vector<16xi32>
      %add3A_1035 = arith.addi %gather3A_978, %add3A_1034 : vector<16xi32>
      %gather3A_1036 = tpu.vector_load_idx %arg11[%broadcast_in_dim3A_980, %add3A_1035] : memref<208x128xf32, #tpu.memory_space<vmem>>[vector<16xi32>, vector<16xi32>], vector<16xf32>,
      %mul3A_1037 = arith.constant 8.000000e+00 : f32
      %mul3A_1038 = vector.broadcast %mul3A_1037 : f32 to vector<16xf32>
      %mul3A_1039 = arith.mulf %gather3A_1036, %mul3A_1038 : vector<16xf32>
      %get3A_1040 = arith.constant 196 : i32
      %get3A_1041 = arith.index_cast %get3A_1040 : i32 to index
      %get3A_1042 = arith.constant 48 : index
      %get3A_1043 = tpu.vector_load %arg7[%get3A_1041, %get3A_1042] {strides = array<i32>} : memref<200x64xf32, #tpu.memory_space<vmem>>, vector<16xf32>,
      %add3A_1044 = arith.addf %mul3A_1039, %get3A_1043 : vector<16xf32>
      %swap3A_1045 = arith.constant 196 : i32
      %swap3A_1046 = arith.index_cast %swap3A_1045 : i32 to index
      %swap3A_1047 = arith.constant 48 : index
      %swap3A_1048 = tpu.vector_load %arg12[%swap3A_1046, %swap3A_1047] {strides = array<i32>} : memref<200x64xf32, #tpu.memory_space<vmem>>, vector<16xf32>,
      tpu.vector_store %arg12[%swap3A_1046, %swap3A_1047], %add3A_1044 {strides = array<i32>} : memref<200x64xf32, #tpu.memory_space<vmem>>, vector<16xf32>,
      %broadcast_in_dim3A_1049 = arith.constant 5 : i32
      %broadcast_in_dim3A_1050 = vector.broadcast %broadcast_in_dim3A_1049 : i32 to vector<16x1xi32>
      %gather3A_1051 = vector.shape_cast %broadcast_in_dim3A_1050 : vector<16x1xi32> to vector<16xi32>
      %gather3A_1052 = tpu.dynamic_gather %shift_left3A_678[%gather3A_1051] in [0] : vector<16xi32>, vector<16xi32> -> vector<16xi32>
      %broadcast_in_dim3A_1053 = arith.constant 197 : i32
      %broadcast_in_dim3A_1054 = vector.broadcast %broadcast_in_dim3A_1053 : i32 to vector<16xi32>
      %add3A_1055 = arith.constant 0 : i32
      %add3A_1056 = vector.broadcast %add3A_1055 : i32 to vector<16xi32>
      %add3A_1057 = arith.addi %add3A_1056, %iota3A : vector<16xi32>
      %add3A_1058 = arith.addi %gather3A_1052, %add3A_1057 : vector<16xi32>
      %gather3A_1059 = tpu.vector_load_idx %arg11[%broadcast_in_dim3A_1054, %add3A_1058] : memref<208x128xf32, #tpu.memory_space<vmem>>[vector<16xi32>, vector<16xi32>], vector<16xf32>,
      %mul3A_1060 = arith.constant 8.000000e+00 : f32
      %mul3A_1061 = vector.broadcast %mul3A_1060 : f32 to vector<16xf32>
      %mul3A_1062 = arith.mulf %gather3A_1059, %mul3A_1061 : vector<16xf32>
      %get3A_1063 = arith.constant 197 : i32
      %get3A_1064 = arith.index_cast %get3A_1063 : i32 to index
      %get3A_1065 = arith.constant 0 : index
      %get3A_1066 = tpu.vector_load %arg7[%get3A_1064, %get3A_1065] {strides = array<i32>} : memref<200x64xf32, #tpu.memory_space<vmem>>, vector<16xf32>,
      %add3A_1067 = arith.addf %mul3A_1062, %get3A_1066 : vector<16xf32>
      %swap3A_1068 = arith.constant 197 : i32
      %swap3A_1069 = arith.index_cast %swap3A_1068 : i32 to index
      %swap3A_1070 = arith.constant 0 : index
      %swap3A_1071 = tpu.vector_load %arg12[%swap3A_1069, %swap3A_1070] {strides = array<i32>} : memref<200x64xf32, #tpu.memory_space<vmem>>, vector<16xf32>,
      tpu.vector_store %arg12[%swap3A_1069, %swap3A_1070], %add3A_1067 {strides = array<i32>} : memref<200x64xf32, #tpu.memory_space<vmem>>, vector<16xf32>,
      %add3A_1072 = arith.constant 16 : i32
      %add3A_1073 = vector.broadcast %add3A_1072 : i32 to vector<16xi32>
      %add3A_1074 = arith.addi %add3A_1073, %iota3A : vector<16xi32>
      %add3A_1075 = arith.addi %gather3A_1052, %add3A_1074 : vector<16xi32>
      %gather3A_1076 = tpu.vector_load_idx %arg11[%broadcast_in_dim3A_1054, %add3A_1075] : memref<208x128xf32, #tpu.memory_space<vmem>>[vector<16xi32>, vector<16xi32>], vector<16xf32>,
      %mul3A_1077 = arith.constant 8.000000e+00 : f32
      %mul3A_1078 = vector.broadcast %mul3A_1077 : f32 to vector<16xf32>
      %mul3A_1079 = arith.mulf %gather3A_1076, %mul3A_1078 : vector<16xf32>
      %get3A_1080 = arith.constant 197 : i32
      %get3A_1081 = arith.index_cast %get3A_1080 : i32 to index
      %get3A_1082 = arith.constant 16 : index
      %get3A_1083 = tpu.vector_load %arg7[%get3A_1081, %get3A_1082] {strides = array<i32>} : memref<200x64xf32, #tpu.memory_space<vmem>>, vector<16xf32>,
      %add3A_1084 = arith.addf %mul3A_1079, %get3A_1083 : vector<16xf32>
      %swap3A_1085 = arith.constant 197 : i32
      %swap3A_1086 = arith.index_cast %swap3A_1085 : i32 to index
      %swap3A_1087 = arith.constant 16 : index
      %swap3A_1088 = tpu.vector_load %arg12[%swap3A_1086, %swap3A_1087] {strides = array<i32>} : memref<200x64xf32, #tpu.memory_space<vmem>>, vector<16xf32>,
      tpu.vector_store %arg12[%swap3A_1086, %swap3A_1087], %add3A_1084 {strides = array<i32>} : memref<200x64xf32, #tpu.memory_space<vmem>>, vector<16xf32>,
      %add3A_1089 = arith.constant 32 : i32
      %add3A_1090 = vector.broadcast %add3A_1089 : i32 to vector<16xi32>
      %add3A_1091 = arith.addi %add3A_1090, %iota3A : vector<16xi32>
      %add3A_1092 = arith.addi %gather3A_1052, %add3A_1091 : vector<16xi32>
      %gather3A_1093 = tpu.vector_load_idx %arg11[%broadcast_in_dim3A_1054, %add3A_1092] : memref<208x128xf32, #tpu.memory_space<vmem>>[vector<16xi32>, vector<16xi32>], vector<16xf32>,
      %mul3A_1094 = arith.constant 8.000000e+00 : f32
      %mul3A_1095 = vector.broadcast %mul3A_1094 : f32 to vector<16xf32>
      %mul3A_1096 = arith.mulf %gather3A_1093, %mul3A_1095 : vector<16xf32>
      %get3A_1097 = arith.constant 197 : i32
      %get3A_1098 = arith.index_cast %get3A_1097 : i32 to index
      %get3A_1099 = arith.constant 32 : index
      %get3A_1100 = tpu.vector_load %arg7[%get3A_1098, %get3A_1099] {strides = array<i32>} : memref<200x64xf32, #tpu.memory_space<vmem>>, vector<16xf32>,
      %add3A_1101 = arith.addf %mul3A_1096, %get3A_1100 : vector<16xf32>
      %swap3A_1102 = arith.constant 197 : i32
      %swap3A_1103 = arith.index_cast %swap3A_1102 : i32 to index
      %swap3A_1104 = arith.constant 32 : index
      %swap3A_1105 = tpu.vector_load %arg12[%swap3A_1103, %swap3A_1104] {strides = array<i32>} : memref<200x64xf32, #tpu.memory_space<vmem>>, vector<16xf32>,
      tpu.vector_store %arg12[%swap3A_1103, %swap3A_1104], %add3A_1101 {strides = array<i32>} : memref<200x64xf32, #tpu.memory_space<vmem>>, vector<16xf32>,
      %add3A_1106 = arith.constant 48 : i32
      %add3A_1107 = vector.broadcast %add3A_1106 : i32 to vector<16xi32>
      %add3A_1108 = arith.addi %add3A_1107, %iota3A : vector<16xi32>
      %add3A_1109 = arith.addi %gather3A_1052, %add3A_1108 : vector<16xi32>
      %gather3A_1110 = tpu.vector_load_idx %arg11[%broadcast_in_dim3A_1054, %add3A_1109] : memref<208x128xf32, #tpu.memory_space<vmem>>[vector<16xi32>, vector<16xi32>], vector<16xf32>,
      %mul3A_1111 = arith.constant 8.000000e+00 : f32
      %mul3A_1112 = vector.broadcast %mul3A_1111 : f32 to vector<16xf32>
      %mul3A_1113 = arith.mulf %gather3A_1110, %mul3A_1112 : vector<16xf32>
      %get3A_1114 = arith.constant 197 : i32
      %get3A_1115 = arith.index_cast %get3A_1114 : i32 to index
      %get3A_1116 = arith.constant 48 : index
      %get3A_1117 = tpu.vector_load %arg7[%get3A_1115, %get3A_1116] {strides = array<i32>} : memref<200x64xf32, #tpu.memory_space<vmem>>, vector<16xf32>,
      %add3A_1118 = arith.addf %mul3A_1113, %get3A_1117 : vector<16xf32>
      %swap3A_1119 = arith.constant 197 : i32
      %swap3A_1120 = arith.index_cast %swap3A_1119 : i32 to index
      %swap3A_1121 = arith.constant 48 : index
      %swap3A_1122 = tpu.vector_load %arg12[%swap3A_1120, %swap3A_1121] {strides = array<i32>} : memref<200x64xf32, #tpu.memory_space<vmem>>, vector<16xf32>,
      tpu.vector_store %arg12[%swap3A_1120, %swap3A_1121], %add3A_1118 {strides = array<i32>} : memref<200x64xf32, #tpu.memory_space<vmem>>, vector<16xf32>,
      %broadcast_in_dim3A_1123 = arith.constant 6 : i32
      %broadcast_in_dim3A_1124 = vector.broadcast %broadcast_in_dim3A_1123 : i32 to vector<16x1xi32>
      %gather3A_1125 = vector.shape_cast %broadcast_in_dim3A_1124 : vector<16x1xi32> to vector<16xi32>
      %gather3A_1126 = tpu.dynamic_gather %shift_left3A_678[%gather3A_1125] in [0] : vector<16xi32>, vector<16xi32> -> vector<16xi32>
      %broadcast_in_dim3A_1127 = arith.constant 198 : i32
      %broadcast_in_dim3A_1128 = vector.broadcast %broadcast_in_dim3A_1127 : i32 to vector<16xi32>
      %add3A_1129 = arith.constant 0 : i32
      %add3A_1130 = vector.broadcast %add3A_1129 : i32 to vector<16xi32>
      %add3A_1131 = arith.addi %add3A_1130, %iota3A : vector<16xi32>
      %add3A_1132 = arith.addi %gather3A_1126, %add3A_1131 : vector<16xi32>
      %gather3A_1133 = tpu.vector_load_idx %arg11[%broadcast_in_dim3A_1128, %add3A_1132] : memref<208x128xf32, #tpu.memory_space<vmem>>[vector<16xi32>, vector<16xi32>], vector<16xf32>,
      %mul3A_1134 = arith.constant 8.000000e+00 : f32
      %mul3A_1135 = vector.broadcast %mul3A_1134 : f32 to vector<16xf32>
      %mul3A_1136 = arith.mulf %gather3A_1133, %mul3A_1135 : vector<16xf32>
      %get3A_1137 = arith.constant 198 : i32
      %get3A_1138 = arith.index_cast %get3A_1137 : i32 to index
      %get3A_1139 = arith.constant 0 : index
      %get3A_1140 = tpu.vector_load %arg7[%get3A_1138, %get3A_1139] {strides = array<i32>} : memref<200x64xf32, #tpu.memory_space<vmem>>, vector<16xf32>,
      %add3A_1141 = arith.addf %mul3A_1136, %get3A_1140 : vector<16xf32>
      %swap3A_1142 = arith.constant 198 : i32
      %swap3A_1143 = arith.index_cast %swap3A_1142 : i32 to index
      %swap3A_1144 = arith.constant 0 : index
      %swap3A_1145 = tpu.vector_load %arg12[%swap3A_1143, %swap3A_1144] {strides = array<i32>} : memref<200x64xf32, #tpu.memory_space<vmem>>, vector<16xf32>,
      tpu.vector_store %arg12[%swap3A_1143, %swap3A_1144], %add3A_1141 {strides = array<i32>} : memref<200x64xf32, #tpu.memory_space<vmem>>, vector<16xf32>,
      %add3A_1146 = arith.constant 16 : i32
      %add3A_1147 = vector.broadcast %add3A_1146 : i32 to vector<16xi32>
      %add3A_1148 = arith.addi %add3A_1147, %iota3A : vector<16xi32>
      %add3A_1149 = arith.addi %gather3A_1126, %add3A_1148 : vector<16xi32>
      %gather3A_1150 = tpu.vector_load_idx %arg11[%broadcast_in_dim3A_1128, %add3A_1149] : memref<208x128xf32, #tpu.memory_space<vmem>>[vector<16xi32>, vector<16xi32>], vector<16xf32>,
      %mul3A_1151 = arith.constant 8.000000e+00 : f32
      %mul3A_1152 = vector.broadcast %mul3A_1151 : f32 to vector<16xf32>
      %mul3A_1153 = arith.mulf %gather3A_1150, %mul3A_1152 : vector<16xf32>
      %get3A_1154 = arith.constant 198 : i32
      %get3A_1155 = arith.index_cast %get3A_1154 : i32 to index
      %get3A_1156 = arith.constant 16 : index
      %get3A_1157 = tpu.vector_load %arg7[%get3A_1155, %get3A_1156] {strides = array<i32>} : memref<200x64xf32, #tpu.memory_space<vmem>>, vector<16xf32>,
      %add3A_1158 = arith.addf %mul3A_1153, %get3A_1157 : vector<16xf32>
      %swap3A_1159 = arith.constant 198 : i32
      %swap3A_1160 = arith.index_cast %swap3A_1159 : i32 to index
      %swap3A_1161 = arith.constant 16 : index
      %swap3A_1162 = tpu.vector_load %arg12[%swap3A_1160, %swap3A_1161] {strides = array<i32>} : memref<200x64xf32, #tpu.memory_space<vmem>>, vector<16xf32>,
      tpu.vector_store %arg12[%swap3A_1160, %swap3A_1161], %add3A_1158 {strides = array<i32>} : memref<200x64xf32, #tpu.memory_space<vmem>>, vector<16xf32>,
      %add3A_1163 = arith.constant 32 : i32
      %add3A_1164 = vector.broadcast %add3A_1163 : i32 to vector<16xi32>
      %add3A_1165 = arith.addi %add3A_1164, %iota3A : vector<16xi32>
      %add3A_1166 = arith.addi %gather3A_1126, %add3A_1165 : vector<16xi32>
      %gather3A_1167 = tpu.vector_load_idx %arg11[%broadcast_in_dim3A_1128, %add3A_1166] : memref<208x128xf32, #tpu.memory_space<vmem>>[vector<16xi32>, vector<16xi32>], vector<16xf32>,
      %mul3A_1168 = arith.constant 8.000000e+00 : f32
      %mul3A_1169 = vector.broadcast %mul3A_1168 : f32 to vector<16xf32>
      %mul3A_1170 = arith.mulf %gather3A_1167, %mul3A_1169 : vector<16xf32>
      %get3A_1171 = arith.constant 198 : i32
      %get3A_1172 = arith.index_cast %get3A_1171 : i32 to index
      %get3A_1173 = arith.constant 32 : index
      %get3A_1174 = tpu.vector_load %arg7[%get3A_1172, %get3A_1173] {strides = array<i32>} : memref<200x64xf32, #tpu.memory_space<vmem>>, vector<16xf32>,
      %add3A_1175 = arith.addf %mul3A_1170, %get3A_1174 : vector<16xf32>
      %swap3A_1176 = arith.constant 198 : i32
      %swap3A_1177 = arith.index_cast %swap3A_1176 : i32 to index
      %swap3A_1178 = arith.constant 32 : index
      %swap3A_1179 = tpu.vector_load %arg12[%swap3A_1177, %swap3A_1178] {strides = array<i32>} : memref<200x64xf32, #tpu.memory_space<vmem>>, vector<16xf32>,
      tpu.vector_store %arg12[%swap3A_1177, %swap3A_1178], %add3A_1175 {strides = array<i32>} : memref<200x64xf32, #tpu.memory_space<vmem>>, vector<16xf32>,
      %add3A_1180 = arith.constant 48 : i32
      %add3A_1181 = vector.broadcast %add3A_1180 : i32 to vector<16xi32>
      %add3A_1182 = arith.addi %add3A_1181, %iota3A : vector<16xi32>
      %add3A_1183 = arith.addi %gather3A_1126, %add3A_1182 : vector<16xi32>
      %gather3A_1184 = tpu.vector_load_idx %arg11[%broadcast_in_dim3A_1128, %add3A_1183] : memref<208x128xf32, #tpu.memory_space<vmem>>[vector<16xi32>, vector<16xi32>], vector<16xf32>,
      %mul3A_1185 = arith.constant 8.000000e+00 : f32
      %mul3A_1186 = vector.broadcast %mul3A_1185 : f32 to vector<16xf32>
      %mul3A_1187 = arith.mulf %gather3A_1184, %mul3A_1186 : vector<16xf32>
      %get3A_1188 = arith.constant 198 : i32
      %get3A_1189 = arith.index_cast %get3A_1188 : i32 to index
      %get3A_1190 = arith.constant 48 : index
      %get3A_1191 = tpu.vector_load %arg7[%get3A_1189, %get3A_1190] {strides = array<i32>} : memref<200x64xf32, #tpu.memory_space<vmem>>, vector<16xf32>,
      %add3A_1192 = arith.addf %mul3A_1187, %get3A_1191 : vector<16xf32>
      %swap3A_1193 = arith.constant 198 : i32
      %swap3A_1194 = arith.index_cast %swap3A_1193 : i32 to index
      %swap3A_1195 = arith.constant 48 : index
      %swap3A_1196 = tpu.vector_load %arg12[%swap3A_1194, %swap3A_1195] {strides = array<i32>} : memref<200x64xf32, #tpu.memory_space<vmem>>, vector<16xf32>,
      tpu.vector_store %arg12[%swap3A_1194, %swap3A_1195], %add3A_1192 {strides = array<i32>} : memref<200x64xf32, #tpu.memory_space<vmem>>, vector<16xf32>,
      %broadcast_in_dim3A_1197 = arith.constant 7 : i32
      %broadcast_in_dim3A_1198 = vector.broadcast %broadcast_in_dim3A_1197 : i32 to vector<16x1xi32>
      %gather3A_1199 = vector.shape_cast %broadcast_in_dim3A_1198 : vector<16x1xi32> to vector<16xi32>
      %gather3A_1200 = tpu.dynamic_gather %shift_left3A_678[%gather3A_1199] in [0] : vector<16xi32>, vector<16xi32> -> vector<16xi32>
      %broadcast_in_dim3A_1201 = arith.constant 199 : i32
      %broadcast_in_dim3A_1202 = vector.broadcast %broadcast_in_dim3A_1201 : i32 to vector<16xi32>
      %add3A_1203 = arith.constant 0 : i32
      %add3A_1204 = vector.broadcast %add3A_1203 : i32 to vector<16xi32>
      %add3A_1205 = arith.addi %add3A_1204, %iota3A : vector<16xi32>
      %add3A_1206 = arith.addi %gather3A_1200, %add3A_1205 : vector<16xi32>
      %gather3A_1207 = tpu.vector_load_idx %arg11[%broadcast_in_dim3A_1202, %add3A_1206] : memref<208x128xf32, #tpu.memory_space<vmem>>[vector<16xi32>, vector<16xi32>], vector<16xf32>,
      %mul3A_1208 = arith.constant 8.000000e+00 : f32
      %mul3A_1209 = vector.broadcast %mul3A_1208 : f32 to vector<16xf32>
      %mul3A_1210 = arith.mulf %gather3A_1207, %mul3A_1209 : vector<16xf32>
      %get3A_1211 = arith.constant 199 : i32
      %get3A_1212 = arith.index_cast %get3A_1211 : i32 to index
      %get3A_1213 = arith.constant 0 : index
      %get3A_1214 = tpu.vector_load %arg7[%get3A_1212, %get3A_1213] {strides = array<i32>} : memref<200x64xf32, #tpu.memory_space<vmem>>, vector<16xf32>,
      %add3A_1215 = arith.addf %mul3A_1210, %get3A_1214 : vector<16xf32>
      %swap3A_1216 = arith.constant 199 : i32
      %swap3A_1217 = arith.index_cast %swap3A_1216 : i32 to index
      %swap3A_1218 = arith.constant 0 : index
      %swap3A_1219 = tpu.vector_load %arg12[%swap3A_1217, %swap3A_1218] {strides = array<i32>} : memref<200x64xf32, #tpu.memory_space<vmem>>, vector<16xf32>,
      tpu.vector_store %arg12[%swap3A_1217, %swap3A_1218], %add3A_1215 {strides = array<i32>} : memref<200x64xf32, #tpu.memory_space<vmem>>, vector<16xf32>,
      %add3A_1220 = arith.constant 16 : i32
      %add3A_1221 = vector.broadcast %add3A_1220 : i32 to vector<16xi32>
      %add3A_1222 = arith.addi %add3A_1221, %iota3A : vector<16xi32>
      %add3A_1223 = arith.addi %gather3A_1200, %add3A_1222 : vector<16xi32>
      %gather3A_1224 = tpu.vector_load_idx %arg11[%broadcast_in_dim3A_1202, %add3A_1223] : memref<208x128xf32, #tpu.memory_space<vmem>>[vector<16xi32>, vector<16xi32>], vector<16xf32>,
      %mul3A_1225 = arith.constant 8.000000e+00 : f32
      %mul3A_1226 = vector.broadcast %mul3A_1225 : f32 to vector<16xf32>
      %mul3A_1227 = arith.mulf %gather3A_1224, %mul3A_1226 : vector<16xf32>
      %get3A_1228 = arith.constant 199 : i32
      %get3A_1229 = arith.index_cast %get3A_1228 : i32 to index
      %get3A_1230 = arith.constant 16 : index
      %get3A_1231 = tpu.vector_load %arg7[%get3A_1229, %get3A_1230] {strides = array<i32>} : memref<200x64xf32, #tpu.memory_space<vmem>>, vector<16xf32>,
      %add3A_1232 = arith.addf %mul3A_1227, %get3A_1231 : vector<16xf32>
      %swap3A_1233 = arith.constant 199 : i32
      %swap3A_1234 = arith.index_cast %swap3A_1233 : i32 to index
      %swap3A_1235 = arith.constant 16 : index
      %swap3A_1236 = tpu.vector_load %arg12[%swap3A_1234, %swap3A_1235] {strides = array<i32>} : memref<200x64xf32, #tpu.memory_space<vmem>>, vector<16xf32>,
      tpu.vector_store %arg12[%swap3A_1234, %swap3A_1235], %add3A_1232 {strides = array<i32>} : memref<200x64xf32, #tpu.memory_space<vmem>>, vector<16xf32>,
      %add3A_1237 = arith.constant 32 : i32
      %add3A_1238 = vector.broadcast %add3A_1237 : i32 to vector<16xi32>
      %add3A_1239 = arith.addi %add3A_1238, %iota3A : vector<16xi32>
      %add3A_1240 = arith.addi %gather3A_1200, %add3A_1239 : vector<16xi32>
      %gather3A_1241 = tpu.vector_load_idx %arg11[%broadcast_in_dim3A_1202, %add3A_1240] : memref<208x128xf32, #tpu.memory_space<vmem>>[vector<16xi32>, vector<16xi32>], vector<16xf32>,
      %mul3A_1242 = arith.constant 8.000000e+00 : f32
      %mul3A_1243 = vector.broadcast %mul3A_1242 : f32 to vector<16xf32>
      %mul3A_1244 = arith.mulf %gather3A_1241, %mul3A_1243 : vector<16xf32>
      %get3A_1245 = arith.constant 199 : i32
      %get3A_1246 = arith.index_cast %get3A_1245 : i32 to index
      %get3A_1247 = arith.constant 32 : index
      %get3A_1248 = tpu.vector_load %arg7[%get3A_1246, %get3A_1247] {strides = array<i32>} : memref<200x64xf32, #tpu.memory_space<vmem>>, vector<16xf32>,
      %add3A_1249 = arith.addf %mul3A_1244, %get3A_1248 : vector<16xf32>
      %swap3A_1250 = arith.constant 199 : i32
      %swap3A_1251 = arith.index_cast %swap3A_1250 : i32 to index
      %swap3A_1252 = arith.constant 32 : index
      %swap3A_1253 = tpu.vector_load %arg12[%swap3A_1251, %swap3A_1252] {strides = array<i32>} : memref<200x64xf32, #tpu.memory_space<vmem>>, vector<16xf32>,
      tpu.vector_store %arg12[%swap3A_1251, %swap3A_1252], %add3A_1249 {strides = array<i32>} : memref<200x64xf32, #tpu.memory_space<vmem>>, vector<16xf32>,
      %add3A_1254 = arith.constant 48 : i32
      %add3A_1255 = vector.broadcast %add3A_1254 : i32 to vector<16xi32>
      %add3A_1256 = arith.addi %add3A_1255, %iota3A : vector<16xi32>
      %add3A_1257 = arith.addi %gather3A_1200, %add3A_1256 : vector<16xi32>
      %gather3A_1258 = tpu.vector_load_idx %arg11[%broadcast_in_dim3A_1202, %add3A_1257] : memref<208x128xf32, #tpu.memory_space<vmem>>[vector<16xi32>, vector<16xi32>], vector<16xf32>,
      %mul3A_1259 = arith.constant 8.000000e+00 : f32
      %mul3A_1260 = vector.broadcast %mul3A_1259 : f32 to vector<16xf32>
      %mul3A_1261 = arith.mulf %gather3A_1258, %mul3A_1260 : vector<16xf32>
      %get3A_1262 = arith.constant 199 : i32
      %get3A_1263 = arith.index_cast %get3A_1262 : i32 to index
      %get3A_1264 = arith.constant 48 : index
      %get3A_1265 = tpu.vector_load %arg7[%get3A_1263, %get3A_1264] {strides = array<i32>} : memref<200x64xf32, #tpu.memory_space<vmem>>, vector<16xf32>,
      %add3A_1266 = arith.addf %mul3A_1261, %get3A_1265 : vector<16xf32>
      %swap3A_1267 = arith.constant 199 : i32
      %swap3A_1268 = arith.index_cast %swap3A_1267 : i32 to index
      %swap3A_1269 = arith.constant 48 : index
      %swap3A_1270 = tpu.vector_load %arg12[%swap3A_1268, %swap3A_1269] {strides = array<i32>} : memref<200x64xf32, #tpu.memory_space<vmem>>, vector<16xf32>,
      tpu.vector_store %arg12[%swap3A_1268, %swap3A_1269], %add3A_1266 {strides = array<i32>} : memref<200x64xf32, #tpu.memory_space<vmem>>, vector<16xf32>,
      %add3A_1271 = arith.addi %mul3A_2, %add3A_653 : i32
      "tpu.region"() ({
        %run_scoped3A = tpu.sem_alloc : memref<!tpu.dma_semaphore, #tpu.memory_space<semaphore_mem>>
        %dma_start3A_1272 = arith.constant 0 : i32
        %dma_start3A_1273 = arith.constant 0 : i32
        %dma_start3A_1274 = tpu.memref_slice %arg5[%add3A_1271, %dma_start3A_1272, %dma_start3A_1273] : memref<4096x200x64xf32, #tpu.memory_space<hbm>> -> memref<1x200x64xf32, #tpu.memory_space<hbm>>
        %dma_start3A_1275 = tpu.memref_squeeze %dma_start3A_1274 : memref<1x200x64xf32, #tpu.memory_space<hbm>> -> memref<200x64xf32, #tpu.memory_space<hbm>>
        %dma_start3A_1276 = arith.constant 0 : i32
        %dma_start3A_1277 = arith.constant 0 : i32
        %dma_start3A_1278 = tpu.memref_slice %arg5[%add3A_1271, %dma_start3A_1276, %dma_start3A_1277] : memref<4096x200x64xf32, #tpu.memory_space<hbm>> -> memref<1x200x64xf32, #tpu.memory_space<hbm>>
        %dma_start3A_1279 = tpu.memref_squeeze %dma_start3A_1278 : memref<1x200x64xf32, #tpu.memory_space<hbm>> -> memref<200x64xf32, #tpu.memory_space<hbm>>
        tpu.enqueue_dma source(%arg12 : memref<200x64xf32, #tpu.memory_space<vmem>>) target(%dma_start3A_1279 : memref<200x64xf32, #tpu.memory_space<hbm>>) target_semaphore(%run_scoped3A : memref<!tpu.dma_semaphore, #tpu.memory_space<semaphore_mem>>)
        %dma_wait3A_1280 = arith.constant 0 : i32
        %dma_wait3A_1281 = arith.constant 0 : i32
        %dma_wait3A_1282 = tpu.memref_slice %arg5[%add3A_1271, %dma_wait3A_1280, %dma_wait3A_1281] : memref<4096x200x64xf32, #tpu.memory_space<hbm>> -> memref<1x200x64xf32, #tpu.memory_space<hbm>>
        %dma_wait3A_1283 = tpu.memref_squeeze %dma_wait3A_1282 : memref<1x200x64xf32, #tpu.memory_space<hbm>> -> memref<200x64xf32, #tpu.memory_space<hbm>>
        %dma_wait3A_1284 = arith.constant 0 : i32
        %dma_wait3A_1285 = arith.constant 0 : i32
        %dma_wait3A_1286 = tpu.memref_slice %arg5[%add3A_1271, %dma_wait3A_1284, %dma_wait3A_1285] : memref<4096x200x64xf32, #tpu.memory_space<hbm>> -> memref<1x200x64xf32, #tpu.memory_space<hbm>>
        %dma_wait3A_1287 = tpu.memref_squeeze %dma_wait3A_1286 : memref<1x200x64xf32, #tpu.memory_space<hbm>> -> memref<200x64xf32, #tpu.memory_space<hbm>>
        tpu.wait_dma2 semaphore(%run_scoped3A : memref<!tpu.dma_semaphore, #tpu.memory_space<semaphore_mem>>) src(%arg12 : memref<200x64xf32, #tpu.memory_space<vmem>>) dst(%dma_wait3A_1287 : memref<200x64xf32, #tpu.memory_space<hbm>>)
        tpu.yield
      }) : () -> ()
    }
    %scan3A_30 = arith.constant 64 : i32
    return
  }
}

</mosaic_0001>

<sc_bundles>
// kernel: kernel.3.cloned.1.call-start
scs
__scs_entry_jumppad:
0x0: {  	(pc) =	sbr.rel $0x88, $3  }
0x1: {  	(tag) =	ssettag $0x0;
	lr =	simm.s32 $0x1  }
0x2: {  	[smem:$0x3F9F] =	sst lr;
	_ =	strace $0xD0000000  }
0x3: {  	_ = 	snop  }
0x4: {  	_ = 	snop  }
0x5: {  	_ = 	snop  }
0x6: {  	_ = 	snop  }
0x7: {  	_ = 	snop  }
__scs_overlays_trampoline_lowered:
0x8: {  	[smem:$0x3FAE] =	sst s0  }
0x9: {  	[smem:$0x3FAF] =	sst s1  }
0xa: {  	[smem:$0x3FB0] =	sst s2  }
0xb: {  	[smem:$0x3FB1] =	sst s3  }
0xc: {  	[smem:$0x3FB2] =	sst s4  }
0xd: {  	[smem:$0x3FB3] =	sst s5  }
0xe: {  	[smem:$0x3FB4] =	sst s6  }
0xf: {  	[smem:$0x3FB5] =	sst s7  }
0x10: {  	[smem:$0x3FB6] =	sst s8  }
0x11: {  	[smem:$0x3FB7] =	sst s9;
	s0 =	simm.s32 @!p0 $0x0  }
0x12: {  	s1 =	sld [smem:$0x3F9D];
	s0 =	simm.s32 @p0 $0x1  }
0x13: {  	[smem:$0x3FB8] =	sst s0;
	s0 =	simm.s32 @!p1 $0x0  }
0x14: {  	s2 =	sld [smem:$0x3F9C];
	s0 =	simm.s32 @p1 $0x1  }
0x15: {  	[smem:$0x3FB9] =	sst s0;
	s0 =	simm.s32 @!p2 $0x0  }
0x16: {  	s3 =	sld [smem:$0x3FDB];
	s0 =	simm.s32 @p2 $0x1  }
0x17: {  	s4 =	simm.s32 $0x1BF5;
	[smem:$0x3FBB] =	sst s0  }
0x18: {  	s0 =	sld [smem:$0x3F9E];
	_ =	swait.ge [sflag:s4], $0x0  }
0x19: {  	s7 =	sld [smem:$0x3F9F]  }
0x1a: {  	s8 =	sadd.s32 $0xFFFFE003, lr  }
0x1b: {  	s9 =	sadd.s32 $0xFFFFFEF7, lr;
	s5 =	simm.s32 $0xFFFFFFFF;
	p2 =	slt.u32 s8, $0xFFFFF086  }
0x1c: {  	p1 =	slt.u32 s9, $0xF7A;
	s5 =	simm.s32 @!p2 $0x0  }
0x1d: {  	s5 =	simm.s32 @p1 $0x1;
	p0 =	seq.s32 s7, s2  }
0x1e: {  	s7 =	smul.u32 @!p0 $0xF7A, s2;
	p2 =	seq.s32 @!p0 s5, $0x0  }
0x1f: {  	s9 =	smul.u32 $0xF7A, s1;
	s8 =	simm.s32 @!p0 $0x1BF5;
	p2 =	por !p2, p0  }
0x20: {  	[sflag:s8] =	ssyncset.s32 @!p0 $0xFFFFF086;
	s6 =	sadd.s32 @!p0 s3, s7;
	s7 =	simm.s32 @!p0 $0x108  }
0x21: {  	s3 =	sadd.s32 s3, s9;
	s6 =	sadd.s32 @!p0 $0x88, s6;
	s7 =	simm.s32 @p2 $0x1082  }
0x22: {  	[simem:s7], [sflag:s8] =	dma.local @!p0 [hbm:s6], $0xF7A  }
0x23: {  	s9 =	sor.u32 $0xD0000000, s2;
	s6 =	simm.s32 $0x108;
	_ =	swait.ge @!p0 [sflag:s8], $0x0  }
0x24: {  	s3 =	sadd.s32 $0x88, s3;
	s6 =	simm.s32 @!p1 $0x1082;
	[sflag:s4] =	ssyncset.s32 $0xFFFFF086  }
0x25: {  	[simem:s6], [sflag:s4] =	dma.local [hbm:s3], $0xF7A  }
0x26: {  	[smem:$0x3F9F] =	sst s1;
	(tag) =	ssettag s2;
	_ =	strace s9  }
0x27: {  	s1 =	sld [smem:$0x3FAF]  }
0x28: {  	s2 =	sld [smem:$0x3FB0]  }
0x29: {  	s4 =	sld [smem:$0x3FB2]  }
0x2a: {  	p0 =	seq.s32 s5, $0x0;
	s5 =	sld [smem:$0x3FB3]  }
0x2b: {  	s6 =	sld [smem:$0x3FB4]  }
0x2c: {  	s7 =	sld [smem:$0x3FB5]  }
0x2d: {  	s3 =	simm.s32 $0x108;
	s8 =	sld [smem:$0x3FB6]  }
0x2e: {  	s3 =	simm.s32 @!p0 $0x1082;
	s9 =	sld [smem:$0x3FB7]  }
0x2f: {  	lr =	sadd.s32 s0, s3;
	s0 =	sld [smem:$0x3FAE]  }
0x30: {  	s3 =	sld [smem:$0x3FB1]  }
0x31: {  	[smem:$0x3FBA] =	sst s10  }
0x32: {  	s10 =	sld [smem:$0x3FB8];
	_ =	sdelay $0x3  }
0x33: {  	p0 =	seq.s32 s10, $0x1;
	s10 =	sld [smem:$0x3FBA];
	_ =	sdelay $0x3  }
0x34: {  	[smem:$0x3FBA] =	sst s10  }
0x35: {  	s10 =	sld [smem:$0x3FB9];
	_ =	sdelay $0x3  }
0x36: {  	p1 =	seq.s32 s10, $0x1;
	s10 =	sld [smem:$0x3FBA];
	_ =	sdelay $0x3  }
0x37: {  	[smem:$0x3FBA] =	sst s10  }
0x38: {  	s10 =	sld [smem:$0x3FBB]  }
0x39: {  	_ = 	snop;
	(pc) =	sbr.ind lr, $3  }
0x3a: {  	_ = 	snop  }
0x3b: {  	_ = 	snop  }
0x3c: {  	p2 =	seq.s32 s10, $0x1;
	s10 =	sld [smem:$0x3FBA]  }
0x3d: {  	_ =	shalt  }
0x3e: {  	_ =	shalt  }
0x3f: {  	_ =	shalt  }
0x40: {  	_ =	shalt  }
0x41: {  	_ =	shalt  }
0x42: {  	_ =	shalt  }
0x43: {  	_ =	shalt  }
0x44: {  	_ =	shalt  }
0x45: {  	_ =	shalt  }
0x46: {  	_ =	shalt  }
0x47: {  	_ =	shalt  }
0x48: {  	_ =	shalt  }
0x49: {  	_ =	shalt  }
0x4a: {  	_ =	shalt  }
0x4b: {  	_ =	shalt  }
0x4c: {  	_ =	shalt  }
0x4d: {  	_ =	shalt  }
0x4e: {  	_ =	shalt  }
0x4f: {  	_ =	shalt  }
0x50: {  	_ =	shalt  }
0x51: {  	_ =	shalt  }
0x52: {  	_ =	shalt  }
0x53: {  	_ =	shalt  }
0x54: {  	_ =	shalt  }
0x55: {  	_ =	shalt  }
0x56: {  	_ =	shalt  }
0x57: {  	_ =	shalt  }
0x58: {  	_ =	shalt  }
0x59: {  	_ =	shalt  }
0x5a: {  	_ =	shalt  }
0x5b: {  	_ =	shalt  }
0x5c: {  	_ =	shalt  }
0x5d: {  	_ =	shalt  }
0x5e: {  	_ =	shalt  }
0x5f: {  	_ =	shalt  }
0x60: {  	_ =	shalt  }
0x61: {  	_ =	shalt  }
0x62: {  	_ =	shalt  }
0x63: {  	_ =	shalt  }
0x64: {  	_ =	shalt  }
0x65: {  	_ =	shalt  }
0x66: {  	_ =	shalt  }
0x67: {  	_ =	shalt  }
0x68: {  	_ =	shalt  }
0x69: {  	_ =	shalt  }
0x6a: {  	_ =	shalt  }
0x6b: {  	_ =	shalt  }
0x6c: {  	_ =	shalt  }
0x6d: {  	_ =	shalt  }
0x6e: {  	_ =	shalt  }
0x6f: {  	_ =	shalt  }
0x70: {  	_ =	shalt  }
0x71: {  	_ =	shalt  }
0x72: {  	_ =	shalt  }
0x73: {  	_ =	shalt  }
0x74: {  	_ =	shalt  }
0x75: {  	_ =	shalt  }
0x76: {  	_ =	shalt  }
0x77: {  	_ =	shalt  }
0x78: {  	_ =	shalt  }
0x79: {  	_ =	shalt  }
0x7a: {  	_ =	shalt  }
0x7b: {  	_ =	shalt  }
0x7c: {  	_ =	shalt  }
0x7d: {  	_ =	shalt  }
0x7e: {  	_ =	shalt  }
0x7f: {  	_ =	shalt  }
0x80: {  	_ =	shalt  }
0x81: {  	_ =	shalt  }
0x82: {  	_ =	shalt  }
0x83: {  	_ =	shalt  }
0x84: {  	_ =	shalt  }
0x85: {  	_ =	shalt  }
0x86: {  	_ =	shalt  }
0x87: {  	_ =	shalt  }
.Lfunc_end0:
.L_simem_size_0:
called_computation_lowered:
.L_overlay_start_0:
0x88: {  	s2 =	sld [smem:$0x3FD9]  }
0x89: {  	s3 =	sld [smem:$0x3FFE];
	_ =	sdelay $0x1  }
0x8a: {  	s1 =	srdreg.scid  }
0x8b: {  	s0 =	sand.u32 $0x1, s1  }
0x8c: {  	s17 =	sshll.u32 s0, $0xA;
	s2 =	sadd.s32 s3, s2  }
0x8d: {  	s2 =	sadd.s32 s2, s17  }
0x8e: {  	[smem:$0x3FC6] =	sst s2  }
0x8f: {  	_ = 	snop  }
0x90: {  	s2 =	sld [smem:$0x3FD0];
	(tm) =	ssettm $0x1  }
0x91: {  	s18 =	sld [smem:$0x3FFB];
	_ =	sdelay $0x3  }
0x92: {  	_ =	strace s18  }
0x93: {  	s3 =	sld [smem:$0x3FFC];
	_ =	sdelay $0x3  }
0x94: {  	_ =	strace s3  }
0x95: {  	s3 =	sld [smem:$0x3FFD];
	_ =	sdelay $0x3  }
0x96: {  	_ =	strace s3  }
0x97: {  	_ =	strace $0x8FFFFFFF  }
0x98: {  	s19 =	sld [smem:$0x3FDB];
	_ =	sdelay $0x1  }
0x99: {  	s4 =	simm.s32 $_scs_section_size  }
0x9a: {  	s5 =	simm.s32 $_size__tile_overlayer_lowered;
	s6 =	simm.s32 $_tile_overlayer_lowered  }
0x9b: {  	s22 =	simm.s32 $0x1BFF;
	s21 =	sshll.u32 s6, $0x1;
	s3 =	sadd.s32 s4, s19  }
0x9c: {  	s7 =	simm.s32 $0x0;
	s20 =	sshll.u32 s5, $0x1;
	s5 =	sadd.s32 s21, s3  }
0x9d: {  	[timem:s7], [sflag:s22] =	dma.local [hbm:s5], s20  }
0x9e: {  	_ =	swait.ge [sflag:s22], s20  }
0x9f: {  	s4 =	ssub.s32 $0x0, s20;
	[sflag:s22] =	ssyncset.done $0x0  }
0xa0: {  	[sflag:s22] =	ssyncadd.s32 s4;
	_ =	sdelay $0x1  }
0xa1: {  	s23 =	simm.s32 $0x1B8B  }
0xa2: {  	_ =	swait.ge [sflag:s23], $0x1  }
0xa3: {  	[sflag:s23] =	ssyncset.done $0x0  }
0xa4: {  	s25 =	simm.s32 $0x1B8E;
	s24 =	sld [smem:$0x3FFE];
	[sflag:s23] =	ssyncadd.s32 $0xFFFFFFFF  }
0xa5: {  	s26 =	simm.s32 $execute0_lowered;
	[smem:$0x3FD2] =	sst s25  }
0xa6: {  	s5 =	sshll.u32 s26, $0x1;
	_ =	strace $0x80000046;
	[dreg:$0x1] =	wrdreg $0xFFFFFFFF  }
0xa7: {  	s28 =	simm.s32 $_size_execute0_lowered;
	s3 =	sadd.s32 s3, s5;
	[dreg:$0x0] =	wrdreg $0x0  }
0xa8: {  	s5 =	sshll.u32 s28, $0x1;
	[dreg:$0x2] =	wrdreg s3  }
0xa9: {  	[dreg:$0x3] =	wrdreg s5  }
0xaa: {  	[dreg:$0x4] =	wrdreg $0xC0  }
0xab: {  	_ =	task [dreg:s7], $0x5FFFF  }
0xac: {  	[dreg:$0x1] =	wrdreg $0xFFFFFFFF  }
0xad: {  	[dreg:$0x0] =	wrdreg $0x60  }
0xae: {  	[dreg:$0x2] =	wrdreg s24  }
0xaf: {  	[dreg:$0x3] =	wrdreg s2  }
0xb0: {  	[dreg:$0x4] =	wrdreg $0x9  }
0xb1: {  	_ =	task.clear_ibuf [dreg:s7], $0x5FFFF;
	_ =	strace $0x90000046  }
0xb2: {  	s29 =	simm.s32 $0x9;
	_ =	strace $0x80000048  }
0xb3: {  	_ =	swait.ge [sflag:s29], $0x1  }
0xb4: {  	[sflag:s29] =	ssyncadd.s32 $0xFFFFFFFF  }
0xb5: {  	_ =	strace $0x90000048  }
0xb6: {  	_ =	sfence  }
0xb7: {  	s30 =	sld [smem:$0x0];
	_ =	sdelay $0x2  }
0xb8: {  	s31 =	sshll.u32 s1, $0xD;
	s1 =	sshrl.u32 s1, $0x2  }
0xb9: {  	s3 =	sand.u32 $0x4000, s31;
	s1 =	sadd.s32 s1, s30  }
0xba: {  	s0 =	sor.u32 s3, s0;
	s1 =	sshll.u32 s1, $0x11  }
0xbb: {  	s0 =	sor.u32 s1, s0  }
0xbc: {  	s0 =	sadd.s32 $0x8F2B, s0  }
0xbd: {  	[sflag:s0] =	ssyncadd.remote.s32 $0x1  }
0xbe: {  	_ =	sfence.sel $0xFFFF  }
0xbf: {  	[dreg:$0x0] =	wrdreg $0xFFFFFFFF;
	(pc) =	sbr.abs _section_cstart, $3  }
0xc0: {  	[dreg:$0x1] =	wrdreg $0xFFFFFFFF  }
0xc1: {  	_ =	task.clear_ibuf [dreg:s7], $0x2FFFF;
	_ =	strace $0x9FFFFFFF  }
0xc2: {  	(tm) =	ssettm $0x7FFFFFFF  }
0xc3: {  	_ =	shalt  }
tec
execute0_lowered:
.L_overlay_start_1:
0x0: {  	(tag) =	ssettag $0x1  }
0x1: {  	s0 =	rddreg [dreg:$0x0]  }
0x2: {  	s1 =	rddreg [dreg:$0x1];
	s3 =	srdreg.scid  }
0x3: {  	s2 =	simm.s32 $0x0;
	s6 =	stileid.u32;
	s9 =	simm.s32 $0x80  }
0x4: {  	s11 =	simm.s32 $0x3;
	s13 =	simm.s32 $0xC880;
	s14 =	simm.s32 $0xCA80  }
0x5: {  	s15 =	simm.s32 $0x50;
	s16 =	simm.s32 $0xC900;
	s17 =	simm.s32 $0x10A80  }
0x6: {  	s18 =	simm.s32 $0x1;
	s19 =	simm.s32 $0xC980;
	s20 =	simm.s32 $0x13280  }
0x7: {  	s21 =	simm.s32 $0xCA00;
	s22 =	simm.s32 $0x17280;
	s5 =	sand.u32 $0x1, s3  }
0x8: {  	s28 =	sshll.u32 s6, $0x8;
	s6 =	sshrl.u32 s6, $0x2;
	[smem:$0x7FF] =	sst s2  }
0x9: {  	v0 =	vimm.s32 $0x6;
	v1 =	vlaneseq.u32;
	s29 =	sadd.s32 $0xA00, s0;
	s4 =	sshll.u32 s5, $0x7;
	s6 =	smul.u32 $0x32000, s6  }
0xa: {  	v2 =	vimm.s32 $0x0;
	v6 =	vimm.s32 $0x1;
	v7 =	vimm.s32 $0x2;
	_ =	strace $0x80000047;
	s5 =	ssub.s32 $0x2, s5;
	s3 =	sor.u32 s4, s28  }
0xb: {  	v8 =	vimm.s32 $0x3;
	v9 =	vimm.s32 $0x4;
	v10 =	vimm.s32 $0x5;
	[dreg:$0x3] =	wrdreg s29;
	s30 =	sshrl.u32 s5, $0x1;
	s7 =	sand.u32 $0x380, s3  }
0xc: {  	v11 =	vimm.s32 $0x7;
	v12 =	vimm.s32 $0x8;
	v13 =	vimm.s32 $0x9;
	s4 =	sadd.s32 $0xF43000, s0;
	s31 =	ssub.s32 s5, s30;
	s6 =	sor.u32 s6, s7  }
0xd: {  	v14 =	vimm.s32 $0xA;
	v15 =	vimm.s32 $0xB;
	v16 =	vimm.s32 $0xC;
	s8 =	sshrl.u32 s6, $0x3;
	s6 =	sadd.s32 $0x1800, s0;
	s0 =	smax.u32 s31, $0x1  }
0xe: {  	v17 =	vimm.s32 $0xD;
	v18 =	vimm.s32 $0xE;
	v19 =	vimm.s32 $0xF;
	s23 =	simm.s32 $0x19A80;
	s1 =	sadd.s32 s1, s8;
	[dreg:$0x5] =	wrdreg s0  }
0xf: {  	s24 =	simm.s32 $0x2;
	s25 =	simm.s32 $0x0;
	v3 =	vor.u32 $0x10, v1;
	v4 =	vor.u32 $0x20, v1;
	v5 =	vor.u32 $0x30, v1;
	[dreg:$0x4] =	wrdreg s1  }
.LBB2_1:
0x10: {  	s0 =	rddreg [dreg:$0x4];
	s1 =	simm.s32 $0x400  }
0x11: {  	[tilespmem:s2], [sflag:$0x3] =	stream.strided.gather [hbm4b:s0+s9], $0x6400, s1, s9, $0x38;
	[tilespmem:$0x1FE80] =	vst v63  }
0x12: {  	_ =	swait.ge [sflag:s11], $0x6400  }
0x13: {  	[sflag:s11] =	ssyncset.done $0x0  }
0x14: {  	s30 =	simm.s32 $0x6480;
	s29 =	rddreg [dreg:$0x3];
	[sflag:s11] =	ssyncadd.s32 $0xFFFF9C00  }
0x15: {  	[tilespmem:s30], [sflag:$0x3] =	stream.linear.gather [hbm4b:s29+s2], $0x6400, $0x38;
	[tilespmem:$0x1FE80] =	vst v63  }
0x16: {  	_ =	swait.ge [sflag:s11], $0x6400  }
0x17: {  	[sflag:s11] =	ssyncset.done $0x0  }
0x18: {  	s31 =	simm.s32 $0x20;
	[sflag:s11] =	ssyncadd.s32 $0xFFFF9C00  }
0x19: {  	v20 =	vld [tilespmem:s31+$0xFFFFFFE0]  }
0x1a: {  	v21 =	vld [tilespmem:s31+$0x10]  }
0x1b: {  	v22 =	vld [tilespmem:s31+$0x0]  }
0x1c: {  	v23 =	vld [tilespmem:s31+$0xFFFFFFF0];
	_ =	sdelay $0x1  }
0x1d: {  	s0 =	simm.s32 $0xC8A0;
	s1 =	simm.s32 $0x60;
	v24 =	vshra.s32 v20, $0x1  }
0x1e: {  	v20 =	vld [tilespmem:s1+$0xFFFFFFE0];
	v63 =	vshra.s32 v21, $0x1;
	[tilespmem:s0+$0xFFFFFFE0] =	vst v24  }
0x1f: {  	v21 =	vld [tilespmem:s1+$0x10];
	v25 =	vshra.s32 v22, $0x1;
	[tilespmem:s0+$0x10] =	vst v63  }
0x20: {  	s5 =	simm.s32 $0x4;
	v22 =	vld [tilespmem:s1+$0x0];
	v23 =	vshra.s32 v23, $0x1;
	[tilespmem:s0+$0x0] =	vst v25  }
.LBB2_2:
0x21: {  	s5 =	sadd.s32 $0x4, s5  }
0x22: {  	v24 =	vld [tilespmem:s1+$0xFFFFFFF0];
	[tilespmem:s0+$0xFFFFFFF0] =	vst v23;
	s0 =	sadd.s32 $0x40, s0;
	p0 =	slt.u32 s5, $0x8  }
.Ltmp0:
0x23: {  	(pc) =	sbr.rel @p0 .LBB2_2-.Ltmp0, $4  }
0x24: {  	s1 =	sadd.s32 $0x40, s1;
	v23 =	vshra.s32 v20, $0x1  }
0x25: {  	v20 =	vld [tilespmem:s1+$0xFFFFFFE0];
	[tilespmem:s0+$0xFFFFFFE0] =	vst v23;
	v23 =	vshra.s32 v21, $0x1  }
0x26: {  	v21 =	vld [tilespmem:s1+$0x10];
	v25 =	vshra.s32 v22, $0x1;
	[tilespmem:s0+$0x10] =	vst v23  }
0x27: {  	v22 =	vld [tilespmem:s1+$0x0];
	v23 =	vshra.s32 v24, $0x1;
	[tilespmem:s0+$0x0] =	vst v25  }
0x28: {  	v24 =	vld [tilespmem:s1+$0xFFFFFFF0];
	_ =	sdelay $0x1  }
0x29: {  	[tilespmem:s0+$0xFFFFFFF0] =	vst v23;
	s31 =	sadd.s32 $0x40, s0;
	v20 =	vshra.s32 v20, $0x1  }
0x2a: {  	[tilespmem:s31+$0xFFFFFFE0] =	vst v20;
	v20 =	vshra.s32 v21, $0x1  }
0x2b: {  	v63 =	vshra.s32 v22, $0x1;
	[tilespmem:s31+$0x10] =	vst v20  }
0x2c: {  	v20 =	vshra.s32 v24, $0x1;
	[tilespmem:s31+$0x0] =	vst v63  }
0x2d: {  	[tilespmem:s31+$0xFFFFFFF0] =	vst v20  }
0x2e: {  	v20 =	vld [tilespmem:$0xC0];
	_ =	sdelay $0x4  }
0x2f: {  	v20 =	vshra.s32 v20, $0x1  }
0x30: {  	vm0 =	vgt.s32 v20, $0x0  }
0x31: {  	v20 =	vnsel vm0, $0x0, v20  }
0x32: {  	v20 =	vmin.u32 v20, $0x7A11F  }
0x33: {  	[tilespmem:$0xC940] =	vst v20  }
0x34: {  	[tilespmem:s14], [sflag:$0x1] =	stream.indirect.gather [hbm4b:s4+s9], $0x80, s13, s9, $0xb8;
	[tilespmem:$0x1FE80] =	vst v63  }
0x35: {  	s26 =	simm.s32 $0x0;
	s28 =	simm.s32 $0xF8;
	s29 =	simm.s32 $0x1C0  }
0x36: {  	[tilespmem:s17], [sflag:$0x1] =	stream.indirect.gather [hbm4b:s4+s15], $0x80, s16, s15, $0xb8;
	[tilespmem:$0x1FE80] =	vst v63  }
.LBB2_4:
0x37: {  	_ =	swait.ge [sflag:s18], $0x6800  }
0x38: {  	[sflag:s18] =	ssyncset.done $0x0  }
0x39: {  	[sflag:s18] =	ssyncadd.s32 $0xFFFF9800  }
0x3a: {  	v20 =	vld [tilespmem:s28+$0xFFFFFFD0]  }
0x3b: {  	v21 =	vld [tilespmem:s28+$0x0]  }
0x3c: {  	v22 =	vld [tilespmem:s28+$0xFFFFFFF0]  }
0x3d: {  	v23 =	vld [tilespmem:s28+$0xFFFFFFE0];
	_ =	sdelay $0x1  }
0x3e: {  	s30 =	sshllo.u32 s26, $0x1;
	s0 =	simm.s32 $0xC9A0;
	s5 =	sadd.s32 $0x40, s28;
	v24 =	vshra.s32 v20, $0x1  }
0x3f: {  	s7 =	smul.u32 $0x320, s30;
	v20 =	vld [tilespmem:s5+$0xFFFFFFD0];
	v63 =	vshra.s32 v21, $0x1;
	[tilespmem:s0+$0xFFFFFFE0] =	vst v24  }
0x40: {  	v21 =	vld [tilespmem:s5+$0x0];
	v25 =	vshra.s32 v22, $0x1;
	[tilespmem:s0+$0x10] =	vst v63  }
0x41: {  	s1 =	sshll.u32 s26, $0x1;
	s31 =	sshra.s32 s7, $0x2;
	s7 =	simm.s32 $0x4;
	v22 =	vld [tilespmem:s5+$0xFFFFFFF0];
	v23 =	vshra.s32 v23, $0x1;
	[tilespmem:s0+$0x0] =	vst v25  }
.LBB2_5:
0x42: {  	s7 =	sadd.s32 $0x4, s7  }
0x43: {  	v24 =	vld [tilespmem:s5+$0xFFFFFFE0];
	[tilespmem:s0+$0xFFFFFFF0] =	vst v23;
	s0 =	sadd.s32 $0x40, s0;
	p0 =	slt.u32 s7, $0x8  }
.Ltmp1:
0x44: {  	(pc) =	sbr.rel @p0 .LBB2_5-.Ltmp1, $4  }
0x45: {  	s5 =	sadd.s32 $0x40, s5;
	v23 =	vshra.s32 v20, $0x1  }
0x46: {  	v20 =	vld [tilespmem:s5+$0xFFFFFFD0];
	[tilespmem:s0+$0xFFFFFFE0] =	vst v23;
	v23 =	vshra.s32 v21, $0x1  }
0x47: {  	v21 =	vld [tilespmem:s5+$0x0];
	v25 =	vshra.s32 v22, $0x1;
	[tilespmem:s0+$0x10] =	vst v23  }
0x48: {  	v22 =	vld [tilespmem:s5+$0xFFFFFFF0];
	v23 =	vshra.s32 v24, $0x1;
	[tilespmem:s0+$0x0] =	vst v25  }
0x49: {  	v24 =	vld [tilespmem:s5+$0xFFFFFFE0];
	_ =	sdelay $0x1  }
0x4a: {  	[tilespmem:s0+$0xFFFFFFF0] =	vst v23;
	s10 =	sadd.s32 $0x40, s0;
	v20 =	vshra.s32 v20, $0x1  }
0x4b: {  	[tilespmem:s10+$0xFFFFFFE0] =	vst v20;
	v20 =	vshra.s32 v21, $0x1  }
0x4c: {  	v21 =	vshra.s32 v22, $0x1;
	[tilespmem:s10+$0x10] =	vst v20  }
0x4d: {  	v20 =	vshra.s32 v24, $0x1;
	[tilespmem:s10+$0x0] =	vst v21  }
0x4e: {  	[tilespmem:s10+$0xFFFFFFF0] =	vst v20  }
0x4f: {  	v20 =	vld [tilespmem:s31+$0xC0];
	_ =	sdelay $0x4  }
0x50: {  	v20 =	vshra.s32 v20, $0x1  }
0x51: {  	s12 =	smul.u32 $0x640, s26;
	vm0 =	vgt.s32 v20, $0x0  }
0x52: {  	v20 =	vnsel vm0, $0x0, v20  }
0x53: {  	s0 =	sshra.s32 s12, $0x2;
	v20 =	vmin.u32 v20, $0x7A11F  }
0x54: {  	[tilespmem:$0xCA40] =	vst v20;
	v20 =	vmov s0  }
0x55: {  	[tilespmem:s20], [sflag:$0x2] =	stream.indirect.gather [hbm4b:s4+s9], $0x80, s19, s9, $0xb8;
	[tilespmem:$0x1FE80] =	vst v63  }
0x56: {  	s10 =	simm.s32 $0x0  }
0x57: {  	[tilespmem:s22], [sflag:$0x2] =	stream.indirect.gather [hbm4b:s4+s15], $0x80, s21, s15, $0xb8;
	[tilespmem:$0x1FE80] =	vst v63  }
.LBB2_7:
0x58: {  	s5 =	sshll.u32 s10, $0x4  }
0x59: {  	v21 =	vld.idx.msk [tilespmem:v20+s5+$0x0 ss:$0x1], $0xffff;
	s5 =	sor.u32 $0x10, s5  }
0x5a: {  	v23 =	vld.idx.msk [tilespmem:v20+s5+$0x0 ss:$0x1], $0xffff;
	_ =	sdelay $0x3  }
0x5b: {  	v21 =	vshll.u32 v21, $0x6  }
0x5c: {  	v22 =	vand.u32 $0x40, v21;
	v21 =	vshll.u32 v23, $0x6  }
0x5d: {  	v24 =	vperm.xlane v22, v2;
	v21 =	vand.u32 $0x40, v21  }
0x5e: {  	v26 =	vperm.xlane v21, v2  }
0x5f: {  	v23 =	vadd.s32 v1, v24  }
0x60: {  	s12 =	sshll.u32 s10, $0xB;
	v25 =	vand.u32 $0xFFFFFF80, v23;
	v48 =	vadd.s32 v1, v26  }
0x61: {  	s5 =	sshll.u32 s5, $0x7;
	v23 =	vand.u32 $0x7F, v23;
	v25 =	vadd.s32 s12, v25;
	v27 =	vand.u32 $0xFFFFFF80, v48  }
0x62: {  	v23 =	vor.u32 v23, v25;
	v25 =	vand.u32 $0x7F, v48;
	v27 =	vadd.s32 s5, v27  }
0x63: {  	v25 =	vor.u32 v25, v27;
	_ =	sdelay $0x3  }
0x64: {  	v23 =	vld.idx.msk [tilespmem:v23+s14+$0x0], $0xffff  }
0x65: {  	v25 =	vld.idx.msk [tilespmem:v25+s14+$0x0], $0xffff  }
0x66: {  	v49 =	vld [tilespmem:s12+$0x6480];
	v28 =	vadd.s32 v3, v24  }
0x67: {  	v50 =	vld [tilespmem:s5+$0x6480];
	v29 =	vand.u32 $0xFFFFFF80, v28;
	v28 =	vand.u32 $0x7F, v28;
	v30 =	vadd.s32 v3, v26  }
0x68: {  	v29 =	vadd.s32 s12, v29;
	v31 =	vand.u32 $0xFFFFFF80, v30;
	v51 =	vand.u32 $0x7F, v30  }
0x69: {  	v28 =	vor.u32 v28, v29;
	v52 =	vadd.s32 s5, v31;
	v23 =	vmul.f32 $8.000000000e+00, v23  }
0x6a: {  	v27 =	vor.u32 v51, v52;
	v25 =	vmul.f32 $8.000000000e+00, v25  }
0x6b: {  	v23 =	vadd.f32 v49, v23  }
0x6c: {  	v25 =	vadd.f32 v50, v25  }
0x6d: {  	[tilespmem:s12+$0x19A80] =	vst v23  }
0x6e: {  	v23 =	vld.idx.msk [tilespmem:v28+s14+$0x0], $0xffff;
	[tilespmem:s5+$0x19A80] =	vst v25  }
0x6f: {  	v27 =	vld.idx.msk [tilespmem:v27+s14+$0x0], $0xffff  }
0x70: {  	v53 =	vld [tilespmem:s12+$0x6490];
	v54 =	vadd.s32 v4, v24;
	v57 =	vadd.s32 v4, v26  }
0x71: {  	v56 =	vld [tilespmem:s5+$0x6490];
	v55 =	vand.u32 $0xFFFFFF80, v54;
	v58 =	vand.u32 $0xFFFFFF80, v57  }
0x72: {  	v59 =	vand.u32 $0x7F, v57;
	v29 =	vand.u32 $0x7F, v54;
	v25 =	vadd.s32 s12, v55  }
0x73: {  	v60 =	vadd.s32 s5, v58;
	v25 =	vor.u32 v29, v25;
	v23 =	vmul.f32 $8.000000000e+00, v23  }
0x74: {  	v28 =	vor.u32 v59, v60;
	v27 =	vmul.f32 $8.000000000e+00, v27  }
0x75: {  	v23 =	vadd.f32 v53, v23  }
0x76: {  	v61 =	vadd.f32 v56, v27  }
0x77: {  	[tilespmem:s12+$0x19A90] =	vst v23  }
0x78: {  	v23 =	vld.idx.msk [tilespmem:v25+s14+$0x0], $0xffff;
	[tilespmem:s5+$0x19A90] =	vst v61  }
0x79: {  	v28 =	vld.idx.msk [tilespmem:v28+s14+$0x0], $0xffff  }
0x7a: {  	v62 =	vld [tilespmem:s12+$0x64A0];
	v24 =	vadd.s32 v5, v24  }
0x7b: {  	v32 =	vld [tilespmem:s5+$0x64A0];
	v63 =	vand.u32 $0xFFFFFF80, v24;
	v24 =	vand.u32 $0x7F, v24;
	v26 =	vadd.s32 v5, v26  }
0x7c: {  	v33 =	vand.u32 $0xFFFFFF80, v26;
	v26 =	vand.u32 $0x7F, v26;
	v25 =	vadd.s32 s12, v63  }
0x7d: {  	v34 =	vadd.s32 s5, v33;
	v24 =	vor.u32 v24, v25;
	v23 =	vmul.f32 $8.000000000e+00, v23  }
0x7e: {  	v26 =	vor.u32 v26, v34;
	v28 =	vmul.f32 $8.000000000e+00, v28  }
0x7f: {  	v23 =	vadd.f32 v62, v23  }
0x80: {  	v25 =	vadd.f32 v32, v28  }
0x81: {  	[tilespmem:s12+$0x19AA0] =	vst v23  }
0x82: {  	v35 =	vperm.xlane v22, v6;
	v39 =	vperm.xlane v21, v6;
	v23 =	vld.idx.msk [tilespmem:v24+s14+$0x0], $0xffff;
	[tilespmem:s5+$0x19AA0] =	vst v25  }
0x83: {  	v26 =	vld.idx.msk [tilespmem:v26+s14+$0x0], $0xffff  }
0x84: {  	v36 =	vld [tilespmem:s12+$0x64B0];
	v37 =	vadd.s32 v1, v35;
	v41 =	vadd.s32 v1, v39  }
0x85: {  	s7 =	sor.u32 $0x80, s12;
	v40 =	vld [tilespmem:s5+$0x64B0];
	v38 =	vand.u32 $0xFFFFFF80, v37;
	v42 =	vand.u32 $0xFFFFFF80, v41  }
0x86: {  	s8 =	sor.u32 $0x880, s12;
	v43 =	vand.u32 $0x7F, v41;
	v28 =	vand.u32 $0x7F, v37;
	v25 =	vadd.s32 s7, v38  }
0x87: {  	v44 =	vadd.s32 s8, v42;
	v25 =	vor.u32 v28, v25;
	v23 =	vmul.f32 $8.000000000e+00, v23  }
0x88: {  	v27 =	vor.u32 v43, v44;
	v26 =	vmul.f32 $8.000000000e+00, v26  }
0x89: {  	v23 =	vadd.f32 v36, v23  }
0x8a: {  	v45 =	vadd.f32 v40, v26  }
0x8b: {  	[tilespmem:s12+$0x19AB0] =	vst v23  }
0x8c: {  	v23 =	vld.idx.msk [tilespmem:v25+s14+$0x0], $0xffff;
	[tilespmem:s5+$0x19AB0] =	vst v45  }
0x8d: {  	v27 =	vld.idx.msk [tilespmem:v27+s14+$0x0], $0xffff  }
0x8e: {  	v46 =	vld [tilespmem:s12+$0x6500];
	v47 =	vadd.s32 v3, v35;
	v50 =	vadd.s32 v3, v39  }
0x8f: {  	v48 =	vand.u32 $0xFFFFFF80, v47;
	v51 =	vand.u32 $0xFFFFFF80, v50;
	v49 =	vld [tilespmem:s12+$0x6D00]  }
0x90: {  	v52 =	vand.u32 $0x7F, v50;
	v28 =	vadd.s32 s7, v48;
	v26 =	vand.u32 $0x7F, v47  }
0x91: {  	v53 =	vadd.s32 s8, v51;
	v26 =	vor.u32 v26, v28;
	v23 =	vmul.f32 $8.000000000e+00, v23  }
0x92: {  	v25 =	vor.u32 v52, v53;
	v27 =	vmul.f32 $8.000000000e+00, v27  }
0x93: {  	v23 =	vadd.f32 v46, v23  }
0x94: {  	v54 =	vadd.f32 v49, v27  }
0x95: {  	[tilespmem:s12+$0x19B00] =	vst v23  }
0x96: {  	v23 =	vld.idx.msk [tilespmem:v26+s14+$0x0], $0xffff;
	[tilespmem:s12+$0x1A300] =	vst v54  }
0x97: {  	v25 =	vld.idx.msk [tilespmem:v25+s14+$0x0], $0xffff  }
0x98: {  	v55 =	vld [tilespmem:s12+$0x6510];
	v59 =	vadd.s32 v4, v39;
	v56 =	vadd.s32 v4, v35  }
0x99: {  	v60 =	vand.u32 $0xFFFFFF80, v59;
	v57 =	vand.u32 $0xFFFFFF80, v56;
	v58 =	vld [tilespmem:s12+$0x6D10]  }
0x9a: {  	v61 =	vand.u32 $0x7F, v59;
	v28 =	vand.u32 $0x7F, v56;
	v26 =	vadd.s32 s7, v57  }
0x9b: {  	v62 =	vadd.s32 s8, v60;
	v26 =	vor.u32 v28, v26;
	v23 =	vmul.f32 $8.000000000e+00, v23  }
0x9c: {  	v27 =	vor.u32 v61, v62;
	v25 =	vmul.f32 $8.000000000e+00, v25  }
0x9d: {  	v23 =	vadd.f32 v55, v23  }
0x9e: {  	v25 =	vadd.f32 v58, v25  }
0x9f: {  	[tilespmem:s12+$0x19B10] =	vst v23  }
0xa0: {  	v23 =	vld.idx.msk [tilespmem:v26+s14+$0x0], $0xffff;
	[tilespmem:s12+$0x1A310] =	vst v25  }
0xa1: {  	v27 =	vld.idx.msk [tilespmem:v27+s14+$0x0], $0xffff  }
0xa2: {  	v33 =	vadd.s32 v5, v39;
	v63 =	vld [tilespmem:s12+$0x6520];
	v24 =	vadd.s32 v5, v35  }
0xa3: {  	v34 =	vand.u32 $0x7F, v33;
	v31 =	vand.u32 $0xFFFFFF80, v24;
	v32 =	vld [tilespmem:s12+$0x6D20]  }
0xa4: {  	v29 =	vand.u32 $0xFFFFFF80, v33;
	v24 =	vand.u32 $0x7F, v24;
	v25 =	vadd.s32 s7, v31  }
0xa5: {  	v35 =	vadd.s32 s8, v29;
	v24 =	vor.u32 v24, v25;
	v23 =	vmul.f32 $8.000000000e+00, v23  }
0xa6: {  	v26 =	vor.u32 v34, v35;
	v27 =	vmul.f32 $8.000000000e+00, v27  }
0xa7: {  	v23 =	vadd.f32 v63, v23  }
0xa8: {  	v25 =	vadd.f32 v32, v27  }
0xa9: {  	[tilespmem:s12+$0x19B20] =	vst v23  }
0xaa: {  	v36 =	vperm.xlane v22, v7;
	v40 =	vperm.xlane v21, v7;
	v23 =	vld.idx.msk [tilespmem:v24+s14+$0x0], $0xffff;
	[tilespmem:s12+$0x1A320] =	vst v25  }
0xab: {  	v26 =	vld.idx.msk [tilespmem:v26+s14+$0x0], $0xffff  }
0xac: {  	v37 =	vld [tilespmem:s12+$0x6530];
	v38 =	vadd.s32 v1, v36;
	v42 =	vadd.s32 v1, v40  }
0xad: {  	v39 =	vand.u32 $0xFFFFFF80, v38;
	v41 =	vld [tilespmem:s12+$0x6D30];
	v43 =	vand.u32 $0xFFFFFF80, v42;
	s7 =	sor.u32 $0x100, s12  }
0xae: {  	s8 =	sor.u32 $0x900, s12;
	v44 =	vand.u32 $0x7F, v42;
	v28 =	vand.u32 $0x7F, v38;
	v25 =	vadd.s32 s7, v39  }
0xaf: {  	v45 =	vadd.s32 s8, v43;
	v25 =	vor.u32 v28, v25;
	v23 =	vmul.f32 $8.000000000e+00, v23  }
0xb0: {  	v27 =	vor.u32 v44, v45;
	v26 =	vmul.f32 $8.000000000e+00, v26  }
0xb1: {  	v23 =	vadd.f32 v37, v23  }
0xb2: {  	v46 =	vadd.f32 v41, v26  }
0xb3: {  	[tilespmem:s12+$0x19B30] =	vst v23  }
0xb4: {  	v23 =	vld.idx.msk [tilespmem:v25+s14+$0x0], $0xffff;
	[tilespmem:s12+$0x1A330] =	vst v46  }
0xb5: {  	v27 =	vld.idx.msk [tilespmem:v27+s14+$0x0], $0xffff  }
0xb6: {  	v47 =	vld [tilespmem:s12+$0x6580];
	v48 =	vadd.s32 v3, v36;
	v51 =	vadd.s32 v3, v40  }
0xb7: {  	v50 =	vld [tilespmem:s12+$0x6D80];
	v52 =	vand.u32 $0xFFFFFF80, v51;
	v49 =	vand.u32 $0xFFFFFF80, v48  }
0xb8: {  	v53 =	vand.u32 $0x7F, v51;
	v28 =	vand.u32 $0x7F, v48;
	v25 =	vadd.s32 s7, v49  }
0xb9: {  	v54 =	vadd.s32 s8, v52;
	v25 =	vor.u32 v28, v25;
	v23 =	vmul.f32 $8.000000000e+00, v23  }
0xba: {  	v26 =	vor.u32 v53, v54;
	v27 =	vmul.f32 $8.000000000e+00, v27  }
0xbb: {  	v23 =	vadd.f32 v47, v23  }
0xbc: {  	v55 =	vadd.f32 v50, v27  }
0xbd: {  	[tilespmem:s12+$0x19B80] =	vst v23  }
0xbe: {  	v23 =	vld.idx.msk [tilespmem:v25+s14+$0x0], $0xffff;
	[tilespmem:s12+$0x1A380] =	vst v55  }
0xbf: {  	v26 =	vld.idx.msk [tilespmem:v26+s14+$0x0], $0xffff  }
0xc0: {  	v56 =	vld [tilespmem:s12+$0x6590];
	v60 =	vadd.s32 v4, v40;
	v57 =	vadd.s32 v4, v36  }
0xc1: {  	v59 =	vld [tilespmem:s12+$0x6D90];
	v61 =	vand.u32 $0xFFFFFF80, v60;
	v58 =	vand.u32 $0xFFFFFF80, v57  }
0xc2: {  	v62 =	vand.u32 $0x7F, v60;
	v28 =	vand.u32 $0x7F, v57;
	v25 =	vadd.s32 s7, v58  }
0xc3: {  	v63 =	vadd.s32 s8, v61;
	v25 =	vor.u32 v28, v25;
	v23 =	vmul.f32 $8.000000000e+00, v23  }
0xc4: {  	v27 =	vor.u32 v62, v63;
	v26 =	vmul.f32 $8.000000000e+00, v26  }
0xc5: {  	v23 =	vadd.f32 v56, v23  }
0xc6: {  	v32 =	vadd.f32 v59, v26  }
0xc7: {  	[tilespmem:s12+$0x19B90] =	vst v23  }
0xc8: {  	v23 =	vld.idx.msk [tilespmem:v25+s14+$0x0], $0xffff;
	[tilespmem:s12+$0x1A390] =	vst v32  }
0xc9: {  	v27 =	vld.idx.msk [tilespmem:v27+s14+$0x0], $0xffff  }
0xca: {  	v33 =	vld [tilespmem:s12+$0x65A0];
	v24 =	vadd.s32 v5, v36;
	v36 =	vadd.s32 v5, v40  }
0xcb: {  	v35 =	vld [tilespmem:s12+$0x6DA0];
	v34 =	vand.u32 $0xFFFFFF80, v24;
	v29 =	vand.u32 $0xFFFFFF80, v36  }
0xcc: {  	v24 =	vand.u32 $0x7F, v24;
	v38 =	vadd.s32 s8, v29;
	v25 =	vadd.s32 s7, v34  }
0xcd: {  	v37 =	vand.u32 $0x7F, v36;
	v24 =	vor.u32 v24, v25;
	v23 =	vmul.f32 $8.000000000e+00, v23  }
0xce: {  	v26 =	vor.u32 v37, v38;
	v27 =	vmul.f32 $8.000000000e+00, v27  }
0xcf: {  	v23 =	vadd.f32 v33, v23  }
0xd0: {  	v25 =	vadd.f32 v35, v27  }
0xd1: {  	[tilespmem:s12+$0x19BA0] =	vst v23  }
0xd2: {  	v43 =	vperm.xlane v21, v8;
	v39 =	vperm.xlane v22, v8;
	v23 =	vld.idx.msk [tilespmem:v24+s14+$0x0], $0xffff;
	[tilespmem:s12+$0x1A3A0] =	vst v25  }
0xd3: {  	v26 =	vld.idx.msk [tilespmem:v26+s14+$0x0], $0xffff  }
0xd4: {  	v45 =	vadd.s32 v1, v43;
	v40 =	vld [tilespmem:s12+$0x65B0];
	v41 =	vadd.s32 v1, v39  }
0xd5: {  	v44 =	vld [tilespmem:s12+$0x6DB0];
	s8 =	sor.u32 $0x980, s12;
	v42 =	vand.u32 $0xFFFFFF80, v41;
	v46 =	vand.u32 $0xFFFFFF80, v45;
	s7 =	sor.u32 $0x180, s12  }
0xd6: {  	v48 =	vadd.s32 s8, v46;
	v28 =	vand.u32 $0x7F, v41;
	v25 =	vadd.s32 s7, v42  }
0xd7: {  	v47 =	vand.u32 $0x7F, v45;
	v25 =	vor.u32 v28, v25;
	v23 =	vmul.f32 $8.000000000e+00, v23  }
0xd8: {  	v27 =	vor.u32 v47, v48;
	v26 =	vmul.f32 $8.000000000e+00, v26  }
0xd9: {  	v23 =	vadd.f32 v40, v23  }
0xda: {  	v49 =	vadd.f32 v44, v26  }
0xdb: {  	[tilespmem:s12+$0x19BB0] =	vst v23  }
0xdc: {  	v23 =	vld.idx.msk [tilespmem:v25+s14+$0x0], $0xffff;
	[tilespmem:s12+$0x1A3B0] =	vst v49  }
0xdd: {  	v27 =	vld.idx.msk [tilespmem:v27+s14+$0x0], $0xffff  }
0xde: {  	v51 =	vadd.s32 v3, v39;
	v54 =	vadd.s32 v3, v43;
	v50 =	vld [tilespmem:s12+$0x6600]  }
0xdf: {  	v52 =	vand.u32 $0xFFFFFF80, v51;
	v53 =	vld [tilespmem:s12+$0x6E00];
	v55 =	vand.u32 $0xFFFFFF80, v54  }
0xe0: {  	v57 =	vadd.s32 s8, v55;
	v28 =	vand.u32 $0x7F, v51;
	v25 =	vadd.s32 s7, v52  }
0xe1: {  	v56 =	vand.u32 $0x7F, v54;
	v25 =	vor.u32 v28, v25;
	v23 =	vmul.f32 $8.000000000e+00, v23  }
0xe2: {  	v26 =	vor.u32 v56, v57;
	v27 =	vmul.f32 $8.000000000e+00, v27  }
0xe3: {  	v23 =	vadd.f32 v50, v23  }
0xe4: {  	v58 =	vadd.f32 v53, v27  }
0xe5: {  	[tilespmem:s12+$0x19C00] =	vst v23  }
0xe6: {  	v23 =	vld.idx.msk [tilespmem:v25+s14+$0x0], $0xffff;
	[tilespmem:s12+$0x1A400] =	vst v58  }
0xe7: {  	v26 =	vld.idx.msk [tilespmem:v26+s14+$0x0], $0xffff  }
0xe8: {  	v60 =	vadd.s32 v4, v39;
	v63 =	vadd.s32 v4, v43;
	v59 =	vld [tilespmem:s12+$0x6610]  }
0xe9: {  	v61 =	vand.u32 $0xFFFFFF80, v60;
	v62 =	vld [tilespmem:s12+$0x6E10];
	v34 =	vand.u32 $0x7F, v63  }
0xea: {  	v33 =	vand.u32 $0xFFFFFF80, v63;
	v28 =	vand.u32 $0x7F, v60;
	v25 =	vadd.s32 s7, v61  }
0xeb: {  	v35 =	vadd.s32 s8, v33;
	v25 =	vor.u32 v28, v25;
	v23 =	vmul.f32 $8.000000000e+00, v23  }
0xec: {  	v27 =	vor.u32 v34, v35;
	v26 =	vmul.f32 $8.000000000e+00, v26  }
0xed: {  	v23 =	vadd.f32 v59, v23  }
0xee: {  	v36 =	vadd.f32 v62, v26  }
0xef: {  	[tilespmem:s12+$0x19C10] =	vst v23  }
0xf0: {  	v23 =	vld.idx.msk [tilespmem:v25+s14+$0x0], $0xffff;
	[tilespmem:s12+$0x1A410] =	vst v36  }
0xf1: {  	v27 =	vld.idx.msk [tilespmem:v27+s14+$0x0], $0xffff  }
0xf2: {  	v37 =	vld [tilespmem:s12+$0x6620];
	v24 =	vadd.s32 v5, v39  }
0xf3: {  	v39 =	vld [tilespmem:s12+$0x6E20];
	v38 =	vand.u32 $0xFFFFFF80, v24;
	v24 =	vand.u32 $0x7F, v24;
	v40 =	vadd.s32 v5, v43  }
0xf4: {  	v29 =	vand.u32 $0xFFFFFF80, v40;
	v41 =	vand.u32 $0x7F, v40;
	v25 =	vadd.s32 s7, v38  }
0xf5: {  	v42 =	vadd.s32 s8, v29;
	v24 =	vor.u32 v24, v25;
	v23 =	vmul.f32 $8.000000000e+00, v23  }
0xf6: {  	v26 =	vor.u32 v41, v42;
	v27 =	vmul.f32 $8.000000000e+00, v27  }
0xf7: {  	v23 =	vadd.f32 v37, v23  }
0xf8: {  	v25 =	vadd.f32 v39, v27  }
0xf9: {  	[tilespmem:s12+$0x19C20] =	vst v23  }
0xfa: {  	v47 =	vperm.xlane v21, v9;
	v43 =	vperm.xlane v22, v9;
	v23 =	vld.idx.msk [tilespmem:v24+s14+$0x0], $0xffff;
	[tilespmem:s12+$0x1A420] =	vst v25  }
0xfb: {  	v26 =	vld.idx.msk [tilespmem:v26+s14+$0x0], $0xffff  }
0xfc: {  	v44 =	vld [tilespmem:s12+$0x6630];
	v45 =	vadd.s32 v1, v43;
	v49 =	vadd.s32 v1, v47  }
0xfd: {  	v48 =	vld [tilespmem:s12+$0x6E30];
	v46 =	vand.u32 $0xFFFFFF80, v45;
	v51 =	vand.u32 $0x7F, v49;
	s7 =	sor.u32 $0x200, s12  }
0xfe: {  	s8 =	sor.u32 $0xA00, s12;
	v50 =	vand.u32 $0xFFFFFF80, v49;
	v28 =	vand.u32 $0x7F, v45;
	v25 =	vadd.s32 s7, v46  }
0xff: {  	v52 =	vadd.s32 s8, v50;
	v25 =	vor.u32 v28, v25;
	v23 =	vmul.f32 $8.000000000e+00, v23  }
0x100: {  	v27 =	vor.u32 v51, v52;
	v26 =	vmul.f32 $8.000000000e+00, v26  }
0x101: {  	v23 =	vadd.f32 v44, v23  }
0x102: {  	v53 =	vadd.f32 v48, v26  }
0x103: {  	[tilespmem:s12+$0x19C30] =	vst v23  }
0x104: {  	v23 =	vld.idx.msk [tilespmem:v25+s14+$0x0], $0xffff;
	[tilespmem:s12+$0x1A430] =	vst v53  }
0x105: {  	v27 =	vld.idx.msk [tilespmem:v27+s14+$0x0], $0xffff  }
0x106: {  	v54 =	vld [tilespmem:s12+$0x6680];
	v55 =	vadd.s32 v3, v43;
	v58 =	vadd.s32 v3, v47  }
0x107: {  	v57 =	vld [tilespmem:s12+$0x6E80];
	v56 =	vand.u32 $0xFFFFFF80, v55;
	v60 =	vand.u32 $0x7F, v58  }
0x108: {  	v59 =	vand.u32 $0xFFFFFF80, v58;
	v28 =	vand.u32 $0x7F, v55;
	v25 =	vadd.s32 s7, v56  }
0x109: {  	v61 =	vadd.s32 s8, v59;
	v25 =	vor.u32 v28, v25;
	v23 =	vmul.f32 $8.000000000e+00, v23  }
0x10a: {  	v26 =	vor.u32 v60, v61;
	v27 =	vmul.f32 $8.000000000e+00, v27  }
0x10b: {  	v23 =	vadd.f32 v54, v23  }
0x10c: {  	v62 =	vadd.f32 v57, v27  }
0x10d: {  	[tilespmem:s12+$0x19C80] =	vst v23  }
0x10e: {  	v23 =	vld.idx.msk [tilespmem:v25+s14+$0x0], $0xffff;
	[tilespmem:s12+$0x1A480] =	vst v62  }
0x10f: {  	v26 =	vld.idx.msk [tilespmem:v26+s14+$0x0], $0xffff  }
0x110: {  	v63 =	vld [tilespmem:s12+$0x6690];
	v33 =	vadd.s32 v4, v43;
	v36 =	vadd.s32 v4, v47  }
0x111: {  	v34 =	vand.u32 $0xFFFFFF80, v33;
	v35 =	vld [tilespmem:s12+$0x6E90];
	v38 =	vand.u32 $0x7F, v36  }
0x112: {  	v37 =	vand.u32 $0xFFFFFF80, v36;
	v28 =	vand.u32 $0x7F, v33;
	v25 =	vadd.s32 s7, v34  }
0x113: {  	v39 =	vadd.s32 s8, v37;
	v25 =	vor.u32 v28, v25;
	v23 =	vmul.f32 $8.000000000e+00, v23  }
0x114: {  	v27 =	vor.u32 v38, v39;
	v26 =	vmul.f32 $8.000000000e+00, v26  }
0x115: {  	v23 =	vadd.f32 v63, v23  }
0x116: {  	v40 =	vadd.f32 v35, v26  }
0x117: {  	[tilespmem:s12+$0x19C90] =	vst v23  }
0x118: {  	v23 =	vld.idx.msk [tilespmem:v25+s14+$0x0], $0xffff;
	[tilespmem:s12+$0x1A490] =	vst v40  }
0x119: {  	v27 =	vld.idx.msk [tilespmem:v27+s14+$0x0], $0xffff  }
0x11a: {  	v41 =	vld [tilespmem:s12+$0x66A0];
	v24 =	vadd.s32 v5, v43  }
0x11b: {  	v43 =	vld [tilespmem:s12+$0x6EA0];
	v42 =	vand.u32 $0xFFFFFF80, v24;
	v24 =	vand.u32 $0x7F, v24;
	v44 =	vadd.s32 v5, v47  }
0x11c: {  	v29 =	vand.u32 $0xFFFFFF80, v44;
	v45 =	vand.u32 $0x7F, v44;
	v25 =	vadd.s32 s7, v42  }
0x11d: {  	v46 =	vadd.s32 s8, v29;
	v24 =	vor.u32 v24, v25;
	v23 =	vmul.f32 $8.000000000e+00, v23  }
0x11e: {  	v26 =	vor.u32 v45, v46;
	v27 =	vmul.f32 $8.000000000e+00, v27  }
0x11f: {  	v23 =	vadd.f32 v41, v23  }
0x120: {  	v25 =	vadd.f32 v43, v27  }
0x121: {  	[tilespmem:s12+$0x19CA0] =	vst v23  }
0x122: {  	v51 =	vperm.xlane v21, v10;
	v47 =	vperm.xlane v22, v10;
	v23 =	vld.idx.msk [tilespmem:v24+s14+$0x0], $0xffff;
	[tilespmem:s12+$0x1A4A0] =	vst v25  }
0x123: {  	v26 =	vld.idx.msk [tilespmem:v26+s14+$0x0], $0xffff  }
0x124: {  	v48 =	vld [tilespmem:s12+$0x66B0];
	v49 =	vadd.s32 v1, v47;
	v53 =	vadd.s32 v1, v51  }
0x125: {  	v52 =	vld [tilespmem:s12+$0x6EB0];
	v50 =	vand.u32 $0xFFFFFF80, v49;
	v55 =	vand.u32 $0x7F, v53;
	s7 =	sor.u32 $0x280, s12  }
0x126: {  	s8 =	sor.u32 $0xA80, s12;
	v54 =	vand.u32 $0xFFFFFF80, v53;
	v28 =	vand.u32 $0x7F, v49;
	v25 =	vadd.s32 s7, v50  }
0x127: {  	v56 =	vadd.s32 s8, v54;
	v25 =	vor.u32 v28, v25;
	v23 =	vmul.f32 $8.000000000e+00, v23  }
0x128: {  	v27 =	vor.u32 v55, v56;
	v26 =	vmul.f32 $8.000000000e+00, v26  }
0x129: {  	v23 =	vadd.f32 v48, v23  }
0x12a: {  	v57 =	vadd.f32 v52, v26  }
0x12b: {  	[tilespmem:s12+$0x19CB0] =	vst v23  }
0x12c: {  	v23 =	vld.idx.msk [tilespmem:v25+s14+$0x0], $0xffff;
	[tilespmem:s12+$0x1A4B0] =	vst v57  }
0x12d: {  	v27 =	vld.idx.msk [tilespmem:v27+s14+$0x0], $0xffff  }
0x12e: {  	v58 =	vld [tilespmem:s12+$0x6700];
	v59 =	vadd.s32 v3, v47;
	v62 =	vadd.s32 v3, v51  }
0x12f: {  	v61 =	vld [tilespmem:s12+$0x6F00];
	v60 =	vand.u32 $0xFFFFFF80, v59;
	v33 =	vand.u32 $0x7F, v62  }
0x130: {  	v63 =	vand.u32 $0xFFFFFF80, v62;
	v28 =	vand.u32 $0x7F, v59;
	v25 =	vadd.s32 s7, v60  }
0x131: {  	v34 =	vadd.s32 s8, v63;
	v25 =	vor.u32 v28, v25;
	v23 =	vmul.f32 $8.000000000e+00, v23  }
0x132: {  	v26 =	vor.u32 v33, v34;
	v27 =	vmul.f32 $8.000000000e+00, v27  }
0x133: {  	v23 =	vadd.f32 v58, v23  }
0x134: {  	v35 =	vadd.f32 v61, v27  }
0x135: {  	[tilespmem:s12+$0x19D00] =	vst v23  }
0x136: {  	v23 =	vld.idx.msk [tilespmem:v25+s14+$0x0], $0xffff;
	[tilespmem:s12+$0x1A500] =	vst v35  }
0x137: {  	v26 =	vld.idx.msk [tilespmem:v26+s14+$0x0], $0xffff  }
0x138: {  	v36 =	vld [tilespmem:s12+$0x6710];
	v37 =	vadd.s32 v4, v47;
	v40 =	vadd.s32 v4, v51  }
0x139: {  	v38 =	vand.u32 $0xFFFFFF80, v37;
	v39 =	vld [tilespmem:s12+$0x6F10];
	v42 =	vand.u32 $0x7F, v40  }
0x13a: {  	v41 =	vand.u32 $0xFFFFFF80, v40;
	v28 =	vand.u32 $0x7F, v37;
	v25 =	vadd.s32 s7, v38  }
0x13b: {  	v43 =	vadd.s32 s8, v41;
	v25 =	vor.u32 v28, v25;
	v23 =	vmul.f32 $8.000000000e+00, v23  }
0x13c: {  	v27 =	vor.u32 v42, v43;
	v26 =	vmul.f32 $8.000000000e+00, v26  }
0x13d: {  	v23 =	vadd.f32 v36, v23  }
0x13e: {  	v44 =	vadd.f32 v39, v26  }
0x13f: {  	[tilespmem:s12+$0x19D10] =	vst v23  }
0x140: {  	v23 =	vld.idx.msk [tilespmem:v25+s14+$0x0], $0xffff;
	[tilespmem:s12+$0x1A510] =	vst v44  }
0x141: {  	v27 =	vld.idx.msk [tilespmem:v27+s14+$0x0], $0xffff  }
0x142: {  	v45 =	vld [tilespmem:s12+$0x6720];
	v24 =	vadd.s32 v5, v47  }
0x143: {  	v47 =	vld [tilespmem:s12+$0x6F20];
	v46 =	vand.u32 $0xFFFFFF80, v24;
	v24 =	vand.u32 $0x7F, v24;
	v48 =	vadd.s32 v5, v51  }
0x144: {  	v29 =	vand.u32 $0xFFFFFF80, v48;
	v49 =	vand.u32 $0x7F, v48;
	v25 =	vadd.s32 s7, v46  }
0x145: {  	v50 =	vadd.s32 s8, v29;
	v24 =	vor.u32 v24, v25;
	v23 =	vmul.f32 $8.000000000e+00, v23  }
0x146: {  	v26 =	vor.u32 v49, v50;
	v27 =	vmul.f32 $8.000000000e+00, v27  }
0x147: {  	v23 =	vadd.f32 v45, v23  }
0x148: {  	v25 =	vadd.f32 v47, v27  }
0x149: {  	[tilespmem:s12+$0x19D20] =	vst v23  }
0x14a: {  	v55 =	vperm.xlane v21, v0;
	v51 =	vperm.xlane v22, v0;
	v23 =	vld.idx.msk [tilespmem:v24+s14+$0x0], $0xffff;
	[tilespmem:s12+$0x1A520] =	vst v25  }
0x14b: {  	v26 =	vld.idx.msk [tilespmem:v26+s14+$0x0], $0xffff  }
0x14c: {  	v52 =	vld [tilespmem:s12+$0x6730];
	v53 =	vadd.s32 v1, v51;
	v57 =	vadd.s32 v1, v55  }
0x14d: {  	v56 =	vld [tilespmem:s12+$0x6F30];
	v54 =	vand.u32 $0xFFFFFF80, v53;
	v59 =	vand.u32 $0x7F, v57;
	s7 =	sor.u32 $0x300, s12  }
0x14e: {  	s8 =	sor.u32 $0xB00, s12;
	v58 =	vand.u32 $0xFFFFFF80, v57;
	v28 =	vand.u32 $0x7F, v53;
	v25 =	vadd.s32 s7, v54  }
0x14f: {  	v60 =	vadd.s32 s8, v58;
	v25 =	vor.u32 v28, v25;
	v23 =	vmul.f32 $8.000000000e+00, v23  }
0x150: {  	v27 =	vor.u32 v59, v60;
	v26 =	vmul.f32 $8.000000000e+00, v26  }
0x151: {  	v23 =	vadd.f32 v52, v23  }
0x152: {  	v61 =	vadd.f32 v56, v26  }
0x153: {  	[tilespmem:s12+$0x19D30] =	vst v23  }
0x154: {  	v23 =	vld.idx.msk [tilespmem:v25+s14+$0x0], $0xffff;
	[tilespmem:s12+$0x1A530] =	vst v61  }
0x155: {  	v27 =	vld.idx.msk [tilespmem:v27+s14+$0x0], $0xffff  }
0x156: {  	v62 =	vld [tilespmem:s12+$0x6780];
	v34 =	vadd.s32 v3, v55;
	v63 =	vadd.s32 v3, v51  }
0x157: {  	v33 =	vld [tilespmem:s12+$0x6F80];
	v32 =	vand.u32 $0xFFFFFF80, v63;
	v35 =	vand.u32 $0xFFFFFF80, v34  }
0x158: {  	v37 =	vadd.s32 s8, v35;
	v28 =	vand.u32 $0x7F, v63;
	v25 =	vadd.s32 s7, v32  }
0x159: {  	v36 =	vand.u32 $0x7F, v34;
	v25 =	vor.u32 v28, v25;
	v23 =	vmul.f32 $8.000000000e+00, v23  }
0x15a: {  	v26 =	vor.u32 v36, v37;
	v27 =	vmul.f32 $8.000000000e+00, v27  }
0x15b: {  	v23 =	vadd.f32 v62, v23  }
0x15c: {  	v38 =	vadd.f32 v33, v27  }
0x15d: {  	[tilespmem:s12+$0x19D80] =	vst v23  }
0x15e: {  	v23 =	vld.idx.msk [tilespmem:v25+s14+$0x0], $0xffff;
	[tilespmem:s12+$0x1A580] =	vst v38  }
0x15f: {  	v26 =	vld.idx.msk [tilespmem:v26+s14+$0x0], $0xffff  }
0x160: {  	v40 =	vadd.s32 v4, v51;
	v43 =	vadd.s32 v4, v55;
	v39 =	vld [tilespmem:s12+$0x6790]  }
0x161: {  	v41 =	vand.u32 $0xFFFFFF80, v40;
	v42 =	vld [tilespmem:s12+$0x6F90];
	v44 =	vand.u32 $0xFFFFFF80, v43  }
0x162: {  	v46 =	vadd.s32 s8, v44;
	v28 =	vand.u32 $0x7F, v40;
	v25 =	vadd.s32 s7, v41  }
0x163: {  	v45 =	vand.u32 $0x7F, v43;
	v25 =	vor.u32 v28, v25;
	v23 =	vmul.f32 $8.000000000e+00, v23  }
0x164: {  	v27 =	vor.u32 v45, v46;
	v26 =	vmul.f32 $8.000000000e+00, v26  }
0x165: {  	v23 =	vadd.f32 v39, v23  }
0x166: {  	v47 =	vadd.f32 v42, v26  }
0x167: {  	[tilespmem:s12+$0x19D90] =	vst v23  }
0x168: {  	v23 =	vld.idx.msk [tilespmem:v25+s14+$0x0], $0xffff;
	[tilespmem:s12+$0x1A590] =	vst v47  }
0x169: {  	v27 =	vld.idx.msk [tilespmem:v27+s14+$0x0], $0xffff  }
0x16a: {  	v48 =	vld [tilespmem:s12+$0x67A0];
	v24 =	vadd.s32 v5, v51;
	v51 =	vadd.s32 v5, v55  }
0x16b: {  	v50 =	vld [tilespmem:s12+$0x6FA0];
	v49 =	vand.u32 $0xFFFFFF80, v24;
	v29 =	vand.u32 $0xFFFFFF80, v51  }
0x16c: {  	v24 =	vand.u32 $0x7F, v24;
	v53 =	vadd.s32 s8, v29;
	v25 =	vadd.s32 s7, v49  }
0x16d: {  	v52 =	vand.u32 $0x7F, v51;
	v24 =	vor.u32 v24, v25;
	v23 =	vmul.f32 $8.000000000e+00, v23  }
0x16e: {  	v26 =	vor.u32 v52, v53;
	v27 =	vmul.f32 $8.000000000e+00, v27  }
0x16f: {  	v23 =	vadd.f32 v48, v23  }
0x170: {  	v25 =	vadd.f32 v50, v27  }
0x171: {  	[tilespmem:s12+$0x19DA0] =	vst v23  }
0x172: {  	v58 =	vperm.xlane v21, v11;
	v54 =	vperm.xlane v22, v11;
	v23 =	vld.idx.msk [tilespmem:v24+s14+$0x0], $0xffff;
	[tilespmem:s12+$0x1A5A0] =	vst v25  }
0x173: {  	v26 =	vld.idx.msk [tilespmem:v26+s14+$0x0], $0xffff  }
0x174: {  	v60 =	vadd.s32 v1, v58;
	v55 =	vld [tilespmem:s12+$0x67B0];
	v56 =	vadd.s32 v1, v54  }
0x175: {  	v59 =	vld [tilespmem:s12+$0x6FB0];
	s8 =	sor.u32 $0xB80, s12;
	v57 =	vand.u32 $0xFFFFFF80, v56;
	v61 =	vand.u32 $0xFFFFFF80, v60;
	s7 =	sor.u32 $0x380, s12  }
0x176: {  	v63 =	vadd.s32 s8, v61;
	v28 =	vand.u32 $0x7F, v56;
	v25 =	vadd.s32 s7, v57  }
0x177: {  	v62 =	vand.u32 $0x7F, v60;
	v25 =	vor.u32 v28, v25;
	v23 =	vmul.f32 $8.000000000e+00, v23  }
0x178: {  	v27 =	vor.u32 v62, v63;
	v26 =	vmul.f32 $8.000000000e+00, v26  }
0x179: {  	v23 =	vadd.f32 v55, v23  }
0x17a: {  	v33 =	vadd.f32 v59, v26  }
0x17b: {  	[tilespmem:s12+$0x19DB0] =	vst v23  }
0x17c: {  	v23 =	vld.idx.msk [tilespmem:v25+s14+$0x0], $0xffff;
	[tilespmem:s12+$0x1A5B0] =	vst v33  }
0x17d: {  	v27 =	vld.idx.msk [tilespmem:v27+s14+$0x0], $0xffff  }
0x17e: {  	v34 =	vld [tilespmem:s12+$0x6800];
	v35 =	vadd.s32 v3, v54;
	v38 =	vadd.s32 v3, v58  }
0x17f: {  	v36 =	vand.u32 $0xFFFFFF80, v35;
	v37 =	vld [tilespmem:s12+$0x7000];
	v40 =	vand.u32 $0x7F, v38  }
0x180: {  	v39 =	vand.u32 $0xFFFFFF80, v38;
	v28 =	vand.u32 $0x7F, v35;
	v25 =	vadd.s32 s7, v36  }
0x181: {  	v41 =	vadd.s32 s8, v39;
	v25 =	vor.u32 v28, v25;
	v23 =	vmul.f32 $8.000000000e+00, v23  }
0x182: {  	v26 =	vor.u32 v40, v41;
	v27 =	vmul.f32 $8.000000000e+00, v27  }
0x183: {  	v23 =	vadd.f32 v34, v23  }
0x184: {  	v42 =	vadd.f32 v37, v27  }
0x185: {  	[tilespmem:s12+$0x19E00] =	vst v23  }
0x186: {  	v23 =	vld.idx.msk [tilespmem:v25+s14+$0x0], $0xffff;
	[tilespmem:s12+$0x1A600] =	vst v42  }
0x187: {  	v26 =	vld.idx.msk [tilespmem:v26+s14+$0x0], $0xffff  }
0x188: {  	v43 =	vld [tilespmem:s12+$0x6810];
	v44 =	vadd.s32 v4, v54;
	v47 =	vadd.s32 v4, v58  }
0x189: {  	v45 =	vand.u32 $0xFFFFFF80, v44;
	v46 =	vld [tilespmem:s12+$0x7010];
	v49 =	vand.u32 $0x7F, v47  }
0x18a: {  	v48 =	vand.u32 $0xFFFFFF80, v47;
	v28 =	vand.u32 $0x7F, v44;
	v25 =	vadd.s32 s7, v45  }
0x18b: {  	v50 =	vadd.s32 s8, v48;
	v25 =	vor.u32 v28, v25;
	v23 =	vmul.f32 $8.000000000e+00, v23  }
0x18c: {  	v27 =	vor.u32 v49, v50;
	v26 =	vmul.f32 $8.000000000e+00, v26  }
0x18d: {  	v23 =	vadd.f32 v43, v23  }
0x18e: {  	v51 =	vadd.f32 v46, v26  }
0x18f: {  	[tilespmem:s12+$0x19E10] =	vst v23  }
0x190: {  	v23 =	vld.idx.msk [tilespmem:v25+s14+$0x0], $0xffff;
	[tilespmem:s12+$0x1A610] =	vst v51  }
0x191: {  	v27 =	vld.idx.msk [tilespmem:v27+s14+$0x0], $0xffff  }
0x192: {  	v52 =	vld [tilespmem:s12+$0x6820];
	v24 =	vadd.s32 v5, v54  }
0x193: {  	v54 =	vld [tilespmem:s12+$0x7020];
	v53 =	vand.u32 $0xFFFFFF80, v24;
	v24 =	vand.u32 $0x7F, v24;
	v55 =	vadd.s32 v5, v58  }
0x194: {  	v29 =	vand.u32 $0xFFFFFF80, v55;
	v56 =	vand.u32 $0x7F, v55;
	v25 =	vadd.s32 s7, v53  }
0x195: {  	v57 =	vadd.s32 s8, v29;
	v24 =	vor.u32 v24, v25;
	v23 =	vmul.f32 $8.000000000e+00, v23  }
0x196: {  	v26 =	vor.u32 v56, v57;
	v27 =	vmul.f32 $8.000000000e+00, v27  }
0x197: {  	v23 =	vadd.f32 v52, v23  }
0x198: {  	v25 =	vadd.f32 v54, v27  }
0x199: {  	[tilespmem:s12+$0x19E20] =	vst v23  }
0x19a: {  	v62 =	vperm.xlane v21, v12;
	v58 =	vperm.xlane v22, v12;
	v23 =	vld.idx.msk [tilespmem:v24+s14+$0x0], $0xffff;
	[tilespmem:s12+$0x1A620] =	vst v25  }
0x19b: {  	v26 =	vld.idx.msk [tilespmem:v26+s14+$0x0], $0xffff  }
0x19c: {  	v59 =	vld [tilespmem:s12+$0x6830];
	v60 =	vadd.s32 v1, v58;
	v33 =	vadd.s32 v1, v62  }
0x19d: {  	v63 =	vld [tilespmem:s12+$0x7030];
	v61 =	vand.u32 $0xFFFFFF80, v60;
	v35 =	vand.u32 $0x7F, v33;
	s7 =	sor.u32 $0x400, s12  }
0x19e: {  	s8 =	sor.u32 $0xC00, s12;
	v34 =	vand.u32 $0xFFFFFF80, v33;
	v28 =	vand.u32 $0x7F, v60;
	v25 =	vadd.s32 s7, v61  }
0x19f: {  	v36 =	vadd.s32 s8, v34;
	v25 =	vor.u32 v28, v25;
	v23 =	vmul.f32 $8.000000000e+00, v23  }
0x1a0: {  	v27 =	vor.u32 v35, v36;
	v26 =	vmul.f32 $8.000000000e+00, v26  }
0x1a1: {  	v23 =	vadd.f32 v59, v23  }
0x1a2: {  	v37 =	vadd.f32 v63, v26  }
0x1a3: {  	[tilespmem:s12+$0x19E30] =	vst v23  }
0x1a4: {  	v23 =	vld.idx.msk [tilespmem:v25+s14+$0x0], $0xffff;
	[tilespmem:s12+$0x1A630] =	vst v37  }
0x1a5: {  	v27 =	vld.idx.msk [tilespmem:v27+s14+$0x0], $0xffff  }
0x1a6: {  	v38 =	vld [tilespmem:s12+$0x6880];
	v39 =	vadd.s32 v3, v58;
	v42 =	vadd.s32 v3, v62  }
0x1a7: {  	v41 =	vld [tilespmem:s12+$0x7080];
	v40 =	vand.u32 $0xFFFFFF80, v39;
	v44 =	vand.u32 $0x7F, v42  }
0x1a8: {  	v43 =	vand.u32 $0xFFFFFF80, v42;
	v28 =	vand.u32 $0x7F, v39;
	v25 =	vadd.s32 s7, v40  }
0x1a9: {  	v45 =	vadd.s32 s8, v43;
	v25 =	vor.u32 v28, v25;
	v23 =	vmul.f32 $8.000000000e+00, v23  }
0x1aa: {  	v26 =	vor.u32 v44, v45;
	v27 =	vmul.f32 $8.000000000e+00, v27  }
0x1ab: {  	v23 =	vadd.f32 v38, v23  }
0x1ac: {  	v46 =	vadd.f32 v41, v27  }
0x1ad: {  	[tilespmem:s12+$0x19E80] =	vst v23  }
0x1ae: {  	v23 =	vld.idx.msk [tilespmem:v25+s14+$0x0], $0xffff;
	[tilespmem:s12+$0x1A680] =	vst v46  }
0x1af: {  	v26 =	vld.idx.msk [tilespmem:v26+s14+$0x0], $0xffff  }
0x1b0: {  	v47 =	vld [tilespmem:s12+$0x6890];
	v48 =	vadd.s32 v4, v58;
	v51 =	vadd.s32 v4, v62  }
0x1b1: {  	v49 =	vand.u32 $0xFFFFFF80, v48;
	v50 =	vld [tilespmem:s12+$0x7090];
	v53 =	vand.u32 $0x7F, v51  }
0x1b2: {  	v52 =	vand.u32 $0xFFFFFF80, v51;
	v28 =	vand.u32 $0x7F, v48;
	v25 =	vadd.s32 s7, v49  }
0x1b3: {  	v54 =	vadd.s32 s8, v52;
	v25 =	vor.u32 v28, v25;
	v23 =	vmul.f32 $8.000000000e+00, v23  }
0x1b4: {  	v27 =	vor.u32 v53, v54;
	v26 =	vmul.f32 $8.000000000e+00, v26  }
0x1b5: {  	v23 =	vadd.f32 v47, v23  }
0x1b6: {  	v55 =	vadd.f32 v50, v26  }
0x1b7: {  	[tilespmem:s12+$0x19E90] =	vst v23  }
0x1b8: {  	v23 =	vld.idx.msk [tilespmem:v25+s14+$0x0], $0xffff;
	[tilespmem:s12+$0x1A690] =	vst v55  }
0x1b9: {  	v27 =	vld.idx.msk [tilespmem:v27+s14+$0x0], $0xffff  }
0x1ba: {  	v56 =	vld [tilespmem:s12+$0x68A0];
	v24 =	vadd.s32 v5, v58  }
0x1bb: {  	v58 =	vld [tilespmem:s12+$0x70A0];
	v57 =	vand.u32 $0xFFFFFF80, v24;
	v24 =	vand.u32 $0x7F, v24;
	v59 =	vadd.s32 v5, v62  }
0x1bc: {  	v29 =	vand.u32 $0xFFFFFF80, v59;
	v60 =	vand.u32 $0x7F, v59;
	v25 =	vadd.s32 s7, v57  }
0x1bd: {  	v61 =	vadd.s32 s8, v29;
	v24 =	vor.u32 v24, v25;
	v23 =	vmul.f32 $8.000000000e+00, v23  }
0x1be: {  	v26 =	vor.u32 v60, v61;
	v27 =	vmul.f32 $8.000000000e+00, v27  }
0x1bf: {  	v23 =	vadd.f32 v56, v23  }
0x1c0: {  	v25 =	vadd.f32 v58, v27  }
0x1c1: {  	[tilespmem:s12+$0x19EA0] =	vst v23  }
0x1c2: {  	v35 =	vperm.xlane v21, v13;
	v62 =	vperm.xlane v22, v13;
	v23 =	vld.idx.msk [tilespmem:v24+s14+$0x0], $0xffff;
	[tilespmem:s12+$0x1A6A0] =	vst v25  }
0x1c3: {  	v26 =	vld.idx.msk [tilespmem:v26+s14+$0x0], $0xffff  }
0x1c4: {  	v63 =	vld [tilespmem:s12+$0x68B0];
	v33 =	vadd.s32 v1, v62;
	v37 =	vadd.s32 v1, v35  }
0x1c5: {  	v36 =	vld [tilespmem:s12+$0x70B0];
	v34 =	vand.u32 $0xFFFFFF80, v33;
	v39 =	vand.u32 $0x7F, v37;
	s7 =	sor.u32 $0x480, s12  }
0x1c6: {  	s8 =	sor.u32 $0xC80, s12;
	v38 =	vand.u32 $0xFFFFFF80, v37;
	v28 =	vand.u32 $0x7F, v33;
	v25 =	vadd.s32 s7, v34  }
0x1c7: {  	v40 =	vadd.s32 s8, v38;
	v25 =	vor.u32 v28, v25;
	v23 =	vmul.f32 $8.000000000e+00, v23  }
0x1c8: {  	v27 =	vor.u32 v39, v40;
	v26 =	vmul.f32 $8.000000000e+00, v26  }
0x1c9: {  	v23 =	vadd.f32 v63, v23  }
0x1ca: {  	v41 =	vadd.f32 v36, v26  }
0x1cb: {  	[tilespmem:s12+$0x19EB0] =	vst v23  }
0x1cc: {  	v23 =	vld.idx.msk [tilespmem:v25+s14+$0x0], $0xffff;
	[tilespmem:s12+$0x1A6B0] =	vst v41  }
0x1cd: {  	v27 =	vld.idx.msk [tilespmem:v27+s14+$0x0], $0xffff  }
0x1ce: {  	v42 =	vld [tilespmem:s12+$0x6900];
	v43 =	vadd.s32 v3, v62;
	v46 =	vadd.s32 v3, v35  }
0x1cf: {  	v45 =	vld [tilespmem:s12+$0x7100];
	v44 =	vand.u32 $0xFFFFFF80, v43;
	v48 =	vand.u32 $0x7F, v46  }
0x1d0: {  	v47 =	vand.u32 $0xFFFFFF80, v46;
	v28 =	vand.u32 $0x7F, v43;
	v25 =	vadd.s32 s7, v44  }
0x1d1: {  	v49 =	vadd.s32 s8, v47;
	v25 =	vor.u32 v28, v25;
	v23 =	vmul.f32 $8.000000000e+00, v23  }
0x1d2: {  	v26 =	vor.u32 v48, v49;
	v27 =	vmul.f32 $8.000000000e+00, v27  }
0x1d3: {  	v23 =	vadd.f32 v42, v23  }
0x1d4: {  	v50 =	vadd.f32 v45, v27  }
0x1d5: {  	[tilespmem:s12+$0x19F00] =	vst v23  }
0x1d6: {  	v23 =	vld.idx.msk [tilespmem:v25+s14+$0x0], $0xffff;
	[tilespmem:s12+$0x1A700] =	vst v50  }
0x1d7: {  	v26 =	vld.idx.msk [tilespmem:v26+s14+$0x0], $0xffff  }
0x1d8: {  	v51 =	vld [tilespmem:s12+$0x6910];
	v52 =	vadd.s32 v4, v62;
	v55 =	vadd.s32 v4, v35  }
0x1d9: {  	v53 =	vand.u32 $0xFFFFFF80, v52;
	v54 =	vld [tilespmem:s12+$0x7110];
	v57 =	vand.u32 $0x7F, v55  }
0x1da: {  	v56 =	vand.u32 $0xFFFFFF80, v55;
	v28 =	vand.u32 $0x7F, v52;
	v25 =	vadd.s32 s7, v53  }
0x1db: {  	v58 =	vadd.s32 s8, v56;
	v25 =	vor.u32 v28, v25;
	v23 =	vmul.f32 $8.000000000e+00, v23  }
0x1dc: {  	v27 =	vor.u32 v57, v58;
	v26 =	vmul.f32 $8.000000000e+00, v26  }
0x1dd: {  	v23 =	vadd.f32 v51, v23  }
0x1de: {  	v59 =	vadd.f32 v54, v26  }
0x1df: {  	[tilespmem:s12+$0x19F10] =	vst v23  }
0x1e0: {  	v23 =	vld.idx.msk [tilespmem:v25+s14+$0x0], $0xffff;
	[tilespmem:s12+$0x1A710] =	vst v59  }
0x1e1: {  	v27 =	vld.idx.msk [tilespmem:v27+s14+$0x0], $0xffff  }
0x1e2: {  	v60 =	vld [tilespmem:s12+$0x6920];
	v24 =	vadd.s32 v5, v62  }
0x1e3: {  	v62 =	vld [tilespmem:s12+$0x7120];
	v61 =	vand.u32 $0xFFFFFF80, v24;
	v24 =	vand.u32 $0x7F, v24;
	v63 =	vadd.s32 v5, v35  }
0x1e4: {  	v29 =	vand.u32 $0xFFFFFF80, v63;
	v32 =	vand.u32 $0x7F, v63;
	v25 =	vadd.s32 s7, v61  }
0x1e5: {  	v33 =	vadd.s32 s8, v29;
	v24 =	vor.u32 v24, v25;
	v23 =	vmul.f32 $8.000000000e+00, v23  }
0x1e6: {  	v26 =	vor.u32 v32, v33;
	v27 =	vmul.f32 $8.000000000e+00, v27  }
0x1e7: {  	v23 =	vadd.f32 v60, v23  }
0x1e8: {  	v25 =	vadd.f32 v62, v27  }
0x1e9: {  	[tilespmem:s12+$0x19F20] =	vst v23  }
0x1ea: {  	v38 =	vperm.xlane v21, v14;
	v34 =	vperm.xlane v22, v14;
	v23 =	vld.idx.msk [tilespmem:v24+s14+$0x0], $0xffff;
	[tilespmem:s12+$0x1A720] =	vst v25  }
0x1eb: {  	v26 =	vld.idx.msk [tilespmem:v26+s14+$0x0], $0xffff  }
0x1ec: {  	v40 =	vadd.s32 v1, v38;
	v35 =	vld [tilespmem:s12+$0x6930];
	v36 =	vadd.s32 v1, v34  }
0x1ed: {  	v39 =	vld [tilespmem:s12+$0x7130];
	v37 =	vand.u32 $0xFFFFFF80, v36;
	s8 =	sor.u32 $0xD00, s12;
	v41 =	vand.u32 $0xFFFFFF80, v40;
	s7 =	sor.u32 $0x500, s12  }
0x1ee: {  	v43 =	vadd.s32 s8, v41;
	v28 =	vand.u32 $0x7F, v36;
	v25 =	vadd.s32 s7, v37  }
0x1ef: {  	v42 =	vand.u32 $0x7F, v40;
	v25 =	vor.u32 v28, v25;
	v23 =	vmul.f32 $8.000000000e+00, v23  }
0x1f0: {  	v27 =	vor.u32 v42, v43;
	v26 =	vmul.f32 $8.000000000e+00, v26  }
0x1f1: {  	v23 =	vadd.f32 v35, v23  }
0x1f2: {  	v44 =	vadd.f32 v39, v26  }
0x1f3: {  	[tilespmem:s12+$0x19F30] =	vst v23  }
0x1f4: {  	v23 =	vld.idx.msk [tilespmem:v25+s14+$0x0], $0xffff;
	[tilespmem:s12+$0x1A730] =	vst v44  }
0x1f5: {  	v27 =	vld.idx.msk [tilespmem:v27+s14+$0x0], $0xffff  }
0x1f6: {  	v46 =	vadd.s32 v3, v34;
	v49 =	vadd.s32 v3, v38;
	v45 =	vld [tilespmem:s12+$0x6980]  }
0x1f7: {  	v47 =	vand.u32 $0xFFFFFF80, v46;
	v48 =	vld [tilespmem:s12+$0x7180];
	v50 =	vand.u32 $0xFFFFFF80, v49  }
0x1f8: {  	v52 =	vadd.s32 s8, v50;
	v28 =	vand.u32 $0x7F, v46;
	v25 =	vadd.s32 s7, v47  }
0x1f9: {  	v51 =	vand.u32 $0x7F, v49;
	v25 =	vor.u32 v28, v25;
	v23 =	vmul.f32 $8.000000000e+00, v23  }
0x1fa: {  	v26 =	vor.u32 v51, v52;
	v27 =	vmul.f32 $8.000000000e+00, v27  }
0x1fb: {  	v23 =	vadd.f32 v45, v23  }
0x1fc: {  	v53 =	vadd.f32 v48, v27  }
0x1fd: {  	[tilespmem:s12+$0x19F80] =	vst v23  }
0x1fe: {  	v23 =	vld.idx.msk [tilespmem:v25+s14+$0x0], $0xffff;
	[tilespmem:s12+$0x1A780] =	vst v53  }
0x1ff: {  	v26 =	vld.idx.msk [tilespmem:v26+s14+$0x0], $0xffff  }
0x200: {  	v55 =	vadd.s32 v4, v34;
	v58 =	vadd.s32 v4, v38;
	v54 =	vld [tilespmem:s12+$0x6990]  }
0x201: {  	v56 =	vand.u32 $0xFFFFFF80, v55;
	v57 =	vld [tilespmem:s12+$0x7190];
	v59 =	vand.u32 $0xFFFFFF80, v58  }
0x202: {  	v61 =	vadd.s32 s8, v59;
	v28 =	vand.u32 $0x7F, v55;
	v25 =	vadd.s32 s7, v56  }
0x203: {  	v60 =	vand.u32 $0x7F, v58;
	v25 =	vor.u32 v28, v25;
	v23 =	vmul.f32 $8.000000000e+00, v23  }
0x204: {  	v27 =	vor.u32 v60, v61;
	v26 =	vmul.f32 $8.000000000e+00, v26  }
0x205: {  	v23 =	vadd.f32 v54, v23  }
0x206: {  	v62 =	vadd.f32 v57, v26  }
0x207: {  	[tilespmem:s12+$0x19F90] =	vst v23  }
0x208: {  	v23 =	vld.idx.msk [tilespmem:v25+s14+$0x0], $0xffff;
	[tilespmem:s12+$0x1A790] =	vst v62  }
0x209: {  	v27 =	vld.idx.msk [tilespmem:v27+s14+$0x0], $0xffff  }
0x20a: {  	v63 =	vld [tilespmem:s12+$0x69A0];
	v33 =	vadd.s32 v5, v38;
	v24 =	vadd.s32 v5, v34  }
0x20b: {  	v32 =	vld [tilespmem:s12+$0x71A0];
	v29 =	vand.u32 $0xFFFFFF80, v33;
	v31 =	vand.u32 $0xFFFFFF80, v24  }
0x20c: {  	v34 =	vand.u32 $0x7F, v33;
	v24 =	vand.u32 $0x7F, v24;
	v25 =	vadd.s32 s7, v31  }
0x20d: {  	v35 =	vadd.s32 s8, v29;
	v24 =	vor.u32 v24, v25;
	v23 =	vmul.f32 $8.000000000e+00, v23  }
0x20e: {  	v26 =	vor.u32 v34, v35;
	v27 =	vmul.f32 $8.000000000e+00, v27  }
0x20f: {  	v23 =	vadd.f32 v63, v23  }
0x210: {  	v25 =	vadd.f32 v32, v27  }
0x211: {  	[tilespmem:s12+$0x19FA0] =	vst v23  }
0x212: {  	v40 =	vperm.xlane v21, v15;
	v36 =	vperm.xlane v22, v15;
	v23 =	vld.idx.msk [tilespmem:v24+s14+$0x0], $0xffff;
	[tilespmem:s12+$0x1A7A0] =	vst v25  }
0x213: {  	v26 =	vld.idx.msk [tilespmem:v26+s14+$0x0], $0xffff  }
0x214: {  	v38 =	vadd.s32 v1, v36;
	v42 =	vadd.s32 v1, v40;
	v37 =	vld [tilespmem:s12+$0x69B0]  }
0x215: {  	v41 =	vld [tilespmem:s12+$0x71B0];
	v43 =	vand.u32 $0xFFFFFF80, v42;
	v39 =	vand.u32 $0xFFFFFF80, v38;
	s7 =	sor.u32 $0x580, s12  }
0x216: {  	s8 =	sor.u32 $0xD80, s12;
	v44 =	vand.u32 $0x7F, v42;
	v28 =	vand.u32 $0x7F, v38;
	v25 =	vadd.s32 s7, v39  }
0x217: {  	v45 =	vadd.s32 s8, v43;
	v25 =	vor.u32 v28, v25;
	v23 =	vmul.f32 $8.000000000e+00, v23  }
0x218: {  	v27 =	vor.u32 v44, v45;
	v26 =	vmul.f32 $8.000000000e+00, v26  }
0x219: {  	v23 =	vadd.f32 v37, v23  }
0x21a: {  	v46 =	vadd.f32 v41, v26  }
0x21b: {  	[tilespmem:s12+$0x19FB0] =	vst v23  }
0x21c: {  	v23 =	vld.idx.msk [tilespmem:v25+s14+$0x0], $0xffff;
	[tilespmem:s12+$0x1A7B0] =	vst v46  }
0x21d: {  	v27 =	vld.idx.msk [tilespmem:v27+s14+$0x0], $0xffff  }
0x21e: {  	v51 =	vadd.s32 v3, v40;
	v47 =	vld [tilespmem:s12+$0x6A00];
	v48 =	vadd.s32 v3, v36  }
0x21f: {  	v50 =	vld [tilespmem:s12+$0x7200];
	v52 =	vand.u32 $0xFFFFFF80, v51;
	v49 =	vand.u32 $0xFFFFFF80, v48  }
0x220: {  	v53 =	vand.u32 $0x7F, v51;
	v28 =	vand.u32 $0x7F, v48;
	v25 =	vadd.s32 s7, v49  }
0x221: {  	v54 =	vadd.s32 s8, v52;
	v25 =	vor.u32 v28, v25;
	v23 =	vmul.f32 $8.000000000e+00, v23  }
0x222: {  	v26 =	vor.u32 v53, v54;
	v27 =	vmul.f32 $8.000000000e+00, v27  }
0x223: {  	v23 =	vadd.f32 v47, v23  }
0x224: {  	v55 =	vadd.f32 v50, v27  }
0x225: {  	[tilespmem:s12+$0x1A000] =	vst v23  }
0x226: {  	v23 =	vld.idx.msk [tilespmem:v25+s14+$0x0], $0xffff;
	[tilespmem:s12+$0x1A800] =	vst v55  }
0x227: {  	v26 =	vld.idx.msk [tilespmem:v26+s14+$0x0], $0xffff  }
0x228: {  	v60 =	vadd.s32 v4, v40;
	v56 =	vld [tilespmem:s12+$0x6A10];
	v57 =	vadd.s32 v4, v36  }
0x229: {  	v59 =	vld [tilespmem:s12+$0x7210];
	v61 =	vand.u32 $0xFFFFFF80, v60;
	v58 =	vand.u32 $0xFFFFFF80, v57  }
0x22a: {  	v62 =	vand.u32 $0x7F, v60;
	v28 =	vand.u32 $0x7F, v57;
	v25 =	vadd.s32 s7, v58  }
0x22b: {  	v63 =	vadd.s32 s8, v61;
	v25 =	vor.u32 v28, v25;
	v23 =	vmul.f32 $8.000000000e+00, v23  }
0x22c: {  	v27 =	vor.u32 v62, v63;
	v26 =	vmul.f32 $8.000000000e+00, v26  }
0x22d: {  	v23 =	vadd.f32 v56, v23  }
0x22e: {  	v32 =	vadd.f32 v59, v26  }
0x22f: {  	[tilespmem:s12+$0x1A010] =	vst v23  }
0x230: {  	v23 =	vld.idx.msk [tilespmem:v25+s14+$0x0], $0xffff;
	[tilespmem:s12+$0x1A810] =	vst v32  }
0x231: {  	v27 =	vld.idx.msk [tilespmem:v27+s14+$0x0], $0xffff  }
0x232: {  	v33 =	vld [tilespmem:s12+$0x6A20];
	v24 =	vadd.s32 v5, v36;
	v36 =	vadd.s32 v5, v40  }
0x233: {  	v35 =	vld [tilespmem:s12+$0x7220];
	v34 =	vand.u32 $0xFFFFFF80, v24;
	v29 =	vand.u32 $0xFFFFFF80, v36  }
0x234: {  	v24 =	vand.u32 $0x7F, v24;
	v38 =	vadd.s32 s8, v29;
	v25 =	vadd.s32 s7, v34  }
0x235: {  	v37 =	vand.u32 $0x7F, v36;
	v24 =	vor.u32 v24, v25;
	v23 =	vmul.f32 $8.000000000e+00, v23  }
0x236: {  	v26 =	vor.u32 v37, v38;
	v27 =	vmul.f32 $8.000000000e+00, v27  }
0x237: {  	v23 =	vadd.f32 v33, v23  }
0x238: {  	v25 =	vadd.f32 v35, v27  }
0x239: {  	[tilespmem:s12+$0x1A020] =	vst v23  }
0x23a: {  	v43 =	vperm.xlane v21, v16;
	v39 =	vperm.xlane v22, v16;
	v23 =	vld.idx.msk [tilespmem:v24+s14+$0x0], $0xffff;
	[tilespmem:s12+$0x1A820] =	vst v25  }
0x23b: {  	v26 =	vld.idx.msk [tilespmem:v26+s14+$0x0], $0xffff  }
0x23c: {  	v45 =	vadd.s32 v1, v43;
	v40 =	vld [tilespmem:s12+$0x6A30];
	v41 =	vadd.s32 v1, v39  }
0x23d: {  	v44 =	vld [tilespmem:s12+$0x7230];
	s8 =	sor.u32 $0xE00, s12;
	v42 =	vand.u32 $0xFFFFFF80, v41;
	v46 =	vand.u32 $0xFFFFFF80, v45;
	s7 =	sor.u32 $0x600, s12  }
0x23e: {  	v48 =	vadd.s32 s8, v46;
	v28 =	vand.u32 $0x7F, v41;
	v25 =	vadd.s32 s7, v42  }
0x23f: {  	v47 =	vand.u32 $0x7F, v45;
	v25 =	vor.u32 v28, v25;
	v23 =	vmul.f32 $8.000000000e+00, v23  }
0x240: {  	v27 =	vor.u32 v47, v48;
	v26 =	vmul.f32 $8.000000000e+00, v26  }
0x241: {  	v23 =	vadd.f32 v40, v23  }
0x242: {  	v49 =	vadd.f32 v44, v26  }
0x243: {  	[tilespmem:s12+$0x1A030] =	vst v23  }
0x244: {  	v23 =	vld.idx.msk [tilespmem:v25+s14+$0x0], $0xffff;
	[tilespmem:s12+$0x1A830] =	vst v49  }
0x245: {  	v27 =	vld.idx.msk [tilespmem:v27+s14+$0x0], $0xffff  }
0x246: {  	v51 =	vadd.s32 v3, v39;
	v54 =	vadd.s32 v3, v43;
	v50 =	vld [tilespmem:s12+$0x6A80]  }
0x247: {  	v52 =	vand.u32 $0xFFFFFF80, v51;
	v53 =	vld [tilespmem:s12+$0x7280];
	v55 =	vand.u32 $0xFFFFFF80, v54  }
0x248: {  	v57 =	vadd.s32 s8, v55;
	v28 =	vand.u32 $0x7F, v51;
	v25 =	vadd.s32 s7, v52  }
0x249: {  	v56 =	vand.u32 $0x7F, v54;
	v25 =	vor.u32 v28, v25;
	v23 =	vmul.f32 $8.000000000e+00, v23  }
0x24a: {  	v26 =	vor.u32 v56, v57;
	v27 =	vmul.f32 $8.000000000e+00, v27  }
0x24b: {  	v23 =	vadd.f32 v50, v23  }
0x24c: {  	v58 =	vadd.f32 v53, v27  }
0x24d: {  	[tilespmem:s12+$0x1A080] =	vst v23  }
0x24e: {  	v23 =	vld.idx.msk [tilespmem:v25+s14+$0x0], $0xffff;
	[tilespmem:s12+$0x1A880] =	vst v58  }
0x24f: {  	v26 =	vld.idx.msk [tilespmem:v26+s14+$0x0], $0xffff  }
0x250: {  	v60 =	vadd.s32 v4, v39;
	v63 =	vadd.s32 v4, v43;
	v59 =	vld [tilespmem:s12+$0x6A90]  }
0x251: {  	v61 =	vand.u32 $0xFFFFFF80, v60;
	v62 =	vld [tilespmem:s12+$0x7290];
	v34 =	vand.u32 $0x7F, v63  }
0x252: {  	v33 =	vand.u32 $0xFFFFFF80, v63;
	v28 =	vand.u32 $0x7F, v60;
	v25 =	vadd.s32 s7, v61  }
0x253: {  	v35 =	vadd.s32 s8, v33;
	v25 =	vor.u32 v28, v25;
	v23 =	vmul.f32 $8.000000000e+00, v23  }
0x254: {  	v27 =	vor.u32 v34, v35;
	v26 =	vmul.f32 $8.000000000e+00, v26  }
0x255: {  	v23 =	vadd.f32 v59, v23  }
0x256: {  	v36 =	vadd.f32 v62, v26  }
0x257: {  	[tilespmem:s12+$0x1A090] =	vst v23  }
0x258: {  	v23 =	vld.idx.msk [tilespmem:v25+s14+$0x0], $0xffff;
	[tilespmem:s12+$0x1A890] =	vst v36  }
0x259: {  	v27 =	vld.idx.msk [tilespmem:v27+s14+$0x0], $0xffff  }
0x25a: {  	v37 =	vld [tilespmem:s12+$0x6AA0];
	v24 =	vadd.s32 v5, v39  }
0x25b: {  	v39 =	vld [tilespmem:s12+$0x72A0];
	v38 =	vand.u32 $0xFFFFFF80, v24;
	v24 =	vand.u32 $0x7F, v24;
	v40 =	vadd.s32 v5, v43  }
0x25c: {  	v29 =	vand.u32 $0xFFFFFF80, v40;
	v41 =	vand.u32 $0x7F, v40;
	v25 =	vadd.s32 s7, v38  }
0x25d: {  	v42 =	vadd.s32 s8, v29;
	v24 =	vor.u32 v24, v25;
	v23 =	vmul.f32 $8.000000000e+00, v23  }
0x25e: {  	v26 =	vor.u32 v41, v42;
	v27 =	vmul.f32 $8.000000000e+00, v27  }
0x25f: {  	v23 =	vadd.f32 v37, v23  }
0x260: {  	v25 =	vadd.f32 v39, v27  }
0x261: {  	[tilespmem:s12+$0x1A0A0] =	vst v23  }
0x262: {  	v47 =	vperm.xlane v21, v17;
	v43 =	vperm.xlane v22, v17;
	v23 =	vld.idx.msk [tilespmem:v24+s14+$0x0], $0xffff;
	[tilespmem:s12+$0x1A8A0] =	vst v25  }
0x263: {  	v26 =	vld.idx.msk [tilespmem:v26+s14+$0x0], $0xffff  }
0x264: {  	v44 =	vld [tilespmem:s12+$0x6AB0];
	v45 =	vadd.s32 v1, v43;
	v49 =	vadd.s32 v1, v47  }
0x265: {  	v48 =	vld [tilespmem:s12+$0x72B0];
	v46 =	vand.u32 $0xFFFFFF80, v45;
	v51 =	vand.u32 $0x7F, v49;
	s7 =	sor.u32 $0x680, s12  }
0x266: {  	s8 =	sor.u32 $0xE80, s12;
	v50 =	vand.u32 $0xFFFFFF80, v49;
	v28 =	vand.u32 $0x7F, v45;
	v25 =	vadd.s32 s7, v46  }
0x267: {  	v52 =	vadd.s32 s8, v50;
	v25 =	vor.u32 v28, v25;
	v23 =	vmul.f32 $8.000000000e+00, v23  }
0x268: {  	v27 =	vor.u32 v51, v52;
	v26 =	vmul.f32 $8.000000000e+00, v26  }
0x269: {  	v23 =	vadd.f32 v44, v23  }
0x26a: {  	v53 =	vadd.f32 v48, v26  }
0x26b: {  	[tilespmem:s12+$0x1A0B0] =	vst v23  }
0x26c: {  	v23 =	vld.idx.msk [tilespmem:v25+s14+$0x0], $0xffff;
	[tilespmem:s12+$0x1A8B0] =	vst v53  }
0x26d: {  	v27 =	vld.idx.msk [tilespmem:v27+s14+$0x0], $0xffff  }
0x26e: {  	v54 =	vld [tilespmem:s12+$0x6B00];
	v55 =	vadd.s32 v3, v43;
	v58 =	vadd.s32 v3, v47  }
0x26f: {  	v57 =	vld [tilespmem:s12+$0x7300];
	v56 =	vand.u32 $0xFFFFFF80, v55;
	v60 =	vand.u32 $0x7F, v58  }
0x270: {  	v59 =	vand.u32 $0xFFFFFF80, v58;
	v28 =	vand.u32 $0x7F, v55;
	v25 =	vadd.s32 s7, v56  }
0x271: {  	v61 =	vadd.s32 s8, v59;
	v25 =	vor.u32 v28, v25;
	v23 =	vmul.f32 $8.000000000e+00, v23  }
0x272: {  	v26 =	vor.u32 v60, v61;
	v27 =	vmul.f32 $8.000000000e+00, v27  }
0x273: {  	v23 =	vadd.f32 v54, v23  }
0x274: {  	v62 =	vadd.f32 v57, v27  }
0x275: {  	[tilespmem:s12+$0x1A100] =	vst v23  }
0x276: {  	v23 =	vld.idx.msk [tilespmem:v25+s14+$0x0], $0xffff;
	[tilespmem:s12+$0x1A900] =	vst v62  }
0x277: {  	v26 =	vld.idx.msk [tilespmem:v26+s14+$0x0], $0xffff  }
0x278: {  	v63 =	vld [tilespmem:s12+$0x6B10];
	v32 =	vadd.s32 v4, v43;
	v35 =	vadd.s32 v4, v47  }
0x279: {  	v33 =	vand.u32 $0xFFFFFF80, v32;
	v34 =	vld [tilespmem:s12+$0x7310];
	v36 =	vand.u32 $0xFFFFFF80, v35  }
0x27a: {  	v38 =	vadd.s32 s8, v36;
	v28 =	vand.u32 $0x7F, v32;
	v25 =	vadd.s32 s7, v33  }
0x27b: {  	v37 =	vand.u32 $0x7F, v35;
	v25 =	vor.u32 v28, v25;
	v23 =	vmul.f32 $8.000000000e+00, v23  }
0x27c: {  	v27 =	vor.u32 v37, v38;
	v26 =	vmul.f32 $8.000000000e+00, v26  }
0x27d: {  	v23 =	vadd.f32 v63, v23  }
0x27e: {  	v39 =	vadd.f32 v34, v26  }
0x27f: {  	[tilespmem:s12+$0x1A110] =	vst v23  }
0x280: {  	v23 =	vld.idx.msk [tilespmem:v25+s14+$0x0], $0xffff;
	[tilespmem:s12+$0x1A910] =	vst v39  }
0x281: {  	v25 =	vld.idx.msk [tilespmem:v27+s14+$0x0], $0xffff  }
0x282: {  	v40 =	vld [tilespmem:s12+$0x6B20];
	v29 =	vadd.s32 v5, v47;
	v24 =	vadd.s32 v5, v43  }
0x283: {  	v42 =	vld [tilespmem:s12+$0x7320];
	v43 =	vand.u32 $0xFFFFFF80, v29;
	v41 =	vand.u32 $0xFFFFFF80, v24  }
0x284: {  	v24 =	vand.u32 $0x7F, v24;
	v45 =	vadd.s32 s8, v43;
	v27 =	vadd.s32 s7, v41  }
0x285: {  	v44 =	vand.u32 $0x7F, v29;
	v24 =	vor.u32 v24, v27;
	v23 =	vmul.f32 $8.000000000e+00, v23  }
0x286: {  	v27 =	vor.u32 v44, v45;
	v25 =	vmul.f32 $8.000000000e+00, v25  }
0x287: {  	v23 =	vadd.f32 v40, v23  }
0x288: {  	v25 =	vadd.f32 v42, v25  }
0x289: {  	[tilespmem:s12+$0x1A120] =	vst v23  }
0x28a: {  	v48 =	vperm.xlane v21, v18;
	v23 =	vperm.xlane v22, v18;
	v24 =	vld.idx.msk [tilespmem:v24+s14+$0x0], $0xffff;
	[tilespmem:s12+$0x1A920] =	vst v25  }
0x28b: {  	v47 =	vld.idx.msk [tilespmem:v27+s14+$0x0], $0xffff  }
0x28c: {  	v49 =	vld [tilespmem:s12+$0x6B30];
	v52 =	vadd.s32 v1, v48;
	v46 =	vadd.s32 v1, v23  }
0x28d: {  	v51 =	vld [tilespmem:s12+$0x7330];
	v53 =	vand.u32 $0xFFFFFF80, v52;
	s7 =	sor.u32 $0x700, s12;
	v50 =	vand.u32 $0xFFFFFF80, v46  }
0x28e: {  	s8 =	sor.u32 $0xF00, s12;
	v31 =	vand.u32 $0x7F, v52;
	v25 =	vand.u32 $0x7F, v46;
	v29 =	vadd.s32 s7, v50  }
0x28f: {  	v25 =	vor.u32 v25, v29;
	v29 =	vadd.s32 s8, v53;
	v24 =	vmul.f32 $8.000000000e+00, v24  }
0x290: {  	v29 =	vor.u32 v31, v29;
	v26 =	vmul.f32 $8.000000000e+00, v47  }
0x291: {  	v24 =	vadd.f32 v49, v24  }
0x292: {  	v26 =	vadd.f32 v51, v26  }
0x293: {  	[tilespmem:s12+$0x1A130] =	vst v24  }
0x294: {  	v24 =	vld.idx.msk [tilespmem:v25+s14+$0x0], $0xffff;
	[tilespmem:s12+$0x1A930] =	vst v26  }
0x295: {  	v26 =	vld.idx.msk [tilespmem:v29+s14+$0x0], $0xffff  }
0x296: {  	v55 =	vld [tilespmem:s12+$0x6B80];
	v58 =	vadd.s32 v3, v48;
	v54 =	vadd.s32 v3, v23  }
0x297: {  	v59 =	vand.u32 $0xFFFFFF80, v58;
	v57 =	vld [tilespmem:s12+$0x7380];
	v56 =	vand.u32 $0xFFFFFF80, v54  }
0x298: {  	v31 =	vand.u32 $0x7F, v58;
	v25 =	vand.u32 $0x7F, v54;
	v29 =	vadd.s32 s7, v56  }
0x299: {  	v25 =	vor.u32 v25, v29;
	v29 =	vadd.s32 s8, v59;
	v24 =	vmul.f32 $8.000000000e+00, v24  }
0x29a: {  	v29 =	vor.u32 v31, v29;
	v26 =	vmul.f32 $8.000000000e+00, v26  }
0x29b: {  	v24 =	vadd.f32 v55, v24  }
0x29c: {  	v26 =	vadd.f32 v57, v26  }
0x29d: {  	[tilespmem:s12+$0x1A180] =	vst v24  }
0x29e: {  	v24 =	vld.idx.msk [tilespmem:v25+s14+$0x0], $0xffff;
	[tilespmem:s12+$0x1A980] =	vst v26  }
0x29f: {  	v26 =	vld.idx.msk [tilespmem:v29+s14+$0x0], $0xffff  }
0x2a0: {  	v61 =	vld [tilespmem:s12+$0x6B90];
	v33 =	vadd.s32 v4, v48;
	v60 =	vadd.s32 v4, v23  }
0x2a1: {  	v63 =	vld [tilespmem:s12+$0x7390];
	v34 =	vand.u32 $0xFFFFFF80, v33;
	v62 =	vand.u32 $0xFFFFFF80, v60  }
0x2a2: {  	v31 =	vand.u32 $0x7F, v33;
	v25 =	vand.u32 $0x7F, v60;
	v29 =	vadd.s32 s7, v62  }
0x2a3: {  	v25 =	vor.u32 v25, v29;
	v29 =	vadd.s32 s8, v34;
	v24 =	vmul.f32 $8.000000000e+00, v24  }
0x2a4: {  	v29 =	vor.u32 v31, v29;
	v26 =	vmul.f32 $8.000000000e+00, v26  }
0x2a5: {  	v24 =	vadd.f32 v61, v24  }
0x2a6: {  	v26 =	vadd.f32 v63, v26  }
0x2a7: {  	[tilespmem:s12+$0x1A190] =	vst v24  }
0x2a8: {  	v24 =	vld.idx.msk [tilespmem:v25+s14+$0x0], $0xffff;
	[tilespmem:s12+$0x1A990] =	vst v26  }
0x2a9: {  	v35 =	vld.idx.msk [tilespmem:v29+s14+$0x0], $0xffff  }
0x2aa: {  	v36 =	vld [tilespmem:s12+$0x6BA0];
	v23 =	vadd.s32 v5, v23  }
0x2ab: {  	v38 =	vld [tilespmem:s12+$0x73A0];
	v27 =	vadd.s32 v5, v48;
	v37 =	vand.u32 $0xFFFFFF80, v23;
	v23 =	vand.u32 $0x7F, v23  }
0x2ac: {  	v39 =	vand.u32 $0xFFFFFF80, v27;
	v27 =	vand.u32 $0x7F, v27;
	v28 =	vadd.s32 s7, v37  }
0x2ad: {  	v23 =	vor.u32 v23, v28;
	v28 =	vadd.s32 s8, v39;
	v24 =	vmul.f32 $8.000000000e+00, v24  }
0x2ae: {  	v27 =	vor.u32 v27, v28;
	v25 =	vmul.f32 $8.000000000e+00, v35  }
0x2af: {  	v24 =	vadd.f32 v36, v24  }
0x2b0: {  	v25 =	vadd.f32 v38, v25  }
0x2b1: {  	[tilespmem:s12+$0x1A1A0] =	vst v24  }
0x2b2: {  	v21 =	vperm.xlane v21, v19;
	v22 =	vperm.xlane v22, v19;
	v23 =	vld.idx.msk [tilespmem:v23+s14+$0x0], $0xffff;
	[tilespmem:s12+$0x1A9A0] =	vst v25  }
0x2b3: {  	v25 =	vld.idx.msk [tilespmem:v27+s14+$0x0], $0xffff  }
0x2b4: {  	v41 =	vld [tilespmem:s12+$0x6BB0];
	v44 =	vadd.s32 v1, v21;
	v40 =	vadd.s32 v1, v22  }
0x2b5: {  	v43 =	vld [tilespmem:s12+$0x73B0];
	v45 =	vand.u32 $0xFFFFFF80, v44;
	v42 =	vand.u32 $0xFFFFFF80, v40;
	s7 =	sor.u32 $0x780, s12  }
0x2b6: {  	s8 =	sor.u32 $0xF80, s12;
	v29 =	vand.u32 $0x7F, v44;
	v24 =	vand.u32 $0x7F, v40;
	v27 =	vadd.s32 s7, v42  }
0x2b7: {  	v24 =	vor.u32 v24, v27;
	v27 =	vadd.s32 s8, v45;
	v23 =	vmul.f32 $8.000000000e+00, v23  }
0x2b8: {  	v27 =	vor.u32 v29, v27;
	v25 =	vmul.f32 $8.000000000e+00, v25  }
0x2b9: {  	v23 =	vadd.f32 v41, v23  }
0x2ba: {  	v25 =	vadd.f32 v43, v25  }
0x2bb: {  	[tilespmem:s12+$0x1A1B0] =	vst v23  }
0x2bc: {  	v23 =	vld.idx.msk [tilespmem:v24+s14+$0x0], $0xffff;
	[tilespmem:s12+$0x1A9B0] =	vst v25  }
0x2bd: {  	v25 =	vld.idx.msk [tilespmem:v27+s14+$0x0], $0xffff  }
0x2be: {  	v46 =	vadd.s32 v3, v22;
	v50 =	vadd.s32 v3, v21;
	v47 =	vld [tilespmem:s12+$0x6C00]  }
0x2bf: {  	v48 =	vand.u32 $0xFFFFFF80, v46;
	v49 =	vld [tilespmem:s12+$0x7400];
	v51 =	vand.u32 $0xFFFFFF80, v50  }
0x2c0: {  	v29 =	vand.u32 $0x7F, v50;
	v24 =	vand.u32 $0x7F, v46;
	v27 =	vadd.s32 s7, v48  }
0x2c1: {  	v24 =	vor.u32 v24, v27;
	v27 =	vadd.s32 s8, v51;
	v23 =	vmul.f32 $8.000000000e+00, v23  }
0x2c2: {  	v27 =	vor.u32 v29, v27;
	v25 =	vmul.f32 $8.000000000e+00, v25  }
0x2c3: {  	v23 =	vadd.f32 v47, v23  }
0x2c4: {  	v25 =	vadd.f32 v49, v25  }
0x2c5: {  	[tilespmem:s12+$0x1A200] =	vst v23  }
0x2c6: {  	v23 =	vld.idx.msk [tilespmem:v24+s14+$0x0], $0xffff;
	[tilespmem:s12+$0x1AA00] =	vst v25  }
0x2c7: {  	v25 =	vld.idx.msk [tilespmem:v27+s14+$0x0], $0xffff  }
0x2c8: {  	v52 =	vadd.s32 v4, v22;
	v53 =	vld [tilespmem:s12+$0x6C10];
	v56 =	vadd.s32 v4, v21  }
0x2c9: {  	v54 =	vand.u32 $0xFFFFFF80, v52;
	v55 =	vld [tilespmem:s12+$0x7410];
	v57 =	vand.u32 $0xFFFFFF80, v56  }
0x2ca: {  	v29 =	vand.u32 $0x7F, v56;
	v24 =	vand.u32 $0x7F, v52;
	v27 =	vadd.s32 s7, v54  }
0x2cb: {  	v24 =	vor.u32 v24, v27;
	v27 =	vadd.s32 s8, v57;
	v23 =	vmul.f32 $8.000000000e+00, v23  }
0x2cc: {  	v27 =	vor.u32 v29, v27;
	v25 =	vmul.f32 $8.000000000e+00, v25  }
0x2cd: {  	v23 =	vadd.f32 v53, v23  }
0x2ce: {  	v25 =	vadd.f32 v55, v25  }
0x2cf: {  	[tilespmem:s12+$0x1A210] =	vst v23  }
0x2d0: {  	v23 =	vld.idx.msk [tilespmem:v24+s14+$0x0], $0xffff;
	[tilespmem:s12+$0x1AA10] =	vst v25  }
0x2d1: {  	v58 =	vld.idx.msk [tilespmem:v27+s14+$0x0], $0xffff  }
0x2d2: {  	v22 =	vadd.s32 v5, v22;
	v59 =	vld [tilespmem:s12+$0x6C20]  }
0x2d3: {  	v21 =	vadd.s32 v5, v21;
	v60 =	vand.u32 $0xFFFFFF80, v22;
	v22 =	vand.u32 $0x7F, v22;
	v61 =	vld [tilespmem:s12+$0x7420]  }
0x2d4: {  	v62 =	vand.u32 $0xFFFFFF80, v21;
	v21 =	vand.u32 $0x7F, v21;
	v26 =	vadd.s32 s7, v60  }
0x2d5: {  	v22 =	vor.u32 v22, v26;
	v26 =	vadd.s32 s8, v62;
	v23 =	vmul.f32 $8.000000000e+00, v23  }
0x2d6: {  	v21 =	vor.u32 v21, v26;
	v24 =	vmul.f32 $8.000000000e+00, v58  }
0x2d7: {  	v23 =	vadd.f32 v59, v23  }
0x2d8: {  	v24 =	vadd.f32 v61, v24  }
0x2d9: {  	[tilespmem:s12+$0x1A220] =	vst v23  }
0x2da: {  	v22 =	vld.idx.msk [tilespmem:v22+s14+$0x0], $0xffff;
	[tilespmem:s12+$0x1AA20] =	vst v24  }
0x2db: {  	v21 =	vld.idx.msk [tilespmem:v21+s14+$0x0], $0xffff  }
0x2dc: {  	v23 =	vld [tilespmem:s12+$0x6C30]  }
0x2dd: {  	v63 =	vld [tilespmem:s12+$0x7430];
	_ =	sdelay $0x1  }
0x2de: {  	p0 =	slt.u32 s10, $0xA;
	v22 =	vmul.f32 $8.000000000e+00, v22  }
.Ltmp2:
0x2df: {  	v21 =	vmul.f32 $8.000000000e+00, v21;
	(pc) =	sbr.rel @p0 .LBB2_7-.Ltmp2, $4  }
0x2e0: {  	v22 =	vadd.f32 v23, v22  }
0x2e1: {  	v21 =	vadd.f32 v63, v21  }
0x2e2: {  	s8 =	sadd.s32 $0x2, s10;
	[tilespmem:s12+$0x1A230] =	vst v22  }
0x2e3: {  	s10 =	smov.u32 s8;
	[tilespmem:s12+$0x1AA30] =	vst v21  }
0x2e4: {  	v20 =	vld [tilespmem:s0+$0xC0];
	_ =	sdelay $0x4  }
0x2e5: {  	v20 =	vshll.u32 v20, $0x6  }
0x2e6: {  	v48 =	vand.u32 $0x40, v20  }
0x2e7: {  	v24 =	vperm.xlane v48, v2  }
0x2e8: {  	v20 =	vor.u32 $0x6000, v1  }
0x2e9: {  	v21 =	vadd.s32 v20, v24;
	_ =	sdelay $0x4  }
0x2ea: {  	v22 =	vld.idx.msk [tilespmem:v21+s14+$0x0], $0xffff;
	_ =	sdelay $0x1  }
0x2eb: {  	v23 =	vld [tilespmem:$0xC480];
	_ =	sdelay $0x1  }
0x2ec: {  	v21 =	vor.u32 $0x6010, v1  }
0x2ed: {  	v25 =	vadd.s32 v21, v24;
	v22 =	vmul.f32 $8.000000000e+00, v22;
	_ =	sdelay $0x1  }
0x2ee: {  	v22 =	vadd.f32 v23, v22;
	_ =	sdelay $0x1  }
0x2ef: {  	[tilespmem:$0x1FA80] =	vst v22  }
0x2f0: {  	v23 =	vld.idx.msk [tilespmem:v25+s14+$0x0], $0xffff;
	_ =	sdelay $0x1  }
0x2f1: {  	v25 =	vld [tilespmem:$0xC490];
	_ =	sdelay $0x1  }
0x2f2: {  	v22 =	vor.u32 $0x6020, v1  }
0x2f3: {  	v26 =	vadd.s32 v22, v24;
	v23 =	vmul.f32 $8.000000000e+00, v23;
	_ =	sdelay $0x1  }
0x2f4: {  	v23 =	vadd.f32 v25, v23;
	_ =	sdelay $0x1  }
0x2f5: {  	[tilespmem:$0x1FA90] =	vst v23  }
0x2f6: {  	v25 =	vld.idx.msk [tilespmem:v26+s14+$0x0], $0xffff;
	_ =	sdelay $0x1  }
0x2f7: {  	v26 =	vld [tilespmem:$0xC4A0];
	_ =	sdelay $0x1  }
0x2f8: {  	v23 =	vor.u32 $0x6030, v1  }
0x2f9: {  	v24 =	vadd.s32 v23, v24;
	v25 =	vmul.f32 $8.000000000e+00, v25;
	_ =	sdelay $0x1  }
0x2fa: {  	v25 =	vadd.f32 v26, v25;
	_ =	sdelay $0x1  }
0x2fb: {  	[tilespmem:$0x1FAA0] =	vst v25  }
0x2fc: {  	v25 =	vld.idx.msk [tilespmem:v24+s14+$0x0], $0xffff;
	_ =	sdelay $0x1  }
0x2fd: {  	v26 =	vld [tilespmem:$0xC4B0]  }
0x2fe: {  	v28 =	vperm.xlane v48, v6  }
0x2ff: {  	v24 =	vor.u32 $0x6080, v1  }
0x300: {  	v27 =	vadd.s32 v24, v28;
	v25 =	vmul.f32 $8.000000000e+00, v25;
	_ =	sdelay $0x1  }
0x301: {  	v25 =	vadd.f32 v26, v25;
	_ =	sdelay $0x1  }
0x302: {  	[tilespmem:$0x1FAB0] =	vst v25  }
0x303: {  	v26 =	vld.idx.msk [tilespmem:v27+s14+$0x0], $0xffff;
	_ =	sdelay $0x1  }
0x304: {  	v27 =	vld [tilespmem:$0xC500];
	_ =	sdelay $0x1  }
0x305: {  	v25 =	vor.u32 $0x6090, v1  }
0x306: {  	v29 =	vadd.s32 v25, v28;
	v26 =	vmul.f32 $8.000000000e+00, v26;
	_ =	sdelay $0x1  }
0x307: {  	v26 =	vadd.f32 v27, v26;
	_ =	sdelay $0x1  }
0x308: {  	[tilespmem:$0x1FB00] =	vst v26  }
0x309: {  	v27 =	vld.idx.msk [tilespmem:v29+s14+$0x0], $0xffff;
	_ =	sdelay $0x1  }
0x30a: {  	v29 =	vld [tilespmem:$0xC510];
	_ =	sdelay $0x1  }
0x30b: {  	v26 =	vor.u32 $0x60A0, v1  }
0x30c: {  	v30 =	vadd.s32 v26, v28;
	v27 =	vmul.f32 $8.000000000e+00, v27;
	_ =	sdelay $0x1  }
0x30d: {  	v27 =	vadd.f32 v29, v27;
	_ =	sdelay $0x1  }
0x30e: {  	[tilespmem:$0x1FB10] =	vst v27  }
0x30f: {  	v29 =	vld.idx.msk [tilespmem:v30+s14+$0x0], $0xffff;
	_ =	sdelay $0x1  }
0x310: {  	v30 =	vld [tilespmem:$0xC520];
	_ =	sdelay $0x1  }
0x311: {  	v27 =	vor.u32 $0x60B0, v1  }
0x312: {  	v28 =	vadd.s32 v27, v28;
	v29 =	vmul.f32 $8.000000000e+00, v29;
	_ =	sdelay $0x1  }
0x313: {  	v29 =	vadd.f32 v30, v29;
	_ =	sdelay $0x1  }
0x314: {  	[tilespmem:$0x1FB20] =	vst v29  }
0x315: {  	v29 =	vld.idx.msk [tilespmem:v28+s14+$0x0], $0xffff;
	_ =	sdelay $0x1  }
0x316: {  	v30 =	vld [tilespmem:$0xC530]  }
0x317: {  	v32 =	vperm.xlane v48, v7  }
0x318: {  	v28 =	vor.u32 $0x6100, v1  }
0x319: {  	v31 =	vadd.s32 v28, v32;
	v29 =	vmul.f32 $8.000000000e+00, v29;
	_ =	sdelay $0x1  }
0x31a: {  	v29 =	vadd.f32 v30, v29;
	_ =	sdelay $0x1  }
0x31b: {  	[tilespmem:$0x1FB30] =	vst v29  }
0x31c: {  	v30 =	vld.idx.msk [tilespmem:v31+s14+$0x0], $0xffff;
	_ =	sdelay $0x1  }
0x31d: {  	v31 =	vld [tilespmem:$0xC580];
	_ =	sdelay $0x1  }
0x31e: {  	v29 =	vor.u32 $0x6110, v1  }
0x31f: {  	v33 =	vadd.s32 v29, v32;
	v30 =	vmul.f32 $8.000000000e+00, v30;
	_ =	sdelay $0x1  }
0x320: {  	v30 =	vadd.f32 v31, v30;
	_ =	sdelay $0x1  }
0x321: {  	[tilespmem:$0x1FB80] =	vst v30  }
0x322: {  	v31 =	vld.idx.msk [tilespmem:v33+s14+$0x0], $0xffff;
	_ =	sdelay $0x1  }
0x323: {  	v51 =	vld [tilespmem:$0xC590];
	_ =	sdelay $0x1  }
0x324: {  	v30 =	vor.u32 $0x6120, v1  }
0x325: {  	v34 =	vadd.s32 v30, v32;
	v31 =	vmul.f32 $8.000000000e+00, v31;
	_ =	sdelay $0x1  }
0x326: {  	v31 =	vadd.f32 v51, v31;
	_ =	sdelay $0x1  }
0x327: {  	[tilespmem:$0x1FB90] =	vst v31  }
0x328: {  	v52 =	vld.idx.msk [tilespmem:v34+s14+$0x0], $0xffff;
	_ =	sdelay $0x1  }
0x329: {  	v53 =	vld [tilespmem:$0xC5A0];
	_ =	sdelay $0x1  }
0x32a: {  	v31 =	vor.u32 $0x6130, v1  }
0x32b: {  	v32 =	vadd.s32 v31, v32;
	v33 =	vmul.f32 $8.000000000e+00, v52;
	_ =	sdelay $0x1  }
0x32c: {  	v33 =	vadd.f32 v53, v33;
	_ =	sdelay $0x1  }
0x32d: {  	[tilespmem:$0x1FBA0] =	vst v33  }
0x32e: {  	v33 =	vld.idx.msk [tilespmem:v32+s14+$0x0], $0xffff;
	_ =	sdelay $0x1  }
0x32f: {  	v54 =	vld [tilespmem:$0xC5B0]  }
0x330: {  	v36 =	vperm.xlane v48, v8  }
0x331: {  	v32 =	vor.u32 $0x6180, v1  }
0x332: {  	v35 =	vadd.s32 v32, v36;
	v33 =	vmul.f32 $8.000000000e+00, v33;
	_ =	sdelay $0x1  }
0x333: {  	v33 =	vadd.f32 v54, v33;
	_ =	sdelay $0x1  }
0x334: {  	[tilespmem:$0x1FBB0] =	vst v33  }
0x335: {  	v55 =	vld.idx.msk [tilespmem:v35+s14+$0x0], $0xffff;
	_ =	sdelay $0x1  }
0x336: {  	v56 =	vld [tilespmem:$0xC600];
	_ =	sdelay $0x1  }
0x337: {  	v33 =	vor.u32 $0x6190, v1  }
0x338: {  	v37 =	vadd.s32 v33, v36;
	v34 =	vmul.f32 $8.000000000e+00, v55;
	_ =	sdelay $0x1  }
0x339: {  	v34 =	vadd.f32 v56, v34;
	_ =	sdelay $0x1  }
0x33a: {  	[tilespmem:$0x1FC00] =	vst v34  }
0x33b: {  	v57 =	vld.idx.msk [tilespmem:v37+s14+$0x0], $0xffff;
	_ =	sdelay $0x1  }
0x33c: {  	v58 =	vld [tilespmem:$0xC610];
	_ =	sdelay $0x1  }
0x33d: {  	v34 =	vor.u32 $0x61A0, v1  }
0x33e: {  	v38 =	vadd.s32 v34, v36;
	v35 =	vmul.f32 $8.000000000e+00, v57;
	_ =	sdelay $0x1  }
0x33f: {  	v35 =	vadd.f32 v58, v35;
	_ =	sdelay $0x1  }
0x340: {  	[tilespmem:$0x1FC10] =	vst v35  }
0x341: {  	v59 =	vld.idx.msk [tilespmem:v38+s14+$0x0], $0xffff;
	_ =	sdelay $0x1  }
0x342: {  	v60 =	vld [tilespmem:$0xC620];
	_ =	sdelay $0x1  }
0x343: {  	v35 =	vor.u32 $0x61B0, v1  }
0x344: {  	v36 =	vadd.s32 v35, v36;
	v37 =	vmul.f32 $8.000000000e+00, v59;
	_ =	sdelay $0x1  }
0x345: {  	v37 =	vadd.f32 v60, v37;
	_ =	sdelay $0x1  }
0x346: {  	[tilespmem:$0x1FC20] =	vst v37  }
0x347: {  	v37 =	vld.idx.msk [tilespmem:v36+s14+$0x0], $0xffff;
	_ =	sdelay $0x1  }
0x348: {  	v61 =	vld [tilespmem:$0xC630]  }
0x349: {  	v40 =	vperm.xlane v48, v9  }
0x34a: {  	v36 =	vor.u32 $0x6200, v1  }
0x34b: {  	v39 =	vadd.s32 v36, v40;
	v37 =	vmul.f32 $8.000000000e+00, v37;
	_ =	sdelay $0x1  }
0x34c: {  	v37 =	vadd.f32 v61, v37;
	_ =	sdelay $0x1  }
0x34d: {  	[tilespmem:$0x1FC30] =	vst v37  }
0x34e: {  	v62 =	vld.idx.msk [tilespmem:v39+s14+$0x0], $0xffff;
	_ =	sdelay $0x1  }
0x34f: {  	v63 =	vld [tilespmem:$0xC680];
	_ =	sdelay $0x1  }
0x350: {  	v37 =	vor.u32 $0x6210, v1  }
0x351: {  	v41 =	vadd.s32 v37, v40;
	v38 =	vmul.f32 $8.000000000e+00, v62;
	_ =	sdelay $0x1  }
0x352: {  	v38 =	vadd.f32 v63, v38;
	_ =	sdelay $0x1  }
0x353: {  	[tilespmem:$0x1FC80] =	vst v38  }
0x354: {  	v44 =	vld.idx.msk [tilespmem:v41+s14+$0x0], $0xffff;
	_ =	sdelay $0x1  }
0x355: {  	v45 =	vld [tilespmem:$0xC690];
	_ =	sdelay $0x1  }
0x356: {  	v38 =	vor.u32 $0x6220, v1  }
0x357: {  	v42 =	vadd.s32 v38, v40;
	v39 =	vmul.f32 $8.000000000e+00, v44;
	_ =	sdelay $0x1  }
0x358: {  	v39 =	vadd.f32 v45, v39;
	_ =	sdelay $0x1  }
0x359: {  	[tilespmem:$0x1FC90] =	vst v39  }
0x35a: {  	v46 =	vld.idx.msk [tilespmem:v42+s14+$0x0], $0xffff;
	_ =	sdelay $0x1  }
0x35b: {  	v47 =	vld [tilespmem:$0xC6A0];
	_ =	sdelay $0x1  }
0x35c: {  	v39 =	vor.u32 $0x6230, v1  }
0x35d: {  	v40 =	vadd.s32 v39, v40;
	v41 =	vmul.f32 $8.000000000e+00, v46;
	_ =	sdelay $0x1  }
0x35e: {  	v41 =	vadd.f32 v47, v41;
	_ =	sdelay $0x1  }
0x35f: {  	[tilespmem:$0x1FCA0] =	vst v41  }
0x360: {  	v41 =	vld.idx.msk [tilespmem:v40+s14+$0x0], $0xffff;
	_ =	sdelay $0x1  }
0x361: {  	v49 =	vld [tilespmem:$0xC6B0]  }
0x362: {  	v44 =	vperm.xlane v48, v10  }
0x363: {  	v40 =	vor.u32 $0x6280, v1  }
0x364: {  	v43 =	vadd.s32 v40, v44;
	v41 =	vmul.f32 $8.000000000e+00, v41;
	_ =	sdelay $0x1  }
0x365: {  	v41 =	vadd.f32 v49, v41;
	_ =	sdelay $0x1  }
0x366: {  	[tilespmem:$0x1FCB0] =	vst v41  }
0x367: {  	v50 =	vld.idx.msk [tilespmem:v43+s14+$0x0], $0xffff;
	_ =	sdelay $0x1  }
0x368: {  	v51 =	vld [tilespmem:$0xC700];
	_ =	sdelay $0x1  }
0x369: {  	v41 =	vor.u32 $0x6290, v1  }
0x36a: {  	v45 =	vadd.s32 v41, v44;
	v42 =	vmul.f32 $8.000000000e+00, v50;
	_ =	sdelay $0x1  }
0x36b: {  	v42 =	vadd.f32 v51, v42;
	_ =	sdelay $0x1  }
0x36c: {  	[tilespmem:$0x1FD00] =	vst v42  }
0x36d: {  	v52 =	vld.idx.msk [tilespmem:v45+s14+$0x0], $0xffff;
	_ =	sdelay $0x1  }
0x36e: {  	v53 =	vld [tilespmem:$0xC710];
	_ =	sdelay $0x1  }
0x36f: {  	v42 =	vor.u32 $0x62A0, v1  }
0x370: {  	v46 =	vadd.s32 v42, v44;
	v43 =	vmul.f32 $8.000000000e+00, v52;
	_ =	sdelay $0x1  }
0x371: {  	v43 =	vadd.f32 v53, v43;
	_ =	sdelay $0x1  }
0x372: {  	[tilespmem:$0x1FD10] =	vst v43  }
0x373: {  	v54 =	vld.idx.msk [tilespmem:v46+s14+$0x0], $0xffff;
	_ =	sdelay $0x1  }
0x374: {  	v55 =	vld [tilespmem:$0xC720];
	_ =	sdelay $0x1  }
0x375: {  	v43 =	vor.u32 $0x62B0, v1  }
0x376: {  	v44 =	vadd.s32 v43, v44;
	v45 =	vmul.f32 $8.000000000e+00, v54;
	_ =	sdelay $0x1  }
0x377: {  	v45 =	vadd.f32 v55, v45;
	_ =	sdelay $0x1  }
0x378: {  	[tilespmem:$0x1FD20] =	vst v45  }
0x379: {  	v45 =	vld.idx.msk [tilespmem:v44+s14+$0x0], $0xffff;
	_ =	sdelay $0x1  }
0x37a: {  	v56 =	vld [tilespmem:$0xC730]  }
0x37b: {  	v49 =	vperm.xlane v48, v0  }
0x37c: {  	v44 =	vor.u32 $0x6300, v1  }
0x37d: {  	v47 =	vadd.s32 v44, v49;
	v45 =	vmul.f32 $8.000000000e+00, v45;
	_ =	sdelay $0x1  }
0x37e: {  	v45 =	vadd.f32 v56, v45;
	_ =	sdelay $0x1  }
0x37f: {  	[tilespmem:$0x1FD30] =	vst v45  }
0x380: {  	v57 =	vld.idx.msk [tilespmem:v47+s14+$0x0], $0xffff;
	_ =	sdelay $0x1  }
0x381: {  	v58 =	vld [tilespmem:$0xC780];
	_ =	sdelay $0x1  }
0x382: {  	v45 =	vor.u32 $0x6310, v1  }
0x383: {  	v50 =	vadd.s32 v45, v49;
	v46 =	vmul.f32 $8.000000000e+00, v57;
	_ =	sdelay $0x1  }
0x384: {  	v46 =	vadd.f32 v58, v46;
	_ =	sdelay $0x1  }
0x385: {  	[tilespmem:$0x1FD80] =	vst v46  }
0x386: {  	v59 =	vld.idx.msk [tilespmem:v50+s14+$0x0], $0xffff;
	_ =	sdelay $0x1  }
0x387: {  	v60 =	vld [tilespmem:$0xC790];
	_ =	sdelay $0x1  }
0x388: {  	v46 =	vor.u32 $0x6320, v1  }
0x389: {  	v51 =	vadd.s32 v46, v49;
	v47 =	vmul.f32 $8.000000000e+00, v59;
	_ =	sdelay $0x1  }
0x38a: {  	v47 =	vadd.f32 v60, v47;
	_ =	sdelay $0x1  }
0x38b: {  	[tilespmem:$0x1FD90] =	vst v47  }
0x38c: {  	v61 =	vld.idx.msk [tilespmem:v51+s14+$0x0], $0xffff;
	_ =	sdelay $0x1  }
0x38d: {  	v62 =	vld [tilespmem:$0xC7A0];
	_ =	sdelay $0x1  }
0x38e: {  	v47 =	vor.u32 $0x6330, v1  }
0x38f: {  	v49 =	vadd.s32 v47, v49;
	v50 =	vmul.f32 $8.000000000e+00, v61;
	_ =	sdelay $0x1  }
0x390: {  	v50 =	vadd.f32 v62, v50;
	_ =	sdelay $0x1  }
0x391: {  	[tilespmem:$0x1FDA0] =	vst v50  }
0x392: {  	v49 =	vld.idx.msk [tilespmem:v49+s14+$0x0], $0xffff;
	_ =	sdelay $0x1  }
0x393: {  	v63 =	vld [tilespmem:$0xC7B0]  }
0x394: {  	v52 =	vperm.xlane v48, v11  }
0x395: {  	v48 =	vor.u32 $0x6380, v1  }
0x396: {  	v56 =	vadd.s32 v48, v52;
	v49 =	vmul.f32 $8.000000000e+00, v49;
	_ =	sdelay $0x1  }
0x397: {  	v49 =	vadd.f32 v63, v49;
	_ =	sdelay $0x1  }
0x398: {  	[tilespmem:$0x1FDB0] =	vst v49  }
0x399: {  	v57 =	vld.idx.msk [tilespmem:v56+s14+$0x0], $0xffff;
	_ =	sdelay $0x1  }
0x39a: {  	v58 =	vld [tilespmem:$0xC800];
	_ =	sdelay $0x1  }
0x39b: {  	v49 =	vor.u32 $0x6390, v1  }
0x39c: {  	v53 =	vadd.s32 v49, v52;
	v50 =	vmul.f32 $8.000000000e+00, v57;
	_ =	sdelay $0x1  }
0x39d: {  	v50 =	vadd.f32 v58, v50;
	_ =	sdelay $0x1  }
0x39e: {  	[tilespmem:$0x1FE00] =	vst v50  }
0x39f: {  	v59 =	vld.idx.msk [tilespmem:v53+s14+$0x0], $0xffff;
	_ =	sdelay $0x1  }
0x3a0: {  	v60 =	vld [tilespmem:$0xC810];
	_ =	sdelay $0x1  }
0x3a1: {  	v50 =	vor.u32 $0x63A0, v1  }
0x3a2: {  	v54 =	vadd.s32 v50, v52;
	v51 =	vmul.f32 $8.000000000e+00, v59;
	_ =	sdelay $0x1  }
0x3a3: {  	v51 =	vadd.f32 v60, v51;
	_ =	sdelay $0x1  }
0x3a4: {  	[tilespmem:$0x1FE10] =	vst v51  }
0x3a5: {  	v61 =	vld.idx.msk [tilespmem:v54+s14+$0x0], $0xffff;
	_ =	sdelay $0x1  }
0x3a6: {  	v62 =	vld [tilespmem:$0xC820];
	_ =	sdelay $0x1  }
0x3a7: {  	v51 =	vor.u32 $0x63B0, v1  }
0x3a8: {  	v52 =	vadd.s32 v51, v52;
	v53 =	vmul.f32 $8.000000000e+00, v61;
	_ =	sdelay $0x1  }
0x3a9: {  	v53 =	vadd.f32 v62, v53;
	_ =	sdelay $0x1  }
0x3aa: {  	[tilespmem:$0x1FE20] =	vst v53  }
0x3ab: {  	v52 =	vld.idx.msk [tilespmem:v52+s14+$0x0], $0xffff;
	_ =	sdelay $0x1  }
0x3ac: {  	v63 =	vld [tilespmem:$0xC830];
	_ =	sdelay $0x2  }
0x3ad: {  	v52 =	vmul.f32 $8.000000000e+00, v52  }
0x3ae: {  	s1 =	sadd.s32 s3, s1  }
0x3af: {  	s1 =	smul.u32 $0xC80, s1;
	v52 =	vadd.f32 v63, v52;
	_ =	sdelay $0x1  }
0x3b0: {  	s1 =	sadd.s32 s6, s1;
	[tilespmem:$0x1FE30] =	vst v52  }
0x3b1: {  	[hbm4b:s1+s2] =	stream.linear.scatter [tilespmem:s23], [sflag:$0x3], $0x6400, $0x38;
	[tilespmem:$0x1FE80] =	vst v63  }
0x3b2: {  	p0 =	seq.s32 s26, $0x3F;
	_ =	swait.ge [sflag:s11], $0x6400  }
.Ltmp3:
0x3b3: {  	[sflag:s11] =	ssyncset.done $0x0;
	(pc) =	sbr.rel @p0 .LBB2_12-.Ltmp3, $4  }
0x3b4: {  	[sflag:s11] =	ssyncadd.s32 $0xFFFF9C00  }
0x3b5: {  	_ =	swait.ge [sflag:s24], $0x6800  }
0x3b6: {  	[sflag:s24] =	ssyncset.done $0x0  }
0x3b7: {  	[sflag:s24] =	ssyncadd.s32 $0xFFFF9800  }
0x3b8: {  	v52 =	vld [tilespmem:s29+$0xFFFFFFD0]  }
0x3b9: {  	v53 =	vld [tilespmem:s29+$0x0]  }
0x3ba: {  	v54 =	vld [tilespmem:s29+$0xFFFFFFF0]  }
0x3bb: {  	v55 =	vld [tilespmem:s29+$0xFFFFFFE0];
	_ =	sdelay $0x1  }
0x3bc: {  	s1 =	simm.s32 $0xC8A0;
	s5 =	sadd.s32 $0x40, s29;
	v56 =	vshra.s32 v52, $0x1  }
0x3bd: {  	v52 =	vld [tilespmem:s5+$0xFFFFFFD0];
	v63 =	vshra.s32 v53, $0x1;
	[tilespmem:s1+$0xFFFFFFE0] =	vst v56  }
0x3be: {  	v53 =	vld [tilespmem:s5+$0x0];
	v57 =	vshra.s32 v54, $0x1;
	[tilespmem:s1+$0x10] =	vst v63  }
0x3bf: {  	s7 =	simm.s32 $0x4;
	v54 =	vld [tilespmem:s5+$0xFFFFFFF0];
	v55 =	vshra.s32 v55, $0x1;
	[tilespmem:s1+$0x0] =	vst v57  }
.LBB2_10:
0x3c0: {  	s7 =	sadd.s32 $0x4, s7  }
0x3c1: {  	v56 =	vld [tilespmem:s5+$0xFFFFFFE0];
	[tilespmem:s1+$0xFFFFFFF0] =	vst v55;
	s1 =	sadd.s32 $0x40, s1;
	p0 =	slt.u32 s7, $0x8  }
.Ltmp4:
0x3c2: {  	(pc) =	sbr.rel @p0 .LBB2_10-.Ltmp4, $4  }
0x3c3: {  	s5 =	sadd.s32 $0x40, s5;
	v55 =	vshra.s32 v52, $0x1  }
0x3c4: {  	v52 =	vld [tilespmem:s5+$0xFFFFFFD0];
	[tilespmem:s1+$0xFFFFFFE0] =	vst v55;
	v55 =	vshra.s32 v53, $0x1  }
0x3c5: {  	v53 =	vld [tilespmem:s5+$0x0];
	v57 =	vshra.s32 v54, $0x1;
	[tilespmem:s1+$0x10] =	vst v55  }
0x3c6: {  	v54 =	vld [tilespmem:s5+$0xFFFFFFF0];
	v55 =	vshra.s32 v56, $0x1;
	[tilespmem:s1+$0x0] =	vst v57  }
0x3c7: {  	v56 =	vld [tilespmem:s5+$0xFFFFFFE0];
	_ =	sdelay $0x1  }
0x3c8: {  	[tilespmem:s1+$0xFFFFFFF0] =	vst v55;
	s12 =	sadd.s32 $0x40, s1;
	v52 =	vshra.s32 v52, $0x1  }
0x3c9: {  	[tilespmem:s12+$0xFFFFFFE0] =	vst v52;
	v61 =	vshra.s32 v53, $0x1  }
0x3ca: {  	v62 =	vshra.s32 v54, $0x1;
	[tilespmem:s12+$0x10] =	vst v61  }
0x3cb: {  	v63 =	vshra.s32 v56, $0x1;
	[tilespmem:s12+$0x0] =	vst v62  }
0x3cc: {  	[tilespmem:s12+$0xFFFFFFF0] =	vst v63  }
0x3cd: {  	v52 =	vld [tilespmem:s0+$0x250];
	_ =	sdelay $0x4  }
0x3ce: {  	v52 =	vshra.s32 v52, $0x1  }
0x3cf: {  	vm0 =	vgt.s32 v52, $0x0  }
0x3d0: {  	v52 =	vnsel vm0, $0x0, v52  }
0x3d1: {  	v52 =	vmin.u32 v52, $0x7A11F  }
0x3d2: {  	[tilespmem:$0xC940] =	vst v52  }
0x3d3: {  	[tilespmem:s14], [sflag:$0x1] =	stream.indirect.gather [hbm4b:s4+s9], $0x80, s13, s9, $0xb8;
	[tilespmem:$0x1FE80] =	vst v63  }
0x3d4: {  	_ = 	snop  }
0x3d5: {  	[tilespmem:s17], [sflag:$0x1] =	stream.indirect.gather [hbm4b:s4+s15], $0x80, s16, s15, $0xb8;
	[tilespmem:$0x1FE80] =	vst v63  }
.LBB2_12:
0x3d6: {  	v52 =	vmov s31;
	_ =	sdelay $0x2  }
0x3d7: {  	s0 =	simm.s32 $0x0  }
.LBB2_13:
0x3d8: {  	s1 =	sshll.u32 s0, $0x4  }
0x3d9: {  	v53 =	vld.idx.msk [tilespmem:v52+s1+$0x0 ss:$0x1], $0xffff;
	_ =	sdelay $0x1  }
0x3da: {  	s5 =	sor.u32 $0x10, s1  }
0x3db: {  	v55 =	vld.idx.msk [tilespmem:v52+s5+$0x0 ss:$0x1], $0xffff;
	_ =	sdelay $0x1  }
0x3dc: {  	v53 =	vshll.u32 v53, $0x6  }
0x3dd: {  	v54 =	vand.u32 $0x40, v53  }
0x3de: {  	v56 =	vperm.xlane v54, v2  }
0x3df: {  	v59 =	vshll.u32 v55, $0x6  }
0x3e0: {  	v53 =	vand.u32 $0x40, v59;
	v60 =	vadd.s32 v1, v56  }
0x3e1: {  	s1 =	sshll.u32 s0, $0xB;
	v58 =	vperm.xlane v53, v2;
	v57 =	vand.u32 $0xFFFFFF80, v60  }
0x3e2: {  	v55 =	vand.u32 $0x7F, v60;
	v57 =	vadd.s32 s1, v57  }
0x3e3: {  	v61 =	vadd.s32 v1, v58;
	v55 =	vor.u32 v55, v57  }
0x3e4: {  	s5 =	sshll.u32 s5, $0x7;
	v59 =	vand.u32 $0xFFFFFF80, v61  }
0x3e5: {  	v57 =	vand.u32 $0x7F, v61;
	v59 =	vadd.s32 s5, v59  }
0x3e6: {  	v57 =	vor.u32 v57, v59;
	_ =	sdelay $0x1  }
0x3e7: {  	v55 =	vld.idx.msk [tilespmem:v55+s20+$0x0], $0xffff;
	_ =	sdelay $0x1  }
0x3e8: {  	v60 =	vadd.s32 v3, v56;
	v59 =	vld [tilespmem:s1+$0x6480]  }
0x3e9: {  	v61 =	vand.u32 $0xFFFFFF80, v60;
	v57 =	vld.idx.msk [tilespmem:v57+s20+$0x0], $0xffff  }
0x3ea: {  	v60 =	vand.u32 $0x7F, v60;
	v61 =	vadd.s32 s1, v61  }
0x3eb: {  	v62 =	vadd.s32 v3, v58;
	v60 =	vor.u32 v60, v61;
	v61 =	vld [tilespmem:s5+$0x6480];
	v55 =	vmul.f32 $8.000000000e+00, v55  }
0x3ec: {  	v63 =	vand.u32 $0xFFFFFF80, v62  }
0x3ed: {  	v55 =	vadd.f32 v59, v55;
	v59 =	vand.u32 $0x7F, v62;
	v62 =	vadd.s32 s5, v63  }
0x3ee: {  	v57 =	vmul.f32 $8.000000000e+00, v57;
	v59 =	vor.u32 v59, v62  }
0x3ef: {  	[tilespmem:s1+$0x19A80] =	vst v55  }
0x3f0: {  	v57 =	vadd.f32 v61, v57;
	v55 =	vld.idx.msk [tilespmem:v60+s20+$0x0], $0xffff;
	_ =	sdelay $0x1  }
0x3f1: {  	v61 =	vadd.s32 v4, v56;
	v60 =	vld [tilespmem:s1+$0x6490];
	[tilespmem:s5+$0x19A80] =	vst v57  }
0x3f2: {  	v57 =	vand.u32 $0xFFFFFF80, v61;
	v59 =	vld.idx.msk [tilespmem:v59+s20+$0x0], $0xffff  }
0x3f3: {  	v61 =	vand.u32 $0x7F, v61;
	v57 =	vadd.s32 s1, v57  }
0x3f4: {  	v62 =	vadd.s32 v4, v58;
	v57 =	vor.u32 v61, v57;
	v61 =	vld [tilespmem:s5+$0x6490];
	v55 =	vmul.f32 $8.000000000e+00, v55  }
0x3f5: {  	v63 =	vand.u32 $0xFFFFFF80, v62  }
0x3f6: {  	v55 =	vadd.f32 v60, v55;
	v60 =	vand.u32 $0x7F, v62;
	v62 =	vadd.s32 s5, v63  }
0x3f7: {  	v59 =	vmul.f32 $8.000000000e+00, v59;
	v60 =	vor.u32 v60, v62  }
0x3f8: {  	[tilespmem:s1+$0x19A90] =	vst v55  }
0x3f9: {  	v55 =	vld.idx.msk [tilespmem:v57+s20+$0x0], $0xffff;
	v62 =	vadd.f32 v61, v59;
	_ =	sdelay $0x1  }
0x3fa: {  	v56 =	vadd.s32 v5, v56;
	v59 =	vld [tilespmem:s1+$0x64A0];
	[tilespmem:s5+$0x19A90] =	vst v62  }
0x3fb: {  	v57 =	vand.u32 $0xFFFFFF80, v56;
	v60 =	vld.idx.msk [tilespmem:v60+s20+$0x0], $0xffff  }
0x3fc: {  	v56 =	vand.u32 $0x7F, v56;
	v57 =	vadd.s32 s1, v57  }
0x3fd: {  	v58 =	vadd.s32 v5, v58;
	v56 =	vor.u32 v56, v57;
	v57 =	vld [tilespmem:s5+$0x64A0];
	v55 =	vmul.f32 $8.000000000e+00, v55  }
0x3fe: {  	v61 =	vand.u32 $0xFFFFFF80, v58  }
0x3ff: {  	v58 =	vand.u32 $0x7F, v58;
	v55 =	vadd.f32 v59, v55;
	v59 =	vadd.s32 s5, v61  }
0x400: {  	v60 =	vmul.f32 $8.000000000e+00, v60;
	v58 =	vor.u32 v58, v59  }
0x401: {  	[tilespmem:s1+$0x19AA0] =	vst v55  }
0x402: {  	v55 =	vld.idx.msk [tilespmem:v56+s20+$0x0], $0xffff;
	v56 =	vperm.xlane v54, v6;
	v57 =	vadd.f32 v57, v60;
	_ =	sdelay $0x1  }
0x403: {  	v59 =	vld [tilespmem:s1+$0x64B0];
	v60 =	vadd.s32 v1, v56;
	[tilespmem:s5+$0x19AA0] =	vst v57  }
0x404: {  	s7 =	sor.u32 $0x80, s1;
	v61 =	vperm.xlane v53, v6;
	v57 =	vand.u32 $0xFFFFFF80, v60;
	v58 =	vld.idx.msk [tilespmem:v58+s20+$0x0], $0xffff  }
0x405: {  	v60 =	vand.u32 $0x7F, v60;
	v57 =	vadd.s32 s7, v57  }
0x406: {  	v62 =	vadd.s32 v1, v61;
	v55 =	vmul.f32 $8.000000000e+00, v55;
	v57 =	vor.u32 v60, v57;
	v60 =	vld [tilespmem:s5+$0x64B0]  }
0x407: {  	s8 =	sor.u32 $0x880, s1;
	v63 =	vand.u32 $0xFFFFFF80, v62  }
0x408: {  	v55 =	vadd.f32 v59, v55;
	v59 =	vand.u32 $0x7F, v62;
	v62 =	vadd.s32 s8, v63  }
0x409: {  	v58 =	vmul.f32 $8.000000000e+00, v58;
	v59 =	vor.u32 v59, v62  }
0x40a: {  	[tilespmem:s1+$0x19AB0] =	vst v55  }
0x40b: {  	v55 =	vld.idx.msk [tilespmem:v57+s20+$0x0], $0xffff;
	v63 =	vadd.f32 v60, v58;
	_ =	sdelay $0x1  }
0x40c: {  	v57 =	vld [tilespmem:s1+$0x6500];
	v58 =	vadd.s32 v3, v56;
	[tilespmem:s5+$0x19AB0] =	vst v63  }
0x40d: {  	v60 =	vand.u32 $0xFFFFFF80, v58;
	v59 =	vld.idx.msk [tilespmem:v59+s20+$0x0], $0xffff  }
0x40e: {  	v58 =	vand.u32 $0x7F, v58;
	v60 =	vadd.s32 s7, v60  }
0x40f: {  	v62 =	vadd.s32 v3, v61;
	v58 =	vor.u32 v58, v60;
	v60 =	vld [tilespmem:s1+$0x6D00];
	v55 =	vmul.f32 $8.000000000e+00, v55  }
0x410: {  	v63 =	vand.u32 $0xFFFFFF80, v62  }
0x411: {  	v55 =	vadd.f32 v57, v55;
	v57 =	vand.u32 $0x7F, v62;
	v62 =	vadd.s32 s8, v63  }
0x412: {  	v59 =	vmul.f32 $8.000000000e+00, v59;
	v57 =	vor.u32 v57, v62  }
0x413: {  	[tilespmem:s1+$0x19B00] =	vst v55  }
0x414: {  	v55 =	vld.idx.msk [tilespmem:v58+s20+$0x0], $0xffff;
	v58 =	vadd.f32 v60, v59;
	_ =	sdelay $0x1  }
0x415: {  	v59 =	vld [tilespmem:s1+$0x6510];
	v60 =	vadd.s32 v4, v56;
	[tilespmem:s1+$0x1A300] =	vst v58  }
0x416: {  	v58 =	vand.u32 $0xFFFFFF80, v60;
	v57 =	vld.idx.msk [tilespmem:v57+s20+$0x0], $0xffff  }
0x417: {  	v60 =	vand.u32 $0x7F, v60;
	v58 =	vadd.s32 s7, v58  }
0x418: {  	v62 =	vadd.s32 v4, v61;
	v58 =	vor.u32 v60, v58;
	v60 =	vld [tilespmem:s1+$0x6D10];
	v55 =	vmul.f32 $8.000000000e+00, v55  }
0x419: {  	v63 =	vand.u32 $0xFFFFFF80, v62  }
0x41a: {  	v55 =	vadd.f32 v59, v55;
	v59 =	vand.u32 $0x7F, v62;
	v62 =	vadd.s32 s8, v63  }
0x41b: {  	v57 =	vmul.f32 $8.000000000e+00, v57;
	v59 =	vor.u32 v59, v62  }
0x41c: {  	[tilespmem:s1+$0x19B10] =	vst v55  }
0x41d: {  	v55 =	vld.idx.msk [tilespmem:v58+s20+$0x0], $0xffff;
	v57 =	vadd.f32 v60, v57;
	_ =	sdelay $0x1  }
0x41e: {  	v56 =	vadd.s32 v5, v56;
	v58 =	vld [tilespmem:s1+$0x6520];
	[tilespmem:s1+$0x1A310] =	vst v57  }
0x41f: {  	v60 =	vand.u32 $0xFFFFFF80, v56;
	v59 =	vld.idx.msk [tilespmem:v59+s20+$0x0], $0xffff  }
0x420: {  	v56 =	vand.u32 $0x7F, v56;
	v57 =	vadd.s32 s7, v60  }
0x421: {  	v60 =	vadd.s32 v5, v61;
	v56 =	vor.u32 v56, v57;
	v57 =	vld [tilespmem:s1+$0x6D20];
	v55 =	vmul.f32 $8.000000000e+00, v55  }
0x422: {  	v61 =	vand.u32 $0xFFFFFF80, v60  }
0x423: {  	v55 =	vadd.f32 v58, v55;
	v58 =	vand.u32 $0x7F, v60;
	v60 =	vadd.s32 s8, v61  }
0x424: {  	v59 =	vmul.f32 $8.000000000e+00, v59;
	v58 =	vor.u32 v58, v60  }
0x425: {  	[tilespmem:s1+$0x19B20] =	vst v55  }
0x426: {  	v55 =	vld.idx.msk [tilespmem:v56+s20+$0x0], $0xffff;
	v56 =	vperm.xlane v54, v7;
	v57 =	vadd.f32 v57, v59;
	_ =	sdelay $0x1  }
0x427: {  	v59 =	vld [tilespmem:s1+$0x6530];
	v60 =	vadd.s32 v1, v56;
	[tilespmem:s1+$0x1A320] =	vst v57  }
0x428: {  	s10 =	sor.u32 $0x100, s1;
	v61 =	vperm.xlane v53, v7;
	v57 =	vand.u32 $0xFFFFFF80, v60;
	v58 =	vld.idx.msk [tilespmem:v58+s20+$0x0], $0xffff  }
0x429: {  	v60 =	vand.u32 $0x7F, v60;
	v57 =	vadd.s32 s10, v57  }
0x42a: {  	v62 =	vadd.s32 v1, v61;
	v55 =	vmul.f32 $8.000000000e+00, v55;
	v57 =	vor.u32 v60, v57;
	v60 =	vld [tilespmem:s1+$0x6D30]  }
0x42b: {  	s12 =	sor.u32 $0x900, s1;
	v63 =	vand.u32 $0xFFFFFF80, v62  }
0x42c: {  	v55 =	vadd.f32 v59, v55;
	v59 =	vand.u32 $0x7F, v62;
	v62 =	vadd.s32 s12, v63  }
0x42d: {  	v58 =	vmul.f32 $8.000000000e+00, v58;
	v59 =	vor.u32 v59, v62  }
0x42e: {  	[tilespmem:s1+$0x19B30] =	vst v55  }
0x42f: {  	v55 =	vld.idx.msk [tilespmem:v57+s20+$0x0], $0xffff;
	v57 =	vadd.f32 v60, v58;
	_ =	sdelay $0x1  }
0x430: {  	v58 =	vld [tilespmem:s1+$0x6580];
	v60 =	vadd.s32 v3, v56;
	[tilespmem:s1+$0x1A330] =	vst v57  }
0x431: {  	v57 =	vand.u32 $0xFFFFFF80, v60;
	v59 =	vld.idx.msk [tilespmem:v59+s20+$0x0], $0xffff  }
0x432: {  	v60 =	vand.u32 $0x7F, v60;
	v57 =	vadd.s32 s10, v57  }
0x433: {  	v62 =	vadd.s32 v3, v61;
	v57 =	vor.u32 v60, v57;
	v60 =	vld [tilespmem:s1+$0x6D80];
	v55 =	vmul.f32 $8.000000000e+00, v55  }
0x434: {  	v63 =	vand.u32 $0xFFFFFF80, v62  }
0x435: {  	v55 =	vadd.f32 v58, v55;
	v58 =	vand.u32 $0x7F, v62;
	v62 =	vadd.s32 s12, v63  }
0x436: {  	v59 =	vmul.f32 $8.000000000e+00, v59;
	v58 =	vor.u32 v58, v62  }
0x437: {  	[tilespmem:s1+$0x19B80] =	vst v55  }
0x438: {  	v55 =	vld.idx.msk [tilespmem:v57+s20+$0x0], $0xffff;
	v57 =	vadd.f32 v60, v59;
	_ =	sdelay $0x1  }
0x439: {  	v59 =	vld [tilespmem:s1+$0x6590];
	v60 =	vadd.s32 v4, v56;
	[tilespmem:s1+$0x1A380] =	vst v57  }
0x43a: {  	v57 =	vand.u32 $0xFFFFFF80, v60;
	v58 =	vld.idx.msk [tilespmem:v58+s20+$0x0], $0xffff  }
0x43b: {  	v60 =	vand.u32 $0x7F, v60;
	v57 =	vadd.s32 s10, v57  }
0x43c: {  	v62 =	vadd.s32 v4, v61;
	v57 =	vor.u32 v60, v57;
	v60 =	vld [tilespmem:s1+$0x6D90];
	v55 =	vmul.f32 $8.000000000e+00, v55  }
0x43d: {  	v63 =	vand.u32 $0xFFFFFF80, v62  }
0x43e: {  	v55 =	vadd.f32 v59, v55;
	v59 =	vand.u32 $0x7F, v62;
	v62 =	vadd.s32 s12, v63  }
0x43f: {  	v58 =	vmul.f32 $8.000000000e+00, v58;
	v59 =	vor.u32 v59, v62  }
0x440: {  	[tilespmem:s1+$0x19B90] =	vst v55  }
0x441: {  	v55 =	vld.idx.msk [tilespmem:v57+s20+$0x0], $0xffff;
	v62 =	vadd.f32 v60, v58;
	_ =	sdelay $0x1  }
0x442: {  	v56 =	vadd.s32 v5, v56;
	v58 =	vld [tilespmem:s1+$0x65A0];
	[tilespmem:s1+$0x1A390] =	vst v62  }
0x443: {  	v63 =	vand.u32 $0xFFFFFF80, v56;
	v59 =	vld.idx.msk [tilespmem:v59+s20+$0x0], $0xffff  }
0x444: {  	v56 =	vand.u32 $0x7F, v56;
	v57 =	vadd.s32 s10, v63  }
0x445: {  	v60 =	vadd.s32 v5, v61;
	v56 =	vor.u32 v56, v57;
	v57 =	vld [tilespmem:s1+$0x6DA0];
	v55 =	vmul.f32 $8.000000000e+00, v55  }
0x446: {  	v61 =	vand.u32 $0xFFFFFF80, v60  }
0x447: {  	v55 =	vadd.f32 v58, v55;
	v58 =	vand.u32 $0x7F, v60;
	v60 =	vadd.s32 s12, v61  }
0x448: {  	v59 =	vmul.f32 $8.000000000e+00, v59;
	v58 =	vor.u32 v58, v60  }
0x449: {  	[tilespmem:s1+$0x19BA0] =	vst v55  }
0x44a: {  	v55 =	vld.idx.msk [tilespmem:v56+s20+$0x0], $0xffff;
	v56 =	vperm.xlane v54, v8;
	v57 =	vadd.f32 v57, v59;
	_ =	sdelay $0x1  }
0x44b: {  	v59 =	vld [tilespmem:s1+$0x65B0];
	v60 =	vadd.s32 v1, v56;
	[tilespmem:s1+$0x1A3A0] =	vst v57  }
0x44c: {  	s7 =	sor.u32 $0x180, s1;
	v61 =	vperm.xlane v53, v8;
	v57 =	vand.u32 $0xFFFFFF80, v60;
	v58 =	vld.idx.msk [tilespmem:v58+s20+$0x0], $0xffff  }
0x44d: {  	v60 =	vand.u32 $0x7F, v60;
	v57 =	vadd.s32 s7, v57  }
0x44e: {  	v62 =	vadd.s32 v1, v61;
	v55 =	vmul.f32 $8.000000000e+00, v55;
	v57 =	vor.u32 v60, v57;
	v60 =	vld [tilespmem:s1+$0x6DB0]  }
0x44f: {  	s8 =	sor.u32 $0x980, s1;
	v63 =	vand.u32 $0xFFFFFF80, v62  }
0x450: {  	v55 =	vadd.f32 v59, v55;
	v59 =	vand.u32 $0x7F, v62;
	v62 =	vadd.s32 s8, v63  }
0x451: {  	v58 =	vmul.f32 $8.000000000e+00, v58;
	v59 =	vor.u32 v59, v62  }
0x452: {  	[tilespmem:s1+$0x19BB0] =	vst v55  }
0x453: {  	v55 =	vld.idx.msk [tilespmem:v57+s20+$0x0], $0xffff;
	v57 =	vadd.f32 v60, v58;
	_ =	sdelay $0x1  }
0x454: {  	v58 =	vld [tilespmem:s1+$0x6600];
	v60 =	vadd.s32 v3, v56;
	[tilespmem:s1+$0x1A3B0] =	vst v57  }
0x455: {  	v57 =	vand.u32 $0xFFFFFF80, v60;
	v59 =	vld.idx.msk [tilespmem:v59+s20+$0x0], $0xffff  }
0x456: {  	v60 =	vand.u32 $0x7F, v60;
	v57 =	vadd.s32 s7, v57  }
0x457: {  	v62 =	vadd.s32 v3, v61;
	v57 =	vor.u32 v60, v57;
	v60 =	vld [tilespmem:s1+$0x6E00];
	v55 =	vmul.f32 $8.000000000e+00, v55  }
0x458: {  	v63 =	vand.u32 $0xFFFFFF80, v62  }
0x459: {  	v55 =	vadd.f32 v58, v55;
	v58 =	vand.u32 $0x7F, v62;
	v62 =	vadd.s32 s8, v63  }
0x45a: {  	v59 =	vmul.f32 $8.000000000e+00, v59;
	v58 =	vor.u32 v58, v62  }
0x45b: {  	[tilespmem:s1+$0x19C00] =	vst v55  }
0x45c: {  	v55 =	vld.idx.msk [tilespmem:v57+s20+$0x0], $0xffff;
	v57 =	vadd.f32 v60, v59;
	_ =	sdelay $0x1  }
0x45d: {  	v59 =	vld [tilespmem:s1+$0x6610];
	v60 =	vadd.s32 v4, v56;
	[tilespmem:s1+$0x1A400] =	vst v57  }
0x45e: {  	v57 =	vand.u32 $0xFFFFFF80, v60;
	v58 =	vld.idx.msk [tilespmem:v58+s20+$0x0], $0xffff  }
0x45f: {  	v60 =	vand.u32 $0x7F, v60;
	v57 =	vadd.s32 s7, v57  }
0x460: {  	v62 =	vadd.s32 v4, v61;
	v57 =	vor.u32 v60, v57;
	v60 =	vld [tilespmem:s1+$0x6E10];
	v55 =	vmul.f32 $8.000000000e+00, v55  }
0x461: {  	v63 =	vand.u32 $0xFFFFFF80, v62  }
0x462: {  	v55 =	vadd.f32 v59, v55;
	v59 =	vand.u32 $0x7F, v62;
	v62 =	vadd.s32 s8, v63  }
0x463: {  	v58 =	vmul.f32 $8.000000000e+00, v58;
	v59 =	vor.u32 v59, v62  }
0x464: {  	[tilespmem:s1+$0x19C10] =	vst v55  }
0x465: {  	v55 =	vld.idx.msk [tilespmem:v57+s20+$0x0], $0xffff;
	v60 =	vadd.f32 v60, v58;
	_ =	sdelay $0x1  }
0x466: {  	v56 =	vadd.s32 v5, v56;
	v58 =	vld [tilespmem:s1+$0x6620];
	[tilespmem:s1+$0x1A410] =	vst v60  }
0x467: {  	v62 =	vand.u32 $0xFFFFFF80, v56;
	v59 =	vld.idx.msk [tilespmem:v59+s20+$0x0], $0xffff  }
0x468: {  	v56 =	vand.u32 $0x7F, v56;
	v57 =	vadd.s32 s7, v62  }
0x469: {  	v56 =	vor.u32 v56, v57;
	v57 =	vld [tilespmem:s1+$0x6E20];
	v60 =	vadd.s32 v5, v61;
	v55 =	vmul.f32 $8.000000000e+00, v55  }
0x46a: {  	v61 =	vand.u32 $0xFFFFFF80, v60  }
0x46b: {  	v55 =	vadd.f32 v58, v55;
	v58 =	vand.u32 $0x7F, v60;
	v60 =	vadd.s32 s8, v61  }
0x46c: {  	v59 =	vmul.f32 $8.000000000e+00, v59;
	v58 =	vor.u32 v58, v60  }
0x46d: {  	[tilespmem:s1+$0x19C20] =	vst v55  }
0x46e: {  	v55 =	vld.idx.msk [tilespmem:v56+s20+$0x0], $0xffff;
	v56 =	vperm.xlane v54, v9;
	v57 =	vadd.f32 v57, v59;
	_ =	sdelay $0x1  }
0x46f: {  	v59 =	vld [tilespmem:s1+$0x6630];
	v60 =	vadd.s32 v1, v56;
	[tilespmem:s1+$0x1A420] =	vst v57  }
0x470: {  	s10 =	sor.u32 $0x200, s1;
	v61 =	vperm.xlane v53, v9;
	v57 =	vand.u32 $0xFFFFFF80, v60;
	v58 =	vld.idx.msk [tilespmem:v58+s20+$0x0], $0xffff  }
0x471: {  	v60 =	vand.u32 $0x7F, v60;
	v57 =	vadd.s32 s10, v57  }
0x472: {  	v62 =	vadd.s32 v1, v61;
	v55 =	vmul.f32 $8.000000000e+00, v55;
	v57 =	vor.u32 v60, v57;
	v60 =	vld [tilespmem:s1+$0x6E30]  }
0x473: {  	s12 =	sor.u32 $0xA00, s1;
	v63 =	vand.u32 $0xFFFFFF80, v62  }
0x474: {  	v55 =	vadd.f32 v59, v55;
	v59 =	vand.u32 $0x7F, v62;
	v62 =	vadd.s32 s12, v63  }
0x475: {  	v58 =	vmul.f32 $8.000000000e+00, v58;
	v59 =	vor.u32 v59, v62  }
0x476: {  	[tilespmem:s1+$0x19C30] =	vst v55  }
0x477: {  	v55 =	vld.idx.msk [tilespmem:v57+s20+$0x0], $0xffff;
	v57 =	vadd.f32 v60, v58;
	_ =	sdelay $0x1  }
0x478: {  	v58 =	vld [tilespmem:s1+$0x6680];
	v60 =	vadd.s32 v3, v56;
	[tilespmem:s1+$0x1A430] =	vst v57  }
0x479: {  	v57 =	vand.u32 $0xFFFFFF80, v60;
	v59 =	vld.idx.msk [tilespmem:v59+s20+$0x0], $0xffff  }
0x47a: {  	v60 =	vand.u32 $0x7F, v60;
	v57 =	vadd.s32 s10, v57  }
0x47b: {  	v62 =	vadd.s32 v3, v61;
	v57 =	vor.u32 v60, v57;
	v60 =	vld [tilespmem:s1+$0x6E80];
	v55 =	vmul.f32 $8.000000000e+00, v55  }
0x47c: {  	v63 =	vand.u32 $0xFFFFFF80, v62  }
0x47d: {  	v55 =	vadd.f32 v58, v55;
	v58 =	vand.u32 $0x7F, v62;
	v62 =	vadd.s32 s12, v63  }
0x47e: {  	v59 =	vmul.f32 $8.000000000e+00, v59;
	v58 =	vor.u32 v58, v62  }
0x47f: {  	[tilespmem:s1+$0x19C80] =	vst v55  }
0x480: {  	v55 =	vld.idx.msk [tilespmem:v57+s20+$0x0], $0xffff;
	v57 =	vadd.f32 v60, v59;
	_ =	sdelay $0x1  }
0x481: {  	v59 =	vld [tilespmem:s1+$0x6690];
	v60 =	vadd.s32 v4, v56;
	[tilespmem:s1+$0x1A480] =	vst v57  }
0x482: {  	v57 =	vand.u32 $0xFFFFFF80, v60;
	v58 =	vld.idx.msk [tilespmem:v58+s20+$0x0], $0xffff  }
0x483: {  	v60 =	vand.u32 $0x7F, v60;
	v57 =	vadd.s32 s10, v57  }
0x484: {  	v62 =	vadd.s32 v4, v61;
	v57 =	vor.u32 v60, v57;
	v60 =	vld [tilespmem:s1+$0x6E90];
	v55 =	vmul.f32 $8.000000000e+00, v55  }
0x485: {  	v63 =	vand.u32 $0xFFFFFF80, v62  }
0x486: {  	v55 =	vadd.f32 v59, v55;
	v59 =	vand.u32 $0x7F, v62;
	v62 =	vadd.s32 s12, v63  }
0x487: {  	v58 =	vmul.f32 $8.000000000e+00, v58;
	v59 =	vor.u32 v59, v62  }
0x488: {  	[tilespmem:s1+$0x19C90] =	vst v55  }
0x489: {  	v55 =	vld.idx.msk [tilespmem:v57+s20+$0x0], $0xffff;
	v63 =	vadd.f32 v60, v58;
	_ =	sdelay $0x1  }
0x48a: {  	v56 =	vadd.s32 v5, v56;
	v58 =	vld [tilespmem:s1+$0x66A0];
	[tilespmem:s1+$0x1A490] =	vst v63  }
0x48b: {  	v60 =	vand.u32 $0xFFFFFF80, v56;
	v59 =	vld.idx.msk [tilespmem:v59+s20+$0x0], $0xffff  }
0x48c: {  	v56 =	vand.u32 $0x7F, v56;
	v57 =	vadd.s32 s10, v60  }
0x48d: {  	v60 =	vadd.s32 v5, v61;
	v56 =	vor.u32 v56, v57;
	v57 =	vld [tilespmem:s1+$0x6EA0];
	v55 =	vmul.f32 $8.000000000e+00, v55  }
0x48e: {  	v61 =	vand.u32 $0xFFFFFF80, v60  }
0x48f: {  	v55 =	vadd.f32 v58, v55;
	v58 =	vand.u32 $0x7F, v60;
	v60 =	vadd.s32 s12, v61  }
0x490: {  	v59 =	vmul.f32 $8.000000000e+00, v59;
	v58 =	vor.u32 v58, v60  }
0x491: {  	[tilespmem:s1+$0x19CA0] =	vst v55  }
0x492: {  	v55 =	vld.idx.msk [tilespmem:v56+s20+$0x0], $0xffff;
	v56 =	vperm.xlane v54, v10;
	v57 =	vadd.f32 v57, v59;
	_ =	sdelay $0x1  }
0x493: {  	v59 =	vld [tilespmem:s1+$0x66B0];
	v60 =	vadd.s32 v1, v56;
	[tilespmem:s1+$0x1A4A0] =	vst v57  }
0x494: {  	s7 =	sor.u32 $0x280, s1;
	v61 =	vperm.xlane v53, v10;
	v57 =	vand.u32 $0xFFFFFF80, v60;
	v58 =	vld.idx.msk [tilespmem:v58+s20+$0x0], $0xffff  }
0x495: {  	v60 =	vand.u32 $0x7F, v60;
	v57 =	vadd.s32 s7, v57  }
0x496: {  	v62 =	vadd.s32 v1, v61;
	v55 =	vmul.f32 $8.000000000e+00, v55;
	v57 =	vor.u32 v60, v57;
	v60 =	vld [tilespmem:s1+$0x6EB0]  }
0x497: {  	s8 =	sor.u32 $0xA80, s1;
	v63 =	vand.u32 $0xFFFFFF80, v62  }
0x498: {  	v55 =	vadd.f32 v59, v55;
	v59 =	vand.u32 $0x7F, v62;
	v62 =	vadd.s32 s8, v63  }
0x499: {  	v58 =	vmul.f32 $8.000000000e+00, v58;
	v59 =	vor.u32 v59, v62  }
0x49a: {  	[tilespmem:s1+$0x19CB0] =	vst v55  }
0x49b: {  	v55 =	vld.idx.msk [tilespmem:v57+s20+$0x0], $0xffff;
	v57 =	vadd.f32 v60, v58;
	_ =	sdelay $0x1  }
0x49c: {  	v58 =	vld [tilespmem:s1+$0x6700];
	v60 =	vadd.s32 v3, v56;
	[tilespmem:s1+$0x1A4B0] =	vst v57  }
0x49d: {  	v57 =	vand.u32 $0xFFFFFF80, v60;
	v59 =	vld.idx.msk [tilespmem:v59+s20+$0x0], $0xffff  }
0x49e: {  	v60 =	vand.u32 $0x7F, v60;
	v57 =	vadd.s32 s7, v57  }
0x49f: {  	v62 =	vadd.s32 v3, v61;
	v57 =	vor.u32 v60, v57;
	v60 =	vld [tilespmem:s1+$0x6F00];
	v55 =	vmul.f32 $8.000000000e+00, v55  }
0x4a0: {  	v63 =	vand.u32 $0xFFFFFF80, v62  }
0x4a1: {  	v55 =	vadd.f32 v58, v55;
	v58 =	vand.u32 $0x7F, v62;
	v62 =	vadd.s32 s8, v63  }
0x4a2: {  	v59 =	vmul.f32 $8.000000000e+00, v59;
	v58 =	vor.u32 v58, v62  }
0x4a3: {  	[tilespmem:s1+$0x19D00] =	vst v55  }
0x4a4: {  	v55 =	vld.idx.msk [tilespmem:v57+s20+$0x0], $0xffff;
	v57 =	vadd.f32 v60, v59;
	_ =	sdelay $0x1  }
0x4a5: {  	v59 =	vld [tilespmem:s1+$0x6710];
	v60 =	vadd.s32 v4, v56;
	[tilespmem:s1+$0x1A500] =	vst v57  }
0x4a6: {  	v57 =	vand.u32 $0xFFFFFF80, v60;
	v58 =	vld.idx.msk [tilespmem:v58+s20+$0x0], $0xffff  }
0x4a7: {  	v60 =	vand.u32 $0x7F, v60;
	v57 =	vadd.s32 s7, v57  }
0x4a8: {  	v62 =	vadd.s32 v4, v61;
	v57 =	vor.u32 v60, v57;
	v60 =	vld [tilespmem:s1+$0x6F10];
	v55 =	vmul.f32 $8.000000000e+00, v55  }
0x4a9: {  	v63 =	vand.u32 $0xFFFFFF80, v62  }
0x4aa: {  	v55 =	vadd.f32 v59, v55;
	v59 =	vand.u32 $0x7F, v62;
	v62 =	vadd.s32 s8, v63  }
0x4ab: {  	v58 =	vmul.f32 $8.000000000e+00, v58;
	v59 =	vor.u32 v59, v62  }
0x4ac: {  	[tilespmem:s1+$0x19D10] =	vst v55  }
0x4ad: {  	v55 =	vld.idx.msk [tilespmem:v57+s20+$0x0], $0xffff;
	v62 =	vadd.f32 v60, v58;
	_ =	sdelay $0x1  }
0x4ae: {  	v56 =	vadd.s32 v5, v56;
	v58 =	vld [tilespmem:s1+$0x6720];
	[tilespmem:s1+$0x1A510] =	vst v62  }
0x4af: {  	v63 =	vand.u32 $0xFFFFFF80, v56;
	v59 =	vld.idx.msk [tilespmem:v59+s20+$0x0], $0xffff  }
0x4b0: {  	v56 =	vand.u32 $0x7F, v56;
	v57 =	vadd.s32 s7, v63  }
0x4b1: {  	v60 =	vadd.s32 v5, v61;
	v56 =	vor.u32 v56, v57;
	v57 =	vld [tilespmem:s1+$0x6F20];
	v55 =	vmul.f32 $8.000000000e+00, v55  }
0x4b2: {  	v61 =	vand.u32 $0xFFFFFF80, v60  }
0x4b3: {  	v55 =	vadd.f32 v58, v55;
	v58 =	vand.u32 $0x7F, v60;
	v60 =	vadd.s32 s8, v61  }
0x4b4: {  	v59 =	vmul.f32 $8.000000000e+00, v59;
	v58 =	vor.u32 v58, v60  }
0x4b5: {  	[tilespmem:s1+$0x19D20] =	vst v55  }
0x4b6: {  	v55 =	vld.idx.msk [tilespmem:v56+s20+$0x0], $0xffff;
	v56 =	vperm.xlane v54, v0;
	v57 =	vadd.f32 v57, v59;
	_ =	sdelay $0x1  }
0x4b7: {  	v59 =	vld [tilespmem:s1+$0x6730];
	v60 =	vadd.s32 v1, v56;
	[tilespmem:s1+$0x1A520] =	vst v57  }
0x4b8: {  	s10 =	sor.u32 $0x300, s1;
	v61 =	vperm.xlane v53, v0;
	v57 =	vand.u32 $0xFFFFFF80, v60;
	v58 =	vld.idx.msk [tilespmem:v58+s20+$0x0], $0xffff  }
0x4b9: {  	v60 =	vand.u32 $0x7F, v60;
	v57 =	vadd.s32 s10, v57  }
0x4ba: {  	v62 =	vadd.s32 v1, v61;
	v55 =	vmul.f32 $8.000000000e+00, v55;
	v57 =	vor.u32 v60, v57;
	v60 =	vld [tilespmem:s1+$0x6F30]  }
0x4bb: {  	s12 =	sor.u32 $0xB00, s1;
	v63 =	vand.u32 $0xFFFFFF80, v62  }
0x4bc: {  	v55 =	vadd.f32 v59, v55;
	v59 =	vand.u32 $0x7F, v62;
	v62 =	vadd.s32 s12, v63  }
0x4bd: {  	v58 =	vmul.f32 $8.000000000e+00, v58;
	v59 =	vor.u32 v59, v62  }
0x4be: {  	[tilespmem:s1+$0x19D30] =	vst v55  }
0x4bf: {  	v55 =	vld.idx.msk [tilespmem:v57+s20+$0x0], $0xffff;
	v57 =	vadd.f32 v60, v58;
	_ =	sdelay $0x1  }
0x4c0: {  	v58 =	vld [tilespmem:s1+$0x6780];
	v60 =	vadd.s32 v3, v56;
	[tilespmem:s1+$0x1A530] =	vst v57  }
0x4c1: {  	v57 =	vand.u32 $0xFFFFFF80, v60;
	v59 =	vld.idx.msk [tilespmem:v59+s20+$0x0], $0xffff  }
0x4c2: {  	v60 =	vand.u32 $0x7F, v60;
	v57 =	vadd.s32 s10, v57  }
0x4c3: {  	v62 =	vadd.s32 v3, v61;
	v57 =	vor.u32 v60, v57;
	v60 =	vld [tilespmem:s1+$0x6F80];
	v55 =	vmul.f32 $8.000000000e+00, v55  }
0x4c4: {  	v63 =	vand.u32 $0xFFFFFF80, v62  }
0x4c5: {  	v55 =	vadd.f32 v58, v55;
	v58 =	vand.u32 $0x7F, v62;
	v62 =	vadd.s32 s12, v63  }
0x4c6: {  	v59 =	vmul.f32 $8.000000000e+00, v59;
	v58 =	vor.u32 v58, v62  }
0x4c7: {  	[tilespmem:s1+$0x19D80] =	vst v55  }
0x4c8: {  	v55 =	vld.idx.msk [tilespmem:v57+s20+$0x0], $0xffff;
	v57 =	vadd.f32 v60, v59;
	_ =	sdelay $0x1  }
0x4c9: {  	v59 =	vld [tilespmem:s1+$0x6790];
	v60 =	vadd.s32 v4, v56;
	[tilespmem:s1+$0x1A580] =	vst v57  }
0x4ca: {  	v57 =	vand.u32 $0xFFFFFF80, v60;
	v58 =	vld.idx.msk [tilespmem:v58+s20+$0x0], $0xffff  }
0x4cb: {  	v60 =	vand.u32 $0x7F, v60;
	v57 =	vadd.s32 s10, v57  }
0x4cc: {  	v62 =	vadd.s32 v4, v61;
	v57 =	vor.u32 v60, v57;
	v60 =	vld [tilespmem:s1+$0x6F90];
	v55 =	vmul.f32 $8.000000000e+00, v55  }
0x4cd: {  	v63 =	vand.u32 $0xFFFFFF80, v62  }
0x4ce: {  	v55 =	vadd.f32 v59, v55;
	v59 =	vand.u32 $0x7F, v62;
	v62 =	vadd.s32 s12, v63  }
0x4cf: {  	v58 =	vmul.f32 $8.000000000e+00, v58;
	v59 =	vor.u32 v59, v62  }
0x4d0: {  	[tilespmem:s1+$0x19D90] =	vst v55  }
0x4d1: {  	v55 =	vld.idx.msk [tilespmem:v57+s20+$0x0], $0xffff;
	v60 =	vadd.f32 v60, v58;
	_ =	sdelay $0x1  }
0x4d2: {  	v56 =	vadd.s32 v5, v56;
	v58 =	vld [tilespmem:s1+$0x67A0];
	[tilespmem:s1+$0x1A590] =	vst v60  }
0x4d3: {  	v62 =	vand.u32 $0xFFFFFF80, v56;
	v59 =	vld.idx.msk [tilespmem:v59+s20+$0x0], $0xffff  }
0x4d4: {  	v56 =	vand.u32 $0x7F, v56;
	v57 =	vadd.s32 s10, v62  }
0x4d5: {  	v56 =	vor.u32 v56, v57;
	v57 =	vld [tilespmem:s1+$0x6FA0];
	v60 =	vadd.s32 v5, v61;
	v55 =	vmul.f32 $8.000000000e+00, v55  }
0x4d6: {  	v61 =	vand.u32 $0xFFFFFF80, v60  }
0x4d7: {  	v55 =	vadd.f32 v58, v55;
	v58 =	vand.u32 $0x7F, v60;
	v60 =	vadd.s32 s12, v61  }
0x4d8: {  	v59 =	vmul.f32 $8.000000000e+00, v59;
	v58 =	vor.u32 v58, v60  }
0x4d9: {  	[tilespmem:s1+$0x19DA0] =	vst v55  }
0x4da: {  	v55 =	vld.idx.msk [tilespmem:v56+s20+$0x0], $0xffff;
	v56 =	vperm.xlane v54, v11;
	v57 =	vadd.f32 v57, v59;
	_ =	sdelay $0x1  }
0x4db: {  	v59 =	vld [tilespmem:s1+$0x67B0];
	v60 =	vadd.s32 v1, v56;
	[tilespmem:s1+$0x1A5A0] =	vst v57  }
0x4dc: {  	s7 =	sor.u32 $0x380, s1;
	v61 =	vperm.xlane v53, v11;
	v57 =	vand.u32 $0xFFFFFF80, v60;
	v58 =	vld.idx.msk [tilespmem:v58+s20+$0x0], $0xffff  }
0x4dd: {  	v60 =	vand.u32 $0x7F, v60;
	v57 =	vadd.s32 s7, v57  }
0x4de: {  	v62 =	vadd.s32 v1, v61;
	v55 =	vmul.f32 $8.000000000e+00, v55;
	v57 =	vor.u32 v60, v57;
	v60 =	vld [tilespmem:s1+$0x6FB0]  }
0x4df: {  	s8 =	sor.u32 $0xB80, s1;
	v63 =	vand.u32 $0xFFFFFF80, v62  }
0x4e0: {  	v55 =	vadd.f32 v59, v55;
	v59 =	vand.u32 $0x7F, v62;
	v62 =	vadd.s32 s8, v63  }
0x4e1: {  	v58 =	vmul.f32 $8.000000000e+00, v58;
	v59 =	vor.u32 v59, v62  }
0x4e2: {  	[tilespmem:s1+$0x19DB0] =	vst v55  }
0x4e3: {  	v55 =	vld.idx.msk [tilespmem:v57+s20+$0x0], $0xffff;
	v57 =	vadd.f32 v60, v58;
	_ =	sdelay $0x1  }
0x4e4: {  	v58 =	vld [tilespmem:s1+$0x6800];
	v60 =	vadd.s32 v3, v56;
	[tilespmem:s1+$0x1A5B0] =	vst v57  }
0x4e5: {  	v57 =	vand.u32 $0xFFFFFF80, v60;
	v59 =	vld.idx.msk [tilespmem:v59+s20+$0x0], $0xffff  }
0x4e6: {  	v60 =	vand.u32 $0x7F, v60;
	v57 =	vadd.s32 s7, v57  }
0x4e7: {  	v62 =	vadd.s32 v3, v61;
	v57 =	vor.u32 v60, v57;
	v60 =	vld [tilespmem:s1+$0x7000];
	v55 =	vmul.f32 $8.000000000e+00, v55  }
0x4e8: {  	v63 =	vand.u32 $0xFFFFFF80, v62  }
0x4e9: {  	v55 =	vadd.f32 v58, v55;
	v58 =	vand.u32 $0x7F, v62;
	v62 =	vadd.s32 s8, v63  }
0x4ea: {  	v59 =	vmul.f32 $8.000000000e+00, v59;
	v58 =	vor.u32 v58, v62  }
0x4eb: {  	[tilespmem:s1+$0x19E00] =	vst v55  }
0x4ec: {  	v55 =	vld.idx.msk [tilespmem:v57+s20+$0x0], $0xffff;
	v57 =	vadd.f32 v60, v59;
	_ =	sdelay $0x1  }
0x4ed: {  	v59 =	vld [tilespmem:s1+$0x6810];
	v60 =	vadd.s32 v4, v56;
	[tilespmem:s1+$0x1A600] =	vst v57  }
0x4ee: {  	v57 =	vand.u32 $0xFFFFFF80, v60;
	v58 =	vld.idx.msk [tilespmem:v58+s20+$0x0], $0xffff  }
0x4ef: {  	v60 =	vand.u32 $0x7F, v60;
	v57 =	vadd.s32 s7, v57  }
0x4f0: {  	v62 =	vadd.s32 v4, v61;
	v57 =	vor.u32 v60, v57;
	v60 =	vld [tilespmem:s1+$0x7010];
	v55 =	vmul.f32 $8.000000000e+00, v55  }
0x4f1: {  	v63 =	vand.u32 $0xFFFFFF80, v62  }
0x4f2: {  	v55 =	vadd.f32 v59, v55;
	v59 =	vand.u32 $0x7F, v62;
	v62 =	vadd.s32 s8, v63  }
0x4f3: {  	v58 =	vmul.f32 $8.000000000e+00, v58;
	v59 =	vor.u32 v59, v62  }
0x4f4: {  	[tilespmem:s1+$0x19E10] =	vst v55  }
0x4f5: {  	v55 =	vld.idx.msk [tilespmem:v57+s20+$0x0], $0xffff;
	v63 =	vadd.f32 v60, v58;
	_ =	sdelay $0x1  }
0x4f6: {  	v56 =	vadd.s32 v5, v56;
	v58 =	vld [tilespmem:s1+$0x6820];
	[tilespmem:s1+$0x1A610] =	vst v63  }
0x4f7: {  	v60 =	vand.u32 $0xFFFFFF80, v56;
	v59 =	vld.idx.msk [tilespmem:v59+s20+$0x0], $0xffff  }
0x4f8: {  	v56 =	vand.u32 $0x7F, v56;
	v57 =	vadd.s32 s7, v60  }
0x4f9: {  	v60 =	vadd.s32 v5, v61;
	v56 =	vor.u32 v56, v57;
	v57 =	vld [tilespmem:s1+$0x7020];
	v55 =	vmul.f32 $8.000000000e+00, v55  }
0x4fa: {  	v61 =	vand.u32 $0xFFFFFF80, v60  }
0x4fb: {  	v55 =	vadd.f32 v58, v55;
	v58 =	vand.u32 $0x7F, v60;
	v60 =	vadd.s32 s8, v61  }
0x4fc: {  	v59 =	vmul.f32 $8.000000000e+00, v59;
	v58 =	vor.u32 v58, v60  }
0x4fd: {  	[tilespmem:s1+$0x19E20] =	vst v55  }
0x4fe: {  	v55 =	vld.idx.msk [tilespmem:v56+s20+$0x0], $0xffff;
	v56 =	vperm.xlane v54, v12;
	v57 =	vadd.f32 v57, v59;
	_ =	sdelay $0x1  }
0x4ff: {  	v59 =	vld [tilespmem:s1+$0x6830];
	v60 =	vadd.s32 v1, v56;
	[tilespmem:s1+$0x1A620] =	vst v57  }
0x500: {  	s10 =	sor.u32 $0x400, s1;
	v61 =	vperm.xlane v53, v12;
	v57 =	vand.u32 $0xFFFFFF80, v60;
	v58 =	vld.idx.msk [tilespmem:v58+s20+$0x0], $0xffff  }
0x501: {  	v60 =	vand.u32 $0x7F, v60;
	v57 =	vadd.s32 s10, v57  }
0x502: {  	v62 =	vadd.s32 v1, v61;
	v55 =	vmul.f32 $8.000000000e+00, v55;
	v57 =	vor.u32 v60, v57;
	v60 =	vld [tilespmem:s1+$0x7030]  }
0x503: {  	s12 =	sor.u32 $0xC00, s1;
	v63 =	vand.u32 $0xFFFFFF80, v62  }
0x504: {  	v55 =	vadd.f32 v59, v55;
	v59 =	vand.u32 $0x7F, v62;
	v62 =	vadd.s32 s12, v63  }
0x505: {  	v58 =	vmul.f32 $8.000000000e+00, v58;
	v59 =	vor.u32 v59, v62  }
0x506: {  	[tilespmem:s1+$0x19E30] =	vst v55  }
0x507: {  	v55 =	vld.idx.msk [tilespmem:v57+s20+$0x0], $0xffff;
	v57 =	vadd.f32 v60, v58;
	_ =	sdelay $0x1  }
0x508: {  	v58 =	vld [tilespmem:s1+$0x6880];
	v60 =	vadd.s32 v3, v56;
	[tilespmem:s1+$0x1A630] =	vst v57  }
0x509: {  	v57 =	vand.u32 $0xFFFFFF80, v60;
	v59 =	vld.idx.msk [tilespmem:v59+s20+$0x0], $0xffff  }
0x50a: {  	v60 =	vand.u32 $0x7F, v60;
	v57 =	vadd.s32 s10, v57  }
0x50b: {  	v62 =	vadd.s32 v3, v61;
	v57 =	vor.u32 v60, v57;
	v60 =	vld [tilespmem:s1+$0x7080];
	v55 =	vmul.f32 $8.000000000e+00, v55  }
0x50c: {  	v63 =	vand.u32 $0xFFFFFF80, v62  }
0x50d: {  	v55 =	vadd.f32 v58, v55;
	v58 =	vand.u32 $0x7F, v62;
	v62 =	vadd.s32 s12, v63  }
0x50e: {  	v59 =	vmul.f32 $8.000000000e+00, v59;
	v58 =	vor.u32 v58, v62  }
0x50f: {  	[tilespmem:s1+$0x19E80] =	vst v55  }
0x510: {  	v55 =	vld.idx.msk [tilespmem:v57+s20+$0x0], $0xffff;
	v57 =	vadd.f32 v60, v59;
	_ =	sdelay $0x1  }
0x511: {  	v59 =	vld [tilespmem:s1+$0x6890];
	v60 =	vadd.s32 v4, v56;
	[tilespmem:s1+$0x1A680] =	vst v57  }
0x512: {  	v57 =	vand.u32 $0xFFFFFF80, v60;
	v58 =	vld.idx.msk [tilespmem:v58+s20+$0x0], $0xffff  }
0x513: {  	v60 =	vand.u32 $0x7F, v60;
	v57 =	vadd.s32 s10, v57  }
0x514: {  	v62 =	vadd.s32 v4, v61;
	v57 =	vor.u32 v60, v57;
	v60 =	vld [tilespmem:s1+$0x7090];
	v55 =	vmul.f32 $8.000000000e+00, v55  }
0x515: {  	v63 =	vand.u32 $0xFFFFFF80, v62  }
0x516: {  	v55 =	vadd.f32 v59, v55;
	v59 =	vand.u32 $0x7F, v62;
	v62 =	vadd.s32 s12, v63  }
0x517: {  	v58 =	vmul.f32 $8.000000000e+00, v58;
	v59 =	vor.u32 v59, v62  }
0x518: {  	[tilespmem:s1+$0x19E90] =	vst v55  }
0x519: {  	v55 =	vld.idx.msk [tilespmem:v57+s20+$0x0], $0xffff;
	v62 =	vadd.f32 v60, v58;
	_ =	sdelay $0x1  }
0x51a: {  	v56 =	vadd.s32 v5, v56;
	v58 =	vld [tilespmem:s1+$0x68A0];
	[tilespmem:s1+$0x1A690] =	vst v62  }
0x51b: {  	v63 =	vand.u32 $0xFFFFFF80, v56;
	v59 =	vld.idx.msk [tilespmem:v59+s20+$0x0], $0xffff  }
0x51c: {  	v56 =	vand.u32 $0x7F, v56;
	v57 =	vadd.s32 s10, v63  }
0x51d: {  	v60 =	vadd.s32 v5, v61;
	v56 =	vor.u32 v56, v57;
	v57 =	vld [tilespmem:s1+$0x70A0];
	v55 =	vmul.f32 $8.000000000e+00, v55  }
0x51e: {  	v61 =	vand.u32 $0xFFFFFF80, v60  }
0x51f: {  	v55 =	vadd.f32 v58, v55;
	v58 =	vand.u32 $0x7F, v60;
	v60 =	vadd.s32 s12, v61  }
0x520: {  	v59 =	vmul.f32 $8.000000000e+00, v59;
	v58 =	vor.u32 v58, v60  }
0x521: {  	[tilespmem:s1+$0x19EA0] =	vst v55  }
0x522: {  	v55 =	vld.idx.msk [tilespmem:v56+s20+$0x0], $0xffff;
	v56 =	vperm.xlane v54, v13;
	v57 =	vadd.f32 v57, v59;
	_ =	sdelay $0x1  }
0x523: {  	v59 =	vld [tilespmem:s1+$0x68B0];
	v60 =	vadd.s32 v1, v56;
	[tilespmem:s1+$0x1A6A0] =	vst v57  }
0x524: {  	s7 =	sor.u32 $0x480, s1;
	v61 =	vperm.xlane v53, v13;
	v57 =	vand.u32 $0xFFFFFF80, v60;
	v58 =	vld.idx.msk [tilespmem:v58+s20+$0x0], $0xffff  }
0x525: {  	v60 =	vand.u32 $0x7F, v60;
	v57 =	vadd.s32 s7, v57  }
0x526: {  	v62 =	vadd.s32 v1, v61;
	v55 =	vmul.f32 $8.000000000e+00, v55;
	v57 =	vor.u32 v60, v57;
	v60 =	vld [tilespmem:s1+$0x70B0]  }
0x527: {  	s8 =	sor.u32 $0xC80, s1;
	v63 =	vand.u32 $0xFFFFFF80, v62  }
0x528: {  	v55 =	vadd.f32 v59, v55;
	v59 =	vand.u32 $0x7F, v62;
	v62 =	vadd.s32 s8, v63  }
0x529: {  	v58 =	vmul.f32 $8.000000000e+00, v58;
	v59 =	vor.u32 v59, v62  }
0x52a: {  	[tilespmem:s1+$0x19EB0] =	vst v55  }
0x52b: {  	v55 =	vld.idx.msk [tilespmem:v57+s20+$0x0], $0xffff;
	v57 =	vadd.f32 v60, v58;
	_ =	sdelay $0x1  }
0x52c: {  	v58 =	vld [tilespmem:s1+$0x6900];
	v60 =	vadd.s32 v3, v56;
	[tilespmem:s1+$0x1A6B0] =	vst v57  }
0x52d: {  	v57 =	vand.u32 $0xFFFFFF80, v60;
	v59 =	vld.idx.msk [tilespmem:v59+s20+$0x0], $0xffff  }
0x52e: {  	v60 =	vand.u32 $0x7F, v60;
	v57 =	vadd.s32 s7, v57  }
0x52f: {  	v62 =	vadd.s32 v3, v61;
	v57 =	vor.u32 v60, v57;
	v60 =	vld [tilespmem:s1+$0x7100];
	v55 =	vmul.f32 $8.000000000e+00, v55  }
0x530: {  	v63 =	vand.u32 $0xFFFFFF80, v62  }
0x531: {  	v55 =	vadd.f32 v58, v55;
	v58 =	vand.u32 $0x7F, v62;
	v62 =	vadd.s32 s8, v63  }
0x532: {  	v59 =	vmul.f32 $8.000000000e+00, v59;
	v58 =	vor.u32 v58, v62  }
0x533: {  	[tilespmem:s1+$0x19F00] =	vst v55  }
0x534: {  	v55 =	vld.idx.msk [tilespmem:v57+s20+$0x0], $0xffff;
	v57 =	vadd.f32 v60, v59;
	_ =	sdelay $0x1  }
0x535: {  	v59 =	vld [tilespmem:s1+$0x6910];
	v60 =	vadd.s32 v4, v56;
	[tilespmem:s1+$0x1A700] =	vst v57  }
0x536: {  	v57 =	vand.u32 $0xFFFFFF80, v60;
	v58 =	vld.idx.msk [tilespmem:v58+s20+$0x0], $0xffff  }
0x537: {  	v60 =	vand.u32 $0x7F, v60;
	v57 =	vadd.s32 s7, v57  }
0x538: {  	v62 =	vadd.s32 v4, v61;
	v57 =	vor.u32 v60, v57;
	v60 =	vld [tilespmem:s1+$0x7110];
	v55 =	vmul.f32 $8.000000000e+00, v55  }
0x539: {  	v63 =	vand.u32 $0xFFFFFF80, v62  }
0x53a: {  	v55 =	vadd.f32 v59, v55;
	v59 =	vand.u32 $0x7F, v62;
	v62 =	vadd.s32 s8, v63  }
0x53b: {  	v58 =	vmul.f32 $8.000000000e+00, v58;
	v59 =	vor.u32 v59, v62  }
0x53c: {  	[tilespmem:s1+$0x19F10] =	vst v55  }
0x53d: {  	v55 =	vld.idx.msk [tilespmem:v57+s20+$0x0], $0xffff;
	v60 =	vadd.f32 v60, v58;
	_ =	sdelay $0x1  }
0x53e: {  	v56 =	vadd.s32 v5, v56;
	v58 =	vld [tilespmem:s1+$0x6920];
	[tilespmem:s1+$0x1A710] =	vst v60  }
0x53f: {  	v62 =	vand.u32 $0xFFFFFF80, v56;
	v59 =	vld.idx.msk [tilespmem:v59+s20+$0x0], $0xffff  }
0x540: {  	v56 =	vand.u32 $0x7F, v56;
	v57 =	vadd.s32 s7, v62  }
0x541: {  	v56 =	vor.u32 v56, v57;
	v57 =	vld [tilespmem:s1+$0x7120];
	v60 =	vadd.s32 v5, v61;
	v55 =	vmul.f32 $8.000000000e+00, v55  }
0x542: {  	v61 =	vand.u32 $0xFFFFFF80, v60  }
0x543: {  	v55 =	vadd.f32 v58, v55;
	v58 =	vand.u32 $0x7F, v60;
	v60 =	vadd.s32 s8, v61  }
0x544: {  	v59 =	vmul.f32 $8.000000000e+00, v59;
	v58 =	vor.u32 v58, v60  }
0x545: {  	[tilespmem:s1+$0x19F20] =	vst v55  }
0x546: {  	v55 =	vld.idx.msk [tilespmem:v56+s20+$0x0], $0xffff;
	v56 =	vperm.xlane v54, v14;
	v57 =	vadd.f32 v57, v59;
	_ =	sdelay $0x1  }
0x547: {  	v59 =	vld [tilespmem:s1+$0x6930];
	v60 =	vadd.s32 v1, v56;
	[tilespmem:s1+$0x1A720] =	vst v57  }
0x548: {  	s10 =	sor.u32 $0x500, s1;
	v61 =	vperm.xlane v53, v14;
	v57 =	vand.u32 $0xFFFFFF80, v60;
	v58 =	vld.idx.msk [tilespmem:v58+s20+$0x0], $0xffff  }
0x549: {  	v60 =	vand.u32 $0x7F, v60;
	v57 =	vadd.s32 s10, v57  }
0x54a: {  	v62 =	vadd.s32 v1, v61;
	v55 =	vmul.f32 $8.000000000e+00, v55;
	v57 =	vor.u32 v60, v57;
	v60 =	vld [tilespmem:s1+$0x7130]  }
0x54b: {  	s12 =	sor.u32 $0xD00, s1;
	v63 =	vand.u32 $0xFFFFFF80, v62  }
0x54c: {  	v55 =	vadd.f32 v59, v55;
	v59 =	vand.u32 $0x7F, v62;
	v62 =	vadd.s32 s12, v63  }
0x54d: {  	v58 =	vmul.f32 $8.000000000e+00, v58;
	v59 =	vor.u32 v59, v62  }
0x54e: {  	[tilespmem:s1+$0x19F30] =	vst v55  }
0x54f: {  	v55 =	vld.idx.msk [tilespmem:v57+s20+$0x0], $0xffff;
	v57 =	vadd.f32 v60, v58;
	_ =	sdelay $0x1  }
0x550: {  	v58 =	vld [tilespmem:s1+$0x6980];
	v60 =	vadd.s32 v3, v56;
	[tilespmem:s1+$0x1A730] =	vst v57  }
0x551: {  	v57 =	vand.u32 $0xFFFFFF80, v60;
	v59 =	vld.idx.msk [tilespmem:v59+s20+$0x0], $0xffff  }
0x552: {  	v60 =	vand.u32 $0x7F, v60;
	v57 =	vadd.s32 s10, v57  }
0x553: {  	v62 =	vadd.s32 v3, v61;
	v57 =	vor.u32 v60, v57;
	v60 =	vld [tilespmem:s1+$0x7180];
	v55 =	vmul.f32 $8.000000000e+00, v55  }
0x554: {  	v63 =	vand.u32 $0xFFFFFF80, v62  }
0x555: {  	v55 =	vadd.f32 v58, v55;
	v58 =	vand.u32 $0x7F, v62;
	v62 =	vadd.s32 s12, v63  }
0x556: {  	v59 =	vmul.f32 $8.000000000e+00, v59;
	v58 =	vor.u32 v58, v62  }
0x557: {  	[tilespmem:s1+$0x19F80] =	vst v55  }
0x558: {  	v55 =	vld.idx.msk [tilespmem:v57+s20+$0x0], $0xffff;
	v57 =	vadd.f32 v60, v59;
	_ =	sdelay $0x1  }
0x559: {  	v59 =	vld [tilespmem:s1+$0x6990];
	v60 =	vadd.s32 v4, v56;
	[tilespmem:s1+$0x1A780] =	vst v57  }
0x55a: {  	v57 =	vand.u32 $0xFFFFFF80, v60;
	v58 =	vld.idx.msk [tilespmem:v58+s20+$0x0], $0xffff  }
0x55b: {  	v60 =	vand.u32 $0x7F, v60;
	v57 =	vadd.s32 s10, v57  }
0x55c: {  	v62 =	vadd.s32 v4, v61;
	v57 =	vor.u32 v60, v57;
	v60 =	vld [tilespmem:s1+$0x7190];
	v55 =	vmul.f32 $8.000000000e+00, v55  }
0x55d: {  	v63 =	vand.u32 $0xFFFFFF80, v62  }
0x55e: {  	v55 =	vadd.f32 v59, v55;
	v59 =	vand.u32 $0x7F, v62;
	v62 =	vadd.s32 s12, v63  }
0x55f: {  	v58 =	vmul.f32 $8.000000000e+00, v58;
	v59 =	vor.u32 v59, v62  }
0x560: {  	[tilespmem:s1+$0x19F90] =	vst v55  }
0x561: {  	v55 =	vld.idx.msk [tilespmem:v57+s20+$0x0], $0xffff;
	v63 =	vadd.f32 v60, v58;
	_ =	sdelay $0x1  }
0x562: {  	v56 =	vadd.s32 v5, v56;
	v58 =	vld [tilespmem:s1+$0x69A0];
	[tilespmem:s1+$0x1A790] =	vst v63  }
0x563: {  	v60 =	vand.u32 $0xFFFFFF80, v56;
	v59 =	vld.idx.msk [tilespmem:v59+s20+$0x0], $0xffff  }
0x564: {  	v56 =	vand.u32 $0x7F, v56;
	v57 =	vadd.s32 s10, v60  }
0x565: {  	v60 =	vadd.s32 v5, v61;
	v56 =	vor.u32 v56, v57;
	v57 =	vld [tilespmem:s1+$0x71A0];
	v55 =	vmul.f32 $8.000000000e+00, v55  }
0x566: {  	v61 =	vand.u32 $0xFFFFFF80, v60  }
0x567: {  	v55 =	vadd.f32 v58, v55;
	v58 =	vand.u32 $0x7F, v60;
	v60 =	vadd.s32 s12, v61  }
0x568: {  	v59 =	vmul.f32 $8.000000000e+00, v59;
	v58 =	vor.u32 v58, v60  }
0x569: {  	[tilespmem:s1+$0x19FA0] =	vst v55  }
0x56a: {  	v55 =	vld.idx.msk [tilespmem:v56+s20+$0x0], $0xffff;
	v56 =	vperm.xlane v54, v15;
	v57 =	vadd.f32 v57, v59;
	_ =	sdelay $0x1  }
0x56b: {  	v59 =	vld [tilespmem:s1+$0x69B0];
	v60 =	vadd.s32 v1, v56;
	[tilespmem:s1+$0x1A7A0] =	vst v57  }
0x56c: {  	s7 =	sor.u32 $0x580, s1;
	v61 =	vperm.xlane v53, v15;
	v57 =	vand.u32 $0xFFFFFF80, v60;
	v58 =	vld.idx.msk [tilespmem:v58+s20+$0x0], $0xffff  }
0x56d: {  	v60 =	vand.u32 $0x7F, v60;
	v57 =	vadd.s32 s7, v57  }
0x56e: {  	v62 =	vadd.s32 v1, v61;
	v55 =	vmul.f32 $8.000000000e+00, v55;
	v57 =	vor.u32 v60, v57;
	v60 =	vld [tilespmem:s1+$0x71B0]  }
0x56f: {  	s8 =	sor.u32 $0xD80, s1;
	v63 =	vand.u32 $0xFFFFFF80, v62  }
0x570: {  	v55 =	vadd.f32 v59, v55;
	v59 =	vand.u32 $0x7F, v62;
	v62 =	vadd.s32 s8, v63  }
0x571: {  	v58 =	vmul.f32 $8.000000000e+00, v58;
	v59 =	vor.u32 v59, v62  }
0x572: {  	[tilespmem:s1+$0x19FB0] =	vst v55  }
0x573: {  	v55 =	vld.idx.msk [tilespmem:v57+s20+$0x0], $0xffff;
	v57 =	vadd.f32 v60, v58;
	_ =	sdelay $0x1  }
0x574: {  	v58 =	vld [tilespmem:s1+$0x6A00];
	v60 =	vadd.s32 v3, v56;
	[tilespmem:s1+$0x1A7B0] =	vst v57  }
0x575: {  	v57 =	vand.u32 $0xFFFFFF80, v60;
	v59 =	vld.idx.msk [tilespmem:v59+s20+$0x0], $0xffff  }
0x576: {  	v60 =	vand.u32 $0x7F, v60;
	v57 =	vadd.s32 s7, v57  }
0x577: {  	v62 =	vadd.s32 v3, v61;
	v57 =	vor.u32 v60, v57;
	v60 =	vld [tilespmem:s1+$0x7200];
	v55 =	vmul.f32 $8.000000000e+00, v55  }
0x578: {  	v63 =	vand.u32 $0xFFFFFF80, v62  }
0x579: {  	v55 =	vadd.f32 v58, v55;
	v58 =	vand.u32 $0x7F, v62;
	v62 =	vadd.s32 s8, v63  }
0x57a: {  	v59 =	vmul.f32 $8.000000000e+00, v59;
	v58 =	vor.u32 v58, v62  }
0x57b: {  	[tilespmem:s1+$0x1A000] =	vst v55  }
0x57c: {  	v55 =	vld.idx.msk [tilespmem:v57+s20+$0x0], $0xffff;
	v57 =	vadd.f32 v60, v59;
	_ =	sdelay $0x1  }
0x57d: {  	v59 =	vld [tilespmem:s1+$0x6A10];
	v60 =	vadd.s32 v4, v56;
	[tilespmem:s1+$0x1A800] =	vst v57  }
0x57e: {  	v57 =	vand.u32 $0xFFFFFF80, v60;
	v58 =	vld.idx.msk [tilespmem:v58+s20+$0x0], $0xffff  }
0x57f: {  	v60 =	vand.u32 $0x7F, v60;
	v57 =	vadd.s32 s7, v57  }
0x580: {  	v62 =	vadd.s32 v4, v61;
	v57 =	vor.u32 v60, v57;
	v60 =	vld [tilespmem:s1+$0x7210];
	v55 =	vmul.f32 $8.000000000e+00, v55  }
0x581: {  	v63 =	vand.u32 $0xFFFFFF80, v62  }
0x582: {  	v55 =	vadd.f32 v59, v55;
	v59 =	vand.u32 $0x7F, v62;
	v62 =	vadd.s32 s8, v63  }
0x583: {  	v58 =	vmul.f32 $8.000000000e+00, v58;
	v59 =	vor.u32 v59, v62  }
0x584: {  	[tilespmem:s1+$0x1A010] =	vst v55  }
0x585: {  	v55 =	vld.idx.msk [tilespmem:v57+s20+$0x0], $0xffff;
	v62 =	vadd.f32 v60, v58;
	_ =	sdelay $0x1  }
0x586: {  	v56 =	vadd.s32 v5, v56;
	v58 =	vld [tilespmem:s1+$0x6A20];
	[tilespmem:s1+$0x1A810] =	vst v62  }
0x587: {  	v63 =	vand.u32 $0xFFFFFF80, v56;
	v59 =	vld.idx.msk [tilespmem:v59+s20+$0x0], $0xffff  }
0x588: {  	v56 =	vand.u32 $0x7F, v56;
	v57 =	vadd.s32 s7, v63  }
0x589: {  	v60 =	vadd.s32 v5, v61;
	v56 =	vor.u32 v56, v57;
	v57 =	vld [tilespmem:s1+$0x7220];
	v55 =	vmul.f32 $8.000000000e+00, v55  }
0x58a: {  	v61 =	vand.u32 $0xFFFFFF80, v60  }
0x58b: {  	v55 =	vadd.f32 v58, v55;
	v58 =	vand.u32 $0x7F, v60;
	v60 =	vadd.s32 s8, v61  }
0x58c: {  	v59 =	vmul.f32 $8.000000000e+00, v59;
	v58 =	vor.u32 v58, v60  }
0x58d: {  	[tilespmem:s1+$0x1A020] =	vst v55  }
0x58e: {  	v55 =	vld.idx.msk [tilespmem:v56+s20+$0x0], $0xffff;
	v56 =	vperm.xlane v54, v16;
	v57 =	vadd.f32 v57, v59;
	_ =	sdelay $0x1  }
0x58f: {  	v59 =	vld [tilespmem:s1+$0x6A30];
	v60 =	vadd.s32 v1, v56;
	[tilespmem:s1+$0x1A820] =	vst v57  }
0x590: {  	s10 =	sor.u32 $0x600, s1;
	v61 =	vperm.xlane v53, v16;
	v57 =	vand.u32 $0xFFFFFF80, v60;
	v58 =	vld.idx.msk [tilespmem:v58+s20+$0x0], $0xffff  }
0x591: {  	v60 =	vand.u32 $0x7F, v60;
	v57 =	vadd.s32 s10, v57  }
0x592: {  	v62 =	vadd.s32 v1, v61;
	v55 =	vmul.f32 $8.000000000e+00, v55;
	v57 =	vor.u32 v60, v57;
	v60 =	vld [tilespmem:s1+$0x7230]  }
0x593: {  	s12 =	sor.u32 $0xE00, s1;
	v63 =	vand.u32 $0xFFFFFF80, v62  }
0x594: {  	v55 =	vadd.f32 v59, v55;
	v59 =	vand.u32 $0x7F, v62;
	v62 =	vadd.s32 s12, v63  }
0x595: {  	v58 =	vmul.f32 $8.000000000e+00, v58;
	v59 =	vor.u32 v59, v62  }
0x596: {  	[tilespmem:s1+$0x1A030] =	vst v55  }
0x597: {  	v55 =	vld.idx.msk [tilespmem:v57+s20+$0x0], $0xffff;
	v57 =	vadd.f32 v60, v58;
	_ =	sdelay $0x1  }
0x598: {  	v58 =	vld [tilespmem:s1+$0x6A80];
	v60 =	vadd.s32 v3, v56;
	[tilespmem:s1+$0x1A830] =	vst v57  }
0x599: {  	v57 =	vand.u32 $0xFFFFFF80, v60;
	v59 =	vld.idx.msk [tilespmem:v59+s20+$0x0], $0xffff  }
0x59a: {  	v60 =	vand.u32 $0x7F, v60;
	v57 =	vadd.s32 s10, v57  }
0x59b: {  	v62 =	vadd.s32 v3, v61;
	v57 =	vor.u32 v60, v57;
	v60 =	vld [tilespmem:s1+$0x7280];
	v55 =	vmul.f32 $8.000000000e+00, v55  }
0x59c: {  	v63 =	vand.u32 $0xFFFFFF80, v62  }
0x59d: {  	v55 =	vadd.f32 v58, v55;
	v58 =	vand.u32 $0x7F, v62;
	v62 =	vadd.s32 s12, v63  }
0x59e: {  	v59 =	vmul.f32 $8.000000000e+00, v59;
	v58 =	vor.u32 v58, v62  }
0x59f: {  	[tilespmem:s1+$0x1A080] =	vst v55  }
0x5a0: {  	v55 =	vld.idx.msk [tilespmem:v57+s20+$0x0], $0xffff;
	v57 =	vadd.f32 v60, v59;
	_ =	sdelay $0x1  }
0x5a1: {  	v59 =	vld [tilespmem:s1+$0x6A90];
	v60 =	vadd.s32 v4, v56;
	[tilespmem:s1+$0x1A880] =	vst v57  }
0x5a2: {  	v57 =	vand.u32 $0xFFFFFF80, v60;
	v58 =	vld.idx.msk [tilespmem:v58+s20+$0x0], $0xffff  }
0x5a3: {  	v60 =	vand.u32 $0x7F, v60;
	v57 =	vadd.s32 s10, v57  }
0x5a4: {  	v62 =	vadd.s32 v4, v61;
	v57 =	vor.u32 v60, v57;
	v60 =	vld [tilespmem:s1+$0x7290];
	v55 =	vmul.f32 $8.000000000e+00, v55  }
0x5a5: {  	v63 =	vand.u32 $0xFFFFFF80, v62  }
0x5a6: {  	v55 =	vadd.f32 v59, v55;
	v59 =	vand.u32 $0x7F, v62;
	v62 =	vadd.s32 s12, v63  }
0x5a7: {  	v58 =	vmul.f32 $8.000000000e+00, v58;
	v59 =	vor.u32 v59, v62  }
0x5a8: {  	[tilespmem:s1+$0x1A090] =	vst v55  }
0x5a9: {  	v55 =	vld.idx.msk [tilespmem:v57+s20+$0x0], $0xffff;
	v60 =	vadd.f32 v60, v58;
	_ =	sdelay $0x1  }
0x5aa: {  	v56 =	vadd.s32 v5, v56;
	v58 =	vld [tilespmem:s1+$0x6AA0];
	[tilespmem:s1+$0x1A890] =	vst v60  }
0x5ab: {  	v62 =	vand.u32 $0xFFFFFF80, v56;
	v59 =	vld.idx.msk [tilespmem:v59+s20+$0x0], $0xffff  }
0x5ac: {  	v56 =	vand.u32 $0x7F, v56;
	v57 =	vadd.s32 s10, v62  }
0x5ad: {  	v56 =	vor.u32 v56, v57;
	v57 =	vld [tilespmem:s1+$0x72A0];
	v60 =	vadd.s32 v5, v61;
	v55 =	vmul.f32 $8.000000000e+00, v55  }
0x5ae: {  	v61 =	vand.u32 $0xFFFFFF80, v60  }
0x5af: {  	v55 =	vadd.f32 v58, v55;
	v58 =	vand.u32 $0x7F, v60;
	v60 =	vadd.s32 s12, v61  }
0x5b0: {  	v59 =	vmul.f32 $8.000000000e+00, v59;
	v58 =	vor.u32 v58, v60  }
0x5b1: {  	[tilespmem:s1+$0x1A0A0] =	vst v55  }
0x5b2: {  	v55 =	vld.idx.msk [tilespmem:v56+s20+$0x0], $0xffff;
	v56 =	vperm.xlane v54, v17;
	v57 =	vadd.f32 v57, v59;
	_ =	sdelay $0x1  }
0x5b3: {  	v59 =	vld [tilespmem:s1+$0x6AB0];
	v60 =	vadd.s32 v1, v56;
	[tilespmem:s1+$0x1A8A0] =	vst v57  }
0x5b4: {  	s7 =	sor.u32 $0x680, s1;
	v61 =	vperm.xlane v53, v17;
	v57 =	vand.u32 $0xFFFFFF80, v60;
	v58 =	vld.idx.msk [tilespmem:v58+s20+$0x0], $0xffff  }
0x5b5: {  	v60 =	vand.u32 $0x7F, v60;
	v57 =	vadd.s32 s7, v57  }
0x5b6: {  	v62 =	vadd.s32 v1, v61;
	v55 =	vmul.f32 $8.000000000e+00, v55;
	v57 =	vor.u32 v60, v57;
	v60 =	vld [tilespmem:s1+$0x72B0]  }
0x5b7: {  	s8 =	sor.u32 $0xE80, s1;
	v63 =	vand.u32 $0xFFFFFF80, v62  }
0x5b8: {  	v55 =	vadd.f32 v59, v55;
	v59 =	vand.u32 $0x7F, v62;
	v62 =	vadd.s32 s8, v63  }
0x5b9: {  	v58 =	vmul.f32 $8.000000000e+00, v58;
	v59 =	vor.u32 v59, v62  }
0x5ba: {  	[tilespmem:s1+$0x1A0B0] =	vst v55  }
0x5bb: {  	v55 =	vld.idx.msk [tilespmem:v57+s20+$0x0], $0xffff;
	v57 =	vadd.f32 v60, v58;
	_ =	sdelay $0x1  }
0x5bc: {  	v58 =	vld [tilespmem:s1+$0x6B00];
	v60 =	vadd.s32 v3, v56;
	[tilespmem:s1+$0x1A8B0] =	vst v57  }
0x5bd: {  	v57 =	vand.u32 $0xFFFFFF80, v60;
	v59 =	vld.idx.msk [tilespmem:v59+s20+$0x0], $0xffff  }
0x5be: {  	v60 =	vand.u32 $0x7F, v60;
	v57 =	vadd.s32 s7, v57  }
0x5bf: {  	v62 =	vadd.s32 v3, v61;
	v57 =	vor.u32 v60, v57;
	v60 =	vld [tilespmem:s1+$0x7300];
	v55 =	vmul.f32 $8.000000000e+00, v55  }
0x5c0: {  	v63 =	vand.u32 $0xFFFFFF80, v62  }
0x5c1: {  	v55 =	vadd.f32 v58, v55;
	v58 =	vand.u32 $0x7F, v62;
	v62 =	vadd.s32 s8, v63  }
0x5c2: {  	v59 =	vmul.f32 $8.000000000e+00, v59;
	v58 =	vor.u32 v58, v62  }
0x5c3: {  	[tilespmem:s1+$0x1A100] =	vst v55  }
0x5c4: {  	v55 =	vld.idx.msk [tilespmem:v57+s20+$0x0], $0xffff;
	v57 =	vadd.f32 v60, v59;
	_ =	sdelay $0x1  }
0x5c5: {  	v59 =	vld [tilespmem:s1+$0x6B10];
	v60 =	vadd.s32 v4, v56;
	[tilespmem:s1+$0x1A900] =	vst v57  }
0x5c6: {  	v57 =	vand.u32 $0xFFFFFF80, v60;
	v58 =	vld.idx.msk [tilespmem:v58+s20+$0x0], $0xffff  }
0x5c7: {  	v60 =	vand.u32 $0x7F, v60;
	v57 =	vadd.s32 s7, v57  }
0x5c8: {  	v62 =	vadd.s32 v4, v61;
	v57 =	vor.u32 v60, v57;
	v60 =	vld [tilespmem:s1+$0x7310];
	v55 =	vmul.f32 $8.000000000e+00, v55  }
0x5c9: {  	v63 =	vand.u32 $0xFFFFFF80, v62  }
0x5ca: {  	v55 =	vadd.f32 v59, v55;
	v59 =	vand.u32 $0x7F, v62;
	v62 =	vadd.s32 s8, v63  }
0x5cb: {  	v58 =	vmul.f32 $8.000000000e+00, v58;
	v59 =	vor.u32 v59, v62;
	_ =	sdelay $0x1  }
0x5cc: {  	[tilespmem:s1+$0x1A110] =	vst v55;
	v63 =	vadd.f32 v60, v58  }
0x5cd: {  	v55 =	vld.idx.msk [tilespmem:v57+s20+$0x0], $0xffff  }
0x5ce: {  	[tilespmem:s1+$0x1A910] =	vst v63  }
0x5cf: {  	v57 =	vld.idx.msk [tilespmem:v59+s20+$0x0], $0xffff  }
0x5d0: {  	v61 =	vadd.s32 v5, v61;
	v56 =	vadd.s32 v5, v56;
	v58 =	vld [tilespmem:s1+$0x6B20]  }
0x5d1: {  	v62 =	vand.u32 $0xFFFFFF80, v61;
	v60 =	vld [tilespmem:s1+$0x7320];
	v59 =	vand.u32 $0xFFFFFF80, v56  }
0x5d2: {  	v56 =	vand.u32 $0x7F, v56;
	v59 =	vadd.s32 s7, v59;
	v55 =	vmul.f32 $8.000000000e+00, v55  }
0x5d3: {  	v56 =	vor.u32 v56, v59;
	v59 =	vand.u32 $0x7F, v61;
	v61 =	vadd.s32 s8, v62  }
0x5d4: {  	v59 =	vor.u32 v59, v61;
	v57 =	vmul.f32 $8.000000000e+00, v57  }
0x5d5: {  	v55 =	vadd.f32 v58, v55  }
0x5d6: {  	v57 =	vadd.f32 v60, v57  }
0x5d7: {  	[tilespmem:s1+$0x1A120] =	vst v55;
	v55 =	vperm.xlane v54, v18  }
0x5d8: {  	v56 =	vld.idx.msk [tilespmem:v56+s20+$0x0], $0xffff;
	[tilespmem:s1+$0x1A920] =	vst v57  }
0x5d9: {  	v57 =	vadd.s32 v1, v55;
	v58 =	vld.idx.msk [tilespmem:v59+s20+$0x0], $0xffff;
	v59 =	vperm.xlane v53, v18  }
0x5da: {  	s10 =	sor.u32 $0x700, s1;
	v60 =	vld [tilespmem:s1+$0x6B30];
	v61 =	vand.u32 $0xFFFFFF80, v57  }
0x5db: {  	v62 =	vld [tilespmem:s1+$0x7330];
	v57 =	vand.u32 $0x7F, v57;
	v61 =	vadd.s32 s10, v61;
	v63 =	vadd.s32 v1, v59  }
0x5dc: {  	s12 =	sor.u32 $0xF00, s1;
	v57 =	vor.u32 v57, v61;
	v61 =	vand.u32 $0xFFFFFF80, v63  }
0x5dd: {  	v56 =	vmul.f32 $8.000000000e+00, v56;
	v63 =	vand.u32 $0x7F, v63;
	v61 =	vadd.s32 s12, v61  }
0x5de: {  	v58 =	vmul.f32 $8.000000000e+00, v58;
	v61 =	vor.u32 v63, v61  }
0x5df: {  	v56 =	vadd.f32 v60, v56  }
0x5e0: {  	v58 =	vadd.f32 v62, v58  }
0x5e1: {  	[tilespmem:s1+$0x1A130] =	vst v56  }
0x5e2: {  	v56 =	vld.idx.msk [tilespmem:v57+s20+$0x0], $0xffff;
	[tilespmem:s1+$0x1A930] =	vst v58  }
0x5e3: {  	v57 =	vadd.s32 v3, v55;
	v58 =	vld.idx.msk [tilespmem:v61+s20+$0x0], $0xffff  }
0x5e4: {  	v60 =	vld [tilespmem:s1+$0x6B80];
	v61 =	vand.u32 $0xFFFFFF80, v57  }
0x5e5: {  	v63 =	vadd.s32 v3, v59;
	v62 =	vld [tilespmem:s1+$0x7380];
	v57 =	vand.u32 $0x7F, v57;
	v61 =	vadd.s32 s10, v61  }
0x5e6: {  	v57 =	vor.u32 v57, v61;
	v61 =	vand.u32 $0xFFFFFF80, v63  }
0x5e7: {  	v56 =	vmul.f32 $8.000000000e+00, v56;
	v63 =	vand.u32 $0x7F, v63;
	v61 =	vadd.s32 s12, v61  }
0x5e8: {  	v61 =	vor.u32 v63, v61;
	v58 =	vmul.f32 $8.000000000e+00, v58  }
0x5e9: {  	v56 =	vadd.f32 v60, v56  }
0x5ea: {  	v58 =	vadd.f32 v62, v58  }
0x5eb: {  	[tilespmem:s1+$0x1A180] =	vst v56  }
0x5ec: {  	v56 =	vld.idx.msk [tilespmem:v57+s20+$0x0], $0xffff;
	[tilespmem:s1+$0x1A980] =	vst v58  }
0x5ed: {  	v57 =	vadd.s32 v4, v55;
	v58 =	vld.idx.msk [tilespmem:v61+s20+$0x0], $0xffff  }
0x5ee: {  	v60 =	vld [tilespmem:s1+$0x6B90];
	v61 =	vand.u32 $0xFFFFFF80, v57  }
0x5ef: {  	v63 =	vadd.s32 v4, v59;
	v62 =	vld [tilespmem:s1+$0x7390];
	v57 =	vand.u32 $0x7F, v57;
	v61 =	vadd.s32 s10, v61  }
0x5f0: {  	v57 =	vor.u32 v57, v61;
	v61 =	vand.u32 $0xFFFFFF80, v63  }
0x5f1: {  	v56 =	vmul.f32 $8.000000000e+00, v56;
	v63 =	vand.u32 $0x7F, v63;
	v61 =	vadd.s32 s12, v61  }
0x5f2: {  	v61 =	vor.u32 v63, v61;
	v58 =	vmul.f32 $8.000000000e+00, v58  }
0x5f3: {  	v56 =	vadd.f32 v60, v56  }
0x5f4: {  	v58 =	vadd.f32 v62, v58  }
0x5f5: {  	[tilespmem:s1+$0x1A190] =	vst v56  }
0x5f6: {  	v56 =	vld.idx.msk [tilespmem:v57+s20+$0x0], $0xffff;
	[tilespmem:s1+$0x1A990] =	vst v58  }
0x5f7: {  	v55 =	vadd.s32 v5, v55;
	v57 =	vld.idx.msk [tilespmem:v61+s20+$0x0], $0xffff  }
0x5f8: {  	v60 =	vand.u32 $0xFFFFFF80, v55;
	v58 =	vld [tilespmem:s1+$0x6BA0]  }
0x5f9: {  	v59 =	vadd.s32 v5, v59;
	v55 =	vand.u32 $0x7F, v55;
	v60 =	vadd.s32 s10, v60;
	v61 =	vld [tilespmem:s1+$0x73A0]  }
0x5fa: {  	v55 =	vor.u32 v55, v60;
	v60 =	vand.u32 $0xFFFFFF80, v59  }
0x5fb: {  	v59 =	vand.u32 $0x7F, v59;
	v60 =	vadd.s32 s12, v60;
	v56 =	vmul.f32 $8.000000000e+00, v56  }
0x5fc: {  	v59 =	vor.u32 v59, v60;
	v57 =	vmul.f32 $8.000000000e+00, v57  }
0x5fd: {  	v56 =	vadd.f32 v58, v56  }
0x5fe: {  	v57 =	vadd.f32 v61, v57  }
0x5ff: {  	v54 =	vperm.xlane v54, v19;
	[tilespmem:s1+$0x1A1A0] =	vst v56  }
0x600: {  	v55 =	vld.idx.msk [tilespmem:v55+s20+$0x0], $0xffff;
	[tilespmem:s1+$0x1A9A0] =	vst v57  }
0x601: {  	v53 =	vperm.xlane v53, v19;
	v60 =	vadd.s32 v1, v54;
	v57 =	vld.idx.msk [tilespmem:v59+s20+$0x0], $0xffff  }
0x602: {  	s8 =	sor.u32 $0x780, s1;
	v58 =	vld [tilespmem:s1+$0x6BB0];
	v61 =	vand.u32 $0xFFFFFF80, v60  }
0x603: {  	v56 =	vand.u32 $0x7F, v60;
	v60 =	vld [tilespmem:s1+$0x73B0];
	v59 =	vadd.s32 s8, v61;
	v61 =	vadd.s32 v1, v53  }
0x604: {  	s10 =	sor.u32 $0xF80, s1;
	v56 =	vor.u32 v56, v59;
	v59 =	vand.u32 $0xFFFFFF80, v61  }
0x605: {  	v61 =	vand.u32 $0x7F, v61;
	v55 =	vmul.f32 $8.000000000e+00, v55;
	v59 =	vadd.s32 s10, v59  }
0x606: {  	v59 =	vor.u32 v61, v59;
	v57 =	vmul.f32 $8.000000000e+00, v57  }
0x607: {  	v55 =	vadd.f32 v58, v55  }
0x608: {  	v57 =	vadd.f32 v60, v57  }
0x609: {  	[tilespmem:s1+$0x1A1B0] =	vst v55  }
0x60a: {  	v55 =	vld.idx.msk [tilespmem:v56+s20+$0x0], $0xffff;
	[tilespmem:s1+$0x1A9B0] =	vst v57  }
0x60b: {  	v62 =	vadd.s32 v3, v54;
	v57 =	vld.idx.msk [tilespmem:v59+s20+$0x0], $0xffff  }
0x60c: {  	v63 =	vand.u32 $0xFFFFFF80, v62;
	v58 =	vld [tilespmem:s1+$0x6C00]  }
0x60d: {  	v61 =	vadd.s32 v3, v53;
	v56 =	vand.u32 $0x7F, v62;
	v60 =	vld [tilespmem:s1+$0x7400];
	v59 =	vadd.s32 s8, v63  }
0x60e: {  	v56 =	vor.u32 v56, v59;
	v59 =	vand.u32 $0xFFFFFF80, v61  }
0x60f: {  	v61 =	vand.u32 $0x7F, v61;
	v55 =	vmul.f32 $8.000000000e+00, v55;
	v59 =	vadd.s32 s10, v59  }
0x610: {  	v59 =	vor.u32 v61, v59;
	v57 =	vmul.f32 $8.000000000e+00, v57  }
0x611: {  	v55 =	vadd.f32 v58, v55  }
0x612: {  	v57 =	vadd.f32 v60, v57  }
0x613: {  	[tilespmem:s1+$0x1A200] =	vst v55  }
0x614: {  	v55 =	vld.idx.msk [tilespmem:v56+s20+$0x0], $0xffff;
	[tilespmem:s1+$0x1AA00] =	vst v57  }
0x615: {  	v60 =	vadd.s32 v4, v54;
	v57 =	vld.idx.msk [tilespmem:v59+s20+$0x0], $0xffff  }
0x616: {  	v58 =	vld [tilespmem:s1+$0x6C10];
	v61 =	vand.u32 $0xFFFFFF80, v60  }
0x617: {  	v56 =	vand.u32 $0x7F, v60;
	v60 =	vld [tilespmem:s1+$0x7410];
	v59 =	vadd.s32 s8, v61;
	v61 =	vadd.s32 v4, v53  }
0x618: {  	v56 =	vor.u32 v56, v59;
	v59 =	vand.u32 $0xFFFFFF80, v61  }
0x619: {  	v61 =	vand.u32 $0x7F, v61;
	v55 =	vmul.f32 $8.000000000e+00, v55;
	v59 =	vadd.s32 s10, v59  }
0x61a: {  	v59 =	vor.u32 v61, v59;
	v57 =	vmul.f32 $8.000000000e+00, v57  }
0x61b: {  	v55 =	vadd.f32 v58, v55  }
0x61c: {  	v57 =	vadd.f32 v60, v57  }
0x61d: {  	[tilespmem:s1+$0x1A210] =	vst v55  }
0x61e: {  	v55 =	vld.idx.msk [tilespmem:v56+s20+$0x0], $0xffff;
	[tilespmem:s1+$0x1AA10] =	vst v57  }
0x61f: {  	v56 =	vld.idx.msk [tilespmem:v59+s20+$0x0], $0xffff  }
0x620: {  	v62 =	vld [tilespmem:s1+$0x6C20];
	v54 =	vadd.s32 v5, v54  }
0x621: {  	v63 =	vand.u32 $0xFFFFFF80, v54;
	v54 =	vand.u32 $0x7F, v54;
	v53 =	vadd.s32 v5, v53;
	v60 =	vld [tilespmem:s1+$0x7420]  }
0x622: {  	v61 =	vand.u32 $0xFFFFFF80, v53;
	v53 =	vand.u32 $0x7F, v53;
	v58 =	vadd.s32 s8, v63  }
0x623: {  	v54 =	vor.u32 v54, v58;
	v58 =	vadd.s32 s10, v61;
	v55 =	vmul.f32 $8.000000000e+00, v55  }
0x624: {  	v53 =	vor.u32 v53, v58;
	v56 =	vmul.f32 $8.000000000e+00, v56  }
0x625: {  	v55 =	vadd.f32 v62, v55  }
0x626: {  	v56 =	vadd.f32 v60, v56  }
0x627: {  	[tilespmem:s1+$0x1A220] =	vst v55  }
0x628: {  	v54 =	vld.idx.msk [tilespmem:v54+s20+$0x0], $0xffff;
	[tilespmem:s1+$0x1AA20] =	vst v56  }
0x629: {  	v53 =	vld.idx.msk [tilespmem:v53+s20+$0x0], $0xffff  }
0x62a: {  	v62 =	vld [tilespmem:s1+$0x6C30]  }
0x62b: {  	v63 =	vld [tilespmem:s1+$0x7430];
	_ =	sdelay $0x1  }
0x62c: {  	p0 =	slt.u32 s0, $0xA;
	v54 =	vmul.f32 $8.000000000e+00, v54  }
.Ltmp5:
0x62d: {  	v53 =	vmul.f32 $8.000000000e+00, v53;
	(pc) =	sbr.rel @p0 .LBB2_13-.Ltmp5, $4  }
0x62e: {  	v54 =	vadd.f32 v62, v54  }
0x62f: {  	v53 =	vadd.f32 v63, v53  }
0x630: {  	s12 =	sadd.s32 $0x2, s0;
	[tilespmem:s1+$0x1A230] =	vst v54  }
0x631: {  	s0 =	smov.u32 s12;
	[tilespmem:s1+$0x1AA30] =	vst v53  }
0x632: {  	v52 =	vld [tilespmem:s31+$0xC0];
	_ =	sdelay $0x4  }
0x633: {  	v52 =	vshll.u32 v52, $0x6  }
0x634: {  	v52 =	vand.u32 $0x40, v52  }
0x635: {  	v53 =	vperm.xlane v52, v2;
	_ =	sdelay $0x1  }
0x636: {  	v20 =	vadd.s32 v20, v53;
	_ =	sdelay $0x4  }
0x637: {  	v20 =	vld.idx.msk [tilespmem:v20+s20+$0x0], $0xffff;
	_ =	sdelay $0x1  }
0x638: {  	v54 =	vld [tilespmem:$0xC480];
	_ =	sdelay $0x2  }
0x639: {  	v21 =	vadd.s32 v21, v53;
	v20 =	vmul.f32 $8.000000000e+00, v20;
	_ =	sdelay $0x1  }
0x63a: {  	v20 =	vadd.f32 v54, v20;
	_ =	sdelay $0x1  }
0x63b: {  	[tilespmem:$0x1FA80] =	vst v20  }
0x63c: {  	v20 =	vld.idx.msk [tilespmem:v21+s20+$0x0], $0xffff;
	_ =	sdelay $0x1  }
0x63d: {  	v54 =	vld [tilespmem:$0xC490];
	_ =	sdelay $0x2  }
0x63e: {  	v22 =	vadd.s32 v22, v53;
	v20 =	vmul.f32 $8.000000000e+00, v20;
	_ =	sdelay $0x1  }
0x63f: {  	v20 =	vadd.f32 v54, v20;
	_ =	sdelay $0x1  }
0x640: {  	[tilespmem:$0x1FA90] =	vst v20  }
0x641: {  	v20 =	vld.idx.msk [tilespmem:v22+s20+$0x0], $0xffff;
	_ =	sdelay $0x1  }
0x642: {  	v55 =	vld [tilespmem:$0xC4A0];
	_ =	sdelay $0x2  }
0x643: {  	v56 =	vadd.s32 v23, v53;
	v20 =	vmul.f32 $8.000000000e+00, v20;
	_ =	sdelay $0x1  }
0x644: {  	v20 =	vadd.f32 v55, v20;
	_ =	sdelay $0x1  }
0x645: {  	[tilespmem:$0x1FAA0] =	vst v20  }
0x646: {  	v20 =	vld.idx.msk [tilespmem:v56+s20+$0x0], $0xffff;
	_ =	sdelay $0x1  }
0x647: {  	v57 =	vld [tilespmem:$0xC4B0]  }
0x648: {  	v58 =	vperm.xlane v52, v6;
	_ =	sdelay $0x1  }
0x649: {  	v59 =	vadd.s32 v24, v58;
	v20 =	vmul.f32 $8.000000000e+00, v20;
	_ =	sdelay $0x1  }
0x64a: {  	v20 =	vadd.f32 v57, v20;
	_ =	sdelay $0x1  }
0x64b: {  	[tilespmem:$0x1FAB0] =	vst v20  }
0x64c: {  	v20 =	vld.idx.msk [tilespmem:v59+s20+$0x0], $0xffff;
	_ =	sdelay $0x1  }
0x64d: {  	v60 =	vld [tilespmem:$0xC500];
	_ =	sdelay $0x2  }
0x64e: {  	v61 =	vadd.s32 v25, v58;
	v20 =	vmul.f32 $8.000000000e+00, v20;
	_ =	sdelay $0x1  }
0x64f: {  	v20 =	vadd.f32 v60, v20;
	_ =	sdelay $0x1  }
0x650: {  	[tilespmem:$0x1FB00] =	vst v20  }
0x651: {  	v20 =	vld.idx.msk [tilespmem:v61+s20+$0x0], $0xffff;
	_ =	sdelay $0x1  }
0x652: {  	v62 =	vld [tilespmem:$0xC510];
	_ =	sdelay $0x2  }
0x653: {  	v63 =	vadd.s32 v26, v58;
	v20 =	vmul.f32 $8.000000000e+00, v20;
	_ =	sdelay $0x1  }
0x654: {  	v20 =	vadd.f32 v62, v20;
	_ =	sdelay $0x1  }
0x655: {  	[tilespmem:$0x1FB10] =	vst v20  }
0x656: {  	v20 =	vld.idx.msk [tilespmem:v63+s20+$0x0], $0xffff;
	_ =	sdelay $0x1  }
0x657: {  	v24 =	vld [tilespmem:$0xC520];
	_ =	sdelay $0x2  }
0x658: {  	v22 =	vadd.s32 v27, v58;
	v20 =	vmul.f32 $8.000000000e+00, v20;
	_ =	sdelay $0x1  }
0x659: {  	v20 =	vadd.f32 v24, v20;
	_ =	sdelay $0x1  }
0x65a: {  	[tilespmem:$0x1FB20] =	vst v20  }
0x65b: {  	v20 =	vld.idx.msk [tilespmem:v22+s20+$0x0], $0xffff;
	_ =	sdelay $0x1  }
0x65c: {  	v25 =	vld [tilespmem:$0xC530]  }
0x65d: {  	v26 =	vperm.xlane v52, v7;
	_ =	sdelay $0x1  }
0x65e: {  	v27 =	vadd.s32 v28, v26;
	v20 =	vmul.f32 $8.000000000e+00, v20;
	_ =	sdelay $0x1  }
0x65f: {  	v20 =	vadd.f32 v25, v20;
	_ =	sdelay $0x1  }
0x660: {  	[tilespmem:$0x1FB30] =	vst v20  }
0x661: {  	v20 =	vld.idx.msk [tilespmem:v27+s20+$0x0], $0xffff;
	_ =	sdelay $0x1  }
0x662: {  	v28 =	vld [tilespmem:$0xC580];
	_ =	sdelay $0x2  }
0x663: {  	v29 =	vadd.s32 v29, v26;
	v20 =	vmul.f32 $8.000000000e+00, v20;
	_ =	sdelay $0x1  }
0x664: {  	v20 =	vadd.f32 v28, v20;
	_ =	sdelay $0x1  }
0x665: {  	[tilespmem:$0x1FB80] =	vst v20  }
0x666: {  	v20 =	vld.idx.msk [tilespmem:v29+s20+$0x0], $0xffff;
	_ =	sdelay $0x1  }
0x667: {  	v53 =	vld [tilespmem:$0xC590];
	_ =	sdelay $0x2  }
0x668: {  	v54 =	vadd.s32 v30, v26;
	v20 =	vmul.f32 $8.000000000e+00, v20;
	_ =	sdelay $0x1  }
0x669: {  	v20 =	vadd.f32 v53, v20;
	_ =	sdelay $0x1  }
0x66a: {  	[tilespmem:$0x1FB90] =	vst v20  }
0x66b: {  	v20 =	vld.idx.msk [tilespmem:v54+s20+$0x0], $0xffff;
	_ =	sdelay $0x1  }
0x66c: {  	v55 =	vld [tilespmem:$0xC5A0];
	_ =	sdelay $0x2  }
0x66d: {  	v22 =	vadd.s32 v31, v26;
	v20 =	vmul.f32 $8.000000000e+00, v20;
	_ =	sdelay $0x1  }
0x66e: {  	v20 =	vadd.f32 v55, v20;
	_ =	sdelay $0x1  }
0x66f: {  	[tilespmem:$0x1FBA0] =	vst v20  }
0x670: {  	v20 =	vld.idx.msk [tilespmem:v22+s20+$0x0], $0xffff;
	_ =	sdelay $0x1  }
0x671: {  	v56 =	vld [tilespmem:$0xC5B0]  }
0x672: {  	v57 =	vperm.xlane v52, v8;
	_ =	sdelay $0x1  }
0x673: {  	v58 =	vadd.s32 v32, v57;
	v20 =	vmul.f32 $8.000000000e+00, v20;
	_ =	sdelay $0x1  }
0x674: {  	v20 =	vadd.f32 v56, v20;
	_ =	sdelay $0x1  }
0x675: {  	[tilespmem:$0x1FBB0] =	vst v20  }
0x676: {  	v20 =	vld.idx.msk [tilespmem:v58+s20+$0x0], $0xffff;
	_ =	sdelay $0x1  }
0x677: {  	v59 =	vld [tilespmem:$0xC600];
	_ =	sdelay $0x2  }
0x678: {  	v60 =	vadd.s32 v33, v57;
	v20 =	vmul.f32 $8.000000000e+00, v20;
	_ =	sdelay $0x1  }
0x679: {  	v20 =	vadd.f32 v59, v20;
	_ =	sdelay $0x1  }
0x67a: {  	[tilespmem:$0x1FC00] =	vst v20  }
0x67b: {  	v20 =	vld.idx.msk [tilespmem:v60+s20+$0x0], $0xffff;
	_ =	sdelay $0x1  }
0x67c: {  	v61 =	vld [tilespmem:$0xC610];
	_ =	sdelay $0x2  }
0x67d: {  	v62 =	vadd.s32 v34, v57;
	v20 =	vmul.f32 $8.000000000e+00, v20;
	_ =	sdelay $0x1  }
0x67e: {  	v20 =	vadd.f32 v61, v20;
	_ =	sdelay $0x1  }
0x67f: {  	[tilespmem:$0x1FC10] =	vst v20  }
0x680: {  	v20 =	vld.idx.msk [tilespmem:v62+s20+$0x0], $0xffff;
	_ =	sdelay $0x1  }
0x681: {  	v63 =	vld [tilespmem:$0xC620];
	_ =	sdelay $0x2  }
0x682: {  	v22 =	vadd.s32 v35, v57;
	v20 =	vmul.f32 $8.000000000e+00, v20;
	_ =	sdelay $0x1  }
0x683: {  	v20 =	vadd.f32 v63, v20;
	_ =	sdelay $0x1  }
0x684: {  	[tilespmem:$0x1FC20] =	vst v20  }
0x685: {  	v20 =	vld.idx.msk [tilespmem:v22+s20+$0x0], $0xffff;
	_ =	sdelay $0x1  }
0x686: {  	v24 =	vld [tilespmem:$0xC630]  }
0x687: {  	v25 =	vperm.xlane v52, v9;
	_ =	sdelay $0x1  }
0x688: {  	v26 =	vadd.s32 v36, v25;
	v20 =	vmul.f32 $8.000000000e+00, v20;
	_ =	sdelay $0x1  }
0x689: {  	v20 =	vadd.f32 v24, v20;
	_ =	sdelay $0x1  }
0x68a: {  	[tilespmem:$0x1FC30] =	vst v20  }
0x68b: {  	v20 =	vld.idx.msk [tilespmem:v26+s20+$0x0], $0xffff;
	_ =	sdelay $0x1  }
0x68c: {  	v27 =	vld [tilespmem:$0xC680];
	_ =	sdelay $0x2  }
0x68d: {  	v28 =	vadd.s32 v37, v25;
	v20 =	vmul.f32 $8.000000000e+00, v20;
	_ =	sdelay $0x1  }
0x68e: {  	v20 =	vadd.f32 v27, v20;
	_ =	sdelay $0x1  }
0x68f: {  	[tilespmem:$0x1FC80] =	vst v20  }
0x690: {  	v20 =	vld.idx.msk [tilespmem:v28+s20+$0x0], $0xffff;
	_ =	sdelay $0x1  }
0x691: {  	v29 =	vld [tilespmem:$0xC690];
	_ =	sdelay $0x2  }
0x692: {  	v30 =	vadd.s32 v38, v25;
	v20 =	vmul.f32 $8.000000000e+00, v20;
	_ =	sdelay $0x1  }
0x693: {  	v20 =	vadd.f32 v29, v20;
	_ =	sdelay $0x1  }
0x694: {  	[tilespmem:$0x1FC90] =	vst v20  }
0x695: {  	v20 =	vld.idx.msk [tilespmem:v30+s20+$0x0], $0xffff;
	_ =	sdelay $0x1  }
0x696: {  	v31 =	vld [tilespmem:$0xC6A0];
	_ =	sdelay $0x2  }
0x697: {  	v22 =	vadd.s32 v39, v25;
	v20 =	vmul.f32 $8.000000000e+00, v20;
	_ =	sdelay $0x1  }
0x698: {  	v20 =	vadd.f32 v31, v20;
	_ =	sdelay $0x1  }
0x699: {  	[tilespmem:$0x1FCA0] =	vst v20  }
0x69a: {  	v20 =	vld.idx.msk [tilespmem:v22+s20+$0x0], $0xffff;
	_ =	sdelay $0x1  }
0x69b: {  	v32 =	vld [tilespmem:$0xC6B0]  }
0x69c: {  	v33 =	vperm.xlane v52, v10;
	_ =	sdelay $0x1  }
0x69d: {  	v34 =	vadd.s32 v40, v33;
	v20 =	vmul.f32 $8.000000000e+00, v20;
	_ =	sdelay $0x1  }
0x69e: {  	v20 =	vadd.f32 v32, v20;
	_ =	sdelay $0x1  }
0x69f: {  	[tilespmem:$0x1FCB0] =	vst v20  }
0x6a0: {  	v20 =	vld.idx.msk [tilespmem:v34+s20+$0x0], $0xffff;
	_ =	sdelay $0x1  }
0x6a1: {  	v35 =	vld [tilespmem:$0xC700];
	_ =	sdelay $0x2  }
0x6a2: {  	v36 =	vadd.s32 v41, v33;
	v20 =	vmul.f32 $8.000000000e+00, v20;
	_ =	sdelay $0x1  }
0x6a3: {  	v20 =	vadd.f32 v35, v20;
	_ =	sdelay $0x1  }
0x6a4: {  	[tilespmem:$0x1FD00] =	vst v20  }
0x6a5: {  	v20 =	vld.idx.msk [tilespmem:v36+s20+$0x0], $0xffff;
	_ =	sdelay $0x1  }
0x6a6: {  	v37 =	vld [tilespmem:$0xC710];
	_ =	sdelay $0x2  }
0x6a7: {  	v38 =	vadd.s32 v42, v33;
	v20 =	vmul.f32 $8.000000000e+00, v20;
	_ =	sdelay $0x1  }
0x6a8: {  	v20 =	vadd.f32 v37, v20;
	_ =	sdelay $0x1  }
0x6a9: {  	[tilespmem:$0x1FD10] =	vst v20  }
0x6aa: {  	v20 =	vld.idx.msk [tilespmem:v38+s20+$0x0], $0xffff;
	_ =	sdelay $0x1  }
0x6ab: {  	v39 =	vld [tilespmem:$0xC720];
	_ =	sdelay $0x2  }
0x6ac: {  	v22 =	vadd.s32 v43, v33;
	v20 =	vmul.f32 $8.000000000e+00, v20;
	_ =	sdelay $0x1  }
0x6ad: {  	v20 =	vadd.f32 v39, v20;
	_ =	sdelay $0x1  }
0x6ae: {  	[tilespmem:$0x1FD20] =	vst v20  }
0x6af: {  	v20 =	vld.idx.msk [tilespmem:v22+s20+$0x0], $0xffff;
	_ =	sdelay $0x1  }
0x6b0: {  	v40 =	vld [tilespmem:$0xC730]  }
0x6b1: {  	v41 =	vperm.xlane v52, v0;
	_ =	sdelay $0x1  }
0x6b2: {  	v42 =	vadd.s32 v44, v41;
	v20 =	vmul.f32 $8.000000000e+00, v20;
	_ =	sdelay $0x1  }
0x6b3: {  	v20 =	vadd.f32 v40, v20;
	_ =	sdelay $0x1  }
0x6b4: {  	[tilespmem:$0x1FD30] =	vst v20  }
0x6b5: {  	v20 =	vld.idx.msk [tilespmem:v42+s20+$0x0], $0xffff;
	_ =	sdelay $0x1  }
0x6b6: {  	v43 =	vld [tilespmem:$0xC780];
	_ =	sdelay $0x2  }
0x6b7: {  	v44 =	vadd.s32 v45, v41;
	v20 =	vmul.f32 $8.000000000e+00, v20;
	_ =	sdelay $0x1  }
0x6b8: {  	v20 =	vadd.f32 v43, v20;
	_ =	sdelay $0x1  }
0x6b9: {  	[tilespmem:$0x1FD80] =	vst v20  }
0x6ba: {  	v20 =	vld.idx.msk [tilespmem:v44+s20+$0x0], $0xffff;
	_ =	sdelay $0x1  }
0x6bb: {  	v45 =	vld [tilespmem:$0xC790];
	_ =	sdelay $0x2  }
0x6bc: {  	v53 =	vadd.s32 v46, v41;
	v20 =	vmul.f32 $8.000000000e+00, v20;
	_ =	sdelay $0x1  }
0x6bd: {  	v20 =	vadd.f32 v45, v20;
	_ =	sdelay $0x1  }
0x6be: {  	[tilespmem:$0x1FD90] =	vst v20  }
0x6bf: {  	v20 =	vld.idx.msk [tilespmem:v53+s20+$0x0], $0xffff;
	_ =	sdelay $0x1  }
0x6c0: {  	v54 =	vld [tilespmem:$0xC7A0];
	_ =	sdelay $0x2  }
0x6c1: {  	v22 =	vadd.s32 v47, v41;
	v20 =	vmul.f32 $8.000000000e+00, v20;
	_ =	sdelay $0x1  }
0x6c2: {  	v20 =	vadd.f32 v54, v20;
	_ =	sdelay $0x1  }
0x6c3: {  	[tilespmem:$0x1FDA0] =	vst v20  }
0x6c4: {  	v20 =	vld.idx.msk [tilespmem:v22+s20+$0x0], $0xffff;
	_ =	sdelay $0x1  }
0x6c5: {  	v55 =	vld [tilespmem:$0xC7B0]  }
0x6c6: {  	v56 =	vperm.xlane v52, v11;
	_ =	sdelay $0x1  }
0x6c7: {  	v57 =	vadd.s32 v48, v56;
	v20 =	vmul.f32 $8.000000000e+00, v20;
	_ =	sdelay $0x1  }
0x6c8: {  	v20 =	vadd.f32 v55, v20;
	_ =	sdelay $0x1  }
0x6c9: {  	[tilespmem:$0x1FDB0] =	vst v20  }
0x6ca: {  	v20 =	vld.idx.msk [tilespmem:v57+s20+$0x0], $0xffff;
	_ =	sdelay $0x1  }
0x6cb: {  	v58 =	vld [tilespmem:$0xC800];
	_ =	sdelay $0x2  }
0x6cc: {  	v59 =	vadd.s32 v49, v56;
	v20 =	vmul.f32 $8.000000000e+00, v20;
	_ =	sdelay $0x1  }
0x6cd: {  	v20 =	vadd.f32 v58, v20;
	_ =	sdelay $0x1  }
0x6ce: {  	[tilespmem:$0x1FE00] =	vst v20  }
0x6cf: {  	v20 =	vld.idx.msk [tilespmem:v59+s20+$0x0], $0xffff;
	_ =	sdelay $0x1  }
0x6d0: {  	v60 =	vld [tilespmem:$0xC810];
	_ =	sdelay $0x2  }
0x6d1: {  	v61 =	vadd.s32 v50, v56;
	v20 =	vmul.f32 $8.000000000e+00, v20;
	_ =	sdelay $0x1  }
0x6d2: {  	v20 =	vadd.f32 v60, v20;
	_ =	sdelay $0x1  }
0x6d3: {  	[tilespmem:$0x1FE10] =	vst v20  }
0x6d4: {  	v20 =	vld.idx.msk [tilespmem:v61+s20+$0x0], $0xffff;
	_ =	sdelay $0x1  }
0x6d5: {  	v62 =	vld [tilespmem:$0xC820];
	_ =	sdelay $0x2  }
0x6d6: {  	v22 =	vadd.s32 v51, v56;
	v20 =	vmul.f32 $8.000000000e+00, v20;
	_ =	sdelay $0x1  }
0x6d7: {  	v20 =	vadd.f32 v62, v20;
	_ =	sdelay $0x1  }
0x6d8: {  	[tilespmem:$0x1FE20] =	vst v20  }
0x6d9: {  	v20 =	vld.idx.msk [tilespmem:v22+s20+$0x0], $0xffff;
	_ =	sdelay $0x1  }
0x6da: {  	v63 =	vld [tilespmem:$0xC830];
	_ =	sdelay $0x2  }
0x6db: {  	v20 =	vmul.f32 $8.000000000e+00, v20  }
0x6dc: {  	s0 =	sadd.s32 s3, s30  }
0x6dd: {  	s26 =	sadd.s32 $0x1, s26;
	s0 =	smul.u32 $0xC80, s0;
	v20 =	vadd.f32 v63, v20  }
0x6de: {  	p0 =	sne.s32 s26, $0x40  }
.Ltmp6:
0x6df: {  	s0 =	sadd.s32 s6, s0;
	[tilespmem:$0x1FE30] =	vst v20;
	(pc) =	sbr.rel @p0 .LBB2_4-.Ltmp6, $4  }
0x6e0: {  	[hbm4b:s0+s2] =	stream.linear.scatter [tilespmem:s23], [sflag:$0x3], $0x6400, $0x38;
	[tilespmem:$0x1FE80] =	vst v63  }
0x6e1: {  	_ =	swait.ge [sflag:s11], $0x6400  }
0x6e2: {  	[sflag:s11] =	ssyncset.done $0x0  }
0x6e3: {  	s28 =	sadd.s32 $0x190, s28;
	s29 =	sadd.s32 $0x190, s29;
	[sflag:s11] =	ssyncadd.s32 $0xFFFF9C00  }
0x6e4: {  	s25 =	sadd.s32 $0x1, s25;
	s0 =	rddreg [dreg:$0x5]  }
0x6e5: {  	p0 =	sne.s32 s25, s0  }
.Ltmp7:
0x6e6: {  	_ = 	snop;
	(pc) =	sbr.rel @p0 .LBB2_1-.Ltmp7, $1  }
0x6e7: {  	_ =	sdelay $0x3  }
0x6e8: {  	_ =	sfence.sel $0x180000  }
0x6e9: {  	[bflag:$0x0] =	sbarrier.arrive $0xFFFF  }
0x6ea: {  	_ =	strace $0x90000047  }
0x6eb: {  	s0 =	stileid.u32;
	[bflag:$0x2] =	sbarrier.arrive $0xFFFF  }
0x6ec: {  	p0 =	sne.s32 s0, $0x0;
	s0 =	rddreg [dreg:$0x2]  }
0x6ed: {  	s0 =	sadd.s32 @!p0 $0x100000, s0  }
0x6ee: {  	[sflag:s0] =	ssyncadd.tile.s32 @!p0 $0x1;
	_ =	shalt  }
.Lfunc_end2:
_tile_overlayer_lowered:
.L_overlay_start_2:
0x6ef: {  	(tag) =	ssettag $0x2  }
0x6f0: {  	s0 =	rddreg [dreg:$0x0];
	s2 =	stileid.u32  }
0x6f1: {  	s1 =	rddreg [dreg:$0x1];
	p0 =	sne.s32 s2, $0x0  }
0x6f2: {  	s3 =	rddreg [dreg:$0x2];
	[bflag:$0x3] =	sbarrier.arrive $0xFFFF;
	s2 =	simm.s32 @!p0 $0x1C03  }
0x6f3: {  	[timem:s3], [sflag:s2] =	dma.local @!p0 [hbm:s0], s1  }
0x6f4: {  	s0 =	simm.s32 @!p0 $0x3  }
0x6f5: {  	_ =	swait.ge @!p0 [sflag:s0], s1  }
0x6f6: {  	s1 =	ssub.s32 @!p0 $0x0, s1;
	[sflag:s0] =	ssyncset.done @!p0 $0x0  }
0x6f7: {  	[sflag:s0] =	ssyncadd.s32 @!p0 s1  }
0x6f8: {  	[bflag:$0x3] =	sbarrier.arrive $0xFFFF  }
0x6f9: {  	_ =	shalt  }

</sc_bundles>
